<compile_context>
chip_gen: v7x
topology: tpu7x:2x2x1
jax: 0.10.2.dev20260603
libtpu: 0.0.44.dev20260713+nightly
codegen_flags: <defaults>
</compile_context>

<pallas_src>
import functools

import jax
import jax.numpy as jnp
from jax import lax
from jax.experimental import pallas as pl
from jax.experimental.pallas import tpu as pltpu
from jax.experimental.pallas import tpu_sc as plsc

_B = 4096
_N = 20
_D = 64
_NC = 2
_NS = 16
_NW = _NC * _NS
_BPW = _B // _NW
_CHUNK = 32
_NCHUNK = _BPW // _CHUNK
_IDX = _CHUNK * _N
_G = _IDX // 128
_NEG = -1e30


def _make_sc_kernel():
    mesh = plsc.VectorSubcoreMesh(core_axis_name="c", subcore_axis_name="s")

    @functools.partial(
        pl.kernel,
        out_type=jax.ShapeDtypeStruct((_B, 32), jnp.float32),
        mesh=mesh,
        scratch_types=[
            pltpu.VMEM((_IDX,), jnp.int32),
            pltpu.VMEM((_IDX, _D), jnp.float32),
            pltpu.VMEM((_BPW, _D), jnp.float32),
            pltpu.VMEM((_CHUNK, 32), jnp.float32),
            pltpu.VMEM((32, 16), jnp.float32),
            pltpu.SemaphoreType.DMA,
        ],
        compiler_params=pltpu.CompilerParams(
            use_tc_tiling_on_sc=False,
            needs_layout_passes=False,
        ),
    )
    def sc_kernel(ctx_hbm, ids_hbm, table_hbm, out_hbm,
                  idx_v, rows_v, ctx_v, out_v, sc_v, sem):
        wid = lax.axis_index("s") * _NC + lax.axis_index("c")
        neg = jnp.full((16,), _NEG, jnp.float32)
        for n in range(_N, 32):
            sc_v[n] = neg
        pltpu.sync_copy(ctx_hbm.at[pl.ds(wid * _BPW, _BPW)], ctx_v)

        for g in range(_NCHUNK):
            b_base = wid * _BPW + g * _CHUNK
            i_base = (wid * _BPW + g * _CHUNK) * _N
            pltpu.sync_copy(ids_hbm.at[pl.ds(i_base, _IDX)], idx_v)
            copies = [
                pltpu.async_copy(
                    table_hbm.at[idx_v.at[pl.ds(j * 128, 128)]],
                    rows_v.at[pl.ds(j * 128, 128)],
                    sem,
                )
                for j in range(_G)
            ]
            for cpy in copies:
                cpy.wait()

            def body(b, carry, g=g):
                bl = g * _CHUNK + b
                c = [ctx_v[bl, pl.ds(16 * k, 16)] for k in range(4)]
                for n in range(_N):
                    r = b * _N + n
                    acc = rows_v[r, pl.ds(0, 16)] * c[0]
                    for k in range(1, 4):
                        acc = acc + rows_v[r, pl.ds(16 * k, 16)] * c[k]
                    sc_v[n] = lax.broadcast_in_dim(jnp.sum(acc), (16,), ())
                row_ids = lax.iota(jnp.int32, 16)
                col_ids = jnp.zeros((16,), jnp.int32)
                v0 = plsc.load_gather(sc_v, [row_ids, col_ids])
                v1 = plsc.load_gather(sc_v, [row_ids + 16, col_ids])
                m = jnp.maximum(jnp.max(v0), jnp.max(v1))
                e0 = jnp.exp(v0 - m)
                e1 = jnp.exp(v1 - m)
                tot = lax.broadcast_in_dim(jnp.sum(e0) + jnp.sum(e1),
                                           (16,), ())
                out_v[b, pl.ds(0, 16)] = e0 / tot
                out_v[b, pl.ds(16, 16)] = e1 / tot
                return carry

            lax.fori_loop(0, _CHUNK, body, 0)
            pltpu.sync_copy(out_v, out_hbm.at[pl.ds(b_base, _CHUNK)])

    return sc_kernel


_SC_KERNEL = _make_sc_kernel()


def kernel(context_encoded, entity_ids, entity_embeddings):
    ids_flat = entity_ids.reshape(_B * _N)
    out = _SC_KERNEL(context_encoded, ids_flat, entity_embeddings)
    return out[:, :_N]

# --- scband reference (transcript-rebuilt; emitter-appended) ---
"""Pipeline reference for scband-entity-posterior-18691697672571 (READ-ONLY COPY).

The authoritative reference and input builder live on the scoring server;
editing this copy changes nothing except your own understanding.
"""

import jax, jax.numpy as jnp
import numpy as np

B = 4096
N = 20
D = 64
V = 1000000

def setup_inputs(seed: int = 0) -> dict:
    key = jax.random.key(seed)
    k1, k2, k3 = jax.random.split(key, 3)
    context_encoded = jax.random.normal(k1, (B, D), dtype=jnp.float32)
    entity_ids = jax.random.randint(k2, (B, N), 0, V, dtype=jnp.int32)
    # learned parameter: known_entity_embeddings, init stddev = 1/100
    entity_embeddings = jax.random.normal(k3, (V, D), dtype=jnp.float32) * (1.0 / 100.0)
    return {"context_encoded": context_encoded, "entity_ids": entity_ids, "entity_embeddings": entity_embeddings}

def reference(context_encoded, entity_ids, entity_embeddings):
    # embedding_lookup: [B, N, D]
    sampled_entity_embeddings = jnp.take(entity_embeddings, entity_ids, axis=0)
    # slices kept for faithfulness (true entity = col 0, neg = col 1)
    trueentity_embeddings = sampled_entity_embeddings[:, 0, :].reshape(B, D)
    negentity_embeddings = sampled_entity_embeddings[:, 1, :].reshape(B, D)
    # dot-product scores: [B, N]
    context_encoded_expanded = jnp.expand_dims(context_encoded, 1)
    entity_scores = jnp.sum(sampled_entity_embeddings * context_encoded_expanded, axis=2)
    entity_posteriors = jax.nn.softmax(entity_scores, axis=-1)
    return entity_posteriors

if __name__ == "__main__":
    import jax
    _d = setup_inputs()
    print(jax.jit(kernel)(*tuple(_d.values())))

</pallas_src>

<mosaic_0001>
#map = affine_map<(d0, d1) -> (0, 0)>
#map1 = affine_map<(d0, d1) -> (0)>
module attributes {stable_mosaic.version = 14 : i64} {
  func.func @sc_kernel(%arg0: i32, %arg1: i32, %arg2: memref<4096x64xf32, #tpu.memory_space<hbm>>, %arg3: memref<81920xi32, #tpu.memory_space<hbm>>, %arg4: memref<1000000x64xf32, #tpu.memory_space<hbm>>, %arg5: memref<4096x32xf32, #tpu.memory_space<hbm>>, %arg6: memref<640xi32, #tpu.memory_space<vmem>>, %arg7: memref<640x64xf32, #tpu.memory_space<vmem>>, %arg8: memref<128x64xf32, #tpu.memory_space<vmem>>, %arg9: memref<32x32xf32, #tpu.memory_space<vmem>>, %arg10: memref<32x16xf32, #tpu.memory_space<vmem>>, %arg11: memref<!tpu.dma_semaphore, #tpu.memory_space<semaphore_mem>>) attributes {dimension_semantics = [#tpu.dimension_semantics<core_parallel>, #tpu.dimension_semantics<subcore_parallel>], iteration_bounds = array<i64: 2, 16>, scalar_prefetch = 0 : i64, scratch_operands = 6 : i64, tpu.core_type = #tpu.core_type<sc_vector_subcore>, window_params = [{transform_indices = #map}, {transform_indices = #map1}, {transform_indices = #map}, {transform_indices = #map}]} {
    %mul3A = arith.constant 2 : i32
    %mul3A_0 = arith.muli %arg1, %mul3A : i32
    %add3A = arith.addi %mul3A_0, %arg0 : i32
    %broadcast_in_dim3A = arith.constant -1.000000e+30 : f32
    %broadcast_in_dim3A_1 = vector.broadcast %broadcast_in_dim3A : f32 to vector<16xf32>
    %swap3A = arith.constant 20 : i32
    %swap3A_2 = arith.index_cast %swap3A : i32 to index
    %swap3A_3 = arith.constant 0 : index
    %swap3A_4 = tpu.vector_load %arg10[%swap3A_2, %swap3A_3] {strides = array<i32>} : memref<32x16xf32, #tpu.memory_space<vmem>>, vector<16xf32>,
    tpu.vector_store %arg10[%swap3A_2, %swap3A_3], %broadcast_in_dim3A_1 {strides = array<i32>} : memref<32x16xf32, #tpu.memory_space<vmem>>, vector<16xf32>,
    %swap3A_5 = arith.constant 21 : i32
    %swap3A_6 = arith.index_cast %swap3A_5 : i32 to index
    %swap3A_7 = arith.constant 0 : index
    %swap3A_8 = tpu.vector_load %arg10[%swap3A_6, %swap3A_7] {strides = array<i32>} : memref<32x16xf32, #tpu.memory_space<vmem>>, vector<16xf32>,
    tpu.vector_store %arg10[%swap3A_6, %swap3A_7], %broadcast_in_dim3A_1 {strides = array<i32>} : memref<32x16xf32, #tpu.memory_space<vmem>>, vector<16xf32>,
    %swap3A_9 = arith.constant 22 : i32
    %swap3A_10 = arith.index_cast %swap3A_9 : i32 to index
    %swap3A_11 = arith.constant 0 : index
    %swap3A_12 = tpu.vector_load %arg10[%swap3A_10, %swap3A_11] {strides = array<i32>} : memref<32x16xf32, #tpu.memory_space<vmem>>, vector<16xf32>,
    tpu.vector_store %arg10[%swap3A_10, %swap3A_11], %broadcast_in_dim3A_1 {strides = array<i32>} : memref<32x16xf32, #tpu.memory_space<vmem>>, vector<16xf32>,
    %swap3A_13 = arith.constant 23 : i32
    %swap3A_14 = arith.index_cast %swap3A_13 : i32 to index
    %swap3A_15 = arith.constant 0 : index
    %swap3A_16 = tpu.vector_load %arg10[%swap3A_14, %swap3A_15] {strides = array<i32>} : memref<32x16xf32, #tpu.memory_space<vmem>>, vector<16xf32>,
    tpu.vector_store %arg10[%swap3A_14, %swap3A_15], %broadcast_in_dim3A_1 {strides = array<i32>} : memref<32x16xf32, #tpu.memory_space<vmem>>, vector<16xf32>,
    %swap3A_17 = arith.constant 24 : i32
    %swap3A_18 = arith.index_cast %swap3A_17 : i32 to index
    %swap3A_19 = arith.constant 0 : index
    %swap3A_20 = tpu.vector_load %arg10[%swap3A_18, %swap3A_19] {strides = array<i32>} : memref<32x16xf32, #tpu.memory_space<vmem>>, vector<16xf32>,
    tpu.vector_store %arg10[%swap3A_18, %swap3A_19], %broadcast_in_dim3A_1 {strides = array<i32>} : memref<32x16xf32, #tpu.memory_space<vmem>>, vector<16xf32>,
    %swap3A_21 = arith.constant 25 : i32
    %swap3A_22 = arith.index_cast %swap3A_21 : i32 to index
    %swap3A_23 = arith.constant 0 : index
    %swap3A_24 = tpu.vector_load %arg10[%swap3A_22, %swap3A_23] {strides = array<i32>} : memref<32x16xf32, #tpu.memory_space<vmem>>, vector<16xf32>,
    tpu.vector_store %arg10[%swap3A_22, %swap3A_23], %broadcast_in_dim3A_1 {strides = array<i32>} : memref<32x16xf32, #tpu.memory_space<vmem>>, vector<16xf32>,
    %swap3A_25 = arith.constant 26 : i32
    %swap3A_26 = arith.index_cast %swap3A_25 : i32 to index
    %swap3A_27 = arith.constant 0 : index
    %swap3A_28 = tpu.vector_load %arg10[%swap3A_26, %swap3A_27] {strides = array<i32>} : memref<32x16xf32, #tpu.memory_space<vmem>>, vector<16xf32>,
    tpu.vector_store %arg10[%swap3A_26, %swap3A_27], %broadcast_in_dim3A_1 {strides = array<i32>} : memref<32x16xf32, #tpu.memory_space<vmem>>, vector<16xf32>,
    %swap3A_29 = arith.constant 27 : i32
    %swap3A_30 = arith.index_cast %swap3A_29 : i32 to index
    %swap3A_31 = arith.constant 0 : index
    %swap3A_32 = tpu.vector_load %arg10[%swap3A_30, %swap3A_31] {strides = array<i32>} : memref<32x16xf32, #tpu.memory_space<vmem>>, vector<16xf32>,
    tpu.vector_store %arg10[%swap3A_30, %swap3A_31], %broadcast_in_dim3A_1 {strides = array<i32>} : memref<32x16xf32, #tpu.memory_space<vmem>>, vector<16xf32>,
    %swap3A_33 = arith.constant 28 : i32
    %swap3A_34 = arith.index_cast %swap3A_33 : i32 to index
    %swap3A_35 = arith.constant 0 : index
    %swap3A_36 = tpu.vector_load %arg10[%swap3A_34, %swap3A_35] {strides = array<i32>} : memref<32x16xf32, #tpu.memory_space<vmem>>, vector<16xf32>,
    tpu.vector_store %arg10[%swap3A_34, %swap3A_35], %broadcast_in_dim3A_1 {strides = array<i32>} : memref<32x16xf32, #tpu.memory_space<vmem>>, vector<16xf32>,
    %swap3A_37 = arith.constant 29 : i32
    %swap3A_38 = arith.index_cast %swap3A_37 : i32 to index
    %swap3A_39 = arith.constant 0 : index
    %swap3A_40 = tpu.vector_load %arg10[%swap3A_38, %swap3A_39] {strides = array<i32>} : memref<32x16xf32, #tpu.memory_space<vmem>>, vector<16xf32>,
    tpu.vector_store %arg10[%swap3A_38, %swap3A_39], %broadcast_in_dim3A_1 {strides = array<i32>} : memref<32x16xf32, #tpu.memory_space<vmem>>, vector<16xf32>,
    %swap3A_41 = arith.constant 30 : i32
    %swap3A_42 = arith.index_cast %swap3A_41 : i32 to index
    %swap3A_43 = arith.constant 0 : index
    %swap3A_44 = tpu.vector_load %arg10[%swap3A_42, %swap3A_43] {strides = array<i32>} : memref<32x16xf32, #tpu.memory_space<vmem>>, vector<16xf32>,
    tpu.vector_store %arg10[%swap3A_42, %swap3A_43], %broadcast_in_dim3A_1 {strides = array<i32>} : memref<32x16xf32, #tpu.memory_space<vmem>>, vector<16xf32>,
    %swap3A_45 = arith.constant 31 : i32
    %swap3A_46 = arith.index_cast %swap3A_45 : i32 to index
    %swap3A_47 = arith.constant 0 : index
    %swap3A_48 = tpu.vector_load %arg10[%swap3A_46, %swap3A_47] {strides = array<i32>} : memref<32x16xf32, #tpu.memory_space<vmem>>, vector<16xf32>,
    tpu.vector_store %arg10[%swap3A_46, %swap3A_47], %broadcast_in_dim3A_1 {strides = array<i32>} : memref<32x16xf32, #tpu.memory_space<vmem>>, vector<16xf32>,
    %mul3A_49 = arith.constant 128 : i32
    %mul3A_50 = arith.muli %add3A, %mul3A_49 : i32
    "tpu.region"() ({
      %run_scoped3A = tpu.sem_alloc : memref<!tpu.dma_semaphore, #tpu.memory_space<semaphore_mem>>
      %dma_start3A_432 = arith.constant 0 : i32
      %dma_start3A_433 = tpu.memref_slice %arg2[%mul3A_50, %dma_start3A_432] : memref<4096x64xf32, #tpu.memory_space<hbm>> -> memref<128x64xf32, #tpu.memory_space<hbm>>
      %dma_start3A_434 = arith.constant 0 : i32
      %dma_start3A_435 = tpu.memref_slice %arg2[%mul3A_50, %dma_start3A_434] : memref<4096x64xf32, #tpu.memory_space<hbm>> -> memref<128x64xf32, #tpu.memory_space<hbm>>
      tpu.enqueue_dma source(%dma_start3A_435 : memref<128x64xf32, #tpu.memory_space<hbm>>) target(%arg8 : memref<128x64xf32, #tpu.memory_space<vmem>>) target_semaphore(%run_scoped3A : memref<!tpu.dma_semaphore, #tpu.memory_space<semaphore_mem>>)
      %dma_wait3A_436 = arith.constant 0 : i32
      %dma_wait3A_437 = tpu.memref_slice %arg2[%mul3A_50, %dma_wait3A_436] : memref<4096x64xf32, #tpu.memory_space<hbm>> -> memref<128x64xf32, #tpu.memory_space<hbm>>
      %dma_wait3A_438 = arith.constant 0 : i32
      %dma_wait3A_439 = tpu.memref_slice %arg2[%mul3A_50, %dma_wait3A_438] : memref<4096x64xf32, #tpu.memory_space<hbm>> -> memref<128x64xf32, #tpu.memory_space<hbm>>
      tpu.wait_dma2 semaphore(%run_scoped3A : memref<!tpu.dma_semaphore, #tpu.memory_space<semaphore_mem>>) src(%dma_wait3A_439 : memref<128x64xf32, #tpu.memory_space<hbm>>) dst(%arg8 : memref<128x64xf32, #tpu.memory_space<vmem>>)
      tpu.yield
    }) : () -> ()
    %mul3A_51 = arith.constant 128 : i32
    %mul3A_52 = arith.muli %add3A, %mul3A_51 : i32
    %add3A_53 = arith.constant 0 : i32
    %add3A_54 = arith.addi %mul3A_52, %add3A_53 : i32
    %mul3A_55 = arith.constant 128 : i32
    %mul3A_56 = arith.muli %add3A, %mul3A_55 : i32
    %add3A_57 = arith.constant 0 : i32
    %add3A_58 = arith.addi %mul3A_56, %add3A_57 : i32
    %mul3A_59 = arith.constant 20 : i32
    %mul3A_60 = arith.muli %add3A_58, %mul3A_59 : i32
    "tpu.region"() ({
      %run_scoped3A = tpu.sem_alloc : memref<!tpu.dma_semaphore, #tpu.memory_space<semaphore_mem>>
      %dma_start3A_432 = tpu.memref_slice %arg3[%mul3A_60] : memref<81920xi32, #tpu.memory_space<hbm>> -> memref<640xi32, #tpu.memory_space<hbm>>
      %dma_start3A_433 = tpu.memref_slice %arg3[%mul3A_60] : memref<81920xi32, #tpu.memory_space<hbm>> -> memref<640xi32, #tpu.memory_space<hbm>>
      tpu.enqueue_dma source(%dma_start3A_433 : memref<640xi32, #tpu.memory_space<hbm>>) target(%arg6 : memref<640xi32, #tpu.memory_space<vmem>>) target_semaphore(%run_scoped3A : memref<!tpu.dma_semaphore, #tpu.memory_space<semaphore_mem>>)
      %dma_wait3A_434 = tpu.memref_slice %arg3[%mul3A_60] : memref<81920xi32, #tpu.memory_space<hbm>> -> memref<640xi32, #tpu.memory_space<hbm>>
      %dma_wait3A_435 = tpu.memref_slice %arg3[%mul3A_60] : memref<81920xi32, #tpu.memory_space<hbm>> -> memref<640xi32, #tpu.memory_space<hbm>>
      tpu.wait_dma2 semaphore(%run_scoped3A : memref<!tpu.dma_semaphore, #tpu.memory_space<semaphore_mem>>) src(%dma_wait3A_435 : memref<640xi32, #tpu.memory_space<hbm>>) dst(%arg6 : memref<640xi32, #tpu.memory_space<vmem>>)
      tpu.yield
    }) : () -> ()
    %dma_start3A = arith.constant 0 : i32
    %dma_start3A_61 = arith.constant 0 : i32
    %dma_start3A_62 = tpu.memref_slice %arg7[%dma_start3A, %dma_start3A_61] : memref<640x64xf32, #tpu.memory_space<vmem>> -> memref<128x64xf32, #tpu.memory_space<vmem>>
    %dma_start3A_63 = arith.constant 0 : i32
    %dma_start3A_64 = tpu.memref_slice %arg6[%dma_start3A_63] : memref<640xi32, #tpu.memory_space<vmem>> -> memref<128xi32, #tpu.memory_space<vmem>>
    %dma_start3A_65 = arith.constant 0 : i32
    %dma_start3A_66 = arith.constant 0 : i32
    %dma_start3A_67 = tpu.memref_slice %arg4[%dma_start3A_65, %dma_start3A_66] : memref<1000000x64xf32, #tpu.memory_space<hbm>> -> memref<1000000x64xf32, #tpu.memory_space<hbm>>
    tpu.enqueue_indirect_dma source(%dma_start3A_67 : memref<1000000x64xf32, #tpu.memory_space<hbm>>) target(%dma_start3A_62 : memref<128x64xf32, #tpu.memory_space<vmem>>) offsets(%dma_start3A_64 : memref<128xi32, #tpu.memory_space<vmem>>) semaphore(%arg11 : memref<!tpu.dma_semaphore, #tpu.memory_space<semaphore_mem>>)
    %dma_start3A_68 = arith.constant 128 : i32
    %dma_start3A_69 = arith.constant 0 : i32
    %dma_start3A_70 = tpu.memref_slice %arg7[%dma_start3A_68, %dma_start3A_69] : memref<640x64xf32, #tpu.memory_space<vmem>> -> memref<128x64xf32, #tpu.memory_space<vmem>>
    %dma_start3A_71 = arith.constant 128 : i32
    %dma_start3A_72 = tpu.memref_slice %arg6[%dma_start3A_71] : memref<640xi32, #tpu.memory_space<vmem>> -> memref<128xi32, #tpu.memory_space<vmem>>
    %dma_start3A_73 = arith.constant 0 : i32
    %dma_start3A_74 = arith.constant 0 : i32
    %dma_start3A_75 = tpu.memref_slice %arg4[%dma_start3A_73, %dma_start3A_74] : memref<1000000x64xf32, #tpu.memory_space<hbm>> -> memref<1000000x64xf32, #tpu.memory_space<hbm>>
    tpu.enqueue_indirect_dma source(%dma_start3A_75 : memref<1000000x64xf32, #tpu.memory_space<hbm>>) target(%dma_start3A_70 : memref<128x64xf32, #tpu.memory_space<vmem>>) offsets(%dma_start3A_72 : memref<128xi32, #tpu.memory_space<vmem>>) semaphore(%arg11 : memref<!tpu.dma_semaphore, #tpu.memory_space<semaphore_mem>>)
    %dma_start3A_76 = arith.constant 256 : i32
    %dma_start3A_77 = arith.constant 0 : i32
    %dma_start3A_78 = tpu.memref_slice %arg7[%dma_start3A_76, %dma_start3A_77] : memref<640x64xf32, #tpu.memory_space<vmem>> -> memref<128x64xf32, #tpu.memory_space<vmem>>
    %dma_start3A_79 = arith.constant 256 : i32
    %dma_start3A_80 = tpu.memref_slice %arg6[%dma_start3A_79] : memref<640xi32, #tpu.memory_space<vmem>> -> memref<128xi32, #tpu.memory_space<vmem>>
    %dma_start3A_81 = arith.constant 0 : i32
    %dma_start3A_82 = arith.constant 0 : i32
    %dma_start3A_83 = tpu.memref_slice %arg4[%dma_start3A_81, %dma_start3A_82] : memref<1000000x64xf32, #tpu.memory_space<hbm>> -> memref<1000000x64xf32, #tpu.memory_space<hbm>>
    tpu.enqueue_indirect_dma source(%dma_start3A_83 : memref<1000000x64xf32, #tpu.memory_space<hbm>>) target(%dma_start3A_78 : memref<128x64xf32, #tpu.memory_space<vmem>>) offsets(%dma_start3A_80 : memref<128xi32, #tpu.memory_space<vmem>>) semaphore(%arg11 : memref<!tpu.dma_semaphore, #tpu.memory_space<semaphore_mem>>)
    %dma_start3A_84 = arith.constant 384 : i32
    %dma_start3A_85 = arith.constant 0 : i32
    %dma_start3A_86 = tpu.memref_slice %arg7[%dma_start3A_84, %dma_start3A_85] : memref<640x64xf32, #tpu.memory_space<vmem>> -> memref<128x64xf32, #tpu.memory_space<vmem>>
    %dma_start3A_87 = arith.constant 384 : i32
    %dma_start3A_88 = tpu.memref_slice %arg6[%dma_start3A_87] : memref<640xi32, #tpu.memory_space<vmem>> -> memref<128xi32, #tpu.memory_space<vmem>>
    %dma_start3A_89 = arith.constant 0 : i32
    %dma_start3A_90 = arith.constant 0 : i32
    %dma_start3A_91 = tpu.memref_slice %arg4[%dma_start3A_89, %dma_start3A_90] : memref<1000000x64xf32, #tpu.memory_space<hbm>> -> memref<1000000x64xf32, #tpu.memory_space<hbm>>
    tpu.enqueue_indirect_dma source(%dma_start3A_91 : memref<1000000x64xf32, #tpu.memory_space<hbm>>) target(%dma_start3A_86 : memref<128x64xf32, #tpu.memory_space<vmem>>) offsets(%dma_start3A_88 : memref<128xi32, #tpu.memory_space<vmem>>) semaphore(%arg11 : memref<!tpu.dma_semaphore, #tpu.memory_space<semaphore_mem>>)
    %dma_start3A_92 = arith.constant 512 : i32
    %dma_start3A_93 = arith.constant 0 : i32
    %dma_start3A_94 = tpu.memref_slice %arg7[%dma_start3A_92, %dma_start3A_93] : memref<640x64xf32, #tpu.memory_space<vmem>> -> memref<128x64xf32, #tpu.memory_space<vmem>>
    %dma_start3A_95 = arith.constant 512 : i32
    %dma_start3A_96 = tpu.memref_slice %arg6[%dma_start3A_95] : memref<640xi32, #tpu.memory_space<vmem>> -> memref<128xi32, #tpu.memory_space<vmem>>
    %dma_start3A_97 = arith.constant 0 : i32
    %dma_start3A_98 = arith.constant 0 : i32
    %dma_start3A_99 = tpu.memref_slice %arg4[%dma_start3A_97, %dma_start3A_98] : memref<1000000x64xf32, #tpu.memory_space<hbm>> -> memref<1000000x64xf32, #tpu.memory_space<hbm>>
    tpu.enqueue_indirect_dma source(%dma_start3A_99 : memref<1000000x64xf32, #tpu.memory_space<hbm>>) target(%dma_start3A_94 : memref<128x64xf32, #tpu.memory_space<vmem>>) offsets(%dma_start3A_96 : memref<128xi32, #tpu.memory_space<vmem>>) semaphore(%arg11 : memref<!tpu.dma_semaphore, #tpu.memory_space<semaphore_mem>>)
    %dma_wait3A = arith.constant 0 : i32
    %dma_wait3A_100 = arith.constant 0 : i32
    %dma_wait3A_101 = tpu.memref_slice %arg7[%dma_wait3A, %dma_wait3A_100] : memref<640x64xf32, #tpu.memory_space<vmem>> -> memref<128x64xf32, #tpu.memory_space<vmem>>
    %dma_wait3A_102 = arith.constant 0 : i32
    %dma_wait3A_103 = tpu.memref_slice %arg6[%dma_wait3A_102] : memref<640xi32, #tpu.memory_space<vmem>> -> memref<128xi32, #tpu.memory_space<vmem>>
    %dma_wait3A_104 = arith.constant 0 : i32
    %dma_wait3A_105 = arith.constant 0 : i32
    %dma_wait3A_106 = tpu.memref_slice %arg4[%dma_wait3A_104, %dma_wait3A_105] : memref<1000000x64xf32, #tpu.memory_space<hbm>> -> memref<1000000x64xf32, #tpu.memory_space<hbm>>
    tpu.wait_indirect_dma semaphore(%arg11 : memref<!tpu.dma_semaphore, #tpu.memory_space<semaphore_mem>>) src(%dma_wait3A_106 : memref<1000000x64xf32, #tpu.memory_space<hbm>>) dst(%dma_wait3A_101 : memref<128x64xf32, #tpu.memory_space<vmem>>)
    %dma_wait3A_107 = arith.constant 128 : i32
    %dma_wait3A_108 = arith.constant 0 : i32
    %dma_wait3A_109 = tpu.memref_slice %arg7[%dma_wait3A_107, %dma_wait3A_108] : memref<640x64xf32, #tpu.memory_space<vmem>> -> memref<128x64xf32, #tpu.memory_space<vmem>>
    %dma_wait3A_110 = arith.constant 128 : i32
    %dma_wait3A_111 = tpu.memref_slice %arg6[%dma_wait3A_110] : memref<640xi32, #tpu.memory_space<vmem>> -> memref<128xi32, #tpu.memory_space<vmem>>
    %dma_wait3A_112 = arith.constant 0 : i32
    %dma_wait3A_113 = arith.constant 0 : i32
    %dma_wait3A_114 = tpu.memref_slice %arg4[%dma_wait3A_112, %dma_wait3A_113] : memref<1000000x64xf32, #tpu.memory_space<hbm>> -> memref<1000000x64xf32, #tpu.memory_space<hbm>>
    tpu.wait_indirect_dma semaphore(%arg11 : memref<!tpu.dma_semaphore, #tpu.memory_space<semaphore_mem>>) src(%dma_wait3A_114 : memref<1000000x64xf32, #tpu.memory_space<hbm>>) dst(%dma_wait3A_109 : memref<128x64xf32, #tpu.memory_space<vmem>>)
    %dma_wait3A_115 = arith.constant 256 : i32
    %dma_wait3A_116 = arith.constant 0 : i32
    %dma_wait3A_117 = tpu.memref_slice %arg7[%dma_wait3A_115, %dma_wait3A_116] : memref<640x64xf32, #tpu.memory_space<vmem>> -> memref<128x64xf32, #tpu.memory_space<vmem>>
    %dma_wait3A_118 = arith.constant 256 : i32
    %dma_wait3A_119 = tpu.memref_slice %arg6[%dma_wait3A_118] : memref<640xi32, #tpu.memory_space<vmem>> -> memref<128xi32, #tpu.memory_space<vmem>>
    %dma_wait3A_120 = arith.constant 0 : i32
    %dma_wait3A_121 = arith.constant 0 : i32
    %dma_wait3A_122 = tpu.memref_slice %arg4[%dma_wait3A_120, %dma_wait3A_121] : memref<1000000x64xf32, #tpu.memory_space<hbm>> -> memref<1000000x64xf32, #tpu.memory_space<hbm>>
    tpu.wait_indirect_dma semaphore(%arg11 : memref<!tpu.dma_semaphore, #tpu.memory_space<semaphore_mem>>) src(%dma_wait3A_122 : memref<1000000x64xf32, #tpu.memory_space<hbm>>) dst(%dma_wait3A_117 : memref<128x64xf32, #tpu.memory_space<vmem>>)
    %dma_wait3A_123 = arith.constant 384 : i32
    %dma_wait3A_124 = arith.constant 0 : i32
    %dma_wait3A_125 = tpu.memref_slice %arg7[%dma_wait3A_123, %dma_wait3A_124] : memref<640x64xf32, #tpu.memory_space<vmem>> -> memref<128x64xf32, #tpu.memory_space<vmem>>
    %dma_wait3A_126 = arith.constant 384 : i32
    %dma_wait3A_127 = tpu.memref_slice %arg6[%dma_wait3A_126] : memref<640xi32, #tpu.memory_space<vmem>> -> memref<128xi32, #tpu.memory_space<vmem>>
    %dma_wait3A_128 = arith.constant 0 : i32
    %dma_wait3A_129 = arith.constant 0 : i32
    %dma_wait3A_130 = tpu.memref_slice %arg4[%dma_wait3A_128, %dma_wait3A_129] : memref<1000000x64xf32, #tpu.memory_space<hbm>> -> memref<1000000x64xf32, #tpu.memory_space<hbm>>
    tpu.wait_indirect_dma semaphore(%arg11 : memref<!tpu.dma_semaphore, #tpu.memory_space<semaphore_mem>>) src(%dma_wait3A_130 : memref<1000000x64xf32, #tpu.memory_space<hbm>>) dst(%dma_wait3A_125 : memref<128x64xf32, #tpu.memory_space<vmem>>)
    %dma_wait3A_131 = arith.constant 512 : i32
    %dma_wait3A_132 = arith.constant 0 : i32
    %dma_wait3A_133 = tpu.memref_slice %arg7[%dma_wait3A_131, %dma_wait3A_132] : memref<640x64xf32, #tpu.memory_space<vmem>> -> memref<128x64xf32, #tpu.memory_space<vmem>>
    %dma_wait3A_134 = arith.constant 512 : i32
    %dma_wait3A_135 = tpu.memref_slice %arg6[%dma_wait3A_134] : memref<640xi32, #tpu.memory_space<vmem>> -> memref<128xi32, #tpu.memory_space<vmem>>
    %dma_wait3A_136 = arith.constant 0 : i32
    %dma_wait3A_137 = arith.constant 0 : i32
    %dma_wait3A_138 = tpu.memref_slice %arg4[%dma_wait3A_136, %dma_wait3A_137] : memref<1000000x64xf32, #tpu.memory_space<hbm>> -> memref<1000000x64xf32, #tpu.memory_space<hbm>>
    tpu.wait_indirect_dma semaphore(%arg11 : memref<!tpu.dma_semaphore, #tpu.memory_space<semaphore_mem>>) src(%dma_wait3A_138 : memref<1000000x64xf32, #tpu.memory_space<hbm>>) dst(%dma_wait3A_133 : memref<128x64xf32, #tpu.memory_space<vmem>>)
    %scan3A = arith.constant 0 : i32
    %scan3A_139 = arith.constant 0 : i32
    %scan3A_140 = arith.constant 32 : i32
    %scan3A_141 = arith.addi %scan3A_139, %scan3A_140 : i32
    %scan3A_142 = arith.constant 1 : i32
    scf.for %scan3A_432 = %scan3A_139 to %scan3A_141 step %scan3A_142  : i32 {
      %add3A_433 = arith.constant 0 : i32
      %add3A_434 = arith.addi %add3A_433, %scan3A_432 : i32
      %get3A = arith.index_cast %add3A_434 : i32 to index
      %get3A_435 = arith.constant 0 : index
      %get3A_436 = tpu.vector_load %arg8[%get3A, %get3A_435] {strides = array<i32>} : memref<128x64xf32, #tpu.memory_space<vmem>>, vector<16xf32>,
      %get3A_437 = arith.index_cast %add3A_434 : i32 to index
      %get3A_438 = arith.constant 16 : index
      %get3A_439 = tpu.vector_load %arg8[%get3A_437, %get3A_438] {strides = array<i32>} : memref<128x64xf32, #tpu.memory_space<vmem>>, vector<16xf32>,
      %get3A_440 = arith.index_cast %add3A_434 : i32 to index
      %get3A_441 = arith.constant 32 : index
      %get3A_442 = tpu.vector_load %arg8[%get3A_440, %get3A_441] {strides = array<i32>} : memref<128x64xf32, #tpu.memory_space<vmem>>, vector<16xf32>,
      %get3A_443 = arith.index_cast %add3A_434 : i32 to index
      %get3A_444 = arith.constant 48 : index
      %get3A_445 = tpu.vector_load %arg8[%get3A_443, %get3A_444] {strides = array<i32>} : memref<128x64xf32, #tpu.memory_space<vmem>>, vector<16xf32>,
      %mul3A_446 = arith.constant 20 : i32
      %mul3A_447 = arith.muli %scan3A_432, %mul3A_446 : i32
      %add3A_448 = arith.constant 0 : i32
      %add3A_449 = arith.addi %mul3A_447, %add3A_448 : i32
      %get3A_450 = arith.index_cast %add3A_449 : i32 to index
      %get3A_451 = arith.constant 0 : index
      %get3A_452 = tpu.vector_load %arg7[%get3A_450, %get3A_451] {strides = array<i32>} : memref<640x64xf32, #tpu.memory_space<vmem>>, vector<16xf32>,
      %mul3A_453 = arith.mulf %get3A_452, %get3A_436 : vector<16xf32>
      %get3A_454 = arith.index_cast %add3A_449 : i32 to index
      %get3A_455 = arith.constant 16 : index
      %get3A_456 = tpu.vector_load %arg7[%get3A_454, %get3A_455] {strides = array<i32>} : memref<640x64xf32, #tpu.memory_space<vmem>>, vector<16xf32>,
      %mul3A_457 = arith.mulf %get3A_456, %get3A_439 : vector<16xf32>
      %add3A_458 = arith.addf %mul3A_453, %mul3A_457 : vector<16xf32>
      %get3A_459 = arith.index_cast %add3A_449 : i32 to index
      %get3A_460 = arith.constant 32 : index
      %get3A_461 = tpu.vector_load %arg7[%get3A_459, %get3A_460] {strides = array<i32>} : memref<640x64xf32, #tpu.memory_space<vmem>>, vector<16xf32>,
      %mul3A_462 = arith.mulf %get3A_461, %get3A_442 : vector<16xf32>
      %add3A_463 = arith.addf %add3A_458, %mul3A_462 : vector<16xf32>
      %get3A_464 = arith.index_cast %add3A_449 : i32 to index
      %get3A_465 = arith.constant 48 : index
      %get3A_466 = tpu.vector_load %arg7[%get3A_464, %get3A_465] {strides = array<i32>} : memref<640x64xf32, #tpu.memory_space<vmem>>, vector<16xf32>,
      %mul3A_467 = arith.mulf %get3A_466, %get3A_445 : vector<16xf32>
      %add3A_468 = arith.addf %add3A_463, %mul3A_467 : vector<16xf32>
      %reduce_sum3A = arith.constant true
      %reduce_sum3A_469 = vector.broadcast %reduce_sum3A : i1 to vector<16xi1>
      %reduce_sum3A_470 = tpu.scan <sum>, %add3A_468 masked %reduce_sum3A_469 : vector<16xf32>, vector<16xi1> -> vector<16xf32>
      %reduce_sum3A_471 = vector.extract %reduce_sum3A_470[15] : f32 from vector<16xf32>
      %broadcast_in_dim3A_472 = vector.broadcast %reduce_sum3A_471 : f32 to vector<16xf32>
      %swap3A_473 = arith.constant 0 : i32
      %swap3A_474 = arith.index_cast %swap3A_473 : i32 to index
      %swap3A_475 = arith.constant 0 : index
      %swap3A_476 = tpu.vector_load %arg10[%swap3A_474, %swap3A_475] {strides = array<i32>} : memref<32x16xf32, #tpu.memory_space<vmem>>, vector<16xf32>,
      tpu.vector_store %arg10[%swap3A_474, %swap3A_475], %broadcast_in_dim3A_472 {strides = array<i32>} : memref<32x16xf32, #tpu.memory_space<vmem>>, vector<16xf32>,
      %mul3A_477 = arith.constant 20 : i32
      %mul3A_478 = arith.muli %scan3A_432, %mul3A_477 : i32
      %add3A_479 = arith.constant 1 : i32
      %add3A_480 = arith.addi %mul3A_478, %add3A_479 : i32
      %get3A_481 = arith.index_cast %add3A_480 : i32 to index
      %get3A_482 = arith.constant 0 : index
      %get3A_483 = tpu.vector_load %arg7[%get3A_481, %get3A_482] {strides = array<i32>} : memref<640x64xf32, #tpu.memory_space<vmem>>, vector<16xf32>,
      %mul3A_484 = arith.mulf %get3A_483, %get3A_436 : vector<16xf32>
      %get3A_485 = arith.index_cast %add3A_480 : i32 to index
      %get3A_486 = arith.constant 16 : index
      %get3A_487 = tpu.vector_load %arg7[%get3A_485, %get3A_486] {strides = array<i32>} : memref<640x64xf32, #tpu.memory_space<vmem>>, vector<16xf32>,
      %mul3A_488 = arith.mulf %get3A_487, %get3A_439 : vector<16xf32>
      %add3A_489 = arith.addf %mul3A_484, %mul3A_488 : vector<16xf32>
      %get3A_490 = arith.index_cast %add3A_480 : i32 to index
      %get3A_491 = arith.constant 32 : index
      %get3A_492 = tpu.vector_load %arg7[%get3A_490, %get3A_491] {strides = array<i32>} : memref<640x64xf32, #tpu.memory_space<vmem>>, vector<16xf32>,
      %mul3A_493 = arith.mulf %get3A_492, %get3A_442 : vector<16xf32>
      %add3A_494 = arith.addf %add3A_489, %mul3A_493 : vector<16xf32>
      %get3A_495 = arith.index_cast %add3A_480 : i32 to index
      %get3A_496 = arith.constant 48 : index
      %get3A_497 = tpu.vector_load %arg7[%get3A_495, %get3A_496] {strides = array<i32>} : memref<640x64xf32, #tpu.memory_space<vmem>>, vector<16xf32>,
      %mul3A_498 = arith.mulf %get3A_497, %get3A_445 : vector<16xf32>
      %add3A_499 = arith.addf %add3A_494, %mul3A_498 : vector<16xf32>
      %reduce_sum3A_500 = arith.constant true
      %reduce_sum3A_501 = vector.broadcast %reduce_sum3A_500 : i1 to vector<16xi1>
      %reduce_sum3A_502 = tpu.scan <sum>, %add3A_499 masked %reduce_sum3A_501 : vector<16xf32>, vector<16xi1> -> vector<16xf32>
      %reduce_sum3A_503 = vector.extract %reduce_sum3A_502[15] : f32 from vector<16xf32>
      %broadcast_in_dim3A_504 = vector.broadcast %reduce_sum3A_503 : f32 to vector<16xf32>
      %swap3A_505 = arith.constant 1 : i32
      %swap3A_506 = arith.index_cast %swap3A_505 : i32 to index
      %swap3A_507 = arith.constant 0 : index
      %swap3A_508 = tpu.vector_load %arg10[%swap3A_506, %swap3A_507] {strides = array<i32>} : memref<32x16xf32, #tpu.memory_space<vmem>>, vector<16xf32>,
      tpu.vector_store %arg10[%swap3A_506, %swap3A_507], %broadcast_in_dim3A_504 {strides = array<i32>} : memref<32x16xf32, #tpu.memory_space<vmem>>, vector<16xf32>,
      %mul3A_509 = arith.constant 20 : i32
      %mul3A_510 = arith.muli %scan3A_432, %mul3A_509 : i32
      %add3A_511 = arith.constant 2 : i32
      %add3A_512 = arith.addi %mul3A_510, %add3A_511 : i32
      %get3A_513 = arith.index_cast %add3A_512 : i32 to index
      %get3A_514 = arith.constant 0 : index
      %get3A_515 = tpu.vector_load %arg7[%get3A_513, %get3A_514] {strides = array<i32>} : memref<640x64xf32, #tpu.memory_space<vmem>>, vector<16xf32>,
      %mul3A_516 = arith.mulf %get3A_515, %get3A_436 : vector<16xf32>
      %get3A_517 = arith.index_cast %add3A_512 : i32 to index
      %get3A_518 = arith.constant 16 : index
      %get3A_519 = tpu.vector_load %arg7[%get3A_517, %get3A_518] {strides = array<i32>} : memref<640x64xf32, #tpu.memory_space<vmem>>, vector<16xf32>,
      %mul3A_520 = arith.mulf %get3A_519, %get3A_439 : vector<16xf32>
      %add3A_521 = arith.addf %mul3A_516, %mul3A_520 : vector<16xf32>
      %get3A_522 = arith.index_cast %add3A_512 : i32 to index
      %get3A_523 = arith.constant 32 : index
      %get3A_524 = tpu.vector_load %arg7[%get3A_522, %get3A_523] {strides = array<i32>} : memref<640x64xf32, #tpu.memory_space<vmem>>, vector<16xf32>,
      %mul3A_525 = arith.mulf %get3A_524, %get3A_442 : vector<16xf32>
      %add3A_526 = arith.addf %add3A_521, %mul3A_525 : vector<16xf32>
      %get3A_527 = arith.index_cast %add3A_512 : i32 to index
      %get3A_528 = arith.constant 48 : index
      %get3A_529 = tpu.vector_load %arg7[%get3A_527, %get3A_528] {strides = array<i32>} : memref<640x64xf32, #tpu.memory_space<vmem>>, vector<16xf32>,
      %mul3A_530 = arith.mulf %get3A_529, %get3A_445 : vector<16xf32>
      %add3A_531 = arith.addf %add3A_526, %mul3A_530 : vector<16xf32>
      %reduce_sum3A_532 = arith.constant true
      %reduce_sum3A_533 = vector.broadcast %reduce_sum3A_532 : i1 to vector<16xi1>
      %reduce_sum3A_534 = tpu.scan <sum>, %add3A_531 masked %reduce_sum3A_533 : vector<16xf32>, vector<16xi1> -> vector<16xf32>
      %reduce_sum3A_535 = vector.extract %reduce_sum3A_534[15] : f32 from vector<16xf32>
      %broadcast_in_dim3A_536 = vector.broadcast %reduce_sum3A_535 : f32 to vector<16xf32>
      %swap3A_537 = arith.constant 2 : i32
      %swap3A_538 = arith.index_cast %swap3A_537 : i32 to index
      %swap3A_539 = arith.constant 0 : index
      %swap3A_540 = tpu.vector_load %arg10[%swap3A_538, %swap3A_539] {strides = array<i32>} : memref<32x16xf32, #tpu.memory_space<vmem>>, vector<16xf32>,
      tpu.vector_store %arg10[%swap3A_538, %swap3A_539], %broadcast_in_dim3A_536 {strides = array<i32>} : memref<32x16xf32, #tpu.memory_space<vmem>>, vector<16xf32>,
      %mul3A_541 = arith.constant 20 : i32
      %mul3A_542 = arith.muli %scan3A_432, %mul3A_541 : i32
      %add3A_543 = arith.constant 3 : i32
      %add3A_544 = arith.addi %mul3A_542, %add3A_543 : i32
      %get3A_545 = arith.index_cast %add3A_544 : i32 to index
      %get3A_546 = arith.constant 0 : index
      %get3A_547 = tpu.vector_load %arg7[%get3A_545, %get3A_546] {strides = array<i32>} : memref<640x64xf32, #tpu.memory_space<vmem>>, vector<16xf32>,
      %mul3A_548 = arith.mulf %get3A_547, %get3A_436 : vector<16xf32>
      %get3A_549 = arith.index_cast %add3A_544 : i32 to index
      %get3A_550 = arith.constant 16 : index
      %get3A_551 = tpu.vector_load %arg7[%get3A_549, %get3A_550] {strides = array<i32>} : memref<640x64xf32, #tpu.memory_space<vmem>>, vector<16xf32>,
      %mul3A_552 = arith.mulf %get3A_551, %get3A_439 : vector<16xf32>
      %add3A_553 = arith.addf %mul3A_548, %mul3A_552 : vector<16xf32>
      %get3A_554 = arith.index_cast %add3A_544 : i32 to index
      %get3A_555 = arith.constant 32 : index
      %get3A_556 = tpu.vector_load %arg7[%get3A_554, %get3A_555] {strides = array<i32>} : memref<640x64xf32, #tpu.memory_space<vmem>>, vector<16xf32>,
      %mul3A_557 = arith.mulf %get3A_556, %get3A_442 : vector<16xf32>
      %add3A_558 = arith.addf %add3A_553, %mul3A_557 : vector<16xf32>
      %get3A_559 = arith.index_cast %add3A_544 : i32 to index
      %get3A_560 = arith.constant 48 : index
      %get3A_561 = tpu.vector_load %arg7[%get3A_559, %get3A_560] {strides = array<i32>} : memref<640x64xf32, #tpu.memory_space<vmem>>, vector<16xf32>,
      %mul3A_562 = arith.mulf %get3A_561, %get3A_445 : vector<16xf32>
      %add3A_563 = arith.addf %add3A_558, %mul3A_562 : vector<16xf32>
      %reduce_sum3A_564 = arith.constant true
      %reduce_sum3A_565 = vector.broadcast %reduce_sum3A_564 : i1 to vector<16xi1>
      %reduce_sum3A_566 = tpu.scan <sum>, %add3A_563 masked %reduce_sum3A_565 : vector<16xf32>, vector<16xi1> -> vector<16xf32>
      %reduce_sum3A_567 = vector.extract %reduce_sum3A_566[15] : f32 from vector<16xf32>
      %broadcast_in_dim3A_568 = vector.broadcast %reduce_sum3A_567 : f32 to vector<16xf32>
      %swap3A_569 = arith.constant 3 : i32
      %swap3A_570 = arith.index_cast %swap3A_569 : i32 to index
      %swap3A_571 = arith.constant 0 : index
      %swap3A_572 = tpu.vector_load %arg10[%swap3A_570, %swap3A_571] {strides = array<i32>} : memref<32x16xf32, #tpu.memory_space<vmem>>, vector<16xf32>,
      tpu.vector_store %arg10[%swap3A_570, %swap3A_571], %broadcast_in_dim3A_568 {strides = array<i32>} : memref<32x16xf32, #tpu.memory_space<vmem>>, vector<16xf32>,
      %mul3A_573 = arith.constant 20 : i32
      %mul3A_574 = arith.muli %scan3A_432, %mul3A_573 : i32
      %add3A_575 = arith.constant 4 : i32
      %add3A_576 = arith.addi %mul3A_574, %add3A_575 : i32
      %get3A_577 = arith.index_cast %add3A_576 : i32 to index
      %get3A_578 = arith.constant 0 : index
      %get3A_579 = tpu.vector_load %arg7[%get3A_577, %get3A_578] {strides = array<i32>} : memref<640x64xf32, #tpu.memory_space<vmem>>, vector<16xf32>,
      %mul3A_580 = arith.mulf %get3A_579, %get3A_436 : vector<16xf32>
      %get3A_581 = arith.index_cast %add3A_576 : i32 to index
      %get3A_582 = arith.constant 16 : index
      %get3A_583 = tpu.vector_load %arg7[%get3A_581, %get3A_582] {strides = array<i32>} : memref<640x64xf32, #tpu.memory_space<vmem>>, vector<16xf32>,
      %mul3A_584 = arith.mulf %get3A_583, %get3A_439 : vector<16xf32>
      %add3A_585 = arith.addf %mul3A_580, %mul3A_584 : vector<16xf32>
      %get3A_586 = arith.index_cast %add3A_576 : i32 to index
      %get3A_587 = arith.constant 32 : index
      %get3A_588 = tpu.vector_load %arg7[%get3A_586, %get3A_587] {strides = array<i32>} : memref<640x64xf32, #tpu.memory_space<vmem>>, vector<16xf32>,
      %mul3A_589 = arith.mulf %get3A_588, %get3A_442 : vector<16xf32>
      %add3A_590 = arith.addf %add3A_585, %mul3A_589 : vector<16xf32>
      %get3A_591 = arith.index_cast %add3A_576 : i32 to index
      %get3A_592 = arith.constant 48 : index
      %get3A_593 = tpu.vector_load %arg7[%get3A_591, %get3A_592] {strides = array<i32>} : memref<640x64xf32, #tpu.memory_space<vmem>>, vector<16xf32>,
      %mul3A_594 = arith.mulf %get3A_593, %get3A_445 : vector<16xf32>
      %add3A_595 = arith.addf %add3A_590, %mul3A_594 : vector<16xf32>
      %reduce_sum3A_596 = arith.constant true
      %reduce_sum3A_597 = vector.broadcast %reduce_sum3A_596 : i1 to vector<16xi1>
      %reduce_sum3A_598 = tpu.scan <sum>, %add3A_595 masked %reduce_sum3A_597 : vector<16xf32>, vector<16xi1> -> vector<16xf32>
      %reduce_sum3A_599 = vector.extract %reduce_sum3A_598[15] : f32 from vector<16xf32>
      %broadcast_in_dim3A_600 = vector.broadcast %reduce_sum3A_599 : f32 to vector<16xf32>
      %swap3A_601 = arith.constant 4 : i32
      %swap3A_602 = arith.index_cast %swap3A_601 : i32 to index
      %swap3A_603 = arith.constant 0 : index
      %swap3A_604 = tpu.vector_load %arg10[%swap3A_602, %swap3A_603] {strides = array<i32>} : memref<32x16xf32, #tpu.memory_space<vmem>>, vector<16xf32>,
      tpu.vector_store %arg10[%swap3A_602, %swap3A_603], %broadcast_in_dim3A_600 {strides = array<i32>} : memref<32x16xf32, #tpu.memory_space<vmem>>, vector<16xf32>,
      %mul3A_605 = arith.constant 20 : i32
      %mul3A_606 = arith.muli %scan3A_432, %mul3A_605 : i32
      %add3A_607 = arith.constant 5 : i32
      %add3A_608 = arith.addi %mul3A_606, %add3A_607 : i32
      %get3A_609 = arith.index_cast %add3A_608 : i32 to index
      %get3A_610 = arith.constant 0 : index
      %get3A_611 = tpu.vector_load %arg7[%get3A_609, %get3A_610] {strides = array<i32>} : memref<640x64xf32, #tpu.memory_space<vmem>>, vector<16xf32>,
      %mul3A_612 = arith.mulf %get3A_611, %get3A_436 : vector<16xf32>
      %get3A_613 = arith.index_cast %add3A_608 : i32 to index
      %get3A_614 = arith.constant 16 : index
      %get3A_615 = tpu.vector_load %arg7[%get3A_613, %get3A_614] {strides = array<i32>} : memref<640x64xf32, #tpu.memory_space<vmem>>, vector<16xf32>,
      %mul3A_616 = arith.mulf %get3A_615, %get3A_439 : vector<16xf32>
      %add3A_617 = arith.addf %mul3A_612, %mul3A_616 : vector<16xf32>
      %get3A_618 = arith.index_cast %add3A_608 : i32 to index
      %get3A_619 = arith.constant 32 : index
      %get3A_620 = tpu.vector_load %arg7[%get3A_618, %get3A_619] {strides = array<i32>} : memref<640x64xf32, #tpu.memory_space<vmem>>, vector<16xf32>,
      %mul3A_621 = arith.mulf %get3A_620, %get3A_442 : vector<16xf32>
      %add3A_622 = arith.addf %add3A_617, %mul3A_621 : vector<16xf32>
      %get3A_623 = arith.index_cast %add3A_608 : i32 to index
      %get3A_624 = arith.constant 48 : index
      %get3A_625 = tpu.vector_load %arg7[%get3A_623, %get3A_624] {strides = array<i32>} : memref<640x64xf32, #tpu.memory_space<vmem>>, vector<16xf32>,
      %mul3A_626 = arith.mulf %get3A_625, %get3A_445 : vector<16xf32>
      %add3A_627 = arith.addf %add3A_622, %mul3A_626 : vector<16xf32>
      %reduce_sum3A_628 = arith.constant true
      %reduce_sum3A_629 = vector.broadcast %reduce_sum3A_628 : i1 to vector<16xi1>
      %reduce_sum3A_630 = tpu.scan <sum>, %add3A_627 masked %reduce_sum3A_629 : vector<16xf32>, vector<16xi1> -> vector<16xf32>
      %reduce_sum3A_631 = vector.extract %reduce_sum3A_630[15] : f32 from vector<16xf32>
      %broadcast_in_dim3A_632 = vector.broadcast %reduce_sum3A_631 : f32 to vector<16xf32>
      %swap3A_633 = arith.constant 5 : i32
      %swap3A_634 = arith.index_cast %swap3A_633 : i32 to index
      %swap3A_635 = arith.constant 0 : index
      %swap3A_636 = tpu.vector_load %arg10[%swap3A_634, %swap3A_635] {strides = array<i32>} : memref<32x16xf32, #tpu.memory_space<vmem>>, vector<16xf32>,
      tpu.vector_store %arg10[%swap3A_634, %swap3A_635], %broadcast_in_dim3A_632 {strides = array<i32>} : memref<32x16xf32, #tpu.memory_space<vmem>>, vector<16xf32>,
      %mul3A_637 = arith.constant 20 : i32
      %mul3A_638 = arith.muli %scan3A_432, %mul3A_637 : i32
      %add3A_639 = arith.constant 6 : i32
      %add3A_640 = arith.addi %mul3A_638, %add3A_639 : i32
      %get3A_641 = arith.index_cast %add3A_640 : i32 to index
      %get3A_642 = arith.constant 0 : index
      %get3A_643 = tpu.vector_load %arg7[%get3A_641, %get3A_642] {strides = array<i32>} : memref<640x64xf32, #tpu.memory_space<vmem>>, vector<16xf32>,
      %mul3A_644 = arith.mulf %get3A_643, %get3A_436 : vector<16xf32>
      %get3A_645 = arith.index_cast %add3A_640 : i32 to index
      %get3A_646 = arith.constant 16 : index
      %get3A_647 = tpu.vector_load %arg7[%get3A_645, %get3A_646] {strides = array<i32>} : memref<640x64xf32, #tpu.memory_space<vmem>>, vector<16xf32>,
      %mul3A_648 = arith.mulf %get3A_647, %get3A_439 : vector<16xf32>
      %add3A_649 = arith.addf %mul3A_644, %mul3A_648 : vector<16xf32>
      %get3A_650 = arith.index_cast %add3A_640 : i32 to index
      %get3A_651 = arith.constant 32 : index
      %get3A_652 = tpu.vector_load %arg7[%get3A_650, %get3A_651] {strides = array<i32>} : memref<640x64xf32, #tpu.memory_space<vmem>>, vector<16xf32>,
      %mul3A_653 = arith.mulf %get3A_652, %get3A_442 : vector<16xf32>
      %add3A_654 = arith.addf %add3A_649, %mul3A_653 : vector<16xf32>
      %get3A_655 = arith.index_cast %add3A_640 : i32 to index
      %get3A_656 = arith.constant 48 : index
      %get3A_657 = tpu.vector_load %arg7[%get3A_655, %get3A_656] {strides = array<i32>} : memref<640x64xf32, #tpu.memory_space<vmem>>, vector<16xf32>,
      %mul3A_658 = arith.mulf %get3A_657, %get3A_445 : vector<16xf32>
      %add3A_659 = arith.addf %add3A_654, %mul3A_658 : vector<16xf32>
      %reduce_sum3A_660 = arith.constant true
      %reduce_sum3A_661 = vector.broadcast %reduce_sum3A_660 : i1 to vector<16xi1>
      %reduce_sum3A_662 = tpu.scan <sum>, %add3A_659 masked %reduce_sum3A_661 : vector<16xf32>, vector<16xi1> -> vector<16xf32>
      %reduce_sum3A_663 = vector.extract %reduce_sum3A_662[15] : f32 from vector<16xf32>
      %broadcast_in_dim3A_664 = vector.broadcast %reduce_sum3A_663 : f32 to vector<16xf32>
      %swap3A_665 = arith.constant 6 : i32
      %swap3A_666 = arith.index_cast %swap3A_665 : i32 to index
      %swap3A_667 = arith.constant 0 : index
      %swap3A_668 = tpu.vector_load %arg10[%swap3A_666, %swap3A_667] {strides = array<i32>} : memref<32x16xf32, #tpu.memory_space<vmem>>, vector<16xf32>,
      tpu.vector_store %arg10[%swap3A_666, %swap3A_667], %broadcast_in_dim3A_664 {strides = array<i32>} : memref<32x16xf32, #tpu.memory_space<vmem>>, vector<16xf32>,
      %mul3A_669 = arith.constant 20 : i32
      %mul3A_670 = arith.muli %scan3A_432, %mul3A_669 : i32
      %add3A_671 = arith.constant 7 : i32
      %add3A_672 = arith.addi %mul3A_670, %add3A_671 : i32
      %get3A_673 = arith.index_cast %add3A_672 : i32 to index
      %get3A_674 = arith.constant 0 : index
      %get3A_675 = tpu.vector_load %arg7[%get3A_673, %get3A_674] {strides = array<i32>} : memref<640x64xf32, #tpu.memory_space<vmem>>, vector<16xf32>,
      %mul3A_676 = arith.mulf %get3A_675, %get3A_436 : vector<16xf32>
      %get3A_677 = arith.index_cast %add3A_672 : i32 to index
      %get3A_678 = arith.constant 16 : index
      %get3A_679 = tpu.vector_load %arg7[%get3A_677, %get3A_678] {strides = array<i32>} : memref<640x64xf32, #tpu.memory_space<vmem>>, vector<16xf32>,
      %mul3A_680 = arith.mulf %get3A_679, %get3A_439 : vector<16xf32>
      %add3A_681 = arith.addf %mul3A_676, %mul3A_680 : vector<16xf32>
      %get3A_682 = arith.index_cast %add3A_672 : i32 to index
      %get3A_683 = arith.constant 32 : index
      %get3A_684 = tpu.vector_load %arg7[%get3A_682, %get3A_683] {strides = array<i32>} : memref<640x64xf32, #tpu.memory_space<vmem>>, vector<16xf32>,
      %mul3A_685 = arith.mulf %get3A_684, %get3A_442 : vector<16xf32>
      %add3A_686 = arith.addf %add3A_681, %mul3A_685 : vector<16xf32>
      %get3A_687 = arith.index_cast %add3A_672 : i32 to index
      %get3A_688 = arith.constant 48 : index
      %get3A_689 = tpu.vector_load %arg7[%get3A_687, %get3A_688] {strides = array<i32>} : memref<640x64xf32, #tpu.memory_space<vmem>>, vector<16xf32>,
      %mul3A_690 = arith.mulf %get3A_689, %get3A_445 : vector<16xf32>
      %add3A_691 = arith.addf %add3A_686, %mul3A_690 : vector<16xf32>
      %reduce_sum3A_692 = arith.constant true
      %reduce_sum3A_693 = vector.broadcast %reduce_sum3A_692 : i1 to vector<16xi1>
      %reduce_sum3A_694 = tpu.scan <sum>, %add3A_691 masked %reduce_sum3A_693 : vector<16xf32>, vector<16xi1> -> vector<16xf32>
      %reduce_sum3A_695 = vector.extract %reduce_sum3A_694[15] : f32 from vector<16xf32>
      %broadcast_in_dim3A_696 = vector.broadcast %reduce_sum3A_695 : f32 to vector<16xf32>
      %swap3A_697 = arith.constant 7 : i32
      %swap3A_698 = arith.index_cast %swap3A_697 : i32 to index
      %swap3A_699 = arith.constant 0 : index
      %swap3A_700 = tpu.vector_load %arg10[%swap3A_698, %swap3A_699] {strides = array<i32>} : memref<32x16xf32, #tpu.memory_space<vmem>>, vector<16xf32>,
      tpu.vector_store %arg10[%swap3A_698, %swap3A_699], %broadcast_in_dim3A_696 {strides = array<i32>} : memref<32x16xf32, #tpu.memory_space<vmem>>, vector<16xf32>,
      %mul3A_701 = arith.constant 20 : i32
      %mul3A_702 = arith.muli %scan3A_432, %mul3A_701 : i32
      %add3A_703 = arith.constant 8 : i32
      %add3A_704 = arith.addi %mul3A_702, %add3A_703 : i32
      %get3A_705 = arith.index_cast %add3A_704 : i32 to index
      %get3A_706 = arith.constant 0 : index
      %get3A_707 = tpu.vector_load %arg7[%get3A_705, %get3A_706] {strides = array<i32>} : memref<640x64xf32, #tpu.memory_space<vmem>>, vector<16xf32>,
      %mul3A_708 = arith.mulf %get3A_707, %get3A_436 : vector<16xf32>
      %get3A_709 = arith.index_cast %add3A_704 : i32 to index
      %get3A_710 = arith.constant 16 : index
      %get3A_711 = tpu.vector_load %arg7[%get3A_709, %get3A_710] {strides = array<i32>} : memref<640x64xf32, #tpu.memory_space<vmem>>, vector<16xf32>,
      %mul3A_712 = arith.mulf %get3A_711, %get3A_439 : vector<16xf32>
      %add3A_713 = arith.addf %mul3A_708, %mul3A_712 : vector<16xf32>
      %get3A_714 = arith.index_cast %add3A_704 : i32 to index
      %get3A_715 = arith.constant 32 : index
      %get3A_716 = tpu.vector_load %arg7[%get3A_714, %get3A_715] {strides = array<i32>} : memref<640x64xf32, #tpu.memory_space<vmem>>, vector<16xf32>,
      %mul3A_717 = arith.mulf %get3A_716, %get3A_442 : vector<16xf32>
      %add3A_718 = arith.addf %add3A_713, %mul3A_717 : vector<16xf32>
      %get3A_719 = arith.index_cast %add3A_704 : i32 to index
      %get3A_720 = arith.constant 48 : index
      %get3A_721 = tpu.vector_load %arg7[%get3A_719, %get3A_720] {strides = array<i32>} : memref<640x64xf32, #tpu.memory_space<vmem>>, vector<16xf32>,
      %mul3A_722 = arith.mulf %get3A_721, %get3A_445 : vector<16xf32>
      %add3A_723 = arith.addf %add3A_718, %mul3A_722 : vector<16xf32>
      %reduce_sum3A_724 = arith.constant true
      %reduce_sum3A_725 = vector.broadcast %reduce_sum3A_724 : i1 to vector<16xi1>
      %reduce_sum3A_726 = tpu.scan <sum>, %add3A_723 masked %reduce_sum3A_725 : vector<16xf32>, vector<16xi1> -> vector<16xf32>
      %reduce_sum3A_727 = vector.extract %reduce_sum3A_726[15] : f32 from vector<16xf32>
      %broadcast_in_dim3A_728 = vector.broadcast %reduce_sum3A_727 : f32 to vector<16xf32>
      %swap3A_729 = arith.constant 8 : i32
      %swap3A_730 = arith.index_cast %swap3A_729 : i32 to index
      %swap3A_731 = arith.constant 0 : index
      %swap3A_732 = tpu.vector_load %arg10[%swap3A_730, %swap3A_731] {strides = array<i32>} : memref<32x16xf32, #tpu.memory_space<vmem>>, vector<16xf32>,
      tpu.vector_store %arg10[%swap3A_730, %swap3A_731], %broadcast_in_dim3A_728 {strides = array<i32>} : memref<32x16xf32, #tpu.memory_space<vmem>>, vector<16xf32>,
      %mul3A_733 = arith.constant 20 : i32
      %mul3A_734 = arith.muli %scan3A_432, %mul3A_733 : i32
      %add3A_735 = arith.constant 9 : i32
      %add3A_736 = arith.addi %mul3A_734, %add3A_735 : i32
      %get3A_737 = arith.index_cast %add3A_736 : i32 to index
      %get3A_738 = arith.constant 0 : index
      %get3A_739 = tpu.vector_load %arg7[%get3A_737, %get3A_738] {strides = array<i32>} : memref<640x64xf32, #tpu.memory_space<vmem>>, vector<16xf32>,
      %mul3A_740 = arith.mulf %get3A_739, %get3A_436 : vector<16xf32>
      %get3A_741 = arith.index_cast %add3A_736 : i32 to index
      %get3A_742 = arith.constant 16 : index
      %get3A_743 = tpu.vector_load %arg7[%get3A_741, %get3A_742] {strides = array<i32>} : memref<640x64xf32, #tpu.memory_space<vmem>>, vector<16xf32>,
      %mul3A_744 = arith.mulf %get3A_743, %get3A_439 : vector<16xf32>
      %add3A_745 = arith.addf %mul3A_740, %mul3A_744 : vector<16xf32>
      %get3A_746 = arith.index_cast %add3A_736 : i32 to index
      %get3A_747 = arith.constant 32 : index
      %get3A_748 = tpu.vector_load %arg7[%get3A_746, %get3A_747] {strides = array<i32>} : memref<640x64xf32, #tpu.memory_space<vmem>>, vector<16xf32>,
      %mul3A_749 = arith.mulf %get3A_748, %get3A_442 : vector<16xf32>
      %add3A_750 = arith.addf %add3A_745, %mul3A_749 : vector<16xf32>
      %get3A_751 = arith.index_cast %add3A_736 : i32 to index
      %get3A_752 = arith.constant 48 : index
      %get3A_753 = tpu.vector_load %arg7[%get3A_751, %get3A_752] {strides = array<i32>} : memref<640x64xf32, #tpu.memory_space<vmem>>, vector<16xf32>,
      %mul3A_754 = arith.mulf %get3A_753, %get3A_445 : vector<16xf32>
      %add3A_755 = arith.addf %add3A_750, %mul3A_754 : vector<16xf32>
      %reduce_sum3A_756 = arith.constant true
      %reduce_sum3A_757 = vector.broadcast %reduce_sum3A_756 : i1 to vector<16xi1>
      %reduce_sum3A_758 = tpu.scan <sum>, %add3A_755 masked %reduce_sum3A_757 : vector<16xf32>, vector<16xi1> -> vector<16xf32>
      %reduce_sum3A_759 = vector.extract %reduce_sum3A_758[15] : f32 from vector<16xf32>
      %broadcast_in_dim3A_760 = vector.broadcast %reduce_sum3A_759 : f32 to vector<16xf32>
      %swap3A_761 = arith.constant 9 : i32
      %swap3A_762 = arith.index_cast %swap3A_761 : i32 to index
      %swap3A_763 = arith.constant 0 : index
      %swap3A_764 = tpu.vector_load %arg10[%swap3A_762, %swap3A_763] {strides = array<i32>} : memref<32x16xf32, #tpu.memory_space<vmem>>, vector<16xf32>,
      tpu.vector_store %arg10[%swap3A_762, %swap3A_763], %broadcast_in_dim3A_760 {strides = array<i32>} : memref<32x16xf32, #tpu.memory_space<vmem>>, vector<16xf32>,
      %mul3A_765 = arith.constant 20 : i32
      %mul3A_766 = arith.muli %scan3A_432, %mul3A_765 : i32
      %add3A_767 = arith.constant 10 : i32
      %add3A_768 = arith.addi %mul3A_766, %add3A_767 : i32
      %get3A_769 = arith.index_cast %add3A_768 : i32 to index
      %get3A_770 = arith.constant 0 : index
      %get3A_771 = tpu.vector_load %arg7[%get3A_769, %get3A_770] {strides = array<i32>} : memref<640x64xf32, #tpu.memory_space<vmem>>, vector<16xf32>,
      %mul3A_772 = arith.mulf %get3A_771, %get3A_436 : vector<16xf32>
      %get3A_773 = arith.index_cast %add3A_768 : i32 to index
      %get3A_774 = arith.constant 16 : index
      %get3A_775 = tpu.vector_load %arg7[%get3A_773, %get3A_774] {strides = array<i32>} : memref<640x64xf32, #tpu.memory_space<vmem>>, vector<16xf32>,
      %mul3A_776 = arith.mulf %get3A_775, %get3A_439 : vector<16xf32>
      %add3A_777 = arith.addf %mul3A_772, %mul3A_776 : vector<16xf32>
      %get3A_778 = arith.index_cast %add3A_768 : i32 to index
      %get3A_779 = arith.constant 32 : index
      %get3A_780 = tpu.vector_load %arg7[%get3A_778, %get3A_779] {strides = array<i32>} : memref<640x64xf32, #tpu.memory_space<vmem>>, vector<16xf32>,
      %mul3A_781 = arith.mulf %get3A_780, %get3A_442 : vector<16xf32>
      %add3A_782 = arith.addf %add3A_777, %mul3A_781 : vector<16xf32>
      %get3A_783 = arith.index_cast %add3A_768 : i32 to index
      %get3A_784 = arith.constant 48 : index
      %get3A_785 = tpu.vector_load %arg7[%get3A_783, %get3A_784] {strides = array<i32>} : memref<640x64xf32, #tpu.memory_space<vmem>>, vector<16xf32>,
      %mul3A_786 = arith.mulf %get3A_785, %get3A_445 : vector<16xf32>
      %add3A_787 = arith.addf %add3A_782, %mul3A_786 : vector<16xf32>
      %reduce_sum3A_788 = arith.constant true
      %reduce_sum3A_789 = vector.broadcast %reduce_sum3A_788 : i1 to vector<16xi1>
      %reduce_sum3A_790 = tpu.scan <sum>, %add3A_787 masked %reduce_sum3A_789 : vector<16xf32>, vector<16xi1> -> vector<16xf32>
      %reduce_sum3A_791 = vector.extract %reduce_sum3A_790[15] : f32 from vector<16xf32>
      %broadcast_in_dim3A_792 = vector.broadcast %reduce_sum3A_791 : f32 to vector<16xf32>
      %swap3A_793 = arith.constant 10 : i32
      %swap3A_794 = arith.index_cast %swap3A_793 : i32 to index
      %swap3A_795 = arith.constant 0 : index
      %swap3A_796 = tpu.vector_load %arg10[%swap3A_794, %swap3A_795] {strides = array<i32>} : memref<32x16xf32, #tpu.memory_space<vmem>>, vector<16xf32>,
      tpu.vector_store %arg10[%swap3A_794, %swap3A_795], %broadcast_in_dim3A_792 {strides = array<i32>} : memref<32x16xf32, #tpu.memory_space<vmem>>, vector<16xf32>,
      %mul3A_797 = arith.constant 20 : i32
      %mul3A_798 = arith.muli %scan3A_432, %mul3A_797 : i32
      %add3A_799 = arith.constant 11 : i32
      %add3A_800 = arith.addi %mul3A_798, %add3A_799 : i32
      %get3A_801 = arith.index_cast %add3A_800 : i32 to index
      %get3A_802 = arith.constant 0 : index
      %get3A_803 = tpu.vector_load %arg7[%get3A_801, %get3A_802] {strides = array<i32>} : memref<640x64xf32, #tpu.memory_space<vmem>>, vector<16xf32>,
      %mul3A_804 = arith.mulf %get3A_803, %get3A_436 : vector<16xf32>
      %get3A_805 = arith.index_cast %add3A_800 : i32 to index
      %get3A_806 = arith.constant 16 : index
      %get3A_807 = tpu.vector_load %arg7[%get3A_805, %get3A_806] {strides = array<i32>} : memref<640x64xf32, #tpu.memory_space<vmem>>, vector<16xf32>,
      %mul3A_808 = arith.mulf %get3A_807, %get3A_439 : vector<16xf32>
      %add3A_809 = arith.addf %mul3A_804, %mul3A_808 : vector<16xf32>
      %get3A_810 = arith.index_cast %add3A_800 : i32 to index
      %get3A_811 = arith.constant 32 : index
      %get3A_812 = tpu.vector_load %arg7[%get3A_810, %get3A_811] {strides = array<i32>} : memref<640x64xf32, #tpu.memory_space<vmem>>, vector<16xf32>,
      %mul3A_813 = arith.mulf %get3A_812, %get3A_442 : vector<16xf32>
      %add3A_814 = arith.addf %add3A_809, %mul3A_813 : vector<16xf32>
      %get3A_815 = arith.index_cast %add3A_800 : i32 to index
      %get3A_816 = arith.constant 48 : index
      %get3A_817 = tpu.vector_load %arg7[%get3A_815, %get3A_816] {strides = array<i32>} : memref<640x64xf32, #tpu.memory_space<vmem>>, vector<16xf32>,
      %mul3A_818 = arith.mulf %get3A_817, %get3A_445 : vector<16xf32>
      %add3A_819 = arith.addf %add3A_814, %mul3A_818 : vector<16xf32>
      %reduce_sum3A_820 = arith.constant true
      %reduce_sum3A_821 = vector.broadcast %reduce_sum3A_820 : i1 to vector<16xi1>
      %reduce_sum3A_822 = tpu.scan <sum>, %add3A_819 masked %reduce_sum3A_821 : vector<16xf32>, vector<16xi1> -> vector<16xf32>
      %reduce_sum3A_823 = vector.extract %reduce_sum3A_822[15] : f32 from vector<16xf32>
      %broadcast_in_dim3A_824 = vector.broadcast %reduce_sum3A_823 : f32 to vector<16xf32>
      %swap3A_825 = arith.constant 11 : i32
      %swap3A_826 = arith.index_cast %swap3A_825 : i32 to index
      %swap3A_827 = arith.constant 0 : index
      %swap3A_828 = tpu.vector_load %arg10[%swap3A_826, %swap3A_827] {strides = array<i32>} : memref<32x16xf32, #tpu.memory_space<vmem>>, vector<16xf32>,
      tpu.vector_store %arg10[%swap3A_826, %swap3A_827], %broadcast_in_dim3A_824 {strides = array<i32>} : memref<32x16xf32, #tpu.memory_space<vmem>>, vector<16xf32>,
      %mul3A_829 = arith.constant 20 : i32
      %mul3A_830 = arith.muli %scan3A_432, %mul3A_829 : i32
      %add3A_831 = arith.constant 12 : i32
      %add3A_832 = arith.addi %mul3A_830, %add3A_831 : i32
      %get3A_833 = arith.index_cast %add3A_832 : i32 to index
      %get3A_834 = arith.constant 0 : index
      %get3A_835 = tpu.vector_load %arg7[%get3A_833, %get3A_834] {strides = array<i32>} : memref<640x64xf32, #tpu.memory_space<vmem>>, vector<16xf32>,
      %mul3A_836 = arith.mulf %get3A_835, %get3A_436 : vector<16xf32>
      %get3A_837 = arith.index_cast %add3A_832 : i32 to index
      %get3A_838 = arith.constant 16 : index
      %get3A_839 = tpu.vector_load %arg7[%get3A_837, %get3A_838] {strides = array<i32>} : memref<640x64xf32, #tpu.memory_space<vmem>>, vector<16xf32>,
      %mul3A_840 = arith.mulf %get3A_839, %get3A_439 : vector<16xf32>
      %add3A_841 = arith.addf %mul3A_836, %mul3A_840 : vector<16xf32>
      %get3A_842 = arith.index_cast %add3A_832 : i32 to index
      %get3A_843 = arith.constant 32 : index
      %get3A_844 = tpu.vector_load %arg7[%get3A_842, %get3A_843] {strides = array<i32>} : memref<640x64xf32, #tpu.memory_space<vmem>>, vector<16xf32>,
      %mul3A_845 = arith.mulf %get3A_844, %get3A_442 : vector<16xf32>
      %add3A_846 = arith.addf %add3A_841, %mul3A_845 : vector<16xf32>
      %get3A_847 = arith.index_cast %add3A_832 : i32 to index
      %get3A_848 = arith.constant 48 : index
      %get3A_849 = tpu.vector_load %arg7[%get3A_847, %get3A_848] {strides = array<i32>} : memref<640x64xf32, #tpu.memory_space<vmem>>, vector<16xf32>,
      %mul3A_850 = arith.mulf %get3A_849, %get3A_445 : vector<16xf32>
      %add3A_851 = arith.addf %add3A_846, %mul3A_850 : vector<16xf32>
      %reduce_sum3A_852 = arith.constant true
      %reduce_sum3A_853 = vector.broadcast %reduce_sum3A_852 : i1 to vector<16xi1>
      %reduce_sum3A_854 = tpu.scan <sum>, %add3A_851 masked %reduce_sum3A_853 : vector<16xf32>, vector<16xi1> -> vector<16xf32>
      %reduce_sum3A_855 = vector.extract %reduce_sum3A_854[15] : f32 from vector<16xf32>
      %broadcast_in_dim3A_856 = vector.broadcast %reduce_sum3A_855 : f32 to vector<16xf32>
      %swap3A_857 = arith.constant 12 : i32
      %swap3A_858 = arith.index_cast %swap3A_857 : i32 to index
      %swap3A_859 = arith.constant 0 : index
      %swap3A_860 = tpu.vector_load %arg10[%swap3A_858, %swap3A_859] {strides = array<i32>} : memref<32x16xf32, #tpu.memory_space<vmem>>, vector<16xf32>,
      tpu.vector_store %arg10[%swap3A_858, %swap3A_859], %broadcast_in_dim3A_856 {strides = array<i32>} : memref<32x16xf32, #tpu.memory_space<vmem>>, vector<16xf32>,
      %mul3A_861 = arith.constant 20 : i32
      %mul3A_862 = arith.muli %scan3A_432, %mul3A_861 : i32
      %add3A_863 = arith.constant 13 : i32
      %add3A_864 = arith.addi %mul3A_862, %add3A_863 : i32
      %get3A_865 = arith.index_cast %add3A_864 : i32 to index
      %get3A_866 = arith.constant 0 : index
      %get3A_867 = tpu.vector_load %arg7[%get3A_865, %get3A_866] {strides = array<i32>} : memref<640x64xf32, #tpu.memory_space<vmem>>, vector<16xf32>,
      %mul3A_868 = arith.mulf %get3A_867, %get3A_436 : vector<16xf32>
      %get3A_869 = arith.index_cast %add3A_864 : i32 to index
      %get3A_870 = arith.constant 16 : index
      %get3A_871 = tpu.vector_load %arg7[%get3A_869, %get3A_870] {strides = array<i32>} : memref<640x64xf32, #tpu.memory_space<vmem>>, vector<16xf32>,
      %mul3A_872 = arith.mulf %get3A_871, %get3A_439 : vector<16xf32>
      %add3A_873 = arith.addf %mul3A_868, %mul3A_872 : vector<16xf32>
      %get3A_874 = arith.index_cast %add3A_864 : i32 to index
      %get3A_875 = arith.constant 32 : index
      %get3A_876 = tpu.vector_load %arg7[%get3A_874, %get3A_875] {strides = array<i32>} : memref<640x64xf32, #tpu.memory_space<vmem>>, vector<16xf32>,
      %mul3A_877 = arith.mulf %get3A_876, %get3A_442 : vector<16xf32>
      %add3A_878 = arith.addf %add3A_873, %mul3A_877 : vector<16xf32>
      %get3A_879 = arith.index_cast %add3A_864 : i32 to index
      %get3A_880 = arith.constant 48 : index
      %get3A_881 = tpu.vector_load %arg7[%get3A_879, %get3A_880] {strides = array<i32>} : memref<640x64xf32, #tpu.memory_space<vmem>>, vector<16xf32>,
      %mul3A_882 = arith.mulf %get3A_881, %get3A_445 : vector<16xf32>
      %add3A_883 = arith.addf %add3A_878, %mul3A_882 : vector<16xf32>
      %reduce_sum3A_884 = arith.constant true
      %reduce_sum3A_885 = vector.broadcast %reduce_sum3A_884 : i1 to vector<16xi1>
      %reduce_sum3A_886 = tpu.scan <sum>, %add3A_883 masked %reduce_sum3A_885 : vector<16xf32>, vector<16xi1> -> vector<16xf32>
      %reduce_sum3A_887 = vector.extract %reduce_sum3A_886[15] : f32 from vector<16xf32>
      %broadcast_in_dim3A_888 = vector.broadcast %reduce_sum3A_887 : f32 to vector<16xf32>
      %swap3A_889 = arith.constant 13 : i32
      %swap3A_890 = arith.index_cast %swap3A_889 : i32 to index
      %swap3A_891 = arith.constant 0 : index
      %swap3A_892 = tpu.vector_load %arg10[%swap3A_890, %swap3A_891] {strides = array<i32>} : memref<32x16xf32, #tpu.memory_space<vmem>>, vector<16xf32>,
      tpu.vector_store %arg10[%swap3A_890, %swap3A_891], %broadcast_in_dim3A_888 {strides = array<i32>} : memref<32x16xf32, #tpu.memory_space<vmem>>, vector<16xf32>,
      %mul3A_893 = arith.constant 20 : i32
      %mul3A_894 = arith.muli %scan3A_432, %mul3A_893 : i32
      %add3A_895 = arith.constant 14 : i32
      %add3A_896 = arith.addi %mul3A_894, %add3A_895 : i32
      %get3A_897 = arith.index_cast %add3A_896 : i32 to index
      %get3A_898 = arith.constant 0 : index
      %get3A_899 = tpu.vector_load %arg7[%get3A_897, %get3A_898] {strides = array<i32>} : memref<640x64xf32, #tpu.memory_space<vmem>>, vector<16xf32>,
      %mul3A_900 = arith.mulf %get3A_899, %get3A_436 : vector<16xf32>
      %get3A_901 = arith.index_cast %add3A_896 : i32 to index
      %get3A_902 = arith.constant 16 : index
      %get3A_903 = tpu.vector_load %arg7[%get3A_901, %get3A_902] {strides = array<i32>} : memref<640x64xf32, #tpu.memory_space<vmem>>, vector<16xf32>,
      %mul3A_904 = arith.mulf %get3A_903, %get3A_439 : vector<16xf32>
      %add3A_905 = arith.addf %mul3A_900, %mul3A_904 : vector<16xf32>
      %get3A_906 = arith.index_cast %add3A_896 : i32 to index
      %get3A_907 = arith.constant 32 : index
      %get3A_908 = tpu.vector_load %arg7[%get3A_906, %get3A_907] {strides = array<i32>} : memref<640x64xf32, #tpu.memory_space<vmem>>, vector<16xf32>,
      %mul3A_909 = arith.mulf %get3A_908, %get3A_442 : vector<16xf32>
      %add3A_910 = arith.addf %add3A_905, %mul3A_909 : vector<16xf32>
      %get3A_911 = arith.index_cast %add3A_896 : i32 to index
      %get3A_912 = arith.constant 48 : index
      %get3A_913 = tpu.vector_load %arg7[%get3A_911, %get3A_912] {strides = array<i32>} : memref<640x64xf32, #tpu.memory_space<vmem>>, vector<16xf32>,
      %mul3A_914 = arith.mulf %get3A_913, %get3A_445 : vector<16xf32>
      %add3A_915 = arith.addf %add3A_910, %mul3A_914 : vector<16xf32>
      %reduce_sum3A_916 = arith.constant true
      %reduce_sum3A_917 = vector.broadcast %reduce_sum3A_916 : i1 to vector<16xi1>
      %reduce_sum3A_918 = tpu.scan <sum>, %add3A_915 masked %reduce_sum3A_917 : vector<16xf32>, vector<16xi1> -> vector<16xf32>
      %reduce_sum3A_919 = vector.extract %reduce_sum3A_918[15] : f32 from vector<16xf32>
      %broadcast_in_dim3A_920 = vector.broadcast %reduce_sum3A_919 : f32 to vector<16xf32>
      %swap3A_921 = arith.constant 14 : i32
      %swap3A_922 = arith.index_cast %swap3A_921 : i32 to index
      %swap3A_923 = arith.constant 0 : index
      %swap3A_924 = tpu.vector_load %arg10[%swap3A_922, %swap3A_923] {strides = array<i32>} : memref<32x16xf32, #tpu.memory_space<vmem>>, vector<16xf32>,
      tpu.vector_store %arg10[%swap3A_922, %swap3A_923], %broadcast_in_dim3A_920 {strides = array<i32>} : memref<32x16xf32, #tpu.memory_space<vmem>>, vector<16xf32>,
      %mul3A_925 = arith.constant 20 : i32
      %mul3A_926 = arith.muli %scan3A_432, %mul3A_925 : i32
      %add3A_927 = arith.constant 15 : i32
      %add3A_928 = arith.addi %mul3A_926, %add3A_927 : i32
      %get3A_929 = arith.index_cast %add3A_928 : i32 to index
      %get3A_930 = arith.constant 0 : index
      %get3A_931 = tpu.vector_load %arg7[%get3A_929, %get3A_930] {strides = array<i32>} : memref<640x64xf32, #tpu.memory_space<vmem>>, vector<16xf32>,
      %mul3A_932 = arith.mulf %get3A_931, %get3A_436 : vector<16xf32>
      %get3A_933 = arith.index_cast %add3A_928 : i32 to index
      %get3A_934 = arith.constant 16 : index
      %get3A_935 = tpu.vector_load %arg7[%get3A_933, %get3A_934] {strides = array<i32>} : memref<640x64xf32, #tpu.memory_space<vmem>>, vector<16xf32>,
      %mul3A_936 = arith.mulf %get3A_935, %get3A_439 : vector<16xf32>
      %add3A_937 = arith.addf %mul3A_932, %mul3A_936 : vector<16xf32>
      %get3A_938 = arith.index_cast %add3A_928 : i32 to index
      %get3A_939 = arith.constant 32 : index
      %get3A_940 = tpu.vector_load %arg7[%get3A_938, %get3A_939] {strides = array<i32>} : memref<640x64xf32, #tpu.memory_space<vmem>>, vector<16xf32>,
      %mul3A_941 = arith.mulf %get3A_940, %get3A_442 : vector<16xf32>
      %add3A_942 = arith.addf %add3A_937, %mul3A_941 : vector<16xf32>
      %get3A_943 = arith.index_cast %add3A_928 : i32 to index
      %get3A_944 = arith.constant 48 : index
      %get3A_945 = tpu.vector_load %arg7[%get3A_943, %get3A_944] {strides = array<i32>} : memref<640x64xf32, #tpu.memory_space<vmem>>, vector<16xf32>,
      %mul3A_946 = arith.mulf %get3A_945, %get3A_445 : vector<16xf32>
      %add3A_947 = arith.addf %add3A_942, %mul3A_946 : vector<16xf32>
      %reduce_sum3A_948 = arith.constant true
      %reduce_sum3A_949 = vector.broadcast %reduce_sum3A_948 : i1 to vector<16xi1>
      %reduce_sum3A_950 = tpu.scan <sum>, %add3A_947 masked %reduce_sum3A_949 : vector<16xf32>, vector<16xi1> -> vector<16xf32>
      %reduce_sum3A_951 = vector.extract %reduce_sum3A_950[15] : f32 from vector<16xf32>
      %broadcast_in_dim3A_952 = vector.broadcast %reduce_sum3A_951 : f32 to vector<16xf32>
      %swap3A_953 = arith.constant 15 : i32
      %swap3A_954 = arith.index_cast %swap3A_953 : i32 to index
      %swap3A_955 = arith.constant 0 : index
      %swap3A_956 = tpu.vector_load %arg10[%swap3A_954, %swap3A_955] {strides = array<i32>} : memref<32x16xf32, #tpu.memory_space<vmem>>, vector<16xf32>,
      tpu.vector_store %arg10[%swap3A_954, %swap3A_955], %broadcast_in_dim3A_952 {strides = array<i32>} : memref<32x16xf32, #tpu.memory_space<vmem>>, vector<16xf32>,
      %mul3A_957 = arith.constant 20 : i32
      %mul3A_958 = arith.muli %scan3A_432, %mul3A_957 : i32
      %add3A_959 = arith.constant 16 : i32
      %add3A_960 = arith.addi %mul3A_958, %add3A_959 : i32
      %get3A_961 = arith.index_cast %add3A_960 : i32 to index
      %get3A_962 = arith.constant 0 : index
      %get3A_963 = tpu.vector_load %arg7[%get3A_961, %get3A_962] {strides = array<i32>} : memref<640x64xf32, #tpu.memory_space<vmem>>, vector<16xf32>,
      %mul3A_964 = arith.mulf %get3A_963, %get3A_436 : vector<16xf32>
      %get3A_965 = arith.index_cast %add3A_960 : i32 to index
      %get3A_966 = arith.constant 16 : index
      %get3A_967 = tpu.vector_load %arg7[%get3A_965, %get3A_966] {strides = array<i32>} : memref<640x64xf32, #tpu.memory_space<vmem>>, vector<16xf32>,
      %mul3A_968 = arith.mulf %get3A_967, %get3A_439 : vector<16xf32>
      %add3A_969 = arith.addf %mul3A_964, %mul3A_968 : vector<16xf32>
      %get3A_970 = arith.index_cast %add3A_960 : i32 to index
      %get3A_971 = arith.constant 32 : index
      %get3A_972 = tpu.vector_load %arg7[%get3A_970, %get3A_971] {strides = array<i32>} : memref<640x64xf32, #tpu.memory_space<vmem>>, vector<16xf32>,
      %mul3A_973 = arith.mulf %get3A_972, %get3A_442 : vector<16xf32>
      %add3A_974 = arith.addf %add3A_969, %mul3A_973 : vector<16xf32>
      %get3A_975 = arith.index_cast %add3A_960 : i32 to index
      %get3A_976 = arith.constant 48 : index
      %get3A_977 = tpu.vector_load %arg7[%get3A_975, %get3A_976] {strides = array<i32>} : memref<640x64xf32, #tpu.memory_space<vmem>>, vector<16xf32>,
      %mul3A_978 = arith.mulf %get3A_977, %get3A_445 : vector<16xf32>
      %add3A_979 = arith.addf %add3A_974, %mul3A_978 : vector<16xf32>
      %reduce_sum3A_980 = arith.constant true
      %reduce_sum3A_981 = vector.broadcast %reduce_sum3A_980 : i1 to vector<16xi1>
      %reduce_sum3A_982 = tpu.scan <sum>, %add3A_979 masked %reduce_sum3A_981 : vector<16xf32>, vector<16xi1> -> vector<16xf32>
      %reduce_sum3A_983 = vector.extract %reduce_sum3A_982[15] : f32 from vector<16xf32>
      %broadcast_in_dim3A_984 = vector.broadcast %reduce_sum3A_983 : f32 to vector<16xf32>
      %swap3A_985 = arith.constant 16 : i32
      %swap3A_986 = arith.index_cast %swap3A_985 : i32 to index
      %swap3A_987 = arith.constant 0 : index
      %swap3A_988 = tpu.vector_load %arg10[%swap3A_986, %swap3A_987] {strides = array<i32>} : memref<32x16xf32, #tpu.memory_space<vmem>>, vector<16xf32>,
      tpu.vector_store %arg10[%swap3A_986, %swap3A_987], %broadcast_in_dim3A_984 {strides = array<i32>} : memref<32x16xf32, #tpu.memory_space<vmem>>, vector<16xf32>,
      %mul3A_989 = arith.constant 20 : i32
      %mul3A_990 = arith.muli %scan3A_432, %mul3A_989 : i32
      %add3A_991 = arith.constant 17 : i32
      %add3A_992 = arith.addi %mul3A_990, %add3A_991 : i32
      %get3A_993 = arith.index_cast %add3A_992 : i32 to index
      %get3A_994 = arith.constant 0 : index
      %get3A_995 = tpu.vector_load %arg7[%get3A_993, %get3A_994] {strides = array<i32>} : memref<640x64xf32, #tpu.memory_space<vmem>>, vector<16xf32>,
      %mul3A_996 = arith.mulf %get3A_995, %get3A_436 : vector<16xf32>
      %get3A_997 = arith.index_cast %add3A_992 : i32 to index
      %get3A_998 = arith.constant 16 : index
      %get3A_999 = tpu.vector_load %arg7[%get3A_997, %get3A_998] {strides = array<i32>} : memref<640x64xf32, #tpu.memory_space<vmem>>, vector<16xf32>,
      %mul3A_1000 = arith.mulf %get3A_999, %get3A_439 : vector<16xf32>
      %add3A_1001 = arith.addf %mul3A_996, %mul3A_1000 : vector<16xf32>
      %get3A_1002 = arith.index_cast %add3A_992 : i32 to index
      %get3A_1003 = arith.constant 32 : index
      %get3A_1004 = tpu.vector_load %arg7[%get3A_1002, %get3A_1003] {strides = array<i32>} : memref<640x64xf32, #tpu.memory_space<vmem>>, vector<16xf32>,
      %mul3A_1005 = arith.mulf %get3A_1004, %get3A_442 : vector<16xf32>
      %add3A_1006 = arith.addf %add3A_1001, %mul3A_1005 : vector<16xf32>
      %get3A_1007 = arith.index_cast %add3A_992 : i32 to index
      %get3A_1008 = arith.constant 48 : index
      %get3A_1009 = tpu.vector_load %arg7[%get3A_1007, %get3A_1008] {strides = array<i32>} : memref<640x64xf32, #tpu.memory_space<vmem>>, vector<16xf32>,
      %mul3A_1010 = arith.mulf %get3A_1009, %get3A_445 : vector<16xf32>
      %add3A_1011 = arith.addf %add3A_1006, %mul3A_1010 : vector<16xf32>
      %reduce_sum3A_1012 = arith.constant true
      %reduce_sum3A_1013 = vector.broadcast %reduce_sum3A_1012 : i1 to vector<16xi1>
      %reduce_sum3A_1014 = tpu.scan <sum>, %add3A_1011 masked %reduce_sum3A_1013 : vector<16xf32>, vector<16xi1> -> vector<16xf32>
      %reduce_sum3A_1015 = vector.extract %reduce_sum3A_1014[15] : f32 from vector<16xf32>
      %broadcast_in_dim3A_1016 = vector.broadcast %reduce_sum3A_1015 : f32 to vector<16xf32>
      %swap3A_1017 = arith.constant 17 : i32
      %swap3A_1018 = arith.index_cast %swap3A_1017 : i32 to index
      %swap3A_1019 = arith.constant 0 : index
      %swap3A_1020 = tpu.vector_load %arg10[%swap3A_1018, %swap3A_1019] {strides = array<i32>} : memref<32x16xf32, #tpu.memory_space<vmem>>, vector<16xf32>,
      tpu.vector_store %arg10[%swap3A_1018, %swap3A_1019], %broadcast_in_dim3A_1016 {strides = array<i32>} : memref<32x16xf32, #tpu.memory_space<vmem>>, vector<16xf32>,
      %mul3A_1021 = arith.constant 20 : i32
      %mul3A_1022 = arith.muli %scan3A_432, %mul3A_1021 : i32
      %add3A_1023 = arith.constant 18 : i32
      %add3A_1024 = arith.addi %mul3A_1022, %add3A_1023 : i32
      %get3A_1025 = arith.index_cast %add3A_1024 : i32 to index
      %get3A_1026 = arith.constant 0 : index
      %get3A_1027 = tpu.vector_load %arg7[%get3A_1025, %get3A_1026] {strides = array<i32>} : memref<640x64xf32, #tpu.memory_space<vmem>>, vector<16xf32>,
      %mul3A_1028 = arith.mulf %get3A_1027, %get3A_436 : vector<16xf32>
      %get3A_1029 = arith.index_cast %add3A_1024 : i32 to index
      %get3A_1030 = arith.constant 16 : index
      %get3A_1031 = tpu.vector_load %arg7[%get3A_1029, %get3A_1030] {strides = array<i32>} : memref<640x64xf32, #tpu.memory_space<vmem>>, vector<16xf32>,
      %mul3A_1032 = arith.mulf %get3A_1031, %get3A_439 : vector<16xf32>
      %add3A_1033 = arith.addf %mul3A_1028, %mul3A_1032 : vector<16xf32>
      %get3A_1034 = arith.index_cast %add3A_1024 : i32 to index
      %get3A_1035 = arith.constant 32 : index
      %get3A_1036 = tpu.vector_load %arg7[%get3A_1034, %get3A_1035] {strides = array<i32>} : memref<640x64xf32, #tpu.memory_space<vmem>>, vector<16xf32>,
      %mul3A_1037 = arith.mulf %get3A_1036, %get3A_442 : vector<16xf32>
      %add3A_1038 = arith.addf %add3A_1033, %mul3A_1037 : vector<16xf32>
      %get3A_1039 = arith.index_cast %add3A_1024 : i32 to index
      %get3A_1040 = arith.constant 48 : index
      %get3A_1041 = tpu.vector_load %arg7[%get3A_1039, %get3A_1040] {strides = array<i32>} : memref<640x64xf32, #tpu.memory_space<vmem>>, vector<16xf32>,
      %mul3A_1042 = arith.mulf %get3A_1041, %get3A_445 : vector<16xf32>
      %add3A_1043 = arith.addf %add3A_1038, %mul3A_1042 : vector<16xf32>
      %reduce_sum3A_1044 = arith.constant true
      %reduce_sum3A_1045 = vector.broadcast %reduce_sum3A_1044 : i1 to vector<16xi1>
      %reduce_sum3A_1046 = tpu.scan <sum>, %add3A_1043 masked %reduce_sum3A_1045 : vector<16xf32>, vector<16xi1> -> vector<16xf32>
      %reduce_sum3A_1047 = vector.extract %reduce_sum3A_1046[15] : f32 from vector<16xf32>
      %broadcast_in_dim3A_1048 = vector.broadcast %reduce_sum3A_1047 : f32 to vector<16xf32>
      %swap3A_1049 = arith.constant 18 : i32
      %swap3A_1050 = arith.index_cast %swap3A_1049 : i32 to index
      %swap3A_1051 = arith.constant 0 : index
      %swap3A_1052 = tpu.vector_load %arg10[%swap3A_1050, %swap3A_1051] {strides = array<i32>} : memref<32x16xf32, #tpu.memory_space<vmem>>, vector<16xf32>,
      tpu.vector_store %arg10[%swap3A_1050, %swap3A_1051], %broadcast_in_dim3A_1048 {strides = array<i32>} : memref<32x16xf32, #tpu.memory_space<vmem>>, vector<16xf32>,
      %mul3A_1053 = arith.constant 20 : i32
      %mul3A_1054 = arith.muli %scan3A_432, %mul3A_1053 : i32
      %add3A_1055 = arith.constant 19 : i32
      %add3A_1056 = arith.addi %mul3A_1054, %add3A_1055 : i32
      %get3A_1057 = arith.index_cast %add3A_1056 : i32 to index
      %get3A_1058 = arith.constant 0 : index
      %get3A_1059 = tpu.vector_load %arg7[%get3A_1057, %get3A_1058] {strides = array<i32>} : memref<640x64xf32, #tpu.memory_space<vmem>>, vector<16xf32>,
      %mul3A_1060 = arith.mulf %get3A_1059, %get3A_436 : vector<16xf32>
      %get3A_1061 = arith.index_cast %add3A_1056 : i32 to index
      %get3A_1062 = arith.constant 16 : index
      %get3A_1063 = tpu.vector_load %arg7[%get3A_1061, %get3A_1062] {strides = array<i32>} : memref<640x64xf32, #tpu.memory_space<vmem>>, vector<16xf32>,
      %mul3A_1064 = arith.mulf %get3A_1063, %get3A_439 : vector<16xf32>
      %add3A_1065 = arith.addf %mul3A_1060, %mul3A_1064 : vector<16xf32>
      %get3A_1066 = arith.index_cast %add3A_1056 : i32 to index
      %get3A_1067 = arith.constant 32 : index
      %get3A_1068 = tpu.vector_load %arg7[%get3A_1066, %get3A_1067] {strides = array<i32>} : memref<640x64xf32, #tpu.memory_space<vmem>>, vector<16xf32>,
      %mul3A_1069 = arith.mulf %get3A_1068, %get3A_442 : vector<16xf32>
      %add3A_1070 = arith.addf %add3A_1065, %mul3A_1069 : vector<16xf32>
      %get3A_1071 = arith.index_cast %add3A_1056 : i32 to index
      %get3A_1072 = arith.constant 48 : index
      %get3A_1073 = tpu.vector_load %arg7[%get3A_1071, %get3A_1072] {strides = array<i32>} : memref<640x64xf32, #tpu.memory_space<vmem>>, vector<16xf32>,
      %mul3A_1074 = arith.mulf %get3A_1073, %get3A_445 : vector<16xf32>
      %add3A_1075 = arith.addf %add3A_1070, %mul3A_1074 : vector<16xf32>
      %reduce_sum3A_1076 = arith.constant true
      %reduce_sum3A_1077 = vector.broadcast %reduce_sum3A_1076 : i1 to vector<16xi1>
      %reduce_sum3A_1078 = tpu.scan <sum>, %add3A_1075 masked %reduce_sum3A_1077 : vector<16xf32>, vector<16xi1> -> vector<16xf32>
      %reduce_sum3A_1079 = vector.extract %reduce_sum3A_1078[15] : f32 from vector<16xf32>
      %broadcast_in_dim3A_1080 = vector.broadcast %reduce_sum3A_1079 : f32 to vector<16xf32>
      %swap3A_1081 = arith.constant 19 : i32
      %swap3A_1082 = arith.index_cast %swap3A_1081 : i32 to index
      %swap3A_1083 = arith.constant 0 : index
      %swap3A_1084 = tpu.vector_load %arg10[%swap3A_1082, %swap3A_1083] {strides = array<i32>} : memref<32x16xf32, #tpu.memory_space<vmem>>, vector<16xf32>,
      tpu.vector_store %arg10[%swap3A_1082, %swap3A_1083], %broadcast_in_dim3A_1080 {strides = array<i32>} : memref<32x16xf32, #tpu.memory_space<vmem>>, vector<16xf32>,
      %iota3A = tpu.iota {dimensions = array<i32: 0>} : vector<16xi32>
      %broadcast_in_dim3A_1085 = arith.constant 0 : i32
      %broadcast_in_dim3A_1086 = vector.broadcast %broadcast_in_dim3A_1085 : i32 to vector<16xi32>
      %gather3A = tpu.vector_load_idx %arg10[%iota3A, %broadcast_in_dim3A_1086] : memref<32x16xf32, #tpu.memory_space<vmem>>[vector<16xi32>, vector<16xi32>], vector<16xf32>,
      %add3A_1087 = arith.constant 16 : i32
      %add3A_1088 = vector.broadcast %add3A_1087 : i32 to vector<16xi32>
      %add3A_1089 = arith.addi %iota3A, %add3A_1088 : vector<16xi32>
      %gather3A_1090 = tpu.vector_load_idx %arg10[%add3A_1089, %broadcast_in_dim3A_1086] : memref<32x16xf32, #tpu.memory_space<vmem>>[vector<16xi32>, vector<16xi32>], vector<16xf32>,
      %reduce_max3A = arith.constant true
      %reduce_max3A_1091 = vector.broadcast %reduce_max3A : i1 to vector<16xi1>
      %reduce_max3A_1092 = tpu.scan <max>, %gather3A masked %reduce_max3A_1091 : vector<16xf32>, vector<16xi1> -> vector<16xf32>
      %reduce_max3A_1093 = vector.extract %reduce_max3A_1092[15] : f32 from vector<16xf32>
      %reduce_max3A_1094 = arith.constant true
      %reduce_max3A_1095 = vector.broadcast %reduce_max3A_1094 : i1 to vector<16xi1>
      %reduce_max3A_1096 = tpu.scan <max>, %gather3A_1090 masked %reduce_max3A_1095 : vector<16xf32>, vector<16xi1> -> vector<16xf32>
      %reduce_max3A_1097 = vector.extract %reduce_max3A_1096[15] : f32 from vector<16xf32>
      %max3A = arith.maximumf %reduce_max3A_1093, %reduce_max3A_1097 : f32
      %sub3A = vector.broadcast %max3A : f32 to vector<16xf32>
      %sub3A_1098 = arith.subf %gather3A, %sub3A : vector<16xf32>
      %exp3A = math.exp %sub3A_1098 : vector<16xf32>
      %sub3A_1099 = vector.broadcast %max3A : f32 to vector<16xf32>
      %sub3A_1100 = arith.subf %gather3A_1090, %sub3A_1099 : vector<16xf32>
      %exp3A_1101 = math.exp %sub3A_1100 : vector<16xf32>
      %reduce_sum3A_1102 = arith.constant true
      %reduce_sum3A_1103 = vector.broadcast %reduce_sum3A_1102 : i1 to vector<16xi1>
      %reduce_sum3A_1104 = tpu.scan <sum>, %exp3A masked %reduce_sum3A_1103 : vector<16xf32>, vector<16xi1> -> vector<16xf32>
      %reduce_sum3A_1105 = vector.extract %reduce_sum3A_1104[15] : f32 from vector<16xf32>
      %reduce_sum3A_1106 = arith.constant true
      %reduce_sum3A_1107 = vector.broadcast %reduce_sum3A_1106 : i1 to vector<16xi1>
      %reduce_sum3A_1108 = tpu.scan <sum>, %exp3A_1101 masked %reduce_sum3A_1107 : vector<16xf32>, vector<16xi1> -> vector<16xf32>
      %reduce_sum3A_1109 = vector.extract %reduce_sum3A_1108[15] : f32 from vector<16xf32>
      %add3A_1110 = arith.addf %reduce_sum3A_1105, %reduce_sum3A_1109 : f32
      %broadcast_in_dim3A_1111 = vector.broadcast %add3A_1110 : f32 to vector<16xf32>
      %div3A = arith.divf %exp3A, %broadcast_in_dim3A_1111 : vector<16xf32>
      %swap3A_1112 = arith.index_cast %scan3A_432 : i32 to index
      %swap3A_1113 = arith.constant 0 : index
      %swap3A_1114 = tpu.vector_load %arg9[%swap3A_1112, %swap3A_1113] {strides = array<i32>} : memref<32x32xf32, #tpu.memory_space<vmem>>, vector<16xf32>,
      tpu.vector_store %arg9[%swap3A_1112, %swap3A_1113], %div3A {strides = array<i32>} : memref<32x32xf32, #tpu.memory_space<vmem>>, vector<16xf32>,
      %div3A_1115 = arith.divf %exp3A_1101, %broadcast_in_dim3A_1111 : vector<16xf32>
      %swap3A_1116 = arith.index_cast %scan3A_432 : i32 to index
      %swap3A_1117 = arith.constant 16 : index
      %swap3A_1118 = tpu.vector_load %arg9[%swap3A_1116, %swap3A_1117] {strides = array<i32>} : memref<32x32xf32, #tpu.memory_space<vmem>>, vector<16xf32>,
      tpu.vector_store %arg9[%swap3A_1116, %swap3A_1117], %div3A_1115 {strides = array<i32>} : memref<32x32xf32, #tpu.memory_space<vmem>>, vector<16xf32>,
    }
    %scan3A_143 = arith.constant 32 : i32
    "tpu.region"() ({
      %run_scoped3A = tpu.sem_alloc : memref<!tpu.dma_semaphore, #tpu.memory_space<semaphore_mem>>
      %dma_start3A_432 = arith.constant 0 : i32
      %dma_start3A_433 = tpu.memref_slice %arg5[%add3A_54, %dma_start3A_432] : memref<4096x32xf32, #tpu.memory_space<hbm>> -> memref<32x32xf32, #tpu.memory_space<hbm>>
      %dma_start3A_434 = arith.constant 0 : i32
      %dma_start3A_435 = tpu.memref_slice %arg5[%add3A_54, %dma_start3A_434] : memref<4096x32xf32, #tpu.memory_space<hbm>> -> memref<32x32xf32, #tpu.memory_space<hbm>>
      tpu.enqueue_dma source(%arg9 : memref<32x32xf32, #tpu.memory_space<vmem>>) target(%dma_start3A_435 : memref<32x32xf32, #tpu.memory_space<hbm>>) target_semaphore(%run_scoped3A : memref<!tpu.dma_semaphore, #tpu.memory_space<semaphore_mem>>)
      %dma_wait3A_436 = arith.constant 0 : i32
      %dma_wait3A_437 = tpu.memref_slice %arg5[%add3A_54, %dma_wait3A_436] : memref<4096x32xf32, #tpu.memory_space<hbm>> -> memref<32x32xf32, #tpu.memory_space<hbm>>
      %dma_wait3A_438 = arith.constant 0 : i32
      %dma_wait3A_439 = tpu.memref_slice %arg5[%add3A_54, %dma_wait3A_438] : memref<4096x32xf32, #tpu.memory_space<hbm>> -> memref<32x32xf32, #tpu.memory_space<hbm>>
      tpu.wait_dma2 semaphore(%run_scoped3A : memref<!tpu.dma_semaphore, #tpu.memory_space<semaphore_mem>>) src(%arg9 : memref<32x32xf32, #tpu.memory_space<vmem>>) dst(%dma_wait3A_439 : memref<32x32xf32, #tpu.memory_space<hbm>>)
      tpu.yield
    }) : () -> ()
    %mul3A_144 = arith.constant 128 : i32
    %mul3A_145 = arith.muli %add3A, %mul3A_144 : i32
    %add3A_146 = arith.constant 32 : i32
    %add3A_147 = arith.addi %mul3A_145, %add3A_146 : i32
    %mul3A_148 = arith.constant 128 : i32
    %mul3A_149 = arith.muli %add3A, %mul3A_148 : i32
    %add3A_150 = arith.constant 32 : i32
    %add3A_151 = arith.addi %mul3A_149, %add3A_150 : i32
    %mul3A_152 = arith.constant 20 : i32
    %mul3A_153 = arith.muli %add3A_151, %mul3A_152 : i32
    "tpu.region"() ({
      %run_scoped3A = tpu.sem_alloc : memref<!tpu.dma_semaphore, #tpu.memory_space<semaphore_mem>>
      %dma_start3A_432 = tpu.memref_slice %arg3[%mul3A_153] : memref<81920xi32, #tpu.memory_space<hbm>> -> memref<640xi32, #tpu.memory_space<hbm>>
      %dma_start3A_433 = tpu.memref_slice %arg3[%mul3A_153] : memref<81920xi32, #tpu.memory_space<hbm>> -> memref<640xi32, #tpu.memory_space<hbm>>
      tpu.enqueue_dma source(%dma_start3A_433 : memref<640xi32, #tpu.memory_space<hbm>>) target(%arg6 : memref<640xi32, #tpu.memory_space<vmem>>) target_semaphore(%run_scoped3A : memref<!tpu.dma_semaphore, #tpu.memory_space<semaphore_mem>>)
      %dma_wait3A_434 = tpu.memref_slice %arg3[%mul3A_153] : memref<81920xi32, #tpu.memory_space<hbm>> -> memref<640xi32, #tpu.memory_space<hbm>>
      %dma_wait3A_435 = tpu.memref_slice %arg3[%mul3A_153] : memref<81920xi32, #tpu.memory_space<hbm>> -> memref<640xi32, #tpu.memory_space<hbm>>
      tpu.wait_dma2 semaphore(%run_scoped3A : memref<!tpu.dma_semaphore, #tpu.memory_space<semaphore_mem>>) src(%dma_wait3A_435 : memref<640xi32, #tpu.memory_space<hbm>>) dst(%arg6 : memref<640xi32, #tpu.memory_space<vmem>>)
      tpu.yield
    }) : () -> ()
    %dma_start3A_154 = arith.constant 0 : i32
    %dma_start3A_155 = arith.constant 0 : i32
    %dma_start3A_156 = tpu.memref_slice %arg7[%dma_start3A_154, %dma_start3A_155] : memref<640x64xf32, #tpu.memory_space<vmem>> -> memref<128x64xf32, #tpu.memory_space<vmem>>
    %dma_start3A_157 = arith.constant 0 : i32
    %dma_start3A_158 = tpu.memref_slice %arg6[%dma_start3A_157] : memref<640xi32, #tpu.memory_space<vmem>> -> memref<128xi32, #tpu.memory_space<vmem>>
    %dma_start3A_159 = arith.constant 0 : i32
    %dma_start3A_160 = arith.constant 0 : i32
    %dma_start3A_161 = tpu.memref_slice %arg4[%dma_start3A_159, %dma_start3A_160] : memref<1000000x64xf32, #tpu.memory_space<hbm>> -> memref<1000000x64xf32, #tpu.memory_space<hbm>>
    tpu.enqueue_indirect_dma source(%dma_start3A_161 : memref<1000000x64xf32, #tpu.memory_space<hbm>>) target(%dma_start3A_156 : memref<128x64xf32, #tpu.memory_space<vmem>>) offsets(%dma_start3A_158 : memref<128xi32, #tpu.memory_space<vmem>>) semaphore(%arg11 : memref<!tpu.dma_semaphore, #tpu.memory_space<semaphore_mem>>)
    %dma_start3A_162 = arith.constant 128 : i32
    %dma_start3A_163 = arith.constant 0 : i32
    %dma_start3A_164 = tpu.memref_slice %arg7[%dma_start3A_162, %dma_start3A_163] : memref<640x64xf32, #tpu.memory_space<vmem>> -> memref<128x64xf32, #tpu.memory_space<vmem>>
    %dma_start3A_165 = arith.constant 128 : i32
    %dma_start3A_166 = tpu.memref_slice %arg6[%dma_start3A_165] : memref<640xi32, #tpu.memory_space<vmem>> -> memref<128xi32, #tpu.memory_space<vmem>>
    %dma_start3A_167 = arith.constant 0 : i32
    %dma_start3A_168 = arith.constant 0 : i32
    %dma_start3A_169 = tpu.memref_slice %arg4[%dma_start3A_167, %dma_start3A_168] : memref<1000000x64xf32, #tpu.memory_space<hbm>> -> memref<1000000x64xf32, #tpu.memory_space<hbm>>
    tpu.enqueue_indirect_dma source(%dma_start3A_169 : memref<1000000x64xf32, #tpu.memory_space<hbm>>) target(%dma_start3A_164 : memref<128x64xf32, #tpu.memory_space<vmem>>) offsets(%dma_start3A_166 : memref<128xi32, #tpu.memory_space<vmem>>) semaphore(%arg11 : memref<!tpu.dma_semaphore, #tpu.memory_space<semaphore_mem>>)
    %dma_start3A_170 = arith.constant 256 : i32
    %dma_start3A_171 = arith.constant 0 : i32
    %dma_start3A_172 = tpu.memref_slice %arg7[%dma_start3A_170, %dma_start3A_171] : memref<640x64xf32, #tpu.memory_space<vmem>> -> memref<128x64xf32, #tpu.memory_space<vmem>>
    %dma_start3A_173 = arith.constant 256 : i32
    %dma_start3A_174 = tpu.memref_slice %arg6[%dma_start3A_173] : memref<640xi32, #tpu.memory_space<vmem>> -> memref<128xi32, #tpu.memory_space<vmem>>
    %dma_start3A_175 = arith.constant 0 : i32
    %dma_start3A_176 = arith.constant 0 : i32
    %dma_start3A_177 = tpu.memref_slice %arg4[%dma_start3A_175, %dma_start3A_176] : memref<1000000x64xf32, #tpu.memory_space<hbm>> -> memref<1000000x64xf32, #tpu.memory_space<hbm>>
    tpu.enqueue_indirect_dma source(%dma_start3A_177 : memref<1000000x64xf32, #tpu.memory_space<hbm>>) target(%dma_start3A_172 : memref<128x64xf32, #tpu.memory_space<vmem>>) offsets(%dma_start3A_174 : memref<128xi32, #tpu.memory_space<vmem>>) semaphore(%arg11 : memref<!tpu.dma_semaphore, #tpu.memory_space<semaphore_mem>>)
    %dma_start3A_178 = arith.constant 384 : i32
    %dma_start3A_179 = arith.constant 0 : i32
    %dma_start3A_180 = tpu.memref_slice %arg7[%dma_start3A_178, %dma_start3A_179] : memref<640x64xf32, #tpu.memory_space<vmem>> -> memref<128x64xf32, #tpu.memory_space<vmem>>
    %dma_start3A_181 = arith.constant 384 : i32
    %dma_start3A_182 = tpu.memref_slice %arg6[%dma_start3A_181] : memref<640xi32, #tpu.memory_space<vmem>> -> memref<128xi32, #tpu.memory_space<vmem>>
    %dma_start3A_183 = arith.constant 0 : i32
    %dma_start3A_184 = arith.constant 0 : i32
    %dma_start3A_185 = tpu.memref_slice %arg4[%dma_start3A_183, %dma_start3A_184] : memref<1000000x64xf32, #tpu.memory_space<hbm>> -> memref<1000000x64xf32, #tpu.memory_space<hbm>>
    tpu.enqueue_indirect_dma source(%dma_start3A_185 : memref<1000000x64xf32, #tpu.memory_space<hbm>>) target(%dma_start3A_180 : memref<128x64xf32, #tpu.memory_space<vmem>>) offsets(%dma_start3A_182 : memref<128xi32, #tpu.memory_space<vmem>>) semaphore(%arg11 : memref<!tpu.dma_semaphore, #tpu.memory_space<semaphore_mem>>)
    %dma_start3A_186 = arith.constant 512 : i32
    %dma_start3A_187 = arith.constant 0 : i32
    %dma_start3A_188 = tpu.memref_slice %arg7[%dma_start3A_186, %dma_start3A_187] : memref<640x64xf32, #tpu.memory_space<vmem>> -> memref<128x64xf32, #tpu.memory_space<vmem>>
    %dma_start3A_189 = arith.constant 512 : i32
    %dma_start3A_190 = tpu.memref_slice %arg6[%dma_start3A_189] : memref<640xi32, #tpu.memory_space<vmem>> -> memref<128xi32, #tpu.memory_space<vmem>>
    %dma_start3A_191 = arith.constant 0 : i32
    %dma_start3A_192 = arith.constant 0 : i32
    %dma_start3A_193 = tpu.memref_slice %arg4[%dma_start3A_191, %dma_start3A_192] : memref<1000000x64xf32, #tpu.memory_space<hbm>> -> memref<1000000x64xf32, #tpu.memory_space<hbm>>
    tpu.enqueue_indirect_dma source(%dma_start3A_193 : memref<1000000x64xf32, #tpu.memory_space<hbm>>) target(%dma_start3A_188 : memref<128x64xf32, #tpu.memory_space<vmem>>) offsets(%dma_start3A_190 : memref<128xi32, #tpu.memory_space<vmem>>) semaphore(%arg11 : memref<!tpu.dma_semaphore, #tpu.memory_space<semaphore_mem>>)
    %dma_wait3A_194 = arith.constant 0 : i32
    %dma_wait3A_195 = arith.constant 0 : i32
    %dma_wait3A_196 = tpu.memref_slice %arg7[%dma_wait3A_194, %dma_wait3A_195] : memref<640x64xf32, #tpu.memory_space<vmem>> -> memref<128x64xf32, #tpu.memory_space<vmem>>
    %dma_wait3A_197 = arith.constant 0 : i32
    %dma_wait3A_198 = tpu.memref_slice %arg6[%dma_wait3A_197] : memref<640xi32, #tpu.memory_space<vmem>> -> memref<128xi32, #tpu.memory_space<vmem>>
    %dma_wait3A_199 = arith.constant 0 : i32
    %dma_wait3A_200 = arith.constant 0 : i32
    %dma_wait3A_201 = tpu.memref_slice %arg4[%dma_wait3A_199, %dma_wait3A_200] : memref<1000000x64xf32, #tpu.memory_space<hbm>> -> memref<1000000x64xf32, #tpu.memory_space<hbm>>
    tpu.wait_indirect_dma semaphore(%arg11 : memref<!tpu.dma_semaphore, #tpu.memory_space<semaphore_mem>>) src(%dma_wait3A_201 : memref<1000000x64xf32, #tpu.memory_space<hbm>>) dst(%dma_wait3A_196 : memref<128x64xf32, #tpu.memory_space<vmem>>)
    %dma_wait3A_202 = arith.constant 128 : i32
    %dma_wait3A_203 = arith.constant 0 : i32
    %dma_wait3A_204 = tpu.memref_slice %arg7[%dma_wait3A_202, %dma_wait3A_203] : memref<640x64xf32, #tpu.memory_space<vmem>> -> memref<128x64xf32, #tpu.memory_space<vmem>>
    %dma_wait3A_205 = arith.constant 128 : i32
    %dma_wait3A_206 = tpu.memref_slice %arg6[%dma_wait3A_205] : memref<640xi32, #tpu.memory_space<vmem>> -> memref<128xi32, #tpu.memory_space<vmem>>
    %dma_wait3A_207 = arith.constant 0 : i32
    %dma_wait3A_208 = arith.constant 0 : i32
    %dma_wait3A_209 = tpu.memref_slice %arg4[%dma_wait3A_207, %dma_wait3A_208] : memref<1000000x64xf32, #tpu.memory_space<hbm>> -> memref<1000000x64xf32, #tpu.memory_space<hbm>>
    tpu.wait_indirect_dma semaphore(%arg11 : memref<!tpu.dma_semaphore, #tpu.memory_space<semaphore_mem>>) src(%dma_wait3A_209 : memref<1000000x64xf32, #tpu.memory_space<hbm>>) dst(%dma_wait3A_204 : memref<128x64xf32, #tpu.memory_space<vmem>>)
    %dma_wait3A_210 = arith.constant 256 : i32
    %dma_wait3A_211 = arith.constant 0 : i32
    %dma_wait3A_212 = tpu.memref_slice %arg7[%dma_wait3A_210, %dma_wait3A_211] : memref<640x64xf32, #tpu.memory_space<vmem>> -> memref<128x64xf32, #tpu.memory_space<vmem>>
    %dma_wait3A_213 = arith.constant 256 : i32
    %dma_wait3A_214 = tpu.memref_slice %arg6[%dma_wait3A_213] : memref<640xi32, #tpu.memory_space<vmem>> -> memref<128xi32, #tpu.memory_space<vmem>>
    %dma_wait3A_215 = arith.constant 0 : i32
    %dma_wait3A_216 = arith.constant 0 : i32
    %dma_wait3A_217 = tpu.memref_slice %arg4[%dma_wait3A_215, %dma_wait3A_216] : memref<1000000x64xf32, #tpu.memory_space<hbm>> -> memref<1000000x64xf32, #tpu.memory_space<hbm>>
    tpu.wait_indirect_dma semaphore(%arg11 : memref<!tpu.dma_semaphore, #tpu.memory_space<semaphore_mem>>) src(%dma_wait3A_217 : memref<1000000x64xf32, #tpu.memory_space<hbm>>) dst(%dma_wait3A_212 : memref<128x64xf32, #tpu.memory_space<vmem>>)
    %dma_wait3A_218 = arith.constant 384 : i32
    %dma_wait3A_219 = arith.constant 0 : i32
    %dma_wait3A_220 = tpu.memref_slice %arg7[%dma_wait3A_218, %dma_wait3A_219] : memref<640x64xf32, #tpu.memory_space<vmem>> -> memref<128x64xf32, #tpu.memory_space<vmem>>
    %dma_wait3A_221 = arith.constant 384 : i32
    %dma_wait3A_222 = tpu.memref_slice %arg6[%dma_wait3A_221] : memref<640xi32, #tpu.memory_space<vmem>> -> memref<128xi32, #tpu.memory_space<vmem>>
    %dma_wait3A_223 = arith.constant 0 : i32
    %dma_wait3A_224 = arith.constant 0 : i32
    %dma_wait3A_225 = tpu.memref_slice %arg4[%dma_wait3A_223, %dma_wait3A_224] : memref<1000000x64xf32, #tpu.memory_space<hbm>> -> memref<1000000x64xf32, #tpu.memory_space<hbm>>
    tpu.wait_indirect_dma semaphore(%arg11 : memref<!tpu.dma_semaphore, #tpu.memory_space<semaphore_mem>>) src(%dma_wait3A_225 : memref<1000000x64xf32, #tpu.memory_space<hbm>>) dst(%dma_wait3A_220 : memref<128x64xf32, #tpu.memory_space<vmem>>)
    %dma_wait3A_226 = arith.constant 512 : i32
    %dma_wait3A_227 = arith.constant 0 : i32
    %dma_wait3A_228 = tpu.memref_slice %arg7[%dma_wait3A_226, %dma_wait3A_227] : memref<640x64xf32, #tpu.memory_space<vmem>> -> memref<128x64xf32, #tpu.memory_space<vmem>>
    %dma_wait3A_229 = arith.constant 512 : i32
    %dma_wait3A_230 = tpu.memref_slice %arg6[%dma_wait3A_229] : memref<640xi32, #tpu.memory_space<vmem>> -> memref<128xi32, #tpu.memory_space<vmem>>
    %dma_wait3A_231 = arith.constant 0 : i32
    %dma_wait3A_232 = arith.constant 0 : i32
    %dma_wait3A_233 = tpu.memref_slice %arg4[%dma_wait3A_231, %dma_wait3A_232] : memref<1000000x64xf32, #tpu.memory_space<hbm>> -> memref<1000000x64xf32, #tpu.memory_space<hbm>>
    tpu.wait_indirect_dma semaphore(%arg11 : memref<!tpu.dma_semaphore, #tpu.memory_space<semaphore_mem>>) src(%dma_wait3A_233 : memref<1000000x64xf32, #tpu.memory_space<hbm>>) dst(%dma_wait3A_228 : memref<128x64xf32, #tpu.memory_space<vmem>>)
    %scan3A_234 = arith.constant 0 : i32
    %scan3A_235 = arith.constant 0 : i32
    %scan3A_236 = arith.constant 32 : i32
    %scan3A_237 = arith.addi %scan3A_235, %scan3A_236 : i32
    %scan3A_238 = arith.constant 1 : i32
    scf.for %scan3A_432 = %scan3A_235 to %scan3A_237 step %scan3A_238  : i32 {
      %add3A_433 = arith.constant 32 : i32
      %add3A_434 = arith.addi %add3A_433, %scan3A_432 : i32
      %get3A = arith.index_cast %add3A_434 : i32 to index
      %get3A_435 = arith.constant 0 : index
      %get3A_436 = tpu.vector_load %arg8[%get3A, %get3A_435] {strides = array<i32>} : memref<128x64xf32, #tpu.memory_space<vmem>>, vector<16xf32>,
      %get3A_437 = arith.index_cast %add3A_434 : i32 to index
      %get3A_438 = arith.constant 16 : index
      %get3A_439 = tpu.vector_load %arg8[%get3A_437, %get3A_438] {strides = array<i32>} : memref<128x64xf32, #tpu.memory_space<vmem>>, vector<16xf32>,
      %get3A_440 = arith.index_cast %add3A_434 : i32 to index
      %get3A_441 = arith.constant 32 : index
      %get3A_442 = tpu.vector_load %arg8[%get3A_440, %get3A_441] {strides = array<i32>} : memref<128x64xf32, #tpu.memory_space<vmem>>, vector<16xf32>,
      %get3A_443 = arith.index_cast %add3A_434 : i32 to index
      %get3A_444 = arith.constant 48 : index
      %get3A_445 = tpu.vector_load %arg8[%get3A_443, %get3A_444] {strides = array<i32>} : memref<128x64xf32, #tpu.memory_space<vmem>>, vector<16xf32>,
      %mul3A_446 = arith.constant 20 : i32
      %mul3A_447 = arith.muli %scan3A_432, %mul3A_446 : i32
      %add3A_448 = arith.constant 0 : i32
      %add3A_449 = arith.addi %mul3A_447, %add3A_448 : i32
      %get3A_450 = arith.index_cast %add3A_449 : i32 to index
      %get3A_451 = arith.constant 0 : index
      %get3A_452 = tpu.vector_load %arg7[%get3A_450, %get3A_451] {strides = array<i32>} : memref<640x64xf32, #tpu.memory_space<vmem>>, vector<16xf32>,
      %mul3A_453 = arith.mulf %get3A_452, %get3A_436 : vector<16xf32>
      %get3A_454 = arith.index_cast %add3A_449 : i32 to index
      %get3A_455 = arith.constant 16 : index
      %get3A_456 = tpu.vector_load %arg7[%get3A_454, %get3A_455] {strides = array<i32>} : memref<640x64xf32, #tpu.memory_space<vmem>>, vector<16xf32>,
      %mul3A_457 = arith.mulf %get3A_456, %get3A_439 : vector<16xf32>
      %add3A_458 = arith.addf %mul3A_453, %mul3A_457 : vector<16xf32>
      %get3A_459 = arith.index_cast %add3A_449 : i32 to index
      %get3A_460 = arith.constant 32 : index
      %get3A_461 = tpu.vector_load %arg7[%get3A_459, %get3A_460] {strides = array<i32>} : memref<640x64xf32, #tpu.memory_space<vmem>>, vector<16xf32>,
      %mul3A_462 = arith.mulf %get3A_461, %get3A_442 : vector<16xf32>
      %add3A_463 = arith.addf %add3A_458, %mul3A_462 : vector<16xf32>
      %get3A_464 = arith.index_cast %add3A_449 : i32 to index
      %get3A_465 = arith.constant 48 : index
      %get3A_466 = tpu.vector_load %arg7[%get3A_464, %get3A_465] {strides = array<i32>} : memref<640x64xf32, #tpu.memory_space<vmem>>, vector<16xf32>,
      %mul3A_467 = arith.mulf %get3A_466, %get3A_445 : vector<16xf32>
      %add3A_468 = arith.addf %add3A_463, %mul3A_467 : vector<16xf32>
      %reduce_sum3A = arith.constant true
      %reduce_sum3A_469 = vector.broadcast %reduce_sum3A : i1 to vector<16xi1>
      %reduce_sum3A_470 = tpu.scan <sum>, %add3A_468 masked %reduce_sum3A_469 : vector<16xf32>, vector<16xi1> -> vector<16xf32>
      %reduce_sum3A_471 = vector.extract %reduce_sum3A_470[15] : f32 from vector<16xf32>
      %broadcast_in_dim3A_472 = vector.broadcast %reduce_sum3A_471 : f32 to vector<16xf32>
      %swap3A_473 = arith.constant 0 : i32
      %swap3A_474 = arith.index_cast %swap3A_473 : i32 to index
      %swap3A_475 = arith.constant 0 : index
      %swap3A_476 = tpu.vector_load %arg10[%swap3A_474, %swap3A_475] {strides = array<i32>} : memref<32x16xf32, #tpu.memory_space<vmem>>, vector<16xf32>,
      tpu.vector_store %arg10[%swap3A_474, %swap3A_475], %broadcast_in_dim3A_472 {strides = array<i32>} : memref<32x16xf32, #tpu.memory_space<vmem>>, vector<16xf32>,
      %mul3A_477 = arith.constant 20 : i32
      %mul3A_478 = arith.muli %scan3A_432, %mul3A_477 : i32
      %add3A_479 = arith.constant 1 : i32
      %add3A_480 = arith.addi %mul3A_478, %add3A_479 : i32
      %get3A_481 = arith.index_cast %add3A_480 : i32 to index
      %get3A_482 = arith.constant 0 : index
      %get3A_483 = tpu.vector_load %arg7[%get3A_481, %get3A_482] {strides = array<i32>} : memref<640x64xf32, #tpu.memory_space<vmem>>, vector<16xf32>,
      %mul3A_484 = arith.mulf %get3A_483, %get3A_436 : vector<16xf32>
      %get3A_485 = arith.index_cast %add3A_480 : i32 to index
      %get3A_486 = arith.constant 16 : index
      %get3A_487 = tpu.vector_load %arg7[%get3A_485, %get3A_486] {strides = array<i32>} : memref<640x64xf32, #tpu.memory_space<vmem>>, vector<16xf32>,
      %mul3A_488 = arith.mulf %get3A_487, %get3A_439 : vector<16xf32>
      %add3A_489 = arith.addf %mul3A_484, %mul3A_488 : vector<16xf32>
      %get3A_490 = arith.index_cast %add3A_480 : i32 to index
      %get3A_491 = arith.constant 32 : index
      %get3A_492 = tpu.vector_load %arg7[%get3A_490, %get3A_491] {strides = array<i32>} : memref<640x64xf32, #tpu.memory_space<vmem>>, vector<16xf32>,
      %mul3A_493 = arith.mulf %get3A_492, %get3A_442 : vector<16xf32>
      %add3A_494 = arith.addf %add3A_489, %mul3A_493 : vector<16xf32>
      %get3A_495 = arith.index_cast %add3A_480 : i32 to index
      %get3A_496 = arith.constant 48 : index
      %get3A_497 = tpu.vector_load %arg7[%get3A_495, %get3A_496] {strides = array<i32>} : memref<640x64xf32, #tpu.memory_space<vmem>>, vector<16xf32>,
      %mul3A_498 = arith.mulf %get3A_497, %get3A_445 : vector<16xf32>
      %add3A_499 = arith.addf %add3A_494, %mul3A_498 : vector<16xf32>
      %reduce_sum3A_500 = arith.constant true
      %reduce_sum3A_501 = vector.broadcast %reduce_sum3A_500 : i1 to vector<16xi1>
      %reduce_sum3A_502 = tpu.scan <sum>, %add3A_499 masked %reduce_sum3A_501 : vector<16xf32>, vector<16xi1> -> vector<16xf32>
      %reduce_sum3A_503 = vector.extract %reduce_sum3A_502[15] : f32 from vector<16xf32>
      %broadcast_in_dim3A_504 = vector.broadcast %reduce_sum3A_503 : f32 to vector<16xf32>
      %swap3A_505 = arith.constant 1 : i32
      %swap3A_506 = arith.index_cast %swap3A_505 : i32 to index
      %swap3A_507 = arith.constant 0 : index
      %swap3A_508 = tpu.vector_load %arg10[%swap3A_506, %swap3A_507] {strides = array<i32>} : memref<32x16xf32, #tpu.memory_space<vmem>>, vector<16xf32>,
      tpu.vector_store %arg10[%swap3A_506, %swap3A_507], %broadcast_in_dim3A_504 {strides = array<i32>} : memref<32x16xf32, #tpu.memory_space<vmem>>, vector<16xf32>,
      %mul3A_509 = arith.constant 20 : i32
      %mul3A_510 = arith.muli %scan3A_432, %mul3A_509 : i32
      %add3A_511 = arith.constant 2 : i32
      %add3A_512 = arith.addi %mul3A_510, %add3A_511 : i32
      %get3A_513 = arith.index_cast %add3A_512 : i32 to index
      %get3A_514 = arith.constant 0 : index
      %get3A_515 = tpu.vector_load %arg7[%get3A_513, %get3A_514] {strides = array<i32>} : memref<640x64xf32, #tpu.memory_space<vmem>>, vector<16xf32>,
      %mul3A_516 = arith.mulf %get3A_515, %get3A_436 : vector<16xf32>
      %get3A_517 = arith.index_cast %add3A_512 : i32 to index
      %get3A_518 = arith.constant 16 : index
      %get3A_519 = tpu.vector_load %arg7[%get3A_517, %get3A_518] {strides = array<i32>} : memref<640x64xf32, #tpu.memory_space<vmem>>, vector<16xf32>,
      %mul3A_520 = arith.mulf %get3A_519, %get3A_439 : vector<16xf32>
      %add3A_521 = arith.addf %mul3A_516, %mul3A_520 : vector<16xf32>
      %get3A_522 = arith.index_cast %add3A_512 : i32 to index
      %get3A_523 = arith.constant 32 : index
      %get3A_524 = tpu.vector_load %arg7[%get3A_522, %get3A_523] {strides = array<i32>} : memref<640x64xf32, #tpu.memory_space<vmem>>, vector<16xf32>,
      %mul3A_525 = arith.mulf %get3A_524, %get3A_442 : vector<16xf32>
      %add3A_526 = arith.addf %add3A_521, %mul3A_525 : vector<16xf32>
      %get3A_527 = arith.index_cast %add3A_512 : i32 to index
      %get3A_528 = arith.constant 48 : index
      %get3A_529 = tpu.vector_load %arg7[%get3A_527, %get3A_528] {strides = array<i32>} : memref<640x64xf32, #tpu.memory_space<vmem>>, vector<16xf32>,
      %mul3A_530 = arith.mulf %get3A_529, %get3A_445 : vector<16xf32>
      %add3A_531 = arith.addf %add3A_526, %mul3A_530 : vector<16xf32>
      %reduce_sum3A_532 = arith.constant true
      %reduce_sum3A_533 = vector.broadcast %reduce_sum3A_532 : i1 to vector<16xi1>
      %reduce_sum3A_534 = tpu.scan <sum>, %add3A_531 masked %reduce_sum3A_533 : vector<16xf32>, vector<16xi1> -> vector<16xf32>
      %reduce_sum3A_535 = vector.extract %reduce_sum3A_534[15] : f32 from vector<16xf32>
      %broadcast_in_dim3A_536 = vector.broadcast %reduce_sum3A_535 : f32 to vector<16xf32>
      %swap3A_537 = arith.constant 2 : i32
      %swap3A_538 = arith.index_cast %swap3A_537 : i32 to index
      %swap3A_539 = arith.constant 0 : index
      %swap3A_540 = tpu.vector_load %arg10[%swap3A_538, %swap3A_539] {strides = array<i32>} : memref<32x16xf32, #tpu.memory_space<vmem>>, vector<16xf32>,
      tpu.vector_store %arg10[%swap3A_538, %swap3A_539], %broadcast_in_dim3A_536 {strides = array<i32>} : memref<32x16xf32, #tpu.memory_space<vmem>>, vector<16xf32>,
      %mul3A_541 = arith.constant 20 : i32
      %mul3A_542 = arith.muli %scan3A_432, %mul3A_541 : i32
      %add3A_543 = arith.constant 3 : i32
      %add3A_544 = arith.addi %mul3A_542, %add3A_543 : i32
      %get3A_545 = arith.index_cast %add3A_544 : i32 to index
      %get3A_546 = arith.constant 0 : index
      %get3A_547 = tpu.vector_load %arg7[%get3A_545, %get3A_546] {strides = array<i32>} : memref<640x64xf32, #tpu.memory_space<vmem>>, vector<16xf32>,
      %mul3A_548 = arith.mulf %get3A_547, %get3A_436 : vector<16xf32>
      %get3A_549 = arith.index_cast %add3A_544 : i32 to index
      %get3A_550 = arith.constant 16 : index
      %get3A_551 = tpu.vector_load %arg7[%get3A_549, %get3A_550] {strides = array<i32>} : memref<640x64xf32, #tpu.memory_space<vmem>>, vector<16xf32>,
      %mul3A_552 = arith.mulf %get3A_551, %get3A_439 : vector<16xf32>
      %add3A_553 = arith.addf %mul3A_548, %mul3A_552 : vector<16xf32>
      %get3A_554 = arith.index_cast %add3A_544 : i32 to index
      %get3A_555 = arith.constant 32 : index
      %get3A_556 = tpu.vector_load %arg7[%get3A_554, %get3A_555] {strides = array<i32>} : memref<640x64xf32, #tpu.memory_space<vmem>>, vector<16xf32>,
      %mul3A_557 = arith.mulf %get3A_556, %get3A_442 : vector<16xf32>
      %add3A_558 = arith.addf %add3A_553, %mul3A_557 : vector<16xf32>
      %get3A_559 = arith.index_cast %add3A_544 : i32 to index
      %get3A_560 = arith.constant 48 : index
      %get3A_561 = tpu.vector_load %arg7[%get3A_559, %get3A_560] {strides = array<i32>} : memref<640x64xf32, #tpu.memory_space<vmem>>, vector<16xf32>,
      %mul3A_562 = arith.mulf %get3A_561, %get3A_445 : vector<16xf32>
      %add3A_563 = arith.addf %add3A_558, %mul3A_562 : vector<16xf32>
      %reduce_sum3A_564 = arith.constant true
      %reduce_sum3A_565 = vector.broadcast %reduce_sum3A_564 : i1 to vector<16xi1>
      %reduce_sum3A_566 = tpu.scan <sum>, %add3A_563 masked %reduce_sum3A_565 : vector<16xf32>, vector<16xi1> -> vector<16xf32>
      %reduce_sum3A_567 = vector.extract %reduce_sum3A_566[15] : f32 from vector<16xf32>
      %broadcast_in_dim3A_568 = vector.broadcast %reduce_sum3A_567 : f32 to vector<16xf32>
      %swap3A_569 = arith.constant 3 : i32
      %swap3A_570 = arith.index_cast %swap3A_569 : i32 to index
      %swap3A_571 = arith.constant 0 : index
      %swap3A_572 = tpu.vector_load %arg10[%swap3A_570, %swap3A_571] {strides = array<i32>} : memref<32x16xf32, #tpu.memory_space<vmem>>, vector<16xf32>,
      tpu.vector_store %arg10[%swap3A_570, %swap3A_571], %broadcast_in_dim3A_568 {strides = array<i32>} : memref<32x16xf32, #tpu.memory_space<vmem>>, vector<16xf32>,
      %mul3A_573 = arith.constant 20 : i32
      %mul3A_574 = arith.muli %scan3A_432, %mul3A_573 : i32
      %add3A_575 = arith.constant 4 : i32
      %add3A_576 = arith.addi %mul3A_574, %add3A_575 : i32
      %get3A_577 = arith.index_cast %add3A_576 : i32 to index
      %get3A_578 = arith.constant 0 : index
      %get3A_579 = tpu.vector_load %arg7[%get3A_577, %get3A_578] {strides = array<i32>} : memref<640x64xf32, #tpu.memory_space<vmem>>, vector<16xf32>,
      %mul3A_580 = arith.mulf %get3A_579, %get3A_436 : vector<16xf32>
      %get3A_581 = arith.index_cast %add3A_576 : i32 to index
      %get3A_582 = arith.constant 16 : index
      %get3A_583 = tpu.vector_load %arg7[%get3A_581, %get3A_582] {strides = array<i32>} : memref<640x64xf32, #tpu.memory_space<vmem>>, vector<16xf32>,
      %mul3A_584 = arith.mulf %get3A_583, %get3A_439 : vector<16xf32>
      %add3A_585 = arith.addf %mul3A_580, %mul3A_584 : vector<16xf32>
      %get3A_586 = arith.index_cast %add3A_576 : i32 to index
      %get3A_587 = arith.constant 32 : index
      %get3A_588 = tpu.vector_load %arg7[%get3A_586, %get3A_587] {strides = array<i32>} : memref<640x64xf32, #tpu.memory_space<vmem>>, vector<16xf32>,
      %mul3A_589 = arith.mulf %get3A_588, %get3A_442 : vector<16xf32>
      %add3A_590 = arith.addf %add3A_585, %mul3A_589 : vector<16xf32>
      %get3A_591 = arith.index_cast %add3A_576 : i32 to index
      %get3A_592 = arith.constant 48 : index
      %get3A_593 = tpu.vector_load %arg7[%get3A_591, %get3A_592] {strides = array<i32>} : memref<640x64xf32, #tpu.memory_space<vmem>>, vector<16xf32>,
      %mul3A_594 = arith.mulf %get3A_593, %get3A_445 : vector<16xf32>
      %add3A_595 = arith.addf %add3A_590, %mul3A_594 : vector<16xf32>
      %reduce_sum3A_596 = arith.constant true
      %reduce_sum3A_597 = vector.broadcast %reduce_sum3A_596 : i1 to vector<16xi1>
      %reduce_sum3A_598 = tpu.scan <sum>, %add3A_595 masked %reduce_sum3A_597 : vector<16xf32>, vector<16xi1> -> vector<16xf32>
      %reduce_sum3A_599 = vector.extract %reduce_sum3A_598[15] : f32 from vector<16xf32>
      %broadcast_in_dim3A_600 = vector.broadcast %reduce_sum3A_599 : f32 to vector<16xf32>
      %swap3A_601 = arith.constant 4 : i32
      %swap3A_602 = arith.index_cast %swap3A_601 : i32 to index
      %swap3A_603 = arith.constant 0 : index
      %swap3A_604 = tpu.vector_load %arg10[%swap3A_602, %swap3A_603] {strides = array<i32>} : memref<32x16xf32, #tpu.memory_space<vmem>>, vector<16xf32>,
      tpu.vector_store %arg10[%swap3A_602, %swap3A_603], %broadcast_in_dim3A_600 {strides = array<i32>} : memref<32x16xf32, #tpu.memory_space<vmem>>, vector<16xf32>,
      %mul3A_605 = arith.constant 20 : i32
      %mul3A_606 = arith.muli %scan3A_432, %mul3A_605 : i32
      %add3A_607 = arith.constant 5 : i32
      %add3A_608 = arith.addi %mul3A_606, %add3A_607 : i32
      %get3A_609 = arith.index_cast %add3A_608 : i32 to index
      %get3A_610 = arith.constant 0 : index
      %get3A_611 = tpu.vector_load %arg7[%get3A_609, %get3A_610] {strides = array<i32>} : memref<640x64xf32, #tpu.memory_space<vmem>>, vector<16xf32>,
      %mul3A_612 = arith.mulf %get3A_611, %get3A_436 : vector<16xf32>
      %get3A_613 = arith.index_cast %add3A_608 : i32 to index
      %get3A_614 = arith.constant 16 : index
      %get3A_615 = tpu.vector_load %arg7[%get3A_613, %get3A_614] {strides = array<i32>} : memref<640x64xf32, #tpu.memory_space<vmem>>, vector<16xf32>,
      %mul3A_616 = arith.mulf %get3A_615, %get3A_439 : vector<16xf32>
      %add3A_617 = arith.addf %mul3A_612, %mul3A_616 : vector<16xf32>
      %get3A_618 = arith.index_cast %add3A_608 : i32 to index
      %get3A_619 = arith.constant 32 : index
      %get3A_620 = tpu.vector_load %arg7[%get3A_618, %get3A_619] {strides = array<i32>} : memref<640x64xf32, #tpu.memory_space<vmem>>, vector<16xf32>,
      %mul3A_621 = arith.mulf %get3A_620, %get3A_442 : vector<16xf32>
      %add3A_622 = arith.addf %add3A_617, %mul3A_621 : vector<16xf32>
      %get3A_623 = arith.index_cast %add3A_608 : i32 to index
      %get3A_624 = arith.constant 48 : index
      %get3A_625 = tpu.vector_load %arg7[%get3A_623, %get3A_624] {strides = array<i32>} : memref<640x64xf32, #tpu.memory_space<vmem>>, vector<16xf32>,
      %mul3A_626 = arith.mulf %get3A_625, %get3A_445 : vector<16xf32>
      %add3A_627 = arith.addf %add3A_622, %mul3A_626 : vector<16xf32>
      %reduce_sum3A_628 = arith.constant true
      %reduce_sum3A_629 = vector.broadcast %reduce_sum3A_628 : i1 to vector<16xi1>
      %reduce_sum3A_630 = tpu.scan <sum>, %add3A_627 masked %reduce_sum3A_629 : vector<16xf32>, vector<16xi1> -> vector<16xf32>
      %reduce_sum3A_631 = vector.extract %reduce_sum3A_630[15] : f32 from vector<16xf32>
      %broadcast_in_dim3A_632 = vector.broadcast %reduce_sum3A_631 : f32 to vector<16xf32>
      %swap3A_633 = arith.constant 5 : i32
      %swap3A_634 = arith.index_cast %swap3A_633 : i32 to index
      %swap3A_635 = arith.constant 0 : index
      %swap3A_636 = tpu.vector_load %arg10[%swap3A_634, %swap3A_635] {strides = array<i32>} : memref<32x16xf32, #tpu.memory_space<vmem>>, vector<16xf32>,
      tpu.vector_store %arg10[%swap3A_634, %swap3A_635], %broadcast_in_dim3A_632 {strides = array<i32>} : memref<32x16xf32, #tpu.memory_space<vmem>>, vector<16xf32>,
      %mul3A_637 = arith.constant 20 : i32
      %mul3A_638 = arith.muli %scan3A_432, %mul3A_637 : i32
      %add3A_639 = arith.constant 6 : i32
      %add3A_640 = arith.addi %mul3A_638, %add3A_639 : i32
      %get3A_641 = arith.index_cast %add3A_640 : i32 to index
      %get3A_642 = arith.constant 0 : index
      %get3A_643 = tpu.vector_load %arg7[%get3A_641, %get3A_642] {strides = array<i32>} : memref<640x64xf32, #tpu.memory_space<vmem>>, vector<16xf32>,
      %mul3A_644 = arith.mulf %get3A_643, %get3A_436 : vector<16xf32>
      %get3A_645 = arith.index_cast %add3A_640 : i32 to index
      %get3A_646 = arith.constant 16 : index
      %get3A_647 = tpu.vector_load %arg7[%get3A_645, %get3A_646] {strides = array<i32>} : memref<640x64xf32, #tpu.memory_space<vmem>>, vector<16xf32>,
      %mul3A_648 = arith.mulf %get3A_647, %get3A_439 : vector<16xf32>
      %add3A_649 = arith.addf %mul3A_644, %mul3A_648 : vector<16xf32>
      %get3A_650 = arith.index_cast %add3A_640 : i32 to index
      %get3A_651 = arith.constant 32 : index
      %get3A_652 = tpu.vector_load %arg7[%get3A_650, %get3A_651] {strides = array<i32>} : memref<640x64xf32, #tpu.memory_space<vmem>>, vector<16xf32>,
      %mul3A_653 = arith.mulf %get3A_652, %get3A_442 : vector<16xf32>
      %add3A_654 = arith.addf %add3A_649, %mul3A_653 : vector<16xf32>
      %get3A_655 = arith.index_cast %add3A_640 : i32 to index
      %get3A_656 = arith.constant 48 : index
      %get3A_657 = tpu.vector_load %arg7[%get3A_655, %get3A_656] {strides = array<i32>} : memref<640x64xf32, #tpu.memory_space<vmem>>, vector<16xf32>,
      %mul3A_658 = arith.mulf %get3A_657, %get3A_445 : vector<16xf32>
      %add3A_659 = arith.addf %add3A_654, %mul3A_658 : vector<16xf32>
      %reduce_sum3A_660 = arith.constant true
      %reduce_sum3A_661 = vector.broadcast %reduce_sum3A_660 : i1 to vector<16xi1>
      %reduce_sum3A_662 = tpu.scan <sum>, %add3A_659 masked %reduce_sum3A_661 : vector<16xf32>, vector<16xi1> -> vector<16xf32>
      %reduce_sum3A_663 = vector.extract %reduce_sum3A_662[15] : f32 from vector<16xf32>
      %broadcast_in_dim3A_664 = vector.broadcast %reduce_sum3A_663 : f32 to vector<16xf32>
      %swap3A_665 = arith.constant 6 : i32
      %swap3A_666 = arith.index_cast %swap3A_665 : i32 to index
      %swap3A_667 = arith.constant 0 : index
      %swap3A_668 = tpu.vector_load %arg10[%swap3A_666, %swap3A_667] {strides = array<i32>} : memref<32x16xf32, #tpu.memory_space<vmem>>, vector<16xf32>,
      tpu.vector_store %arg10[%swap3A_666, %swap3A_667], %broadcast_in_dim3A_664 {strides = array<i32>} : memref<32x16xf32, #tpu.memory_space<vmem>>, vector<16xf32>,
      %mul3A_669 = arith.constant 20 : i32
      %mul3A_670 = arith.muli %scan3A_432, %mul3A_669 : i32
      %add3A_671 = arith.constant 7 : i32
      %add3A_672 = arith.addi %mul3A_670, %add3A_671 : i32
      %get3A_673 = arith.index_cast %add3A_672 : i32 to index
      %get3A_674 = arith.constant 0 : index
      %get3A_675 = tpu.vector_load %arg7[%get3A_673, %get3A_674] {strides = array<i32>} : memref<640x64xf32, #tpu.memory_space<vmem>>, vector<16xf32>,
      %mul3A_676 = arith.mulf %get3A_675, %get3A_436 : vector<16xf32>
      %get3A_677 = arith.index_cast %add3A_672 : i32 to index
      %get3A_678 = arith.constant 16 : index
      %get3A_679 = tpu.vector_load %arg7[%get3A_677, %get3A_678] {strides = array<i32>} : memref<640x64xf32, #tpu.memory_space<vmem>>, vector<16xf32>,
      %mul3A_680 = arith.mulf %get3A_679, %get3A_439 : vector<16xf32>
      %add3A_681 = arith.addf %mul3A_676, %mul3A_680 : vector<16xf32>
      %get3A_682 = arith.index_cast %add3A_672 : i32 to index
      %get3A_683 = arith.constant 32 : index
      %get3A_684 = tpu.vector_load %arg7[%get3A_682, %get3A_683] {strides = array<i32>} : memref<640x64xf32, #tpu.memory_space<vmem>>, vector<16xf32>,
      %mul3A_685 = arith.mulf %get3A_684, %get3A_442 : vector<16xf32>
      %add3A_686 = arith.addf %add3A_681, %mul3A_685 : vector<16xf32>
      %get3A_687 = arith.index_cast %add3A_672 : i32 to index
      %get3A_688 = arith.constant 48 : index
      %get3A_689 = tpu.vector_load %arg7[%get3A_687, %get3A_688] {strides = array<i32>} : memref<640x64xf32, #tpu.memory_space<vmem>>, vector<16xf32>,
      %mul3A_690 = arith.mulf %get3A_689, %get3A_445 : vector<16xf32>
      %add3A_691 = arith.addf %add3A_686, %mul3A_690 : vector<16xf32>
      %reduce_sum3A_692 = arith.constant true
      %reduce_sum3A_693 = vector.broadcast %reduce_sum3A_692 : i1 to vector<16xi1>
      %reduce_sum3A_694 = tpu.scan <sum>, %add3A_691 masked %reduce_sum3A_693 : vector<16xf32>, vector<16xi1> -> vector<16xf32>
      %reduce_sum3A_695 = vector.extract %reduce_sum3A_694[15] : f32 from vector<16xf32>
      %broadcast_in_dim3A_696 = vector.broadcast %reduce_sum3A_695 : f32 to vector<16xf32>
      %swap3A_697 = arith.constant 7 : i32
      %swap3A_698 = arith.index_cast %swap3A_697 : i32 to index
      %swap3A_699 = arith.constant 0 : index
      %swap3A_700 = tpu.vector_load %arg10[%swap3A_698, %swap3A_699] {strides = array<i32>} : memref<32x16xf32, #tpu.memory_space<vmem>>, vector<16xf32>,
      tpu.vector_store %arg10[%swap3A_698, %swap3A_699], %broadcast_in_dim3A_696 {strides = array<i32>} : memref<32x16xf32, #tpu.memory_space<vmem>>, vector<16xf32>,
      %mul3A_701 = arith.constant 20 : i32
      %mul3A_702 = arith.muli %scan3A_432, %mul3A_701 : i32
      %add3A_703 = arith.constant 8 : i32
      %add3A_704 = arith.addi %mul3A_702, %add3A_703 : i32
      %get3A_705 = arith.index_cast %add3A_704 : i32 to index
      %get3A_706 = arith.constant 0 : index
      %get3A_707 = tpu.vector_load %arg7[%get3A_705, %get3A_706] {strides = array<i32>} : memref<640x64xf32, #tpu.memory_space<vmem>>, vector<16xf32>,
      %mul3A_708 = arith.mulf %get3A_707, %get3A_436 : vector<16xf32>
      %get3A_709 = arith.index_cast %add3A_704 : i32 to index
      %get3A_710 = arith.constant 16 : index
      %get3A_711 = tpu.vector_load %arg7[%get3A_709, %get3A_710] {strides = array<i32>} : memref<640x64xf32, #tpu.memory_space<vmem>>, vector<16xf32>,
      %mul3A_712 = arith.mulf %get3A_711, %get3A_439 : vector<16xf32>
      %add3A_713 = arith.addf %mul3A_708, %mul3A_712 : vector<16xf32>
      %get3A_714 = arith.index_cast %add3A_704 : i32 to index
      %get3A_715 = arith.constant 32 : index
      %get3A_716 = tpu.vector_load %arg7[%get3A_714, %get3A_715] {strides = array<i32>} : memref<640x64xf32, #tpu.memory_space<vmem>>, vector<16xf32>,
      %mul3A_717 = arith.mulf %get3A_716, %get3A_442 : vector<16xf32>
      %add3A_718 = arith.addf %add3A_713, %mul3A_717 : vector<16xf32>
      %get3A_719 = arith.index_cast %add3A_704 : i32 to index
      %get3A_720 = arith.constant 48 : index
      %get3A_721 = tpu.vector_load %arg7[%get3A_719, %get3A_720] {strides = array<i32>} : memref<640x64xf32, #tpu.memory_space<vmem>>, vector<16xf32>,
      %mul3A_722 = arith.mulf %get3A_721, %get3A_445 : vector<16xf32>
      %add3A_723 = arith.addf %add3A_718, %mul3A_722 : vector<16xf32>
      %reduce_sum3A_724 = arith.constant true
      %reduce_sum3A_725 = vector.broadcast %reduce_sum3A_724 : i1 to vector<16xi1>
      %reduce_sum3A_726 = tpu.scan <sum>, %add3A_723 masked %reduce_sum3A_725 : vector<16xf32>, vector<16xi1> -> vector<16xf32>
      %reduce_sum3A_727 = vector.extract %reduce_sum3A_726[15] : f32 from vector<16xf32>
      %broadcast_in_dim3A_728 = vector.broadcast %reduce_sum3A_727 : f32 to vector<16xf32>
      %swap3A_729 = arith.constant 8 : i32
      %swap3A_730 = arith.index_cast %swap3A_729 : i32 to index
      %swap3A_731 = arith.constant 0 : index
      %swap3A_732 = tpu.vector_load %arg10[%swap3A_730, %swap3A_731] {strides = array<i32>} : memref<32x16xf32, #tpu.memory_space<vmem>>, vector<16xf32>,
      tpu.vector_store %arg10[%swap3A_730, %swap3A_731], %broadcast_in_dim3A_728 {strides = array<i32>} : memref<32x16xf32, #tpu.memory_space<vmem>>, vector<16xf32>,
      %mul3A_733 = arith.constant 20 : i32
      %mul3A_734 = arith.muli %scan3A_432, %mul3A_733 : i32
      %add3A_735 = arith.constant 9 : i32
      %add3A_736 = arith.addi %mul3A_734, %add3A_735 : i32
      %get3A_737 = arith.index_cast %add3A_736 : i32 to index
      %get3A_738 = arith.constant 0 : index
      %get3A_739 = tpu.vector_load %arg7[%get3A_737, %get3A_738] {strides = array<i32>} : memref<640x64xf32, #tpu.memory_space<vmem>>, vector<16xf32>,
      %mul3A_740 = arith.mulf %get3A_739, %get3A_436 : vector<16xf32>
      %get3A_741 = arith.index_cast %add3A_736 : i32 to index
      %get3A_742 = arith.constant 16 : index
      %get3A_743 = tpu.vector_load %arg7[%get3A_741, %get3A_742] {strides = array<i32>} : memref<640x64xf32, #tpu.memory_space<vmem>>, vector<16xf32>,
      %mul3A_744 = arith.mulf %get3A_743, %get3A_439 : vector<16xf32>
      %add3A_745 = arith.addf %mul3A_740, %mul3A_744 : vector<16xf32>
      %get3A_746 = arith.index_cast %add3A_736 : i32 to index
      %get3A_747 = arith.constant 32 : index
      %get3A_748 = tpu.vector_load %arg7[%get3A_746, %get3A_747] {strides = array<i32>} : memref<640x64xf32, #tpu.memory_space<vmem>>, vector<16xf32>,
      %mul3A_749 = arith.mulf %get3A_748, %get3A_442 : vector<16xf32>
      %add3A_750 = arith.addf %add3A_745, %mul3A_749 : vector<16xf32>
      %get3A_751 = arith.index_cast %add3A_736 : i32 to index
      %get3A_752 = arith.constant 48 : index
      %get3A_753 = tpu.vector_load %arg7[%get3A_751, %get3A_752] {strides = array<i32>} : memref<640x64xf32, #tpu.memory_space<vmem>>, vector<16xf32>,
      %mul3A_754 = arith.mulf %get3A_753, %get3A_445 : vector<16xf32>
      %add3A_755 = arith.addf %add3A_750, %mul3A_754 : vector<16xf32>
      %reduce_sum3A_756 = arith.constant true
      %reduce_sum3A_757 = vector.broadcast %reduce_sum3A_756 : i1 to vector<16xi1>
      %reduce_sum3A_758 = tpu.scan <sum>, %add3A_755 masked %reduce_sum3A_757 : vector<16xf32>, vector<16xi1> -> vector<16xf32>
      %reduce_sum3A_759 = vector.extract %reduce_sum3A_758[15] : f32 from vector<16xf32>
      %broadcast_in_dim3A_760 = vector.broadcast %reduce_sum3A_759 : f32 to vector<16xf32>
      %swap3A_761 = arith.constant 9 : i32
      %swap3A_762 = arith.index_cast %swap3A_761 : i32 to index
      %swap3A_763 = arith.constant 0 : index
      %swap3A_764 = tpu.vector_load %arg10[%swap3A_762, %swap3A_763] {strides = array<i32>} : memref<32x16xf32, #tpu.memory_space<vmem>>, vector<16xf32>,
      tpu.vector_store %arg10[%swap3A_762, %swap3A_763], %broadcast_in_dim3A_760 {strides = array<i32>} : memref<32x16xf32, #tpu.memory_space<vmem>>, vector<16xf32>,
      %mul3A_765 = arith.constant 20 : i32
      %mul3A_766 = arith.muli %scan3A_432, %mul3A_765 : i32
      %add3A_767 = arith.constant 10 : i32
      %add3A_768 = arith.addi %mul3A_766, %add3A_767 : i32
      %get3A_769 = arith.index_cast %add3A_768 : i32 to index
      %get3A_770 = arith.constant 0 : index
      %get3A_771 = tpu.vector_load %arg7[%get3A_769, %get3A_770] {strides = array<i32>} : memref<640x64xf32, #tpu.memory_space<vmem>>, vector<16xf32>,
      %mul3A_772 = arith.mulf %get3A_771, %get3A_436 : vector<16xf32>
      %get3A_773 = arith.index_cast %add3A_768 : i32 to index
      %get3A_774 = arith.constant 16 : index
      %get3A_775 = tpu.vector_load %arg7[%get3A_773, %get3A_774] {strides = array<i32>} : memref<640x64xf32, #tpu.memory_space<vmem>>, vector<16xf32>,
      %mul3A_776 = arith.mulf %get3A_775, %get3A_439 : vector<16xf32>
      %add3A_777 = arith.addf %mul3A_772, %mul3A_776 : vector<16xf32>
      %get3A_778 = arith.index_cast %add3A_768 : i32 to index
      %get3A_779 = arith.constant 32 : index
      %get3A_780 = tpu.vector_load %arg7[%get3A_778, %get3A_779] {strides = array<i32>} : memref<640x64xf32, #tpu.memory_space<vmem>>, vector<16xf32>,
      %mul3A_781 = arith.mulf %get3A_780, %get3A_442 : vector<16xf32>
      %add3A_782 = arith.addf %add3A_777, %mul3A_781 : vector<16xf32>
      %get3A_783 = arith.index_cast %add3A_768 : i32 to index
      %get3A_784 = arith.constant 48 : index
      %get3A_785 = tpu.vector_load %arg7[%get3A_783, %get3A_784] {strides = array<i32>} : memref<640x64xf32, #tpu.memory_space<vmem>>, vector<16xf32>,
      %mul3A_786 = arith.mulf %get3A_785, %get3A_445 : vector<16xf32>
      %add3A_787 = arith.addf %add3A_782, %mul3A_786 : vector<16xf32>
      %reduce_sum3A_788 = arith.constant true
      %reduce_sum3A_789 = vector.broadcast %reduce_sum3A_788 : i1 to vector<16xi1>
      %reduce_sum3A_790 = tpu.scan <sum>, %add3A_787 masked %reduce_sum3A_789 : vector<16xf32>, vector<16xi1> -> vector<16xf32>
      %reduce_sum3A_791 = vector.extract %reduce_sum3A_790[15] : f32 from vector<16xf32>
      %broadcast_in_dim3A_792 = vector.broadcast %reduce_sum3A_791 : f32 to vector<16xf32>
      %swap3A_793 = arith.constant 10 : i32
      %swap3A_794 = arith.index_cast %swap3A_793 : i32 to index
      %swap3A_795 = arith.constant 0 : index
      %swap3A_796 = tpu.vector_load %arg10[%swap3A_794, %swap3A_795] {strides = array<i32>} : memref<32x16xf32, #tpu.memory_space<vmem>>, vector<16xf32>,
      tpu.vector_store %arg10[%swap3A_794, %swap3A_795], %broadcast_in_dim3A_792 {strides = array<i32>} : memref<32x16xf32, #tpu.memory_space<vmem>>, vector<16xf32>,
      %mul3A_797 = arith.constant 20 : i32
      %mul3A_798 = arith.muli %scan3A_432, %mul3A_797 : i32
      %add3A_799 = arith.constant 11 : i32
      %add3A_800 = arith.addi %mul3A_798, %add3A_799 : i32
      %get3A_801 = arith.index_cast %add3A_800 : i32 to index
      %get3A_802 = arith.constant 0 : index
      %get3A_803 = tpu.vector_load %arg7[%get3A_801, %get3A_802] {strides = array<i32>} : memref<640x64xf32, #tpu.memory_space<vmem>>, vector<16xf32>,
      %mul3A_804 = arith.mulf %get3A_803, %get3A_436 : vector<16xf32>
      %get3A_805 = arith.index_cast %add3A_800 : i32 to index
      %get3A_806 = arith.constant 16 : index
      %get3A_807 = tpu.vector_load %arg7[%get3A_805, %get3A_806] {strides = array<i32>} : memref<640x64xf32, #tpu.memory_space<vmem>>, vector<16xf32>,
      %mul3A_808 = arith.mulf %get3A_807, %get3A_439 : vector<16xf32>
      %add3A_809 = arith.addf %mul3A_804, %mul3A_808 : vector<16xf32>
      %get3A_810 = arith.index_cast %add3A_800 : i32 to index
      %get3A_811 = arith.constant 32 : index
      %get3A_812 = tpu.vector_load %arg7[%get3A_810, %get3A_811] {strides = array<i32>} : memref<640x64xf32, #tpu.memory_space<vmem>>, vector<16xf32>,
      %mul3A_813 = arith.mulf %get3A_812, %get3A_442 : vector<16xf32>
      %add3A_814 = arith.addf %add3A_809, %mul3A_813 : vector<16xf32>
      %get3A_815 = arith.index_cast %add3A_800 : i32 to index
      %get3A_816 = arith.constant 48 : index
      %get3A_817 = tpu.vector_load %arg7[%get3A_815, %get3A_816] {strides = array<i32>} : memref<640x64xf32, #tpu.memory_space<vmem>>, vector<16xf32>,
      %mul3A_818 = arith.mulf %get3A_817, %get3A_445 : vector<16xf32>
      %add3A_819 = arith.addf %add3A_814, %mul3A_818 : vector<16xf32>
      %reduce_sum3A_820 = arith.constant true
      %reduce_sum3A_821 = vector.broadcast %reduce_sum3A_820 : i1 to vector<16xi1>
      %reduce_sum3A_822 = tpu.scan <sum>, %add3A_819 masked %reduce_sum3A_821 : vector<16xf32>, vector<16xi1> -> vector<16xf32>
      %reduce_sum3A_823 = vector.extract %reduce_sum3A_822[15] : f32 from vector<16xf32>
      %broadcast_in_dim3A_824 = vector.broadcast %reduce_sum3A_823 : f32 to vector<16xf32>
      %swap3A_825 = arith.constant 11 : i32
      %swap3A_826 = arith.index_cast %swap3A_825 : i32 to index
      %swap3A_827 = arith.constant 0 : index
      %swap3A_828 = tpu.vector_load %arg10[%swap3A_826, %swap3A_827] {strides = array<i32>} : memref<32x16xf32, #tpu.memory_space<vmem>>, vector<16xf32>,
      tpu.vector_store %arg10[%swap3A_826, %swap3A_827], %broadcast_in_dim3A_824 {strides = array<i32>} : memref<32x16xf32, #tpu.memory_space<vmem>>, vector<16xf32>,
      %mul3A_829 = arith.constant 20 : i32
      %mul3A_830 = arith.muli %scan3A_432, %mul3A_829 : i32
      %add3A_831 = arith.constant 12 : i32
      %add3A_832 = arith.addi %mul3A_830, %add3A_831 : i32
      %get3A_833 = arith.index_cast %add3A_832 : i32 to index
      %get3A_834 = arith.constant 0 : index
      %get3A_835 = tpu.vector_load %arg7[%get3A_833, %get3A_834] {strides = array<i32>} : memref<640x64xf32, #tpu.memory_space<vmem>>, vector<16xf32>,
      %mul3A_836 = arith.mulf %get3A_835, %get3A_436 : vector<16xf32>
      %get3A_837 = arith.index_cast %add3A_832 : i32 to index
      %get3A_838 = arith.constant 16 : index
      %get3A_839 = tpu.vector_load %arg7[%get3A_837, %get3A_838] {strides = array<i32>} : memref<640x64xf32, #tpu.memory_space<vmem>>, vector<16xf32>,
      %mul3A_840 = arith.mulf %get3A_839, %get3A_439 : vector<16xf32>
      %add3A_841 = arith.addf %mul3A_836, %mul3A_840 : vector<16xf32>
      %get3A_842 = arith.index_cast %add3A_832 : i32 to index
      %get3A_843 = arith.constant 32 : index
      %get3A_844 = tpu.vector_load %arg7[%get3A_842, %get3A_843] {strides = array<i32>} : memref<640x64xf32, #tpu.memory_space<vmem>>, vector<16xf32>,
      %mul3A_845 = arith.mulf %get3A_844, %get3A_442 : vector<16xf32>
      %add3A_846 = arith.addf %add3A_841, %mul3A_845 : vector<16xf32>
      %get3A_847 = arith.index_cast %add3A_832 : i32 to index
      %get3A_848 = arith.constant 48 : index
      %get3A_849 = tpu.vector_load %arg7[%get3A_847, %get3A_848] {strides = array<i32>} : memref<640x64xf32, #tpu.memory_space<vmem>>, vector<16xf32>,
      %mul3A_850 = arith.mulf %get3A_849, %get3A_445 : vector<16xf32>
      %add3A_851 = arith.addf %add3A_846, %mul3A_850 : vector<16xf32>
      %reduce_sum3A_852 = arith.constant true
      %reduce_sum3A_853 = vector.broadcast %reduce_sum3A_852 : i1 to vector<16xi1>
      %reduce_sum3A_854 = tpu.scan <sum>, %add3A_851 masked %reduce_sum3A_853 : vector<16xf32>, vector<16xi1> -> vector<16xf32>
      %reduce_sum3A_855 = vector.extract %reduce_sum3A_854[15] : f32 from vector<16xf32>
      %broadcast_in_dim3A_856 = vector.broadcast %reduce_sum3A_855 : f32 to vector<16xf32>
      %swap3A_857 = arith.constant 12 : i32
      %swap3A_858 = arith.index_cast %swap3A_857 : i32 to index
      %swap3A_859 = arith.constant 0 : index
      %swap3A_860 = tpu.vector_load %arg10[%swap3A_858, %swap3A_859] {strides = array<i32>} : memref<32x16xf32, #tpu.memory_space<vmem>>, vector<16xf32>,
      tpu.vector_store %arg10[%swap3A_858, %swap3A_859], %broadcast_in_dim3A_856 {strides = array<i32>} : memref<32x16xf32, #tpu.memory_space<vmem>>, vector<16xf32>,
      %mul3A_861 = arith.constant 20 : i32
      %mul3A_862 = arith.muli %scan3A_432, %mul3A_861 : i32
      %add3A_863 = arith.constant 13 : i32
      %add3A_864 = arith.addi %mul3A_862, %add3A_863 : i32
      %get3A_865 = arith.index_cast %add3A_864 : i32 to index
      %get3A_866 = arith.constant 0 : index
      %get3A_867 = tpu.vector_load %arg7[%get3A_865, %get3A_866] {strides = array<i32>} : memref<640x64xf32, #tpu.memory_space<vmem>>, vector<16xf32>,
      %mul3A_868 = arith.mulf %get3A_867, %get3A_436 : vector<16xf32>
      %get3A_869 = arith.index_cast %add3A_864 : i32 to index
      %get3A_870 = arith.constant 16 : index
      %get3A_871 = tpu.vector_load %arg7[%get3A_869, %get3A_870] {strides = array<i32>} : memref<640x64xf32, #tpu.memory_space<vmem>>, vector<16xf32>,
      %mul3A_872 = arith.mulf %get3A_871, %get3A_439 : vector<16xf32>
      %add3A_873 = arith.addf %mul3A_868, %mul3A_872 : vector<16xf32>
      %get3A_874 = arith.index_cast %add3A_864 : i32 to index
      %get3A_875 = arith.constant 32 : index
      %get3A_876 = tpu.vector_load %arg7[%get3A_874, %get3A_875] {strides = array<i32>} : memref<640x64xf32, #tpu.memory_space<vmem>>, vector<16xf32>,
      %mul3A_877 = arith.mulf %get3A_876, %get3A_442 : vector<16xf32>
      %add3A_878 = arith.addf %add3A_873, %mul3A_877 : vector<16xf32>
      %get3A_879 = arith.index_cast %add3A_864 : i32 to index
      %get3A_880 = arith.constant 48 : index
      %get3A_881 = tpu.vector_load %arg7[%get3A_879, %get3A_880] {strides = array<i32>} : memref<640x64xf32, #tpu.memory_space<vmem>>, vector<16xf32>,
      %mul3A_882 = arith.mulf %get3A_881, %get3A_445 : vector<16xf32>
      %add3A_883 = arith.addf %add3A_878, %mul3A_882 : vector<16xf32>
      %reduce_sum3A_884 = arith.constant true
      %reduce_sum3A_885 = vector.broadcast %reduce_sum3A_884 : i1 to vector<16xi1>
      %reduce_sum3A_886 = tpu.scan <sum>, %add3A_883 masked %reduce_sum3A_885 : vector<16xf32>, vector<16xi1> -> vector<16xf32>
      %reduce_sum3A_887 = vector.extract %reduce_sum3A_886[15] : f32 from vector<16xf32>
      %broadcast_in_dim3A_888 = vector.broadcast %reduce_sum3A_887 : f32 to vector<16xf32>
      %swap3A_889 = arith.constant 13 : i32
      %swap3A_890 = arith.index_cast %swap3A_889 : i32 to index
      %swap3A_891 = arith.constant 0 : index
      %swap3A_892 = tpu.vector_load %arg10[%swap3A_890, %swap3A_891] {strides = array<i32>} : memref<32x16xf32, #tpu.memory_space<vmem>>, vector<16xf32>,
      tpu.vector_store %arg10[%swap3A_890, %swap3A_891], %broadcast_in_dim3A_888 {strides = array<i32>} : memref<32x16xf32, #tpu.memory_space<vmem>>, vector<16xf32>,
      %mul3A_893 = arith.constant 20 : i32
      %mul3A_894 = arith.muli %scan3A_432, %mul3A_893 : i32
      %add3A_895 = arith.constant 14 : i32
      %add3A_896 = arith.addi %mul3A_894, %add3A_895 : i32
      %get3A_897 = arith.index_cast %add3A_896 : i32 to index
      %get3A_898 = arith.constant 0 : index
      %get3A_899 = tpu.vector_load %arg7[%get3A_897, %get3A_898] {strides = array<i32>} : memref<640x64xf32, #tpu.memory_space<vmem>>, vector<16xf32>,
      %mul3A_900 = arith.mulf %get3A_899, %get3A_436 : vector<16xf32>
      %get3A_901 = arith.index_cast %add3A_896 : i32 to index
      %get3A_902 = arith.constant 16 : index
      %get3A_903 = tpu.vector_load %arg7[%get3A_901, %get3A_902] {strides = array<i32>} : memref<640x64xf32, #tpu.memory_space<vmem>>, vector<16xf32>,
      %mul3A_904 = arith.mulf %get3A_903, %get3A_439 : vector<16xf32>
      %add3A_905 = arith.addf %mul3A_900, %mul3A_904 : vector<16xf32>
      %get3A_906 = arith.index_cast %add3A_896 : i32 to index
      %get3A_907 = arith.constant 32 : index
      %get3A_908 = tpu.vector_load %arg7[%get3A_906, %get3A_907] {strides = array<i32>} : memref<640x64xf32, #tpu.memory_space<vmem>>, vector<16xf32>,
      %mul3A_909 = arith.mulf %get3A_908, %get3A_442 : vector<16xf32>
      %add3A_910 = arith.addf %add3A_905, %mul3A_909 : vector<16xf32>
      %get3A_911 = arith.index_cast %add3A_896 : i32 to index
      %get3A_912 = arith.constant 48 : index
      %get3A_913 = tpu.vector_load %arg7[%get3A_911, %get3A_912] {strides = array<i32>} : memref<640x64xf32, #tpu.memory_space<vmem>>, vector<16xf32>,
      %mul3A_914 = arith.mulf %get3A_913, %get3A_445 : vector<16xf32>
      %add3A_915 = arith.addf %add3A_910, %mul3A_914 : vector<16xf32>
      %reduce_sum3A_916 = arith.constant true
      %reduce_sum3A_917 = vector.broadcast %reduce_sum3A_916 : i1 to vector<16xi1>
      %reduce_sum3A_918 = tpu.scan <sum>, %add3A_915 masked %reduce_sum3A_917 : vector<16xf32>, vector<16xi1> -> vector<16xf32>
      %reduce_sum3A_919 = vector.extract %reduce_sum3A_918[15] : f32 from vector<16xf32>
      %broadcast_in_dim3A_920 = vector.broadcast %reduce_sum3A_919 : f32 to vector<16xf32>
      %swap3A_921 = arith.constant 14 : i32
      %swap3A_922 = arith.index_cast %swap3A_921 : i32 to index
      %swap3A_923 = arith.constant 0 : index
      %swap3A_924 = tpu.vector_load %arg10[%swap3A_922, %swap3A_923] {strides = array<i32>} : memref<32x16xf32, #tpu.memory_space<vmem>>, vector<16xf32>,
      tpu.vector_store %arg10[%swap3A_922, %swap3A_923], %broadcast_in_dim3A_920 {strides = array<i32>} : memref<32x16xf32, #tpu.memory_space<vmem>>, vector<16xf32>,
      %mul3A_925 = arith.constant 20 : i32
      %mul3A_926 = arith.muli %scan3A_432, %mul3A_925 : i32
      %add3A_927 = arith.constant 15 : i32
      %add3A_928 = arith.addi %mul3A_926, %add3A_927 : i32
      %get3A_929 = arith.index_cast %add3A_928 : i32 to index
      %get3A_930 = arith.constant 0 : index
      %get3A_931 = tpu.vector_load %arg7[%get3A_929, %get3A_930] {strides = array<i32>} : memref<640x64xf32, #tpu.memory_space<vmem>>, vector<16xf32>,
      %mul3A_932 = arith.mulf %get3A_931, %get3A_436 : vector<16xf32>
      %get3A_933 = arith.index_cast %add3A_928 : i32 to index
      %get3A_934 = arith.constant 16 : index
      %get3A_935 = tpu.vector_load %arg7[%get3A_933, %get3A_934] {strides = array<i32>} : memref<640x64xf32, #tpu.memory_space<vmem>>, vector<16xf32>,
      %mul3A_936 = arith.mulf %get3A_935, %get3A_439 : vector<16xf32>
      %add3A_937 = arith.addf %mul3A_932, %mul3A_936 : vector<16xf32>
      %get3A_938 = arith.index_cast %add3A_928 : i32 to index
      %get3A_939 = arith.constant 32 : index
      %get3A_940 = tpu.vector_load %arg7[%get3A_938, %get3A_939] {strides = array<i32>} : memref<640x64xf32, #tpu.memory_space<vmem>>, vector<16xf32>,
      %mul3A_941 = arith.mulf %get3A_940, %get3A_442 : vector<16xf32>
      %add3A_942 = arith.addf %add3A_937, %mul3A_941 : vector<16xf32>
      %get3A_943 = arith.index_cast %add3A_928 : i32 to index
      %get3A_944 = arith.constant 48 : index
      %get3A_945 = tpu.vector_load %arg7[%get3A_943, %get3A_944] {strides = array<i32>} : memref<640x64xf32, #tpu.memory_space<vmem>>, vector<16xf32>,
      %mul3A_946 = arith.mulf %get3A_945, %get3A_445 : vector<16xf32>
      %add3A_947 = arith.addf %add3A_942, %mul3A_946 : vector<16xf32>
      %reduce_sum3A_948 = arith.constant true
      %reduce_sum3A_949 = vector.broadcast %reduce_sum3A_948 : i1 to vector<16xi1>
      %reduce_sum3A_950 = tpu.scan <sum>, %add3A_947 masked %reduce_sum3A_949 : vector<16xf32>, vector<16xi1> -> vector<16xf32>
      %reduce_sum3A_951 = vector.extract %reduce_sum3A_950[15] : f32 from vector<16xf32>
      %broadcast_in_dim3A_952 = vector.broadcast %reduce_sum3A_951 : f32 to vector<16xf32>
      %swap3A_953 = arith.constant 15 : i32
      %swap3A_954 = arith.index_cast %swap3A_953 : i32 to index
      %swap3A_955 = arith.constant 0 : index
      %swap3A_956 = tpu.vector_load %arg10[%swap3A_954, %swap3A_955] {strides = array<i32>} : memref<32x16xf32, #tpu.memory_space<vmem>>, vector<16xf32>,
      tpu.vector_store %arg10[%swap3A_954, %swap3A_955], %broadcast_in_dim3A_952 {strides = array<i32>} : memref<32x16xf32, #tpu.memory_space<vmem>>, vector<16xf32>,
      %mul3A_957 = arith.constant 20 : i32
      %mul3A_958 = arith.muli %scan3A_432, %mul3A_957 : i32
      %add3A_959 = arith.constant 16 : i32
      %add3A_960 = arith.addi %mul3A_958, %add3A_959 : i32
      %get3A_961 = arith.index_cast %add3A_960 : i32 to index
      %get3A_962 = arith.constant 0 : index
      %get3A_963 = tpu.vector_load %arg7[%get3A_961, %get3A_962] {strides = array<i32>} : memref<640x64xf32, #tpu.memory_space<vmem>>, vector<16xf32>,
      %mul3A_964 = arith.mulf %get3A_963, %get3A_436 : vector<16xf32>
      %get3A_965 = arith.index_cast %add3A_960 : i32 to index
      %get3A_966 = arith.constant 16 : index
      %get3A_967 = tpu.vector_load %arg7[%get3A_965, %get3A_966] {strides = array<i32>} : memref<640x64xf32, #tpu.memory_space<vmem>>, vector<16xf32>,
      %mul3A_968 = arith.mulf %get3A_967, %get3A_439 : vector<16xf32>
      %add3A_969 = arith.addf %mul3A_964, %mul3A_968 : vector<16xf32>
      %get3A_970 = arith.index_cast %add3A_960 : i32 to index
      %get3A_971 = arith.constant 32 : index
      %get3A_972 = tpu.vector_load %arg7[%get3A_970, %get3A_971] {strides = array<i32>} : memref<640x64xf32, #tpu.memory_space<vmem>>, vector<16xf32>,
      %mul3A_973 = arith.mulf %get3A_972, %get3A_442 : vector<16xf32>
      %add3A_974 = arith.addf %add3A_969, %mul3A_973 : vector<16xf32>
      %get3A_975 = arith.index_cast %add3A_960 : i32 to index
      %get3A_976 = arith.constant 48 : index
      %get3A_977 = tpu.vector_load %arg7[%get3A_975, %get3A_976] {strides = array<i32>} : memref<640x64xf32, #tpu.memory_space<vmem>>, vector<16xf32>,
      %mul3A_978 = arith.mulf %get3A_977, %get3A_445 : vector<16xf32>
      %add3A_979 = arith.addf %add3A_974, %mul3A_978 : vector<16xf32>
      %reduce_sum3A_980 = arith.constant true
      %reduce_sum3A_981 = vector.broadcast %reduce_sum3A_980 : i1 to vector<16xi1>
      %reduce_sum3A_982 = tpu.scan <sum>, %add3A_979 masked %reduce_sum3A_981 : vector<16xf32>, vector<16xi1> -> vector<16xf32>
      %reduce_sum3A_983 = vector.extract %reduce_sum3A_982[15] : f32 from vector<16xf32>
      %broadcast_in_dim3A_984 = vector.broadcast %reduce_sum3A_983 : f32 to vector<16xf32>
      %swap3A_985 = arith.constant 16 : i32
      %swap3A_986 = arith.index_cast %swap3A_985 : i32 to index
      %swap3A_987 = arith.constant 0 : index
      %swap3A_988 = tpu.vector_load %arg10[%swap3A_986, %swap3A_987] {strides = array<i32>} : memref<32x16xf32, #tpu.memory_space<vmem>>, vector<16xf32>,
      tpu.vector_store %arg10[%swap3A_986, %swap3A_987], %broadcast_in_dim3A_984 {strides = array<i32>} : memref<32x16xf32, #tpu.memory_space<vmem>>, vector<16xf32>,
      %mul3A_989 = arith.constant 20 : i32
      %mul3A_990 = arith.muli %scan3A_432, %mul3A_989 : i32
      %add3A_991 = arith.constant 17 : i32
      %add3A_992 = arith.addi %mul3A_990, %add3A_991 : i32
      %get3A_993 = arith.index_cast %add3A_992 : i32 to index
      %get3A_994 = arith.constant 0 : index
      %get3A_995 = tpu.vector_load %arg7[%get3A_993, %get3A_994] {strides = array<i32>} : memref<640x64xf32, #tpu.memory_space<vmem>>, vector<16xf32>,
      %mul3A_996 = arith.mulf %get3A_995, %get3A_436 : vector<16xf32>
      %get3A_997 = arith.index_cast %add3A_992 : i32 to index
      %get3A_998 = arith.constant 16 : index
      %get3A_999 = tpu.vector_load %arg7[%get3A_997, %get3A_998] {strides = array<i32>} : memref<640x64xf32, #tpu.memory_space<vmem>>, vector<16xf32>,
      %mul3A_1000 = arith.mulf %get3A_999, %get3A_439 : vector<16xf32>
      %add3A_1001 = arith.addf %mul3A_996, %mul3A_1000 : vector<16xf32>
      %get3A_1002 = arith.index_cast %add3A_992 : i32 to index
      %get3A_1003 = arith.constant 32 : index
      %get3A_1004 = tpu.vector_load %arg7[%get3A_1002, %get3A_1003] {strides = array<i32>} : memref<640x64xf32, #tpu.memory_space<vmem>>, vector<16xf32>,
      %mul3A_1005 = arith.mulf %get3A_1004, %get3A_442 : vector<16xf32>
      %add3A_1006 = arith.addf %add3A_1001, %mul3A_1005 : vector<16xf32>
      %get3A_1007 = arith.index_cast %add3A_992 : i32 to index
      %get3A_1008 = arith.constant 48 : index
      %get3A_1009 = tpu.vector_load %arg7[%get3A_1007, %get3A_1008] {strides = array<i32>} : memref<640x64xf32, #tpu.memory_space<vmem>>, vector<16xf32>,
      %mul3A_1010 = arith.mulf %get3A_1009, %get3A_445 : vector<16xf32>
      %add3A_1011 = arith.addf %add3A_1006, %mul3A_1010 : vector<16xf32>
      %reduce_sum3A_1012 = arith.constant true
      %reduce_sum3A_1013 = vector.broadcast %reduce_sum3A_1012 : i1 to vector<16xi1>
      %reduce_sum3A_1014 = tpu.scan <sum>, %add3A_1011 masked %reduce_sum3A_1013 : vector<16xf32>, vector<16xi1> -> vector<16xf32>
      %reduce_sum3A_1015 = vector.extract %reduce_sum3A_1014[15] : f32 from vector<16xf32>
      %broadcast_in_dim3A_1016 = vector.broadcast %reduce_sum3A_1015 : f32 to vector<16xf32>
      %swap3A_1017 = arith.constant 17 : i32
      %swap3A_1018 = arith.index_cast %swap3A_1017 : i32 to index
      %swap3A_1019 = arith.constant 0 : index
      %swap3A_1020 = tpu.vector_load %arg10[%swap3A_1018, %swap3A_1019] {strides = array<i32>} : memref<32x16xf32, #tpu.memory_space<vmem>>, vector<16xf32>,
      tpu.vector_store %arg10[%swap3A_1018, %swap3A_1019], %broadcast_in_dim3A_1016 {strides = array<i32>} : memref<32x16xf32, #tpu.memory_space<vmem>>, vector<16xf32>,
      %mul3A_1021 = arith.constant 20 : i32
      %mul3A_1022 = arith.muli %scan3A_432, %mul3A_1021 : i32
      %add3A_1023 = arith.constant 18 : i32
      %add3A_1024 = arith.addi %mul3A_1022, %add3A_1023 : i32
      %get3A_1025 = arith.index_cast %add3A_1024 : i32 to index
      %get3A_1026 = arith.constant 0 : index
      %get3A_1027 = tpu.vector_load %arg7[%get3A_1025, %get3A_1026] {strides = array<i32>} : memref<640x64xf32, #tpu.memory_space<vmem>>, vector<16xf32>,
      %mul3A_1028 = arith.mulf %get3A_1027, %get3A_436 : vector<16xf32>
      %get3A_1029 = arith.index_cast %add3A_1024 : i32 to index
      %get3A_1030 = arith.constant 16 : index
      %get3A_1031 = tpu.vector_load %arg7[%get3A_1029, %get3A_1030] {strides = array<i32>} : memref<640x64xf32, #tpu.memory_space<vmem>>, vector<16xf32>,
      %mul3A_1032 = arith.mulf %get3A_1031, %get3A_439 : vector<16xf32>
      %add3A_1033 = arith.addf %mul3A_1028, %mul3A_1032 : vector<16xf32>
      %get3A_1034 = arith.index_cast %add3A_1024 : i32 to index
      %get3A_1035 = arith.constant 32 : index
      %get3A_1036 = tpu.vector_load %arg7[%get3A_1034, %get3A_1035] {strides = array<i32>} : memref<640x64xf32, #tpu.memory_space<vmem>>, vector<16xf32>,
      %mul3A_1037 = arith.mulf %get3A_1036, %get3A_442 : vector<16xf32>
      %add3A_1038 = arith.addf %add3A_1033, %mul3A_1037 : vector<16xf32>
      %get3A_1039 = arith.index_cast %add3A_1024 : i32 to index
      %get3A_1040 = arith.constant 48 : index
      %get3A_1041 = tpu.vector_load %arg7[%get3A_1039, %get3A_1040] {strides = array<i32>} : memref<640x64xf32, #tpu.memory_space<vmem>>, vector<16xf32>,
      %mul3A_1042 = arith.mulf %get3A_1041, %get3A_445 : vector<16xf32>
      %add3A_1043 = arith.addf %add3A_1038, %mul3A_1042 : vector<16xf32>
      %reduce_sum3A_1044 = arith.constant true
      %reduce_sum3A_1045 = vector.broadcast %reduce_sum3A_1044 : i1 to vector<16xi1>
      %reduce_sum3A_1046 = tpu.scan <sum>, %add3A_1043 masked %reduce_sum3A_1045 : vector<16xf32>, vector<16xi1> -> vector<16xf32>
      %reduce_sum3A_1047 = vector.extract %reduce_sum3A_1046[15] : f32 from vector<16xf32>
      %broadcast_in_dim3A_1048 = vector.broadcast %reduce_sum3A_1047 : f32 to vector<16xf32>
      %swap3A_1049 = arith.constant 18 : i32
      %swap3A_1050 = arith.index_cast %swap3A_1049 : i32 to index
      %swap3A_1051 = arith.constant 0 : index
      %swap3A_1052 = tpu.vector_load %arg10[%swap3A_1050, %swap3A_1051] {strides = array<i32>} : memref<32x16xf32, #tpu.memory_space<vmem>>, vector<16xf32>,
      tpu.vector_store %arg10[%swap3A_1050, %swap3A_1051], %broadcast_in_dim3A_1048 {strides = array<i32>} : memref<32x16xf32, #tpu.memory_space<vmem>>, vector<16xf32>,
      %mul3A_1053 = arith.constant 20 : i32
      %mul3A_1054 = arith.muli %scan3A_432, %mul3A_1053 : i32
      %add3A_1055 = arith.constant 19 : i32
      %add3A_1056 = arith.addi %mul3A_1054, %add3A_1055 : i32
      %get3A_1057 = arith.index_cast %add3A_1056 : i32 to index
      %get3A_1058 = arith.constant 0 : index
      %get3A_1059 = tpu.vector_load %arg7[%get3A_1057, %get3A_1058] {strides = array<i32>} : memref<640x64xf32, #tpu.memory_space<vmem>>, vector<16xf32>,
      %mul3A_1060 = arith.mulf %get3A_1059, %get3A_436 : vector<16xf32>
      %get3A_1061 = arith.index_cast %add3A_1056 : i32 to index
      %get3A_1062 = arith.constant 16 : index
      %get3A_1063 = tpu.vector_load %arg7[%get3A_1061, %get3A_1062] {strides = array<i32>} : memref<640x64xf32, #tpu.memory_space<vmem>>, vector<16xf32>,
      %mul3A_1064 = arith.mulf %get3A_1063, %get3A_439 : vector<16xf32>
      %add3A_1065 = arith.addf %mul3A_1060, %mul3A_1064 : vector<16xf32>
      %get3A_1066 = arith.index_cast %add3A_1056 : i32 to index
      %get3A_1067 = arith.constant 32 : index
      %get3A_1068 = tpu.vector_load %arg7[%get3A_1066, %get3A_1067] {strides = array<i32>} : memref<640x64xf32, #tpu.memory_space<vmem>>, vector<16xf32>,
      %mul3A_1069 = arith.mulf %get3A_1068, %get3A_442 : vector<16xf32>
      %add3A_1070 = arith.addf %add3A_1065, %mul3A_1069 : vector<16xf32>
      %get3A_1071 = arith.index_cast %add3A_1056 : i32 to index
      %get3A_1072 = arith.constant 48 : index
      %get3A_1073 = tpu.vector_load %arg7[%get3A_1071, %get3A_1072] {strides = array<i32>} : memref<640x64xf32, #tpu.memory_space<vmem>>, vector<16xf32>,
      %mul3A_1074 = arith.mulf %get3A_1073, %get3A_445 : vector<16xf32>
      %add3A_1075 = arith.addf %add3A_1070, %mul3A_1074 : vector<16xf32>
      %reduce_sum3A_1076 = arith.constant true
      %reduce_sum3A_1077 = vector.broadcast %reduce_sum3A_1076 : i1 to vector<16xi1>
      %reduce_sum3A_1078 = tpu.scan <sum>, %add3A_1075 masked %reduce_sum3A_1077 : vector<16xf32>, vector<16xi1> -> vector<16xf32>
      %reduce_sum3A_1079 = vector.extract %reduce_sum3A_1078[15] : f32 from vector<16xf32>
      %broadcast_in_dim3A_1080 = vector.broadcast %reduce_sum3A_1079 : f32 to vector<16xf32>
      %swap3A_1081 = arith.constant 19 : i32
      %swap3A_1082 = arith.index_cast %swap3A_1081 : i32 to index
      %swap3A_1083 = arith.constant 0 : index
      %swap3A_1084 = tpu.vector_load %arg10[%swap3A_1082, %swap3A_1083] {strides = array<i32>} : memref<32x16xf32, #tpu.memory_space<vmem>>, vector<16xf32>,
      tpu.vector_store %arg10[%swap3A_1082, %swap3A_1083], %broadcast_in_dim3A_1080 {strides = array<i32>} : memref<32x16xf32, #tpu.memory_space<vmem>>, vector<16xf32>,
      %iota3A = tpu.iota {dimensions = array<i32: 0>} : vector<16xi32>
      %broadcast_in_dim3A_1085 = arith.constant 0 : i32
      %broadcast_in_dim3A_1086 = vector.broadcast %broadcast_in_dim3A_1085 : i32 to vector<16xi32>
      %gather3A = tpu.vector_load_idx %arg10[%iota3A, %broadcast_in_dim3A_1086] : memref<32x16xf32, #tpu.memory_space<vmem>>[vector<16xi32>, vector<16xi32>], vector<16xf32>,
      %add3A_1087 = arith.constant 16 : i32
      %add3A_1088 = vector.broadcast %add3A_1087 : i32 to vector<16xi32>
      %add3A_1089 = arith.addi %iota3A, %add3A_1088 : vector<16xi32>
      %gather3A_1090 = tpu.vector_load_idx %arg10[%add3A_1089, %broadcast_in_dim3A_1086] : memref<32x16xf32, #tpu.memory_space<vmem>>[vector<16xi32>, vector<16xi32>], vector<16xf32>,
      %reduce_max3A = arith.constant true
      %reduce_max3A_1091 = vector.broadcast %reduce_max3A : i1 to vector<16xi1>
      %reduce_max3A_1092 = tpu.scan <max>, %gather3A masked %reduce_max3A_1091 : vector<16xf32>, vector<16xi1> -> vector<16xf32>
      %reduce_max3A_1093 = vector.extract %reduce_max3A_1092[15] : f32 from vector<16xf32>
      %reduce_max3A_1094 = arith.constant true
      %reduce_max3A_1095 = vector.broadcast %reduce_max3A_1094 : i1 to vector<16xi1>
      %reduce_max3A_1096 = tpu.scan <max>, %gather3A_1090 masked %reduce_max3A_1095 : vector<16xf32>, vector<16xi1> -> vector<16xf32>
      %reduce_max3A_1097 = vector.extract %reduce_max3A_1096[15] : f32 from vector<16xf32>
      %max3A = arith.maximumf %reduce_max3A_1093, %reduce_max3A_1097 : f32
      %sub3A = vector.broadcast %max3A : f32 to vector<16xf32>
      %sub3A_1098 = arith.subf %gather3A, %sub3A : vector<16xf32>
      %exp3A = math.exp %sub3A_1098 : vector<16xf32>
      %sub3A_1099 = vector.broadcast %max3A : f32 to vector<16xf32>
      %sub3A_1100 = arith.subf %gather3A_1090, %sub3A_1099 : vector<16xf32>
      %exp3A_1101 = math.exp %sub3A_1100 : vector<16xf32>
      %reduce_sum3A_1102 = arith.constant true
      %reduce_sum3A_1103 = vector.broadcast %reduce_sum3A_1102 : i1 to vector<16xi1>
      %reduce_sum3A_1104 = tpu.scan <sum>, %exp3A masked %reduce_sum3A_1103 : vector<16xf32>, vector<16xi1> -> vector<16xf32>
      %reduce_sum3A_1105 = vector.extract %reduce_sum3A_1104[15] : f32 from vector<16xf32>
      %reduce_sum3A_1106 = arith.constant true
      %reduce_sum3A_1107 = vector.broadcast %reduce_sum3A_1106 : i1 to vector<16xi1>
      %reduce_sum3A_1108 = tpu.scan <sum>, %exp3A_1101 masked %reduce_sum3A_1107 : vector<16xf32>, vector<16xi1> -> vector<16xf32>
      %reduce_sum3A_1109 = vector.extract %reduce_sum3A_1108[15] : f32 from vector<16xf32>
      %add3A_1110 = arith.addf %reduce_sum3A_1105, %reduce_sum3A_1109 : f32
      %broadcast_in_dim3A_1111 = vector.broadcast %add3A_1110 : f32 to vector<16xf32>
      %div3A = arith.divf %exp3A, %broadcast_in_dim3A_1111 : vector<16xf32>
      %swap3A_1112 = arith.index_cast %scan3A_432 : i32 to index
      %swap3A_1113 = arith.constant 0 : index
      %swap3A_1114 = tpu.vector_load %arg9[%swap3A_1112, %swap3A_1113] {strides = array<i32>} : memref<32x32xf32, #tpu.memory_space<vmem>>, vector<16xf32>,
      tpu.vector_store %arg9[%swap3A_1112, %swap3A_1113], %div3A {strides = array<i32>} : memref<32x32xf32, #tpu.memory_space<vmem>>, vector<16xf32>,
      %div3A_1115 = arith.divf %exp3A_1101, %broadcast_in_dim3A_1111 : vector<16xf32>
      %swap3A_1116 = arith.index_cast %scan3A_432 : i32 to index
      %swap3A_1117 = arith.constant 16 : index
      %swap3A_1118 = tpu.vector_load %arg9[%swap3A_1116, %swap3A_1117] {strides = array<i32>} : memref<32x32xf32, #tpu.memory_space<vmem>>, vector<16xf32>,
      tpu.vector_store %arg9[%swap3A_1116, %swap3A_1117], %div3A_1115 {strides = array<i32>} : memref<32x32xf32, #tpu.memory_space<vmem>>, vector<16xf32>,
    }
    %scan3A_239 = arith.constant 32 : i32
    "tpu.region"() ({
      %run_scoped3A = tpu.sem_alloc : memref<!tpu.dma_semaphore, #tpu.memory_space<semaphore_mem>>
      %dma_start3A_432 = arith.constant 0 : i32
      %dma_start3A_433 = tpu.memref_slice %arg5[%add3A_147, %dma_start3A_432] : memref<4096x32xf32, #tpu.memory_space<hbm>> -> memref<32x32xf32, #tpu.memory_space<hbm>>
      %dma_start3A_434 = arith.constant 0 : i32
      %dma_start3A_435 = tpu.memref_slice %arg5[%add3A_147, %dma_start3A_434] : memref<4096x32xf32, #tpu.memory_space<hbm>> -> memref<32x32xf32, #tpu.memory_space<hbm>>
      tpu.enqueue_dma source(%arg9 : memref<32x32xf32, #tpu.memory_space<vmem>>) target(%dma_start3A_435 : memref<32x32xf32, #tpu.memory_space<hbm>>) target_semaphore(%run_scoped3A : memref<!tpu.dma_semaphore, #tpu.memory_space<semaphore_mem>>)
      %dma_wait3A_436 = arith.constant 0 : i32
      %dma_wait3A_437 = tpu.memref_slice %arg5[%add3A_147, %dma_wait3A_436] : memref<4096x32xf32, #tpu.memory_space<hbm>> -> memref<32x32xf32, #tpu.memory_space<hbm>>
      %dma_wait3A_438 = arith.constant 0 : i32
      %dma_wait3A_439 = tpu.memref_slice %arg5[%add3A_147, %dma_wait3A_438] : memref<4096x32xf32, #tpu.memory_space<hbm>> -> memref<32x32xf32, #tpu.memory_space<hbm>>
      tpu.wait_dma2 semaphore(%run_scoped3A : memref<!tpu.dma_semaphore, #tpu.memory_space<semaphore_mem>>) src(%arg9 : memref<32x32xf32, #tpu.memory_space<vmem>>) dst(%dma_wait3A_439 : memref<32x32xf32, #tpu.memory_space<hbm>>)
      tpu.yield
    }) : () -> ()
    %mul3A_240 = arith.constant 128 : i32
    %mul3A_241 = arith.muli %add3A, %mul3A_240 : i32
    %add3A_242 = arith.constant 64 : i32
    %add3A_243 = arith.addi %mul3A_241, %add3A_242 : i32
    %mul3A_244 = arith.constant 128 : i32
    %mul3A_245 = arith.muli %add3A, %mul3A_244 : i32
    %add3A_246 = arith.constant 64 : i32
    %add3A_247 = arith.addi %mul3A_245, %add3A_246 : i32
    %mul3A_248 = arith.constant 20 : i32
    %mul3A_249 = arith.muli %add3A_247, %mul3A_248 : i32
    "tpu.region"() ({
      %run_scoped3A = tpu.sem_alloc : memref<!tpu.dma_semaphore, #tpu.memory_space<semaphore_mem>>
      %dma_start3A_432 = tpu.memref_slice %arg3[%mul3A_249] : memref<81920xi32, #tpu.memory_space<hbm>> -> memref<640xi32, #tpu.memory_space<hbm>>
      %dma_start3A_433 = tpu.memref_slice %arg3[%mul3A_249] : memref<81920xi32, #tpu.memory_space<hbm>> -> memref<640xi32, #tpu.memory_space<hbm>>
      tpu.enqueue_dma source(%dma_start3A_433 : memref<640xi32, #tpu.memory_space<hbm>>) target(%arg6 : memref<640xi32, #tpu.memory_space<vmem>>) target_semaphore(%run_scoped3A : memref<!tpu.dma_semaphore, #tpu.memory_space<semaphore_mem>>)
      %dma_wait3A_434 = tpu.memref_slice %arg3[%mul3A_249] : memref<81920xi32, #tpu.memory_space<hbm>> -> memref<640xi32, #tpu.memory_space<hbm>>
      %dma_wait3A_435 = tpu.memref_slice %arg3[%mul3A_249] : memref<81920xi32, #tpu.memory_space<hbm>> -> memref<640xi32, #tpu.memory_space<hbm>>
      tpu.wait_dma2 semaphore(%run_scoped3A : memref<!tpu.dma_semaphore, #tpu.memory_space<semaphore_mem>>) src(%dma_wait3A_435 : memref<640xi32, #tpu.memory_space<hbm>>) dst(%arg6 : memref<640xi32, #tpu.memory_space<vmem>>)
      tpu.yield
    }) : () -> ()
    %dma_start3A_250 = arith.constant 0 : i32
    %dma_start3A_251 = arith.constant 0 : i32
    %dma_start3A_252 = tpu.memref_slice %arg7[%dma_start3A_250, %dma_start3A_251] : memref<640x64xf32, #tpu.memory_space<vmem>> -> memref<128x64xf32, #tpu.memory_space<vmem>>
    %dma_start3A_253 = arith.constant 0 : i32
    %dma_start3A_254 = tpu.memref_slice %arg6[%dma_start3A_253] : memref<640xi32, #tpu.memory_space<vmem>> -> memref<128xi32, #tpu.memory_space<vmem>>
    %dma_start3A_255 = arith.constant 0 : i32
    %dma_start3A_256 = arith.constant 0 : i32
    %dma_start3A_257 = tpu.memref_slice %arg4[%dma_start3A_255, %dma_start3A_256] : memref<1000000x64xf32, #tpu.memory_space<hbm>> -> memref<1000000x64xf32, #tpu.memory_space<hbm>>
    tpu.enqueue_indirect_dma source(%dma_start3A_257 : memref<1000000x64xf32, #tpu.memory_space<hbm>>) target(%dma_start3A_252 : memref<128x64xf32, #tpu.memory_space<vmem>>) offsets(%dma_start3A_254 : memref<128xi32, #tpu.memory_space<vmem>>) semaphore(%arg11 : memref<!tpu.dma_semaphore, #tpu.memory_space<semaphore_mem>>)
    %dma_start3A_258 = arith.constant 128 : i32
    %dma_start3A_259 = arith.constant 0 : i32
    %dma_start3A_260 = tpu.memref_slice %arg7[%dma_start3A_258, %dma_start3A_259] : memref<640x64xf32, #tpu.memory_space<vmem>> -> memref<128x64xf32, #tpu.memory_space<vmem>>
    %dma_start3A_261 = arith.constant 128 : i32
    %dma_start3A_262 = tpu.memref_slice %arg6[%dma_start3A_261] : memref<640xi32, #tpu.memory_space<vmem>> -> memref<128xi32, #tpu.memory_space<vmem>>
    %dma_start3A_263 = arith.constant 0 : i32
    %dma_start3A_264 = arith.constant 0 : i32
    %dma_start3A_265 = tpu.memref_slice %arg4[%dma_start3A_263, %dma_start3A_264] : memref<1000000x64xf32, #tpu.memory_space<hbm>> -> memref<1000000x64xf32, #tpu.memory_space<hbm>>
    tpu.enqueue_indirect_dma source(%dma_start3A_265 : memref<1000000x64xf32, #tpu.memory_space<hbm>>) target(%dma_start3A_260 : memref<128x64xf32, #tpu.memory_space<vmem>>) offsets(%dma_start3A_262 : memref<128xi32, #tpu.memory_space<vmem>>) semaphore(%arg11 : memref<!tpu.dma_semaphore, #tpu.memory_space<semaphore_mem>>)
    %dma_start3A_266 = arith.constant 256 : i32
    %dma_start3A_267 = arith.constant 0 : i32
    %dma_start3A_268 = tpu.memref_slice %arg7[%dma_start3A_266, %dma_start3A_267] : memref<640x64xf32, #tpu.memory_space<vmem>> -> memref<128x64xf32, #tpu.memory_space<vmem>>
    %dma_start3A_269 = arith.constant 256 : i32
    %dma_start3A_270 = tpu.memref_slice %arg6[%dma_start3A_269] : memref<640xi32, #tpu.memory_space<vmem>> -> memref<128xi32, #tpu.memory_space<vmem>>
    %dma_start3A_271 = arith.constant 0 : i32
    %dma_start3A_272 = arith.constant 0 : i32
    %dma_start3A_273 = tpu.memref_slice %arg4[%dma_start3A_271, %dma_start3A_272] : memref<1000000x64xf32, #tpu.memory_space<hbm>> -> memref<1000000x64xf32, #tpu.memory_space<hbm>>
    tpu.enqueue_indirect_dma source(%dma_start3A_273 : memref<1000000x64xf32, #tpu.memory_space<hbm>>) target(%dma_start3A_268 : memref<128x64xf32, #tpu.memory_space<vmem>>) offsets(%dma_start3A_270 : memref<128xi32, #tpu.memory_space<vmem>>) semaphore(%arg11 : memref<!tpu.dma_semaphore, #tpu.memory_space<semaphore_mem>>)
    %dma_start3A_274 = arith.constant 384 : i32
    %dma_start3A_275 = arith.constant 0 : i32
    %dma_start3A_276 = tpu.memref_slice %arg7[%dma_start3A_274, %dma_start3A_275] : memref<640x64xf32, #tpu.memory_space<vmem>> -> memref<128x64xf32, #tpu.memory_space<vmem>>
    %dma_start3A_277 = arith.constant 384 : i32
    %dma_start3A_278 = tpu.memref_slice %arg6[%dma_start3A_277] : memref<640xi32, #tpu.memory_space<vmem>> -> memref<128xi32, #tpu.memory_space<vmem>>
    %dma_start3A_279 = arith.constant 0 : i32
    %dma_start3A_280 = arith.constant 0 : i32
    %dma_start3A_281 = tpu.memref_slice %arg4[%dma_start3A_279, %dma_start3A_280] : memref<1000000x64xf32, #tpu.memory_space<hbm>> -> memref<1000000x64xf32, #tpu.memory_space<hbm>>
    tpu.enqueue_indirect_dma source(%dma_start3A_281 : memref<1000000x64xf32, #tpu.memory_space<hbm>>) target(%dma_start3A_276 : memref<128x64xf32, #tpu.memory_space<vmem>>) offsets(%dma_start3A_278 : memref<128xi32, #tpu.memory_space<vmem>>) semaphore(%arg11 : memref<!tpu.dma_semaphore, #tpu.memory_space<semaphore_mem>>)
    %dma_start3A_282 = arith.constant 512 : i32
    %dma_start3A_283 = arith.constant 0 : i32
    %dma_start3A_284 = tpu.memref_slice %arg7[%dma_start3A_282, %dma_start3A_283] : memref<640x64xf32, #tpu.memory_space<vmem>> -> memref<128x64xf32, #tpu.memory_space<vmem>>
    %dma_start3A_285 = arith.constant 512 : i32
    %dma_start3A_286 = tpu.memref_slice %arg6[%dma_start3A_285] : memref<640xi32, #tpu.memory_space<vmem>> -> memref<128xi32, #tpu.memory_space<vmem>>
    %dma_start3A_287 = arith.constant 0 : i32
    %dma_start3A_288 = arith.constant 0 : i32
    %dma_start3A_289 = tpu.memref_slice %arg4[%dma_start3A_287, %dma_start3A_288] : memref<1000000x64xf32, #tpu.memory_space<hbm>> -> memref<1000000x64xf32, #tpu.memory_space<hbm>>
    tpu.enqueue_indirect_dma source(%dma_start3A_289 : memref<1000000x64xf32, #tpu.memory_space<hbm>>) target(%dma_start3A_284 : memref<128x64xf32, #tpu.memory_space<vmem>>) offsets(%dma_start3A_286 : memref<128xi32, #tpu.memory_space<vmem>>) semaphore(%arg11 : memref<!tpu.dma_semaphore, #tpu.memory_space<semaphore_mem>>)
    %dma_wait3A_290 = arith.constant 0 : i32
    %dma_wait3A_291 = arith.constant 0 : i32
    %dma_wait3A_292 = tpu.memref_slice %arg7[%dma_wait3A_290, %dma_wait3A_291] : memref<640x64xf32, #tpu.memory_space<vmem>> -> memref<128x64xf32, #tpu.memory_space<vmem>>
    %dma_wait3A_293 = arith.constant 0 : i32
    %dma_wait3A_294 = tpu.memref_slice %arg6[%dma_wait3A_293] : memref<640xi32, #tpu.memory_space<vmem>> -> memref<128xi32, #tpu.memory_space<vmem>>
    %dma_wait3A_295 = arith.constant 0 : i32
    %dma_wait3A_296 = arith.constant 0 : i32
    %dma_wait3A_297 = tpu.memref_slice %arg4[%dma_wait3A_295, %dma_wait3A_296] : memref<1000000x64xf32, #tpu.memory_space<hbm>> -> memref<1000000x64xf32, #tpu.memory_space<hbm>>
    tpu.wait_indirect_dma semaphore(%arg11 : memref<!tpu.dma_semaphore, #tpu.memory_space<semaphore_mem>>) src(%dma_wait3A_297 : memref<1000000x64xf32, #tpu.memory_space<hbm>>) dst(%dma_wait3A_292 : memref<128x64xf32, #tpu.memory_space<vmem>>)
    %dma_wait3A_298 = arith.constant 128 : i32
    %dma_wait3A_299 = arith.constant 0 : i32
    %dma_wait3A_300 = tpu.memref_slice %arg7[%dma_wait3A_298, %dma_wait3A_299] : memref<640x64xf32, #tpu.memory_space<vmem>> -> memref<128x64xf32, #tpu.memory_space<vmem>>
    %dma_wait3A_301 = arith.constant 128 : i32
    %dma_wait3A_302 = tpu.memref_slice %arg6[%dma_wait3A_301] : memref<640xi32, #tpu.memory_space<vmem>> -> memref<128xi32, #tpu.memory_space<vmem>>
    %dma_wait3A_303 = arith.constant 0 : i32
    %dma_wait3A_304 = arith.constant 0 : i32
    %dma_wait3A_305 = tpu.memref_slice %arg4[%dma_wait3A_303, %dma_wait3A_304] : memref<1000000x64xf32, #tpu.memory_space<hbm>> -> memref<1000000x64xf32, #tpu.memory_space<hbm>>
    tpu.wait_indirect_dma semaphore(%arg11 : memref<!tpu.dma_semaphore, #tpu.memory_space<semaphore_mem>>) src(%dma_wait3A_305 : memref<1000000x64xf32, #tpu.memory_space<hbm>>) dst(%dma_wait3A_300 : memref<128x64xf32, #tpu.memory_space<vmem>>)
    %dma_wait3A_306 = arith.constant 256 : i32
    %dma_wait3A_307 = arith.constant 0 : i32
    %dma_wait3A_308 = tpu.memref_slice %arg7[%dma_wait3A_306, %dma_wait3A_307] : memref<640x64xf32, #tpu.memory_space<vmem>> -> memref<128x64xf32, #tpu.memory_space<vmem>>
    %dma_wait3A_309 = arith.constant 256 : i32
    %dma_wait3A_310 = tpu.memref_slice %arg6[%dma_wait3A_309] : memref<640xi32, #tpu.memory_space<vmem>> -> memref<128xi32, #tpu.memory_space<vmem>>
    %dma_wait3A_311 = arith.constant 0 : i32
    %dma_wait3A_312 = arith.constant 0 : i32
    %dma_wait3A_313 = tpu.memref_slice %arg4[%dma_wait3A_311, %dma_wait3A_312] : memref<1000000x64xf32, #tpu.memory_space<hbm>> -> memref<1000000x64xf32, #tpu.memory_space<hbm>>
    tpu.wait_indirect_dma semaphore(%arg11 : memref<!tpu.dma_semaphore, #tpu.memory_space<semaphore_mem>>) src(%dma_wait3A_313 : memref<1000000x64xf32, #tpu.memory_space<hbm>>) dst(%dma_wait3A_308 : memref<128x64xf32, #tpu.memory_space<vmem>>)
    %dma_wait3A_314 = arith.constant 384 : i32
    %dma_wait3A_315 = arith.constant 0 : i32
    %dma_wait3A_316 = tpu.memref_slice %arg7[%dma_wait3A_314, %dma_wait3A_315] : memref<640x64xf32, #tpu.memory_space<vmem>> -> memref<128x64xf32, #tpu.memory_space<vmem>>
    %dma_wait3A_317 = arith.constant 384 : i32
    %dma_wait3A_318 = tpu.memref_slice %arg6[%dma_wait3A_317] : memref<640xi32, #tpu.memory_space<vmem>> -> memref<128xi32, #tpu.memory_space<vmem>>
    %dma_wait3A_319 = arith.constant 0 : i32
    %dma_wait3A_320 = arith.constant 0 : i32
    %dma_wait3A_321 = tpu.memref_slice %arg4[%dma_wait3A_319, %dma_wait3A_320] : memref<1000000x64xf32, #tpu.memory_space<hbm>> -> memref<1000000x64xf32, #tpu.memory_space<hbm>>
    tpu.wait_indirect_dma semaphore(%arg11 : memref<!tpu.dma_semaphore, #tpu.memory_space<semaphore_mem>>) src(%dma_wait3A_321 : memref<1000000x64xf32, #tpu.memory_space<hbm>>) dst(%dma_wait3A_316 : memref<128x64xf32, #tpu.memory_space<vmem>>)
    %dma_wait3A_322 = arith.constant 512 : i32
    %dma_wait3A_323 = arith.constant 0 : i32
    %dma_wait3A_324 = tpu.memref_slice %arg7[%dma_wait3A_322, %dma_wait3A_323] : memref<640x64xf32, #tpu.memory_space<vmem>> -> memref<128x64xf32, #tpu.memory_space<vmem>>
    %dma_wait3A_325 = arith.constant 512 : i32
    %dma_wait3A_326 = tpu.memref_slice %arg6[%dma_wait3A_325] : memref<640xi32, #tpu.memory_space<vmem>> -> memref<128xi32, #tpu.memory_space<vmem>>
    %dma_wait3A_327 = arith.constant 0 : i32
    %dma_wait3A_328 = arith.constant 0 : i32
    %dma_wait3A_329 = tpu.memref_slice %arg4[%dma_wait3A_327, %dma_wait3A_328] : memref<1000000x64xf32, #tpu.memory_space<hbm>> -> memref<1000000x64xf32, #tpu.memory_space<hbm>>
    tpu.wait_indirect_dma semaphore(%arg11 : memref<!tpu.dma_semaphore, #tpu.memory_space<semaphore_mem>>) src(%dma_wait3A_329 : memref<1000000x64xf32, #tpu.memory_space<hbm>>) dst(%dma_wait3A_324 : memref<128x64xf32, #tpu.memory_space<vmem>>)
    %scan3A_330 = arith.constant 0 : i32
    %scan3A_331 = arith.constant 0 : i32
    %scan3A_332 = arith.constant 32 : i32
    %scan3A_333 = arith.addi %scan3A_331, %scan3A_332 : i32
    %scan3A_334 = arith.constant 1 : i32
    scf.for %scan3A_432 = %scan3A_331 to %scan3A_333 step %scan3A_334  : i32 {
      %add3A_433 = arith.constant 64 : i32
      %add3A_434 = arith.addi %add3A_433, %scan3A_432 : i32
      %get3A = arith.index_cast %add3A_434 : i32 to index
      %get3A_435 = arith.constant 0 : index
      %get3A_436 = tpu.vector_load %arg8[%get3A, %get3A_435] {strides = array<i32>} : memref<128x64xf32, #tpu.memory_space<vmem>>, vector<16xf32>,
      %get3A_437 = arith.index_cast %add3A_434 : i32 to index
      %get3A_438 = arith.constant 16 : index
      %get3A_439 = tpu.vector_load %arg8[%get3A_437, %get3A_438] {strides = array<i32>} : memref<128x64xf32, #tpu.memory_space<vmem>>, vector<16xf32>,
      %get3A_440 = arith.index_cast %add3A_434 : i32 to index
      %get3A_441 = arith.constant 32 : index
      %get3A_442 = tpu.vector_load %arg8[%get3A_440, %get3A_441] {strides = array<i32>} : memref<128x64xf32, #tpu.memory_space<vmem>>, vector<16xf32>,
      %get3A_443 = arith.index_cast %add3A_434 : i32 to index
      %get3A_444 = arith.constant 48 : index
      %get3A_445 = tpu.vector_load %arg8[%get3A_443, %get3A_444] {strides = array<i32>} : memref<128x64xf32, #tpu.memory_space<vmem>>, vector<16xf32>,
      %mul3A_446 = arith.constant 20 : i32
      %mul3A_447 = arith.muli %scan3A_432, %mul3A_446 : i32
      %add3A_448 = arith.constant 0 : i32
      %add3A_449 = arith.addi %mul3A_447, %add3A_448 : i32
      %get3A_450 = arith.index_cast %add3A_449 : i32 to index
      %get3A_451 = arith.constant 0 : index
      %get3A_452 = tpu.vector_load %arg7[%get3A_450, %get3A_451] {strides = array<i32>} : memref<640x64xf32, #tpu.memory_space<vmem>>, vector<16xf32>,
      %mul3A_453 = arith.mulf %get3A_452, %get3A_436 : vector<16xf32>
      %get3A_454 = arith.index_cast %add3A_449 : i32 to index
      %get3A_455 = arith.constant 16 : index
      %get3A_456 = tpu.vector_load %arg7[%get3A_454, %get3A_455] {strides = array<i32>} : memref<640x64xf32, #tpu.memory_space<vmem>>, vector<16xf32>,
      %mul3A_457 = arith.mulf %get3A_456, %get3A_439 : vector<16xf32>
      %add3A_458 = arith.addf %mul3A_453, %mul3A_457 : vector<16xf32>
      %get3A_459 = arith.index_cast %add3A_449 : i32 to index
      %get3A_460 = arith.constant 32 : index
      %get3A_461 = tpu.vector_load %arg7[%get3A_459, %get3A_460] {strides = array<i32>} : memref<640x64xf32, #tpu.memory_space<vmem>>, vector<16xf32>,
      %mul3A_462 = arith.mulf %get3A_461, %get3A_442 : vector<16xf32>
      %add3A_463 = arith.addf %add3A_458, %mul3A_462 : vector<16xf32>
      %get3A_464 = arith.index_cast %add3A_449 : i32 to index
      %get3A_465 = arith.constant 48 : index
      %get3A_466 = tpu.vector_load %arg7[%get3A_464, %get3A_465] {strides = array<i32>} : memref<640x64xf32, #tpu.memory_space<vmem>>, vector<16xf32>,
      %mul3A_467 = arith.mulf %get3A_466, %get3A_445 : vector<16xf32>
      %add3A_468 = arith.addf %add3A_463, %mul3A_467 : vector<16xf32>
      %reduce_sum3A = arith.constant true
      %reduce_sum3A_469 = vector.broadcast %reduce_sum3A : i1 to vector<16xi1>
      %reduce_sum3A_470 = tpu.scan <sum>, %add3A_468 masked %reduce_sum3A_469 : vector<16xf32>, vector<16xi1> -> vector<16xf32>
      %reduce_sum3A_471 = vector.extract %reduce_sum3A_470[15] : f32 from vector<16xf32>
      %broadcast_in_dim3A_472 = vector.broadcast %reduce_sum3A_471 : f32 to vector<16xf32>
      %swap3A_473 = arith.constant 0 : i32
      %swap3A_474 = arith.index_cast %swap3A_473 : i32 to index
      %swap3A_475 = arith.constant 0 : index
      %swap3A_476 = tpu.vector_load %arg10[%swap3A_474, %swap3A_475] {strides = array<i32>} : memref<32x16xf32, #tpu.memory_space<vmem>>, vector<16xf32>,
      tpu.vector_store %arg10[%swap3A_474, %swap3A_475], %broadcast_in_dim3A_472 {strides = array<i32>} : memref<32x16xf32, #tpu.memory_space<vmem>>, vector<16xf32>,
      %mul3A_477 = arith.constant 20 : i32
      %mul3A_478 = arith.muli %scan3A_432, %mul3A_477 : i32
      %add3A_479 = arith.constant 1 : i32
      %add3A_480 = arith.addi %mul3A_478, %add3A_479 : i32
      %get3A_481 = arith.index_cast %add3A_480 : i32 to index
      %get3A_482 = arith.constant 0 : index
      %get3A_483 = tpu.vector_load %arg7[%get3A_481, %get3A_482] {strides = array<i32>} : memref<640x64xf32, #tpu.memory_space<vmem>>, vector<16xf32>,
      %mul3A_484 = arith.mulf %get3A_483, %get3A_436 : vector<16xf32>
      %get3A_485 = arith.index_cast %add3A_480 : i32 to index
      %get3A_486 = arith.constant 16 : index
      %get3A_487 = tpu.vector_load %arg7[%get3A_485, %get3A_486] {strides = array<i32>} : memref<640x64xf32, #tpu.memory_space<vmem>>, vector<16xf32>,
      %mul3A_488 = arith.mulf %get3A_487, %get3A_439 : vector<16xf32>
      %add3A_489 = arith.addf %mul3A_484, %mul3A_488 : vector<16xf32>
      %get3A_490 = arith.index_cast %add3A_480 : i32 to index
      %get3A_491 = arith.constant 32 : index
      %get3A_492 = tpu.vector_load %arg7[%get3A_490, %get3A_491] {strides = array<i32>} : memref<640x64xf32, #tpu.memory_space<vmem>>, vector<16xf32>,
      %mul3A_493 = arith.mulf %get3A_492, %get3A_442 : vector<16xf32>
      %add3A_494 = arith.addf %add3A_489, %mul3A_493 : vector<16xf32>
      %get3A_495 = arith.index_cast %add3A_480 : i32 to index
      %get3A_496 = arith.constant 48 : index
      %get3A_497 = tpu.vector_load %arg7[%get3A_495, %get3A_496] {strides = array<i32>} : memref<640x64xf32, #tpu.memory_space<vmem>>, vector<16xf32>,
      %mul3A_498 = arith.mulf %get3A_497, %get3A_445 : vector<16xf32>
      %add3A_499 = arith.addf %add3A_494, %mul3A_498 : vector<16xf32>
      %reduce_sum3A_500 = arith.constant true
      %reduce_sum3A_501 = vector.broadcast %reduce_sum3A_500 : i1 to vector<16xi1>
      %reduce_sum3A_502 = tpu.scan <sum>, %add3A_499 masked %reduce_sum3A_501 : vector<16xf32>, vector<16xi1> -> vector<16xf32>
      %reduce_sum3A_503 = vector.extract %reduce_sum3A_502[15] : f32 from vector<16xf32>
      %broadcast_in_dim3A_504 = vector.broadcast %reduce_sum3A_503 : f32 to vector<16xf32>
      %swap3A_505 = arith.constant 1 : i32
      %swap3A_506 = arith.index_cast %swap3A_505 : i32 to index
      %swap3A_507 = arith.constant 0 : index
      %swap3A_508 = tpu.vector_load %arg10[%swap3A_506, %swap3A_507] {strides = array<i32>} : memref<32x16xf32, #tpu.memory_space<vmem>>, vector<16xf32>,
      tpu.vector_store %arg10[%swap3A_506, %swap3A_507], %broadcast_in_dim3A_504 {strides = array<i32>} : memref<32x16xf32, #tpu.memory_space<vmem>>, vector<16xf32>,
      %mul3A_509 = arith.constant 20 : i32
      %mul3A_510 = arith.muli %scan3A_432, %mul3A_509 : i32
      %add3A_511 = arith.constant 2 : i32
      %add3A_512 = arith.addi %mul3A_510, %add3A_511 : i32
      %get3A_513 = arith.index_cast %add3A_512 : i32 to index
      %get3A_514 = arith.constant 0 : index
      %get3A_515 = tpu.vector_load %arg7[%get3A_513, %get3A_514] {strides = array<i32>} : memref<640x64xf32, #tpu.memory_space<vmem>>, vector<16xf32>,
      %mul3A_516 = arith.mulf %get3A_515, %get3A_436 : vector<16xf32>
      %get3A_517 = arith.index_cast %add3A_512 : i32 to index
      %get3A_518 = arith.constant 16 : index
      %get3A_519 = tpu.vector_load %arg7[%get3A_517, %get3A_518] {strides = array<i32>} : memref<640x64xf32, #tpu.memory_space<vmem>>, vector<16xf32>,
      %mul3A_520 = arith.mulf %get3A_519, %get3A_439 : vector<16xf32>
      %add3A_521 = arith.addf %mul3A_516, %mul3A_520 : vector<16xf32>
      %get3A_522 = arith.index_cast %add3A_512 : i32 to index
      %get3A_523 = arith.constant 32 : index
      %get3A_524 = tpu.vector_load %arg7[%get3A_522, %get3A_523] {strides = array<i32>} : memref<640x64xf32, #tpu.memory_space<vmem>>, vector<16xf32>,
      %mul3A_525 = arith.mulf %get3A_524, %get3A_442 : vector<16xf32>
      %add3A_526 = arith.addf %add3A_521, %mul3A_525 : vector<16xf32>
      %get3A_527 = arith.index_cast %add3A_512 : i32 to index
      %get3A_528 = arith.constant 48 : index
      %get3A_529 = tpu.vector_load %arg7[%get3A_527, %get3A_528] {strides = array<i32>} : memref<640x64xf32, #tpu.memory_space<vmem>>, vector<16xf32>,
      %mul3A_530 = arith.mulf %get3A_529, %get3A_445 : vector<16xf32>
      %add3A_531 = arith.addf %add3A_526, %mul3A_530 : vector<16xf32>
      %reduce_sum3A_532 = arith.constant true
      %reduce_sum3A_533 = vector.broadcast %reduce_sum3A_532 : i1 to vector<16xi1>
      %reduce_sum3A_534 = tpu.scan <sum>, %add3A_531 masked %reduce_sum3A_533 : vector<16xf32>, vector<16xi1> -> vector<16xf32>
      %reduce_sum3A_535 = vector.extract %reduce_sum3A_534[15] : f32 from vector<16xf32>
      %broadcast_in_dim3A_536 = vector.broadcast %reduce_sum3A_535 : f32 to vector<16xf32>
      %swap3A_537 = arith.constant 2 : i32
      %swap3A_538 = arith.index_cast %swap3A_537 : i32 to index
      %swap3A_539 = arith.constant 0 : index
      %swap3A_540 = tpu.vector_load %arg10[%swap3A_538, %swap3A_539] {strides = array<i32>} : memref<32x16xf32, #tpu.memory_space<vmem>>, vector<16xf32>,
      tpu.vector_store %arg10[%swap3A_538, %swap3A_539], %broadcast_in_dim3A_536 {strides = array<i32>} : memref<32x16xf32, #tpu.memory_space<vmem>>, vector<16xf32>,
      %mul3A_541 = arith.constant 20 : i32
      %mul3A_542 = arith.muli %scan3A_432, %mul3A_541 : i32
      %add3A_543 = arith.constant 3 : i32
      %add3A_544 = arith.addi %mul3A_542, %add3A_543 : i32
      %get3A_545 = arith.index_cast %add3A_544 : i32 to index
      %get3A_546 = arith.constant 0 : index
      %get3A_547 = tpu.vector_load %arg7[%get3A_545, %get3A_546] {strides = array<i32>} : memref<640x64xf32, #tpu.memory_space<vmem>>, vector<16xf32>,
      %mul3A_548 = arith.mulf %get3A_547, %get3A_436 : vector<16xf32>
      %get3A_549 = arith.index_cast %add3A_544 : i32 to index
      %get3A_550 = arith.constant 16 : index
      %get3A_551 = tpu.vector_load %arg7[%get3A_549, %get3A_550] {strides = array<i32>} : memref<640x64xf32, #tpu.memory_space<vmem>>, vector<16xf32>,
      %mul3A_552 = arith.mulf %get3A_551, %get3A_439 : vector<16xf32>
      %add3A_553 = arith.addf %mul3A_548, %mul3A_552 : vector<16xf32>
      %get3A_554 = arith.index_cast %add3A_544 : i32 to index
      %get3A_555 = arith.constant 32 : index
      %get3A_556 = tpu.vector_load %arg7[%get3A_554, %get3A_555] {strides = array<i32>} : memref<640x64xf32, #tpu.memory_space<vmem>>, vector<16xf32>,
      %mul3A_557 = arith.mulf %get3A_556, %get3A_442 : vector<16xf32>
      %add3A_558 = arith.addf %add3A_553, %mul3A_557 : vector<16xf32>
      %get3A_559 = arith.index_cast %add3A_544 : i32 to index
      %get3A_560 = arith.constant 48 : index
      %get3A_561 = tpu.vector_load %arg7[%get3A_559, %get3A_560] {strides = array<i32>} : memref<640x64xf32, #tpu.memory_space<vmem>>, vector<16xf32>,
      %mul3A_562 = arith.mulf %get3A_561, %get3A_445 : vector<16xf32>
      %add3A_563 = arith.addf %add3A_558, %mul3A_562 : vector<16xf32>
      %reduce_sum3A_564 = arith.constant true
      %reduce_sum3A_565 = vector.broadcast %reduce_sum3A_564 : i1 to vector<16xi1>
      %reduce_sum3A_566 = tpu.scan <sum>, %add3A_563 masked %reduce_sum3A_565 : vector<16xf32>, vector<16xi1> -> vector<16xf32>
      %reduce_sum3A_567 = vector.extract %reduce_sum3A_566[15] : f32 from vector<16xf32>
      %broadcast_in_dim3A_568 = vector.broadcast %reduce_sum3A_567 : f32 to vector<16xf32>
      %swap3A_569 = arith.constant 3 : i32
      %swap3A_570 = arith.index_cast %swap3A_569 : i32 to index
      %swap3A_571 = arith.constant 0 : index
      %swap3A_572 = tpu.vector_load %arg10[%swap3A_570, %swap3A_571] {strides = array<i32>} : memref<32x16xf32, #tpu.memory_space<vmem>>, vector<16xf32>,
      tpu.vector_store %arg10[%swap3A_570, %swap3A_571], %broadcast_in_dim3A_568 {strides = array<i32>} : memref<32x16xf32, #tpu.memory_space<vmem>>, vector<16xf32>,
      %mul3A_573 = arith.constant 20 : i32
      %mul3A_574 = arith.muli %scan3A_432, %mul3A_573 : i32
      %add3A_575 = arith.constant 4 : i32
      %add3A_576 = arith.addi %mul3A_574, %add3A_575 : i32
      %get3A_577 = arith.index_cast %add3A_576 : i32 to index
      %get3A_578 = arith.constant 0 : index
      %get3A_579 = tpu.vector_load %arg7[%get3A_577, %get3A_578] {strides = array<i32>} : memref<640x64xf32, #tpu.memory_space<vmem>>, vector<16xf32>,
      %mul3A_580 = arith.mulf %get3A_579, %get3A_436 : vector<16xf32>
      %get3A_581 = arith.index_cast %add3A_576 : i32 to index
      %get3A_582 = arith.constant 16 : index
      %get3A_583 = tpu.vector_load %arg7[%get3A_581, %get3A_582] {strides = array<i32>} : memref<640x64xf32, #tpu.memory_space<vmem>>, vector<16xf32>,
      %mul3A_584 = arith.mulf %get3A_583, %get3A_439 : vector<16xf32>
      %add3A_585 = arith.addf %mul3A_580, %mul3A_584 : vector<16xf32>
      %get3A_586 = arith.index_cast %add3A_576 : i32 to index
      %get3A_587 = arith.constant 32 : index
      %get3A_588 = tpu.vector_load %arg7[%get3A_586, %get3A_587] {strides = array<i32>} : memref<640x64xf32, #tpu.memory_space<vmem>>, vector<16xf32>,
      %mul3A_589 = arith.mulf %get3A_588, %get3A_442 : vector<16xf32>
      %add3A_590 = arith.addf %add3A_585, %mul3A_589 : vector<16xf32>
      %get3A_591 = arith.index_cast %add3A_576 : i32 to index
      %get3A_592 = arith.constant 48 : index
      %get3A_593 = tpu.vector_load %arg7[%get3A_591, %get3A_592] {strides = array<i32>} : memref<640x64xf32, #tpu.memory_space<vmem>>, vector<16xf32>,
      %mul3A_594 = arith.mulf %get3A_593, %get3A_445 : vector<16xf32>
      %add3A_595 = arith.addf %add3A_590, %mul3A_594 : vector<16xf32>
      %reduce_sum3A_596 = arith.constant true
      %reduce_sum3A_597 = vector.broadcast %reduce_sum3A_596 : i1 to vector<16xi1>
      %reduce_sum3A_598 = tpu.scan <sum>, %add3A_595 masked %reduce_sum3A_597 : vector<16xf32>, vector<16xi1> -> vector<16xf32>
      %reduce_sum3A_599 = vector.extract %reduce_sum3A_598[15] : f32 from vector<16xf32>
      %broadcast_in_dim3A_600 = vector.broadcast %reduce_sum3A_599 : f32 to vector<16xf32>
      %swap3A_601 = arith.constant 4 : i32
      %swap3A_602 = arith.index_cast %swap3A_601 : i32 to index
      %swap3A_603 = arith.constant 0 : index
      %swap3A_604 = tpu.vector_load %arg10[%swap3A_602, %swap3A_603] {strides = array<i32>} : memref<32x16xf32, #tpu.memory_space<vmem>>, vector<16xf32>,
      tpu.vector_store %arg10[%swap3A_602, %swap3A_603], %broadcast_in_dim3A_600 {strides = array<i32>} : memref<32x16xf32, #tpu.memory_space<vmem>>, vector<16xf32>,
      %mul3A_605 = arith.constant 20 : i32
      %mul3A_606 = arith.muli %scan3A_432, %mul3A_605 : i32
      %add3A_607 = arith.constant 5 : i32
      %add3A_608 = arith.addi %mul3A_606, %add3A_607 : i32
      %get3A_609 = arith.index_cast %add3A_608 : i32 to index
      %get3A_610 = arith.constant 0 : index
      %get3A_611 = tpu.vector_load %arg7[%get3A_609, %get3A_610] {strides = array<i32>} : memref<640x64xf32, #tpu.memory_space<vmem>>, vector<16xf32>,
      %mul3A_612 = arith.mulf %get3A_611, %get3A_436 : vector<16xf32>
      %get3A_613 = arith.index_cast %add3A_608 : i32 to index
      %get3A_614 = arith.constant 16 : index
      %get3A_615 = tpu.vector_load %arg7[%get3A_613, %get3A_614] {strides = array<i32>} : memref<640x64xf32, #tpu.memory_space<vmem>>, vector<16xf32>,
      %mul3A_616 = arith.mulf %get3A_615, %get3A_439 : vector<16xf32>
      %add3A_617 = arith.addf %mul3A_612, %mul3A_616 : vector<16xf32>
      %get3A_618 = arith.index_cast %add3A_608 : i32 to index
      %get3A_619 = arith.constant 32 : index
      %get3A_620 = tpu.vector_load %arg7[%get3A_618, %get3A_619] {strides = array<i32>} : memref<640x64xf32, #tpu.memory_space<vmem>>, vector<16xf32>,
      %mul3A_621 = arith.mulf %get3A_620, %get3A_442 : vector<16xf32>
      %add3A_622 = arith.addf %add3A_617, %mul3A_621 : vector<16xf32>
      %get3A_623 = arith.index_cast %add3A_608 : i32 to index
      %get3A_624 = arith.constant 48 : index
      %get3A_625 = tpu.vector_load %arg7[%get3A_623, %get3A_624] {strides = array<i32>} : memref<640x64xf32, #tpu.memory_space<vmem>>, vector<16xf32>,
      %mul3A_626 = arith.mulf %get3A_625, %get3A_445 : vector<16xf32>
      %add3A_627 = arith.addf %add3A_622, %mul3A_626 : vector<16xf32>
      %reduce_sum3A_628 = arith.constant true
      %reduce_sum3A_629 = vector.broadcast %reduce_sum3A_628 : i1 to vector<16xi1>
      %reduce_sum3A_630 = tpu.scan <sum>, %add3A_627 masked %reduce_sum3A_629 : vector<16xf32>, vector<16xi1> -> vector<16xf32>
      %reduce_sum3A_631 = vector.extract %reduce_sum3A_630[15] : f32 from vector<16xf32>
      %broadcast_in_dim3A_632 = vector.broadcast %reduce_sum3A_631 : f32 to vector<16xf32>
      %swap3A_633 = arith.constant 5 : i32
      %swap3A_634 = arith.index_cast %swap3A_633 : i32 to index
      %swap3A_635 = arith.constant 0 : index
      %swap3A_636 = tpu.vector_load %arg10[%swap3A_634, %swap3A_635] {strides = array<i32>} : memref<32x16xf32, #tpu.memory_space<vmem>>, vector<16xf32>,
      tpu.vector_store %arg10[%swap3A_634, %swap3A_635], %broadcast_in_dim3A_632 {strides = array<i32>} : memref<32x16xf32, #tpu.memory_space<vmem>>, vector<16xf32>,
      %mul3A_637 = arith.constant 20 : i32
      %mul3A_638 = arith.muli %scan3A_432, %mul3A_637 : i32
      %add3A_639 = arith.constant 6 : i32
      %add3A_640 = arith.addi %mul3A_638, %add3A_639 : i32
      %get3A_641 = arith.index_cast %add3A_640 : i32 to index
      %get3A_642 = arith.constant 0 : index
      %get3A_643 = tpu.vector_load %arg7[%get3A_641, %get3A_642] {strides = array<i32>} : memref<640x64xf32, #tpu.memory_space<vmem>>, vector<16xf32>,
      %mul3A_644 = arith.mulf %get3A_643, %get3A_436 : vector<16xf32>
      %get3A_645 = arith.index_cast %add3A_640 : i32 to index
      %get3A_646 = arith.constant 16 : index
      %get3A_647 = tpu.vector_load %arg7[%get3A_645, %get3A_646] {strides = array<i32>} : memref<640x64xf32, #tpu.memory_space<vmem>>, vector<16xf32>,
      %mul3A_648 = arith.mulf %get3A_647, %get3A_439 : vector<16xf32>
      %add3A_649 = arith.addf %mul3A_644, %mul3A_648 : vector<16xf32>
      %get3A_650 = arith.index_cast %add3A_640 : i32 to index
      %get3A_651 = arith.constant 32 : index
      %get3A_652 = tpu.vector_load %arg7[%get3A_650, %get3A_651] {strides = array<i32>} : memref<640x64xf32, #tpu.memory_space<vmem>>, vector<16xf32>,
      %mul3A_653 = arith.mulf %get3A_652, %get3A_442 : vector<16xf32>
      %add3A_654 = arith.addf %add3A_649, %mul3A_653 : vector<16xf32>
      %get3A_655 = arith.index_cast %add3A_640 : i32 to index
      %get3A_656 = arith.constant 48 : index
      %get3A_657 = tpu.vector_load %arg7[%get3A_655, %get3A_656] {strides = array<i32>} : memref<640x64xf32, #tpu.memory_space<vmem>>, vector<16xf32>,
      %mul3A_658 = arith.mulf %get3A_657, %get3A_445 : vector<16xf32>
      %add3A_659 = arith.addf %add3A_654, %mul3A_658 : vector<16xf32>
      %reduce_sum3A_660 = arith.constant true
      %reduce_sum3A_661 = vector.broadcast %reduce_sum3A_660 : i1 to vector<16xi1>
      %reduce_sum3A_662 = tpu.scan <sum>, %add3A_659 masked %reduce_sum3A_661 : vector<16xf32>, vector<16xi1> -> vector<16xf32>
      %reduce_sum3A_663 = vector.extract %reduce_sum3A_662[15] : f32 from vector<16xf32>
      %broadcast_in_dim3A_664 = vector.broadcast %reduce_sum3A_663 : f32 to vector<16xf32>
      %swap3A_665 = arith.constant 6 : i32
      %swap3A_666 = arith.index_cast %swap3A_665 : i32 to index
      %swap3A_667 = arith.constant 0 : index
      %swap3A_668 = tpu.vector_load %arg10[%swap3A_666, %swap3A_667] {strides = array<i32>} : memref<32x16xf32, #tpu.memory_space<vmem>>, vector<16xf32>,
      tpu.vector_store %arg10[%swap3A_666, %swap3A_667], %broadcast_in_dim3A_664 {strides = array<i32>} : memref<32x16xf32, #tpu.memory_space<vmem>>, vector<16xf32>,
      %mul3A_669 = arith.constant 20 : i32
      %mul3A_670 = arith.muli %scan3A_432, %mul3A_669 : i32
      %add3A_671 = arith.constant 7 : i32
      %add3A_672 = arith.addi %mul3A_670, %add3A_671 : i32
      %get3A_673 = arith.index_cast %add3A_672 : i32 to index
      %get3A_674 = arith.constant 0 : index
      %get3A_675 = tpu.vector_load %arg7[%get3A_673, %get3A_674] {strides = array<i32>} : memref<640x64xf32, #tpu.memory_space<vmem>>, vector<16xf32>,
      %mul3A_676 = arith.mulf %get3A_675, %get3A_436 : vector<16xf32>
      %get3A_677 = arith.index_cast %add3A_672 : i32 to index
      %get3A_678 = arith.constant 16 : index
      %get3A_679 = tpu.vector_load %arg7[%get3A_677, %get3A_678] {strides = array<i32>} : memref<640x64xf32, #tpu.memory_space<vmem>>, vector<16xf32>,
      %mul3A_680 = arith.mulf %get3A_679, %get3A_439 : vector<16xf32>
      %add3A_681 = arith.addf %mul3A_676, %mul3A_680 : vector<16xf32>
      %get3A_682 = arith.index_cast %add3A_672 : i32 to index
      %get3A_683 = arith.constant 32 : index
      %get3A_684 = tpu.vector_load %arg7[%get3A_682, %get3A_683] {strides = array<i32>} : memref<640x64xf32, #tpu.memory_space<vmem>>, vector<16xf32>,
      %mul3A_685 = arith.mulf %get3A_684, %get3A_442 : vector<16xf32>
      %add3A_686 = arith.addf %add3A_681, %mul3A_685 : vector<16xf32>
      %get3A_687 = arith.index_cast %add3A_672 : i32 to index
      %get3A_688 = arith.constant 48 : index
      %get3A_689 = tpu.vector_load %arg7[%get3A_687, %get3A_688] {strides = array<i32>} : memref<640x64xf32, #tpu.memory_space<vmem>>, vector<16xf32>,
      %mul3A_690 = arith.mulf %get3A_689, %get3A_445 : vector<16xf32>
      %add3A_691 = arith.addf %add3A_686, %mul3A_690 : vector<16xf32>
      %reduce_sum3A_692 = arith.constant true
      %reduce_sum3A_693 = vector.broadcast %reduce_sum3A_692 : i1 to vector<16xi1>
      %reduce_sum3A_694 = tpu.scan <sum>, %add3A_691 masked %reduce_sum3A_693 : vector<16xf32>, vector<16xi1> -> vector<16xf32>
      %reduce_sum3A_695 = vector.extract %reduce_sum3A_694[15] : f32 from vector<16xf32>
      %broadcast_in_dim3A_696 = vector.broadcast %reduce_sum3A_695 : f32 to vector<16xf32>
      %swap3A_697 = arith.constant 7 : i32
      %swap3A_698 = arith.index_cast %swap3A_697 : i32 to index
      %swap3A_699 = arith.constant 0 : index
      %swap3A_700 = tpu.vector_load %arg10[%swap3A_698, %swap3A_699] {strides = array<i32>} : memref<32x16xf32, #tpu.memory_space<vmem>>, vector<16xf32>,
      tpu.vector_store %arg10[%swap3A_698, %swap3A_699], %broadcast_in_dim3A_696 {strides = array<i32>} : memref<32x16xf32, #tpu.memory_space<vmem>>, vector<16xf32>,
      %mul3A_701 = arith.constant 20 : i32
      %mul3A_702 = arith.muli %scan3A_432, %mul3A_701 : i32
      %add3A_703 = arith.constant 8 : i32
      %add3A_704 = arith.addi %mul3A_702, %add3A_703 : i32
      %get3A_705 = arith.index_cast %add3A_704 : i32 to index
      %get3A_706 = arith.constant 0 : index
      %get3A_707 = tpu.vector_load %arg7[%get3A_705, %get3A_706] {strides = array<i32>} : memref<640x64xf32, #tpu.memory_space<vmem>>, vector<16xf32>,
      %mul3A_708 = arith.mulf %get3A_707, %get3A_436 : vector<16xf32>
      %get3A_709 = arith.index_cast %add3A_704 : i32 to index
      %get3A_710 = arith.constant 16 : index
      %get3A_711 = tpu.vector_load %arg7[%get3A_709, %get3A_710] {strides = array<i32>} : memref<640x64xf32, #tpu.memory_space<vmem>>, vector<16xf32>,
      %mul3A_712 = arith.mulf %get3A_711, %get3A_439 : vector<16xf32>
      %add3A_713 = arith.addf %mul3A_708, %mul3A_712 : vector<16xf32>
      %get3A_714 = arith.index_cast %add3A_704 : i32 to index
      %get3A_715 = arith.constant 32 : index
      %get3A_716 = tpu.vector_load %arg7[%get3A_714, %get3A_715] {strides = array<i32>} : memref<640x64xf32, #tpu.memory_space<vmem>>, vector<16xf32>,
      %mul3A_717 = arith.mulf %get3A_716, %get3A_442 : vector<16xf32>
      %add3A_718 = arith.addf %add3A_713, %mul3A_717 : vector<16xf32>
      %get3A_719 = arith.index_cast %add3A_704 : i32 to index
      %get3A_720 = arith.constant 48 : index
      %get3A_721 = tpu.vector_load %arg7[%get3A_719, %get3A_720] {strides = array<i32>} : memref<640x64xf32, #tpu.memory_space<vmem>>, vector<16xf32>,
      %mul3A_722 = arith.mulf %get3A_721, %get3A_445 : vector<16xf32>
      %add3A_723 = arith.addf %add3A_718, %mul3A_722 : vector<16xf32>
      %reduce_sum3A_724 = arith.constant true
      %reduce_sum3A_725 = vector.broadcast %reduce_sum3A_724 : i1 to vector<16xi1>
      %reduce_sum3A_726 = tpu.scan <sum>, %add3A_723 masked %reduce_sum3A_725 : vector<16xf32>, vector<16xi1> -> vector<16xf32>
      %reduce_sum3A_727 = vector.extract %reduce_sum3A_726[15] : f32 from vector<16xf32>
      %broadcast_in_dim3A_728 = vector.broadcast %reduce_sum3A_727 : f32 to vector<16xf32>
      %swap3A_729 = arith.constant 8 : i32
      %swap3A_730 = arith.index_cast %swap3A_729 : i32 to index
      %swap3A_731 = arith.constant 0 : index
      %swap3A_732 = tpu.vector_load %arg10[%swap3A_730, %swap3A_731] {strides = array<i32>} : memref<32x16xf32, #tpu.memory_space<vmem>>, vector<16xf32>,
      tpu.vector_store %arg10[%swap3A_730, %swap3A_731], %broadcast_in_dim3A_728 {strides = array<i32>} : memref<32x16xf32, #tpu.memory_space<vmem>>, vector<16xf32>,
      %mul3A_733 = arith.constant 20 : i32
      %mul3A_734 = arith.muli %scan3A_432, %mul3A_733 : i32
      %add3A_735 = arith.constant 9 : i32
      %add3A_736 = arith.addi %mul3A_734, %add3A_735 : i32
      %get3A_737 = arith.index_cast %add3A_736 : i32 to index
      %get3A_738 = arith.constant 0 : index
      %get3A_739 = tpu.vector_load %arg7[%get3A_737, %get3A_738] {strides = array<i32>} : memref<640x64xf32, #tpu.memory_space<vmem>>, vector<16xf32>,
      %mul3A_740 = arith.mulf %get3A_739, %get3A_436 : vector<16xf32>
      %get3A_741 = arith.index_cast %add3A_736 : i32 to index
      %get3A_742 = arith.constant 16 : index
      %get3A_743 = tpu.vector_load %arg7[%get3A_741, %get3A_742] {strides = array<i32>} : memref<640x64xf32, #tpu.memory_space<vmem>>, vector<16xf32>,
      %mul3A_744 = arith.mulf %get3A_743, %get3A_439 : vector<16xf32>
      %add3A_745 = arith.addf %mul3A_740, %mul3A_744 : vector<16xf32>
      %get3A_746 = arith.index_cast %add3A_736 : i32 to index
      %get3A_747 = arith.constant 32 : index
      %get3A_748 = tpu.vector_load %arg7[%get3A_746, %get3A_747] {strides = array<i32>} : memref<640x64xf32, #tpu.memory_space<vmem>>, vector<16xf32>,
      %mul3A_749 = arith.mulf %get3A_748, %get3A_442 : vector<16xf32>
      %add3A_750 = arith.addf %add3A_745, %mul3A_749 : vector<16xf32>
      %get3A_751 = arith.index_cast %add3A_736 : i32 to index
      %get3A_752 = arith.constant 48 : index
      %get3A_753 = tpu.vector_load %arg7[%get3A_751, %get3A_752] {strides = array<i32>} : memref<640x64xf32, #tpu.memory_space<vmem>>, vector<16xf32>,
      %mul3A_754 = arith.mulf %get3A_753, %get3A_445 : vector<16xf32>
      %add3A_755 = arith.addf %add3A_750, %mul3A_754 : vector<16xf32>
      %reduce_sum3A_756 = arith.constant true
      %reduce_sum3A_757 = vector.broadcast %reduce_sum3A_756 : i1 to vector<16xi1>
      %reduce_sum3A_758 = tpu.scan <sum>, %add3A_755 masked %reduce_sum3A_757 : vector<16xf32>, vector<16xi1> -> vector<16xf32>
      %reduce_sum3A_759 = vector.extract %reduce_sum3A_758[15] : f32 from vector<16xf32>
      %broadcast_in_dim3A_760 = vector.broadcast %reduce_sum3A_759 : f32 to vector<16xf32>
      %swap3A_761 = arith.constant 9 : i32
      %swap3A_762 = arith.index_cast %swap3A_761 : i32 to index
      %swap3A_763 = arith.constant 0 : index
      %swap3A_764 = tpu.vector_load %arg10[%swap3A_762, %swap3A_763] {strides = array<i32>} : memref<32x16xf32, #tpu.memory_space<vmem>>, vector<16xf32>,
      tpu.vector_store %arg10[%swap3A_762, %swap3A_763], %broadcast_in_dim3A_760 {strides = array<i32>} : memref<32x16xf32, #tpu.memory_space<vmem>>, vector<16xf32>,
      %mul3A_765 = arith.constant 20 : i32
      %mul3A_766 = arith.muli %scan3A_432, %mul3A_765 : i32
      %add3A_767 = arith.constant 10 : i32
      %add3A_768 = arith.addi %mul3A_766, %add3A_767 : i32
      %get3A_769 = arith.index_cast %add3A_768 : i32 to index
      %get3A_770 = arith.constant 0 : index
      %get3A_771 = tpu.vector_load %arg7[%get3A_769, %get3A_770] {strides = array<i32>} : memref<640x64xf32, #tpu.memory_space<vmem>>, vector<16xf32>,
      %mul3A_772 = arith.mulf %get3A_771, %get3A_436 : vector<16xf32>
      %get3A_773 = arith.index_cast %add3A_768 : i32 to index
      %get3A_774 = arith.constant 16 : index
      %get3A_775 = tpu.vector_load %arg7[%get3A_773, %get3A_774] {strides = array<i32>} : memref<640x64xf32, #tpu.memory_space<vmem>>, vector<16xf32>,
      %mul3A_776 = arith.mulf %get3A_775, %get3A_439 : vector<16xf32>
      %add3A_777 = arith.addf %mul3A_772, %mul3A_776 : vector<16xf32>
      %get3A_778 = arith.index_cast %add3A_768 : i32 to index
      %get3A_779 = arith.constant 32 : index
      %get3A_780 = tpu.vector_load %arg7[%get3A_778, %get3A_779] {strides = array<i32>} : memref<640x64xf32, #tpu.memory_space<vmem>>, vector<16xf32>,
      %mul3A_781 = arith.mulf %get3A_780, %get3A_442 : vector<16xf32>
      %add3A_782 = arith.addf %add3A_777, %mul3A_781 : vector<16xf32>
      %get3A_783 = arith.index_cast %add3A_768 : i32 to index
      %get3A_784 = arith.constant 48 : index
      %get3A_785 = tpu.vector_load %arg7[%get3A_783, %get3A_784] {strides = array<i32>} : memref<640x64xf32, #tpu.memory_space<vmem>>, vector<16xf32>,
      %mul3A_786 = arith.mulf %get3A_785, %get3A_445 : vector<16xf32>
      %add3A_787 = arith.addf %add3A_782, %mul3A_786 : vector<16xf32>
      %reduce_sum3A_788 = arith.constant true
      %reduce_sum3A_789 = vector.broadcast %reduce_sum3A_788 : i1 to vector<16xi1>
      %reduce_sum3A_790 = tpu.scan <sum>, %add3A_787 masked %reduce_sum3A_789 : vector<16xf32>, vector<16xi1> -> vector<16xf32>
      %reduce_sum3A_791 = vector.extract %reduce_sum3A_790[15] : f32 from vector<16xf32>
      %broadcast_in_dim3A_792 = vector.broadcast %reduce_sum3A_791 : f32 to vector<16xf32>
      %swap3A_793 = arith.constant 10 : i32
      %swap3A_794 = arith.index_cast %swap3A_793 : i32 to index
      %swap3A_795 = arith.constant 0 : index
      %swap3A_796 = tpu.vector_load %arg10[%swap3A_794, %swap3A_795] {strides = array<i32>} : memref<32x16xf32, #tpu.memory_space<vmem>>, vector<16xf32>,
      tpu.vector_store %arg10[%swap3A_794, %swap3A_795], %broadcast_in_dim3A_792 {strides = array<i32>} : memref<32x16xf32, #tpu.memory_space<vmem>>, vector<16xf32>,
      %mul3A_797 = arith.constant 20 : i32
      %mul3A_798 = arith.muli %scan3A_432, %mul3A_797 : i32
      %add3A_799 = arith.constant 11 : i32
      %add3A_800 = arith.addi %mul3A_798, %add3A_799 : i32
      %get3A_801 = arith.index_cast %add3A_800 : i32 to index
      %get3A_802 = arith.constant 0 : index
      %get3A_803 = tpu.vector_load %arg7[%get3A_801, %get3A_802] {strides = array<i32>} : memref<640x64xf32, #tpu.memory_space<vmem>>, vector<16xf32>,
      %mul3A_804 = arith.mulf %get3A_803, %get3A_436 : vector<16xf32>
      %get3A_805 = arith.index_cast %add3A_800 : i32 to index
      %get3A_806 = arith.constant 16 : index
      %get3A_807 = tpu.vector_load %arg7[%get3A_805, %get3A_806] {strides = array<i32>} : memref<640x64xf32, #tpu.memory_space<vmem>>, vector<16xf32>,
      %mul3A_808 = arith.mulf %get3A_807, %get3A_439 : vector<16xf32>
      %add3A_809 = arith.addf %mul3A_804, %mul3A_808 : vector<16xf32>
      %get3A_810 = arith.index_cast %add3A_800 : i32 to index
      %get3A_811 = arith.constant 32 : index
      %get3A_812 = tpu.vector_load %arg7[%get3A_810, %get3A_811] {strides = array<i32>} : memref<640x64xf32, #tpu.memory_space<vmem>>, vector<16xf32>,
      %mul3A_813 = arith.mulf %get3A_812, %get3A_442 : vector<16xf32>
      %add3A_814 = arith.addf %add3A_809, %mul3A_813 : vector<16xf32>
      %get3A_815 = arith.index_cast %add3A_800 : i32 to index
      %get3A_816 = arith.constant 48 : index
      %get3A_817 = tpu.vector_load %arg7[%get3A_815, %get3A_816] {strides = array<i32>} : memref<640x64xf32, #tpu.memory_space<vmem>>, vector<16xf32>,
      %mul3A_818 = arith.mulf %get3A_817, %get3A_445 : vector<16xf32>
      %add3A_819 = arith.addf %add3A_814, %mul3A_818 : vector<16xf32>
      %reduce_sum3A_820 = arith.constant true
      %reduce_sum3A_821 = vector.broadcast %reduce_sum3A_820 : i1 to vector<16xi1>
      %reduce_sum3A_822 = tpu.scan <sum>, %add3A_819 masked %reduce_sum3A_821 : vector<16xf32>, vector<16xi1> -> vector<16xf32>
      %reduce_sum3A_823 = vector.extract %reduce_sum3A_822[15] : f32 from vector<16xf32>
      %broadcast_in_dim3A_824 = vector.broadcast %reduce_sum3A_823 : f32 to vector<16xf32>
      %swap3A_825 = arith.constant 11 : i32
      %swap3A_826 = arith.index_cast %swap3A_825 : i32 to index
      %swap3A_827 = arith.constant 0 : index
      %swap3A_828 = tpu.vector_load %arg10[%swap3A_826, %swap3A_827] {strides = array<i32>} : memref<32x16xf32, #tpu.memory_space<vmem>>, vector<16xf32>,
      tpu.vector_store %arg10[%swap3A_826, %swap3A_827], %broadcast_in_dim3A_824 {strides = array<i32>} : memref<32x16xf32, #tpu.memory_space<vmem>>, vector<16xf32>,
      %mul3A_829 = arith.constant 20 : i32
      %mul3A_830 = arith.muli %scan3A_432, %mul3A_829 : i32
      %add3A_831 = arith.constant 12 : i32
      %add3A_832 = arith.addi %mul3A_830, %add3A_831 : i32
      %get3A_833 = arith.index_cast %add3A_832 : i32 to index
      %get3A_834 = arith.constant 0 : index
      %get3A_835 = tpu.vector_load %arg7[%get3A_833, %get3A_834] {strides = array<i32>} : memref<640x64xf32, #tpu.memory_space<vmem>>, vector<16xf32>,
      %mul3A_836 = arith.mulf %get3A_835, %get3A_436 : vector<16xf32>
      %get3A_837 = arith.index_cast %add3A_832 : i32 to index
      %get3A_838 = arith.constant 16 : index
      %get3A_839 = tpu.vector_load %arg7[%get3A_837, %get3A_838] {strides = array<i32>} : memref<640x64xf32, #tpu.memory_space<vmem>>, vector<16xf32>,
      %mul3A_840 = arith.mulf %get3A_839, %get3A_439 : vector<16xf32>
      %add3A_841 = arith.addf %mul3A_836, %mul3A_840 : vector<16xf32>
      %get3A_842 = arith.index_cast %add3A_832 : i32 to index
      %get3A_843 = arith.constant 32 : index
      %get3A_844 = tpu.vector_load %arg7[%get3A_842, %get3A_843] {strides = array<i32>} : memref<640x64xf32, #tpu.memory_space<vmem>>, vector<16xf32>,
      %mul3A_845 = arith.mulf %get3A_844, %get3A_442 : vector<16xf32>
      %add3A_846 = arith.addf %add3A_841, %mul3A_845 : vector<16xf32>
      %get3A_847 = arith.index_cast %add3A_832 : i32 to index
      %get3A_848 = arith.constant 48 : index
      %get3A_849 = tpu.vector_load %arg7[%get3A_847, %get3A_848] {strides = array<i32>} : memref<640x64xf32, #tpu.memory_space<vmem>>, vector<16xf32>,
      %mul3A_850 = arith.mulf %get3A_849, %get3A_445 : vector<16xf32>
      %add3A_851 = arith.addf %add3A_846, %mul3A_850 : vector<16xf32>
      %reduce_sum3A_852 = arith.constant true
      %reduce_sum3A_853 = vector.broadcast %reduce_sum3A_852 : i1 to vector<16xi1>
      %reduce_sum3A_854 = tpu.scan <sum>, %add3A_851 masked %reduce_sum3A_853 : vector<16xf32>, vector<16xi1> -> vector<16xf32>
      %reduce_sum3A_855 = vector.extract %reduce_sum3A_854[15] : f32 from vector<16xf32>
      %broadcast_in_dim3A_856 = vector.broadcast %reduce_sum3A_855 : f32 to vector<16xf32>
      %swap3A_857 = arith.constant 12 : i32
      %swap3A_858 = arith.index_cast %swap3A_857 : i32 to index
      %swap3A_859 = arith.constant 0 : index
      %swap3A_860 = tpu.vector_load %arg10[%swap3A_858, %swap3A_859] {strides = array<i32>} : memref<32x16xf32, #tpu.memory_space<vmem>>, vector<16xf32>,
      tpu.vector_store %arg10[%swap3A_858, %swap3A_859], %broadcast_in_dim3A_856 {strides = array<i32>} : memref<32x16xf32, #tpu.memory_space<vmem>>, vector<16xf32>,
      %mul3A_861 = arith.constant 20 : i32
      %mul3A_862 = arith.muli %scan3A_432, %mul3A_861 : i32
      %add3A_863 = arith.constant 13 : i32
      %add3A_864 = arith.addi %mul3A_862, %add3A_863 : i32
      %get3A_865 = arith.index_cast %add3A_864 : i32 to index
      %get3A_866 = arith.constant 0 : index
      %get3A_867 = tpu.vector_load %arg7[%get3A_865, %get3A_866] {strides = array<i32>} : memref<640x64xf32, #tpu.memory_space<vmem>>, vector<16xf32>,
      %mul3A_868 = arith.mulf %get3A_867, %get3A_436 : vector<16xf32>
      %get3A_869 = arith.index_cast %add3A_864 : i32 to index
      %get3A_870 = arith.constant 16 : index
      %get3A_871 = tpu.vector_load %arg7[%get3A_869, %get3A_870] {strides = array<i32>} : memref<640x64xf32, #tpu.memory_space<vmem>>, vector<16xf32>,
      %mul3A_872 = arith.mulf %get3A_871, %get3A_439 : vector<16xf32>
      %add3A_873 = arith.addf %mul3A_868, %mul3A_872 : vector<16xf32>
      %get3A_874 = arith.index_cast %add3A_864 : i32 to index
      %get3A_875 = arith.constant 32 : index
      %get3A_876 = tpu.vector_load %arg7[%get3A_874, %get3A_875] {strides = array<i32>} : memref<640x64xf32, #tpu.memory_space<vmem>>, vector<16xf32>,
      %mul3A_877 = arith.mulf %get3A_876, %get3A_442 : vector<16xf32>
      %add3A_878 = arith.addf %add3A_873, %mul3A_877 : vector<16xf32>
      %get3A_879 = arith.index_cast %add3A_864 : i32 to index
      %get3A_880 = arith.constant 48 : index
      %get3A_881 = tpu.vector_load %arg7[%get3A_879, %get3A_880] {strides = array<i32>} : memref<640x64xf32, #tpu.memory_space<vmem>>, vector<16xf32>,
      %mul3A_882 = arith.mulf %get3A_881, %get3A_445 : vector<16xf32>
      %add3A_883 = arith.addf %add3A_878, %mul3A_882 : vector<16xf32>
      %reduce_sum3A_884 = arith.constant true
      %reduce_sum3A_885 = vector.broadcast %reduce_sum3A_884 : i1 to vector<16xi1>
      %reduce_sum3A_886 = tpu.scan <sum>, %add3A_883 masked %reduce_sum3A_885 : vector<16xf32>, vector<16xi1> -> vector<16xf32>
      %reduce_sum3A_887 = vector.extract %reduce_sum3A_886[15] : f32 from vector<16xf32>
      %broadcast_in_dim3A_888 = vector.broadcast %reduce_sum3A_887 : f32 to vector<16xf32>
      %swap3A_889 = arith.constant 13 : i32
      %swap3A_890 = arith.index_cast %swap3A_889 : i32 to index
      %swap3A_891 = arith.constant 0 : index
      %swap3A_892 = tpu.vector_load %arg10[%swap3A_890, %swap3A_891] {strides = array<i32>} : memref<32x16xf32, #tpu.memory_space<vmem>>, vector<16xf32>,
      tpu.vector_store %arg10[%swap3A_890, %swap3A_891], %broadcast_in_dim3A_888 {strides = array<i32>} : memref<32x16xf32, #tpu.memory_space<vmem>>, vector<16xf32>,
      %mul3A_893 = arith.constant 20 : i32
      %mul3A_894 = arith.muli %scan3A_432, %mul3A_893 : i32
      %add3A_895 = arith.constant 14 : i32
      %add3A_896 = arith.addi %mul3A_894, %add3A_895 : i32
      %get3A_897 = arith.index_cast %add3A_896 : i32 to index
      %get3A_898 = arith.constant 0 : index
      %get3A_899 = tpu.vector_load %arg7[%get3A_897, %get3A_898] {strides = array<i32>} : memref<640x64xf32, #tpu.memory_space<vmem>>, vector<16xf32>,
      %mul3A_900 = arith.mulf %get3A_899, %get3A_436 : vector<16xf32>
      %get3A_901 = arith.index_cast %add3A_896 : i32 to index
      %get3A_902 = arith.constant 16 : index
      %get3A_903 = tpu.vector_load %arg7[%get3A_901, %get3A_902] {strides = array<i32>} : memref<640x64xf32, #tpu.memory_space<vmem>>, vector<16xf32>,
      %mul3A_904 = arith.mulf %get3A_903, %get3A_439 : vector<16xf32>
      %add3A_905 = arith.addf %mul3A_900, %mul3A_904 : vector<16xf32>
      %get3A_906 = arith.index_cast %add3A_896 : i32 to index
      %get3A_907 = arith.constant 32 : index
      %get3A_908 = tpu.vector_load %arg7[%get3A_906, %get3A_907] {strides = array<i32>} : memref<640x64xf32, #tpu.memory_space<vmem>>, vector<16xf32>,
      %mul3A_909 = arith.mulf %get3A_908, %get3A_442 : vector<16xf32>
      %add3A_910 = arith.addf %add3A_905, %mul3A_909 : vector<16xf32>
      %get3A_911 = arith.index_cast %add3A_896 : i32 to index
      %get3A_912 = arith.constant 48 : index
      %get3A_913 = tpu.vector_load %arg7[%get3A_911, %get3A_912] {strides = array<i32>} : memref<640x64xf32, #tpu.memory_space<vmem>>, vector<16xf32>,
      %mul3A_914 = arith.mulf %get3A_913, %get3A_445 : vector<16xf32>
      %add3A_915 = arith.addf %add3A_910, %mul3A_914 : vector<16xf32>
      %reduce_sum3A_916 = arith.constant true
      %reduce_sum3A_917 = vector.broadcast %reduce_sum3A_916 : i1 to vector<16xi1>
      %reduce_sum3A_918 = tpu.scan <sum>, %add3A_915 masked %reduce_sum3A_917 : vector<16xf32>, vector<16xi1> -> vector<16xf32>
      %reduce_sum3A_919 = vector.extract %reduce_sum3A_918[15] : f32 from vector<16xf32>
      %broadcast_in_dim3A_920 = vector.broadcast %reduce_sum3A_919 : f32 to vector<16xf32>
      %swap3A_921 = arith.constant 14 : i32
      %swap3A_922 = arith.index_cast %swap3A_921 : i32 to index
      %swap3A_923 = arith.constant 0 : index
      %swap3A_924 = tpu.vector_load %arg10[%swap3A_922, %swap3A_923] {strides = array<i32>} : memref<32x16xf32, #tpu.memory_space<vmem>>, vector<16xf32>,
      tpu.vector_store %arg10[%swap3A_922, %swap3A_923], %broadcast_in_dim3A_920 {strides = array<i32>} : memref<32x16xf32, #tpu.memory_space<vmem>>, vector<16xf32>,
      %mul3A_925 = arith.constant 20 : i32
      %mul3A_926 = arith.muli %scan3A_432, %mul3A_925 : i32
      %add3A_927 = arith.constant 15 : i32
      %add3A_928 = arith.addi %mul3A_926, %add3A_927 : i32
      %get3A_929 = arith.index_cast %add3A_928 : i32 to index
      %get3A_930 = arith.constant 0 : index
      %get3A_931 = tpu.vector_load %arg7[%get3A_929, %get3A_930] {strides = array<i32>} : memref<640x64xf32, #tpu.memory_space<vmem>>, vector<16xf32>,
      %mul3A_932 = arith.mulf %get3A_931, %get3A_436 : vector<16xf32>
      %get3A_933 = arith.index_cast %add3A_928 : i32 to index
      %get3A_934 = arith.constant 16 : index
      %get3A_935 = tpu.vector_load %arg7[%get3A_933, %get3A_934] {strides = array<i32>} : memref<640x64xf32, #tpu.memory_space<vmem>>, vector<16xf32>,
      %mul3A_936 = arith.mulf %get3A_935, %get3A_439 : vector<16xf32>
      %add3A_937 = arith.addf %mul3A_932, %mul3A_936 : vector<16xf32>
      %get3A_938 = arith.index_cast %add3A_928 : i32 to index
      %get3A_939 = arith.constant 32 : index
      %get3A_940 = tpu.vector_load %arg7[%get3A_938, %get3A_939] {strides = array<i32>} : memref<640x64xf32, #tpu.memory_space<vmem>>, vector<16xf32>,
      %mul3A_941 = arith.mulf %get3A_940, %get3A_442 : vector<16xf32>
      %add3A_942 = arith.addf %add3A_937, %mul3A_941 : vector<16xf32>
      %get3A_943 = arith.index_cast %add3A_928 : i32 to index
      %get3A_944 = arith.constant 48 : index
      %get3A_945 = tpu.vector_load %arg7[%get3A_943, %get3A_944] {strides = array<i32>} : memref<640x64xf32, #tpu.memory_space<vmem>>, vector<16xf32>,
      %mul3A_946 = arith.mulf %get3A_945, %get3A_445 : vector<16xf32>
      %add3A_947 = arith.addf %add3A_942, %mul3A_946 : vector<16xf32>
      %reduce_sum3A_948 = arith.constant true
      %reduce_sum3A_949 = vector.broadcast %reduce_sum3A_948 : i1 to vector<16xi1>
      %reduce_sum3A_950 = tpu.scan <sum>, %add3A_947 masked %reduce_sum3A_949 : vector<16xf32>, vector<16xi1> -> vector<16xf32>
      %reduce_sum3A_951 = vector.extract %reduce_sum3A_950[15] : f32 from vector<16xf32>
      %broadcast_in_dim3A_952 = vector.broadcast %reduce_sum3A_951 : f32 to vector<16xf32>
      %swap3A_953 = arith.constant 15 : i32
      %swap3A_954 = arith.index_cast %swap3A_953 : i32 to index
      %swap3A_955 = arith.constant 0 : index
      %swap3A_956 = tpu.vector_load %arg10[%swap3A_954, %swap3A_955] {strides = array<i32>} : memref<32x16xf32, #tpu.memory_space<vmem>>, vector<16xf32>,
      tpu.vector_store %arg10[%swap3A_954, %swap3A_955], %broadcast_in_dim3A_952 {strides = array<i32>} : memref<32x16xf32, #tpu.memory_space<vmem>>, vector<16xf32>,
      %mul3A_957 = arith.constant 20 : i32
      %mul3A_958 = arith.muli %scan3A_432, %mul3A_957 : i32
      %add3A_959 = arith.constant 16 : i32
      %add3A_960 = arith.addi %mul3A_958, %add3A_959 : i32
      %get3A_961 = arith.index_cast %add3A_960 : i32 to index
      %get3A_962 = arith.constant 0 : index
      %get3A_963 = tpu.vector_load %arg7[%get3A_961, %get3A_962] {strides = array<i32>} : memref<640x64xf32, #tpu.memory_space<vmem>>, vector<16xf32>,
      %mul3A_964 = arith.mulf %get3A_963, %get3A_436 : vector<16xf32>
      %get3A_965 = arith.index_cast %add3A_960 : i32 to index
      %get3A_966 = arith.constant 16 : index
      %get3A_967 = tpu.vector_load %arg7[%get3A_965, %get3A_966] {strides = array<i32>} : memref<640x64xf32, #tpu.memory_space<vmem>>, vector<16xf32>,
      %mul3A_968 = arith.mulf %get3A_967, %get3A_439 : vector<16xf32>
      %add3A_969 = arith.addf %mul3A_964, %mul3A_968 : vector<16xf32>
      %get3A_970 = arith.index_cast %add3A_960 : i32 to index
      %get3A_971 = arith.constant 32 : index
      %get3A_972 = tpu.vector_load %arg7[%get3A_970, %get3A_971] {strides = array<i32>} : memref<640x64xf32, #tpu.memory_space<vmem>>, vector<16xf32>,
      %mul3A_973 = arith.mulf %get3A_972, %get3A_442 : vector<16xf32>
      %add3A_974 = arith.addf %add3A_969, %mul3A_973 : vector<16xf32>
      %get3A_975 = arith.index_cast %add3A_960 : i32 to index
      %get3A_976 = arith.constant 48 : index
      %get3A_977 = tpu.vector_load %arg7[%get3A_975, %get3A_976] {strides = array<i32>} : memref<640x64xf32, #tpu.memory_space<vmem>>, vector<16xf32>,
      %mul3A_978 = arith.mulf %get3A_977, %get3A_445 : vector<16xf32>
      %add3A_979 = arith.addf %add3A_974, %mul3A_978 : vector<16xf32>
      %reduce_sum3A_980 = arith.constant true
      %reduce_sum3A_981 = vector.broadcast %reduce_sum3A_980 : i1 to vector<16xi1>
      %reduce_sum3A_982 = tpu.scan <sum>, %add3A_979 masked %reduce_sum3A_981 : vector<16xf32>, vector<16xi1> -> vector<16xf32>
      %reduce_sum3A_983 = vector.extract %reduce_sum3A_982[15] : f32 from vector<16xf32>
      %broadcast_in_dim3A_984 = vector.broadcast %reduce_sum3A_983 : f32 to vector<16xf32>
      %swap3A_985 = arith.constant 16 : i32
      %swap3A_986 = arith.index_cast %swap3A_985 : i32 to index
      %swap3A_987 = arith.constant 0 : index
      %swap3A_988 = tpu.vector_load %arg10[%swap3A_986, %swap3A_987] {strides = array<i32>} : memref<32x16xf32, #tpu.memory_space<vmem>>, vector<16xf32>,
      tpu.vector_store %arg10[%swap3A_986, %swap3A_987], %broadcast_in_dim3A_984 {strides = array<i32>} : memref<32x16xf32, #tpu.memory_space<vmem>>, vector<16xf32>,
      %mul3A_989 = arith.constant 20 : i32
      %mul3A_990 = arith.muli %scan3A_432, %mul3A_989 : i32
      %add3A_991 = arith.constant 17 : i32
      %add3A_992 = arith.addi %mul3A_990, %add3A_991 : i32
      %get3A_993 = arith.index_cast %add3A_992 : i32 to index
      %get3A_994 = arith.constant 0 : index
      %get3A_995 = tpu.vector_load %arg7[%get3A_993, %get3A_994] {strides = array<i32>} : memref<640x64xf32, #tpu.memory_space<vmem>>, vector<16xf32>,
      %mul3A_996 = arith.mulf %get3A_995, %get3A_436 : vector<16xf32>
      %get3A_997 = arith.index_cast %add3A_992 : i32 to index
      %get3A_998 = arith.constant 16 : index
      %get3A_999 = tpu.vector_load %arg7[%get3A_997, %get3A_998] {strides = array<i32>} : memref<640x64xf32, #tpu.memory_space<vmem>>, vector<16xf32>,
      %mul3A_1000 = arith.mulf %get3A_999, %get3A_439 : vector<16xf32>
      %add3A_1001 = arith.addf %mul3A_996, %mul3A_1000 : vector<16xf32>
      %get3A_1002 = arith.index_cast %add3A_992 : i32 to index
      %get3A_1003 = arith.constant 32 : index
      %get3A_1004 = tpu.vector_load %arg7[%get3A_1002, %get3A_1003] {strides = array<i32>} : memref<640x64xf32, #tpu.memory_space<vmem>>, vector<16xf32>,
      %mul3A_1005 = arith.mulf %get3A_1004, %get3A_442 : vector<16xf32>
      %add3A_1006 = arith.addf %add3A_1001, %mul3A_1005 : vector<16xf32>
      %get3A_1007 = arith.index_cast %add3A_992 : i32 to index
      %get3A_1008 = arith.constant 48 : index
      %get3A_1009 = tpu.vector_load %arg7[%get3A_1007, %get3A_1008] {strides = array<i32>} : memref<640x64xf32, #tpu.memory_space<vmem>>, vector<16xf32>,
      %mul3A_1010 = arith.mulf %get3A_1009, %get3A_445 : vector<16xf32>
      %add3A_1011 = arith.addf %add3A_1006, %mul3A_1010 : vector<16xf32>
      %reduce_sum3A_1012 = arith.constant true
      %reduce_sum3A_1013 = vector.broadcast %reduce_sum3A_1012 : i1 to vector<16xi1>
      %reduce_sum3A_1014 = tpu.scan <sum>, %add3A_1011 masked %reduce_sum3A_1013 : vector<16xf32>, vector<16xi1> -> vector<16xf32>
      %reduce_sum3A_1015 = vector.extract %reduce_sum3A_1014[15] : f32 from vector<16xf32>
      %broadcast_in_dim3A_1016 = vector.broadcast %reduce_sum3A_1015 : f32 to vector<16xf32>
      %swap3A_1017 = arith.constant 17 : i32
      %swap3A_1018 = arith.index_cast %swap3A_1017 : i32 to index
      %swap3A_1019 = arith.constant 0 : index
      %swap3A_1020 = tpu.vector_load %arg10[%swap3A_1018, %swap3A_1019] {strides = array<i32>} : memref<32x16xf32, #tpu.memory_space<vmem>>, vector<16xf32>,
      tpu.vector_store %arg10[%swap3A_1018, %swap3A_1019], %broadcast_in_dim3A_1016 {strides = array<i32>} : memref<32x16xf32, #tpu.memory_space<vmem>>, vector<16xf32>,
      %mul3A_1021 = arith.constant 20 : i32
      %mul3A_1022 = arith.muli %scan3A_432, %mul3A_1021 : i32
      %add3A_1023 = arith.constant 18 : i32
      %add3A_1024 = arith.addi %mul3A_1022, %add3A_1023 : i32
      %get3A_1025 = arith.index_cast %add3A_1024 : i32 to index
      %get3A_1026 = arith.constant 0 : index
      %get3A_1027 = tpu.vector_load %arg7[%get3A_1025, %get3A_1026] {strides = array<i32>} : memref<640x64xf32, #tpu.memory_space<vmem>>, vector<16xf32>,
      %mul3A_1028 = arith.mulf %get3A_1027, %get3A_436 : vector<16xf32>
      %get3A_1029 = arith.index_cast %add3A_1024 : i32 to index
      %get3A_1030 = arith.constant 16 : index
      %get3A_1031 = tpu.vector_load %arg7[%get3A_1029, %get3A_1030] {strides = array<i32>} : memref<640x64xf32, #tpu.memory_space<vmem>>, vector<16xf32>,
      %mul3A_1032 = arith.mulf %get3A_1031, %get3A_439 : vector<16xf32>
      %add3A_1033 = arith.addf %mul3A_1028, %mul3A_1032 : vector<16xf32>
      %get3A_1034 = arith.index_cast %add3A_1024 : i32 to index
      %get3A_1035 = arith.constant 32 : index
      %get3A_1036 = tpu.vector_load %arg7[%get3A_1034, %get3A_1035] {strides = array<i32>} : memref<640x64xf32, #tpu.memory_space<vmem>>, vector<16xf32>,
      %mul3A_1037 = arith.mulf %get3A_1036, %get3A_442 : vector<16xf32>
      %add3A_1038 = arith.addf %add3A_1033, %mul3A_1037 : vector<16xf32>
      %get3A_1039 = arith.index_cast %add3A_1024 : i32 to index
      %get3A_1040 = arith.constant 48 : index
      %get3A_1041 = tpu.vector_load %arg7[%get3A_1039, %get3A_1040] {strides = array<i32>} : memref<640x64xf32, #tpu.memory_space<vmem>>, vector<16xf32>,
      %mul3A_1042 = arith.mulf %get3A_1041, %get3A_445 : vector<16xf32>
      %add3A_1043 = arith.addf %add3A_1038, %mul3A_1042 : vector<16xf32>
      %reduce_sum3A_1044 = arith.constant true
      %reduce_sum3A_1045 = vector.broadcast %reduce_sum3A_1044 : i1 to vector<16xi1>
      %reduce_sum3A_1046 = tpu.scan <sum>, %add3A_1043 masked %reduce_sum3A_1045 : vector<16xf32>, vector<16xi1> -> vector<16xf32>
      %reduce_sum3A_1047 = vector.extract %reduce_sum3A_1046[15] : f32 from vector<16xf32>
      %broadcast_in_dim3A_1048 = vector.broadcast %reduce_sum3A_1047 : f32 to vector<16xf32>
      %swap3A_1049 = arith.constant 18 : i32
      %swap3A_1050 = arith.index_cast %swap3A_1049 : i32 to index
      %swap3A_1051 = arith.constant 0 : index
      %swap3A_1052 = tpu.vector_load %arg10[%swap3A_1050, %swap3A_1051] {strides = array<i32>} : memref<32x16xf32, #tpu.memory_space<vmem>>, vector<16xf32>,
      tpu.vector_store %arg10[%swap3A_1050, %swap3A_1051], %broadcast_in_dim3A_1048 {strides = array<i32>} : memref<32x16xf32, #tpu.memory_space<vmem>>, vector<16xf32>,
      %mul3A_1053 = arith.constant 20 : i32
      %mul3A_1054 = arith.muli %scan3A_432, %mul3A_1053 : i32
      %add3A_1055 = arith.constant 19 : i32
      %add3A_1056 = arith.addi %mul3A_1054, %add3A_1055 : i32
      %get3A_1057 = arith.index_cast %add3A_1056 : i32 to index
      %get3A_1058 = arith.constant 0 : index
      %get3A_1059 = tpu.vector_load %arg7[%get3A_1057, %get3A_1058] {strides = array<i32>} : memref<640x64xf32, #tpu.memory_space<vmem>>, vector<16xf32>,
      %mul3A_1060 = arith.mulf %get3A_1059, %get3A_436 : vector<16xf32>
      %get3A_1061 = arith.index_cast %add3A_1056 : i32 to index
      %get3A_1062 = arith.constant 16 : index
      %get3A_1063 = tpu.vector_load %arg7[%get3A_1061, %get3A_1062] {strides = array<i32>} : memref<640x64xf32, #tpu.memory_space<vmem>>, vector<16xf32>,
      %mul3A_1064 = arith.mulf %get3A_1063, %get3A_439 : vector<16xf32>
      %add3A_1065 = arith.addf %mul3A_1060, %mul3A_1064 : vector<16xf32>
      %get3A_1066 = arith.index_cast %add3A_1056 : i32 to index
      %get3A_1067 = arith.constant 32 : index
      %get3A_1068 = tpu.vector_load %arg7[%get3A_1066, %get3A_1067] {strides = array<i32>} : memref<640x64xf32, #tpu.memory_space<vmem>>, vector<16xf32>,
      %mul3A_1069 = arith.mulf %get3A_1068, %get3A_442 : vector<16xf32>
      %add3A_1070 = arith.addf %add3A_1065, %mul3A_1069 : vector<16xf32>
      %get3A_1071 = arith.index_cast %add3A_1056 : i32 to index
      %get3A_1072 = arith.constant 48 : index
      %get3A_1073 = tpu.vector_load %arg7[%get3A_1071, %get3A_1072] {strides = array<i32>} : memref<640x64xf32, #tpu.memory_space<vmem>>, vector<16xf32>,
      %mul3A_1074 = arith.mulf %get3A_1073, %get3A_445 : vector<16xf32>
      %add3A_1075 = arith.addf %add3A_1070, %mul3A_1074 : vector<16xf32>
      %reduce_sum3A_1076 = arith.constant true
      %reduce_sum3A_1077 = vector.broadcast %reduce_sum3A_1076 : i1 to vector<16xi1>
      %reduce_sum3A_1078 = tpu.scan <sum>, %add3A_1075 masked %reduce_sum3A_1077 : vector<16xf32>, vector<16xi1> -> vector<16xf32>
      %reduce_sum3A_1079 = vector.extract %reduce_sum3A_1078[15] : f32 from vector<16xf32>
      %broadcast_in_dim3A_1080 = vector.broadcast %reduce_sum3A_1079 : f32 to vector<16xf32>
      %swap3A_1081 = arith.constant 19 : i32
      %swap3A_1082 = arith.index_cast %swap3A_1081 : i32 to index
      %swap3A_1083 = arith.constant 0 : index
      %swap3A_1084 = tpu.vector_load %arg10[%swap3A_1082, %swap3A_1083] {strides = array<i32>} : memref<32x16xf32, #tpu.memory_space<vmem>>, vector<16xf32>,
      tpu.vector_store %arg10[%swap3A_1082, %swap3A_1083], %broadcast_in_dim3A_1080 {strides = array<i32>} : memref<32x16xf32, #tpu.memory_space<vmem>>, vector<16xf32>,
      %iota3A = tpu.iota {dimensions = array<i32: 0>} : vector<16xi32>
      %broadcast_in_dim3A_1085 = arith.constant 0 : i32
      %broadcast_in_dim3A_1086 = vector.broadcast %broadcast_in_dim3A_1085 : i32 to vector<16xi32>
      %gather3A = tpu.vector_load_idx %arg10[%iota3A, %broadcast_in_dim3A_1086] : memref<32x16xf32, #tpu.memory_space<vmem>>[vector<16xi32>, vector<16xi32>], vector<16xf32>,
      %add3A_1087 = arith.constant 16 : i32
      %add3A_1088 = vector.broadcast %add3A_1087 : i32 to vector<16xi32>
      %add3A_1089 = arith.addi %iota3A, %add3A_1088 : vector<16xi32>
      %gather3A_1090 = tpu.vector_load_idx %arg10[%add3A_1089, %broadcast_in_dim3A_1086] : memref<32x16xf32, #tpu.memory_space<vmem>>[vector<16xi32>, vector<16xi32>], vector<16xf32>,
      %reduce_max3A = arith.constant true
      %reduce_max3A_1091 = vector.broadcast %reduce_max3A : i1 to vector<16xi1>
      %reduce_max3A_1092 = tpu.scan <max>, %gather3A masked %reduce_max3A_1091 : vector<16xf32>, vector<16xi1> -> vector<16xf32>
      %reduce_max3A_1093 = vector.extract %reduce_max3A_1092[15] : f32 from vector<16xf32>
      %reduce_max3A_1094 = arith.constant true
      %reduce_max3A_1095 = vector.broadcast %reduce_max3A_1094 : i1 to vector<16xi1>
      %reduce_max3A_1096 = tpu.scan <max>, %gather3A_1090 masked %reduce_max3A_1095 : vector<16xf32>, vector<16xi1> -> vector<16xf32>
      %reduce_max3A_1097 = vector.extract %reduce_max3A_1096[15] : f32 from vector<16xf32>
      %max3A = arith.maximumf %reduce_max3A_1093, %reduce_max3A_1097 : f32
      %sub3A = vector.broadcast %max3A : f32 to vector<16xf32>
      %sub3A_1098 = arith.subf %gather3A, %sub3A : vector<16xf32>
      %exp3A = math.exp %sub3A_1098 : vector<16xf32>
      %sub3A_1099 = vector.broadcast %max3A : f32 to vector<16xf32>
      %sub3A_1100 = arith.subf %gather3A_1090, %sub3A_1099 : vector<16xf32>
      %exp3A_1101 = math.exp %sub3A_1100 : vector<16xf32>
      %reduce_sum3A_1102 = arith.constant true
      %reduce_sum3A_1103 = vector.broadcast %reduce_sum3A_1102 : i1 to vector<16xi1>
      %reduce_sum3A_1104 = tpu.scan <sum>, %exp3A masked %reduce_sum3A_1103 : vector<16xf32>, vector<16xi1> -> vector<16xf32>
      %reduce_sum3A_1105 = vector.extract %reduce_sum3A_1104[15] : f32 from vector<16xf32>
      %reduce_sum3A_1106 = arith.constant true
      %reduce_sum3A_1107 = vector.broadcast %reduce_sum3A_1106 : i1 to vector<16xi1>
      %reduce_sum3A_1108 = tpu.scan <sum>, %exp3A_1101 masked %reduce_sum3A_1107 : vector<16xf32>, vector<16xi1> -> vector<16xf32>
      %reduce_sum3A_1109 = vector.extract %reduce_sum3A_1108[15] : f32 from vector<16xf32>
      %add3A_1110 = arith.addf %reduce_sum3A_1105, %reduce_sum3A_1109 : f32
      %broadcast_in_dim3A_1111 = vector.broadcast %add3A_1110 : f32 to vector<16xf32>
      %div3A = arith.divf %exp3A, %broadcast_in_dim3A_1111 : vector<16xf32>
      %swap3A_1112 = arith.index_cast %scan3A_432 : i32 to index
      %swap3A_1113 = arith.constant 0 : index
      %swap3A_1114 = tpu.vector_load %arg9[%swap3A_1112, %swap3A_1113] {strides = array<i32>} : memref<32x32xf32, #tpu.memory_space<vmem>>, vector<16xf32>,
      tpu.vector_store %arg9[%swap3A_1112, %swap3A_1113], %div3A {strides = array<i32>} : memref<32x32xf32, #tpu.memory_space<vmem>>, vector<16xf32>,
      %div3A_1115 = arith.divf %exp3A_1101, %broadcast_in_dim3A_1111 : vector<16xf32>
      %swap3A_1116 = arith.index_cast %scan3A_432 : i32 to index
      %swap3A_1117 = arith.constant 16 : index
      %swap3A_1118 = tpu.vector_load %arg9[%swap3A_1116, %swap3A_1117] {strides = array<i32>} : memref<32x32xf32, #tpu.memory_space<vmem>>, vector<16xf32>,
      tpu.vector_store %arg9[%swap3A_1116, %swap3A_1117], %div3A_1115 {strides = array<i32>} : memref<32x32xf32, #tpu.memory_space<vmem>>, vector<16xf32>,
    }
    %scan3A_335 = arith.constant 32 : i32
    "tpu.region"() ({
      %run_scoped3A = tpu.sem_alloc : memref<!tpu.dma_semaphore, #tpu.memory_space<semaphore_mem>>
      %dma_start3A_432 = arith.constant 0 : i32
      %dma_start3A_433 = tpu.memref_slice %arg5[%add3A_243, %dma_start3A_432] : memref<4096x32xf32, #tpu.memory_space<hbm>> -> memref<32x32xf32, #tpu.memory_space<hbm>>
      %dma_start3A_434 = arith.constant 0 : i32
      %dma_start3A_435 = tpu.memref_slice %arg5[%add3A_243, %dma_start3A_434] : memref<4096x32xf32, #tpu.memory_space<hbm>> -> memref<32x32xf32, #tpu.memory_space<hbm>>
      tpu.enqueue_dma source(%arg9 : memref<32x32xf32, #tpu.memory_space<vmem>>) target(%dma_start3A_435 : memref<32x32xf32, #tpu.memory_space<hbm>>) target_semaphore(%run_scoped3A : memref<!tpu.dma_semaphore, #tpu.memory_space<semaphore_mem>>)
      %dma_wait3A_436 = arith.constant 0 : i32
      %dma_wait3A_437 = tpu.memref_slice %arg5[%add3A_243, %dma_wait3A_436] : memref<4096x32xf32, #tpu.memory_space<hbm>> -> memref<32x32xf32, #tpu.memory_space<hbm>>
      %dma_wait3A_438 = arith.constant 0 : i32
      %dma_wait3A_439 = tpu.memref_slice %arg5[%add3A_243, %dma_wait3A_438] : memref<4096x32xf32, #tpu.memory_space<hbm>> -> memref<32x32xf32, #tpu.memory_space<hbm>>
      tpu.wait_dma2 semaphore(%run_scoped3A : memref<!tpu.dma_semaphore, #tpu.memory_space<semaphore_mem>>) src(%arg9 : memref<32x32xf32, #tpu.memory_space<vmem>>) dst(%dma_wait3A_439 : memref<32x32xf32, #tpu.memory_space<hbm>>)
      tpu.yield
    }) : () -> ()
    %mul3A_336 = arith.constant 128 : i32
    %mul3A_337 = arith.muli %add3A, %mul3A_336 : i32
    %add3A_338 = arith.constant 96 : i32
    %add3A_339 = arith.addi %mul3A_337, %add3A_338 : i32
    %mul3A_340 = arith.constant 128 : i32
    %mul3A_341 = arith.muli %add3A, %mul3A_340 : i32
    %add3A_342 = arith.constant 96 : i32
    %add3A_343 = arith.addi %mul3A_341, %add3A_342 : i32
    %mul3A_344 = arith.constant 20 : i32
    %mul3A_345 = arith.muli %add3A_343, %mul3A_344 : i32
    "tpu.region"() ({
      %run_scoped3A = tpu.sem_alloc : memref<!tpu.dma_semaphore, #tpu.memory_space<semaphore_mem>>
      %dma_start3A_432 = tpu.memref_slice %arg3[%mul3A_345] : memref<81920xi32, #tpu.memory_space<hbm>> -> memref<640xi32, #tpu.memory_space<hbm>>
      %dma_start3A_433 = tpu.memref_slice %arg3[%mul3A_345] : memref<81920xi32, #tpu.memory_space<hbm>> -> memref<640xi32, #tpu.memory_space<hbm>>
      tpu.enqueue_dma source(%dma_start3A_433 : memref<640xi32, #tpu.memory_space<hbm>>) target(%arg6 : memref<640xi32, #tpu.memory_space<vmem>>) target_semaphore(%run_scoped3A : memref<!tpu.dma_semaphore, #tpu.memory_space<semaphore_mem>>)
      %dma_wait3A_434 = tpu.memref_slice %arg3[%mul3A_345] : memref<81920xi32, #tpu.memory_space<hbm>> -> memref<640xi32, #tpu.memory_space<hbm>>
      %dma_wait3A_435 = tpu.memref_slice %arg3[%mul3A_345] : memref<81920xi32, #tpu.memory_space<hbm>> -> memref<640xi32, #tpu.memory_space<hbm>>
      tpu.wait_dma2 semaphore(%run_scoped3A : memref<!tpu.dma_semaphore, #tpu.memory_space<semaphore_mem>>) src(%dma_wait3A_435 : memref<640xi32, #tpu.memory_space<hbm>>) dst(%arg6 : memref<640xi32, #tpu.memory_space<vmem>>)
      tpu.yield
    }) : () -> ()
    %dma_start3A_346 = arith.constant 0 : i32
    %dma_start3A_347 = arith.constant 0 : i32
    %dma_start3A_348 = tpu.memref_slice %arg7[%dma_start3A_346, %dma_start3A_347] : memref<640x64xf32, #tpu.memory_space<vmem>> -> memref<128x64xf32, #tpu.memory_space<vmem>>
    %dma_start3A_349 = arith.constant 0 : i32
    %dma_start3A_350 = tpu.memref_slice %arg6[%dma_start3A_349] : memref<640xi32, #tpu.memory_space<vmem>> -> memref<128xi32, #tpu.memory_space<vmem>>
    %dma_start3A_351 = arith.constant 0 : i32
    %dma_start3A_352 = arith.constant 0 : i32
    %dma_start3A_353 = tpu.memref_slice %arg4[%dma_start3A_351, %dma_start3A_352] : memref<1000000x64xf32, #tpu.memory_space<hbm>> -> memref<1000000x64xf32, #tpu.memory_space<hbm>>
    tpu.enqueue_indirect_dma source(%dma_start3A_353 : memref<1000000x64xf32, #tpu.memory_space<hbm>>) target(%dma_start3A_348 : memref<128x64xf32, #tpu.memory_space<vmem>>) offsets(%dma_start3A_350 : memref<128xi32, #tpu.memory_space<vmem>>) semaphore(%arg11 : memref<!tpu.dma_semaphore, #tpu.memory_space<semaphore_mem>>)
    %dma_start3A_354 = arith.constant 128 : i32
    %dma_start3A_355 = arith.constant 0 : i32
    %dma_start3A_356 = tpu.memref_slice %arg7[%dma_start3A_354, %dma_start3A_355] : memref<640x64xf32, #tpu.memory_space<vmem>> -> memref<128x64xf32, #tpu.memory_space<vmem>>
    %dma_start3A_357 = arith.constant 128 : i32
    %dma_start3A_358 = tpu.memref_slice %arg6[%dma_start3A_357] : memref<640xi32, #tpu.memory_space<vmem>> -> memref<128xi32, #tpu.memory_space<vmem>>
    %dma_start3A_359 = arith.constant 0 : i32
    %dma_start3A_360 = arith.constant 0 : i32
    %dma_start3A_361 = tpu.memref_slice %arg4[%dma_start3A_359, %dma_start3A_360] : memref<1000000x64xf32, #tpu.memory_space<hbm>> -> memref<1000000x64xf32, #tpu.memory_space<hbm>>
    tpu.enqueue_indirect_dma source(%dma_start3A_361 : memref<1000000x64xf32, #tpu.memory_space<hbm>>) target(%dma_start3A_356 : memref<128x64xf32, #tpu.memory_space<vmem>>) offsets(%dma_start3A_358 : memref<128xi32, #tpu.memory_space<vmem>>) semaphore(%arg11 : memref<!tpu.dma_semaphore, #tpu.memory_space<semaphore_mem>>)
    %dma_start3A_362 = arith.constant 256 : i32
    %dma_start3A_363 = arith.constant 0 : i32
    %dma_start3A_364 = tpu.memref_slice %arg7[%dma_start3A_362, %dma_start3A_363] : memref<640x64xf32, #tpu.memory_space<vmem>> -> memref<128x64xf32, #tpu.memory_space<vmem>>
    %dma_start3A_365 = arith.constant 256 : i32
    %dma_start3A_366 = tpu.memref_slice %arg6[%dma_start3A_365] : memref<640xi32, #tpu.memory_space<vmem>> -> memref<128xi32, #tpu.memory_space<vmem>>
    %dma_start3A_367 = arith.constant 0 : i32
    %dma_start3A_368 = arith.constant 0 : i32
    %dma_start3A_369 = tpu.memref_slice %arg4[%dma_start3A_367, %dma_start3A_368] : memref<1000000x64xf32, #tpu.memory_space<hbm>> -> memref<1000000x64xf32, #tpu.memory_space<hbm>>
    tpu.enqueue_indirect_dma source(%dma_start3A_369 : memref<1000000x64xf32, #tpu.memory_space<hbm>>) target(%dma_start3A_364 : memref<128x64xf32, #tpu.memory_space<vmem>>) offsets(%dma_start3A_366 : memref<128xi32, #tpu.memory_space<vmem>>) semaphore(%arg11 : memref<!tpu.dma_semaphore, #tpu.memory_space<semaphore_mem>>)
    %dma_start3A_370 = arith.constant 384 : i32
    %dma_start3A_371 = arith.constant 0 : i32
    %dma_start3A_372 = tpu.memref_slice %arg7[%dma_start3A_370, %dma_start3A_371] : memref<640x64xf32, #tpu.memory_space<vmem>> -> memref<128x64xf32, #tpu.memory_space<vmem>>
    %dma_start3A_373 = arith.constant 384 : i32
    %dma_start3A_374 = tpu.memref_slice %arg6[%dma_start3A_373] : memref<640xi32, #tpu.memory_space<vmem>> -> memref<128xi32, #tpu.memory_space<vmem>>
    %dma_start3A_375 = arith.constant 0 : i32
    %dma_start3A_376 = arith.constant 0 : i32
    %dma_start3A_377 = tpu.memref_slice %arg4[%dma_start3A_375, %dma_start3A_376] : memref<1000000x64xf32, #tpu.memory_space<hbm>> -> memref<1000000x64xf32, #tpu.memory_space<hbm>>
    tpu.enqueue_indirect_dma source(%dma_start3A_377 : memref<1000000x64xf32, #tpu.memory_space<hbm>>) target(%dma_start3A_372 : memref<128x64xf32, #tpu.memory_space<vmem>>) offsets(%dma_start3A_374 : memref<128xi32, #tpu.memory_space<vmem>>) semaphore(%arg11 : memref<!tpu.dma_semaphore, #tpu.memory_space<semaphore_mem>>)
    %dma_start3A_378 = arith.constant 512 : i32
    %dma_start3A_379 = arith.constant 0 : i32
    %dma_start3A_380 = tpu.memref_slice %arg7[%dma_start3A_378, %dma_start3A_379] : memref<640x64xf32, #tpu.memory_space<vmem>> -> memref<128x64xf32, #tpu.memory_space<vmem>>
    %dma_start3A_381 = arith.constant 512 : i32
    %dma_start3A_382 = tpu.memref_slice %arg6[%dma_start3A_381] : memref<640xi32, #tpu.memory_space<vmem>> -> memref<128xi32, #tpu.memory_space<vmem>>
    %dma_start3A_383 = arith.constant 0 : i32
    %dma_start3A_384 = arith.constant 0 : i32
    %dma_start3A_385 = tpu.memref_slice %arg4[%dma_start3A_383, %dma_start3A_384] : memref<1000000x64xf32, #tpu.memory_space<hbm>> -> memref<1000000x64xf32, #tpu.memory_space<hbm>>
    tpu.enqueue_indirect_dma source(%dma_start3A_385 : memref<1000000x64xf32, #tpu.memory_space<hbm>>) target(%dma_start3A_380 : memref<128x64xf32, #tpu.memory_space<vmem>>) offsets(%dma_start3A_382 : memref<128xi32, #tpu.memory_space<vmem>>) semaphore(%arg11 : memref<!tpu.dma_semaphore, #tpu.memory_space<semaphore_mem>>)
    %dma_wait3A_386 = arith.constant 0 : i32
    %dma_wait3A_387 = arith.constant 0 : i32
    %dma_wait3A_388 = tpu.memref_slice %arg7[%dma_wait3A_386, %dma_wait3A_387] : memref<640x64xf32, #tpu.memory_space<vmem>> -> memref<128x64xf32, #tpu.memory_space<vmem>>
    %dma_wait3A_389 = arith.constant 0 : i32
    %dma_wait3A_390 = tpu.memref_slice %arg6[%dma_wait3A_389] : memref<640xi32, #tpu.memory_space<vmem>> -> memref<128xi32, #tpu.memory_space<vmem>>
    %dma_wait3A_391 = arith.constant 0 : i32
    %dma_wait3A_392 = arith.constant 0 : i32
    %dma_wait3A_393 = tpu.memref_slice %arg4[%dma_wait3A_391, %dma_wait3A_392] : memref<1000000x64xf32, #tpu.memory_space<hbm>> -> memref<1000000x64xf32, #tpu.memory_space<hbm>>
    tpu.wait_indirect_dma semaphore(%arg11 : memref<!tpu.dma_semaphore, #tpu.memory_space<semaphore_mem>>) src(%dma_wait3A_393 : memref<1000000x64xf32, #tpu.memory_space<hbm>>) dst(%dma_wait3A_388 : memref<128x64xf32, #tpu.memory_space<vmem>>)
    %dma_wait3A_394 = arith.constant 128 : i32
    %dma_wait3A_395 = arith.constant 0 : i32
    %dma_wait3A_396 = tpu.memref_slice %arg7[%dma_wait3A_394, %dma_wait3A_395] : memref<640x64xf32, #tpu.memory_space<vmem>> -> memref<128x64xf32, #tpu.memory_space<vmem>>
    %dma_wait3A_397 = arith.constant 128 : i32
    %dma_wait3A_398 = tpu.memref_slice %arg6[%dma_wait3A_397] : memref<640xi32, #tpu.memory_space<vmem>> -> memref<128xi32, #tpu.memory_space<vmem>>
    %dma_wait3A_399 = arith.constant 0 : i32
    %dma_wait3A_400 = arith.constant 0 : i32
    %dma_wait3A_401 = tpu.memref_slice %arg4[%dma_wait3A_399, %dma_wait3A_400] : memref<1000000x64xf32, #tpu.memory_space<hbm>> -> memref<1000000x64xf32, #tpu.memory_space<hbm>>
    tpu.wait_indirect_dma semaphore(%arg11 : memref<!tpu.dma_semaphore, #tpu.memory_space<semaphore_mem>>) src(%dma_wait3A_401 : memref<1000000x64xf32, #tpu.memory_space<hbm>>) dst(%dma_wait3A_396 : memref<128x64xf32, #tpu.memory_space<vmem>>)
    %dma_wait3A_402 = arith.constant 256 : i32
    %dma_wait3A_403 = arith.constant 0 : i32
    %dma_wait3A_404 = tpu.memref_slice %arg7[%dma_wait3A_402, %dma_wait3A_403] : memref<640x64xf32, #tpu.memory_space<vmem>> -> memref<128x64xf32, #tpu.memory_space<vmem>>
    %dma_wait3A_405 = arith.constant 256 : i32
    %dma_wait3A_406 = tpu.memref_slice %arg6[%dma_wait3A_405] : memref<640xi32, #tpu.memory_space<vmem>> -> memref<128xi32, #tpu.memory_space<vmem>>
    %dma_wait3A_407 = arith.constant 0 : i32
    %dma_wait3A_408 = arith.constant 0 : i32
    %dma_wait3A_409 = tpu.memref_slice %arg4[%dma_wait3A_407, %dma_wait3A_408] : memref<1000000x64xf32, #tpu.memory_space<hbm>> -> memref<1000000x64xf32, #tpu.memory_space<hbm>>
    tpu.wait_indirect_dma semaphore(%arg11 : memref<!tpu.dma_semaphore, #tpu.memory_space<semaphore_mem>>) src(%dma_wait3A_409 : memref<1000000x64xf32, #tpu.memory_space<hbm>>) dst(%dma_wait3A_404 : memref<128x64xf32, #tpu.memory_space<vmem>>)
    %dma_wait3A_410 = arith.constant 384 : i32
    %dma_wait3A_411 = arith.constant 0 : i32
    %dma_wait3A_412 = tpu.memref_slice %arg7[%dma_wait3A_410, %dma_wait3A_411] : memref<640x64xf32, #tpu.memory_space<vmem>> -> memref<128x64xf32, #tpu.memory_space<vmem>>
    %dma_wait3A_413 = arith.constant 384 : i32
    %dma_wait3A_414 = tpu.memref_slice %arg6[%dma_wait3A_413] : memref<640xi32, #tpu.memory_space<vmem>> -> memref<128xi32, #tpu.memory_space<vmem>>
    %dma_wait3A_415 = arith.constant 0 : i32
    %dma_wait3A_416 = arith.constant 0 : i32
    %dma_wait3A_417 = tpu.memref_slice %arg4[%dma_wait3A_415, %dma_wait3A_416] : memref<1000000x64xf32, #tpu.memory_space<hbm>> -> memref<1000000x64xf32, #tpu.memory_space<hbm>>
    tpu.wait_indirect_dma semaphore(%arg11 : memref<!tpu.dma_semaphore, #tpu.memory_space<semaphore_mem>>) src(%dma_wait3A_417 : memref<1000000x64xf32, #tpu.memory_space<hbm>>) dst(%dma_wait3A_412 : memref<128x64xf32, #tpu.memory_space<vmem>>)
    %dma_wait3A_418 = arith.constant 512 : i32
    %dma_wait3A_419 = arith.constant 0 : i32
    %dma_wait3A_420 = tpu.memref_slice %arg7[%dma_wait3A_418, %dma_wait3A_419] : memref<640x64xf32, #tpu.memory_space<vmem>> -> memref<128x64xf32, #tpu.memory_space<vmem>>
    %dma_wait3A_421 = arith.constant 512 : i32
    %dma_wait3A_422 = tpu.memref_slice %arg6[%dma_wait3A_421] : memref<640xi32, #tpu.memory_space<vmem>> -> memref<128xi32, #tpu.memory_space<vmem>>
    %dma_wait3A_423 = arith.constant 0 : i32
    %dma_wait3A_424 = arith.constant 0 : i32
    %dma_wait3A_425 = tpu.memref_slice %arg4[%dma_wait3A_423, %dma_wait3A_424] : memref<1000000x64xf32, #tpu.memory_space<hbm>> -> memref<1000000x64xf32, #tpu.memory_space<hbm>>
    tpu.wait_indirect_dma semaphore(%arg11 : memref<!tpu.dma_semaphore, #tpu.memory_space<semaphore_mem>>) src(%dma_wait3A_425 : memref<1000000x64xf32, #tpu.memory_space<hbm>>) dst(%dma_wait3A_420 : memref<128x64xf32, #tpu.memory_space<vmem>>)
    %scan3A_426 = arith.constant 0 : i32
    %scan3A_427 = arith.constant 0 : i32
    %scan3A_428 = arith.constant 32 : i32
    %scan3A_429 = arith.addi %scan3A_427, %scan3A_428 : i32
    %scan3A_430 = arith.constant 1 : i32
    scf.for %scan3A_432 = %scan3A_427 to %scan3A_429 step %scan3A_430  : i32 {
      %add3A_433 = arith.constant 96 : i32
      %add3A_434 = arith.addi %add3A_433, %scan3A_432 : i32
      %get3A = arith.index_cast %add3A_434 : i32 to index
      %get3A_435 = arith.constant 0 : index
      %get3A_436 = tpu.vector_load %arg8[%get3A, %get3A_435] {strides = array<i32>} : memref<128x64xf32, #tpu.memory_space<vmem>>, vector<16xf32>,
      %get3A_437 = arith.index_cast %add3A_434 : i32 to index
      %get3A_438 = arith.constant 16 : index
      %get3A_439 = tpu.vector_load %arg8[%get3A_437, %get3A_438] {strides = array<i32>} : memref<128x64xf32, #tpu.memory_space<vmem>>, vector<16xf32>,
      %get3A_440 = arith.index_cast %add3A_434 : i32 to index
      %get3A_441 = arith.constant 32 : index
      %get3A_442 = tpu.vector_load %arg8[%get3A_440, %get3A_441] {strides = array<i32>} : memref<128x64xf32, #tpu.memory_space<vmem>>, vector<16xf32>,
      %get3A_443 = arith.index_cast %add3A_434 : i32 to index
      %get3A_444 = arith.constant 48 : index
      %get3A_445 = tpu.vector_load %arg8[%get3A_443, %get3A_444] {strides = array<i32>} : memref<128x64xf32, #tpu.memory_space<vmem>>, vector<16xf32>,
      %mul3A_446 = arith.constant 20 : i32
      %mul3A_447 = arith.muli %scan3A_432, %mul3A_446 : i32
      %add3A_448 = arith.constant 0 : i32
      %add3A_449 = arith.addi %mul3A_447, %add3A_448 : i32
      %get3A_450 = arith.index_cast %add3A_449 : i32 to index
      %get3A_451 = arith.constant 0 : index
      %get3A_452 = tpu.vector_load %arg7[%get3A_450, %get3A_451] {strides = array<i32>} : memref<640x64xf32, #tpu.memory_space<vmem>>, vector<16xf32>,
      %mul3A_453 = arith.mulf %get3A_452, %get3A_436 : vector<16xf32>
      %get3A_454 = arith.index_cast %add3A_449 : i32 to index
      %get3A_455 = arith.constant 16 : index
      %get3A_456 = tpu.vector_load %arg7[%get3A_454, %get3A_455] {strides = array<i32>} : memref<640x64xf32, #tpu.memory_space<vmem>>, vector<16xf32>,
      %mul3A_457 = arith.mulf %get3A_456, %get3A_439 : vector<16xf32>
      %add3A_458 = arith.addf %mul3A_453, %mul3A_457 : vector<16xf32>
      %get3A_459 = arith.index_cast %add3A_449 : i32 to index
      %get3A_460 = arith.constant 32 : index
      %get3A_461 = tpu.vector_load %arg7[%get3A_459, %get3A_460] {strides = array<i32>} : memref<640x64xf32, #tpu.memory_space<vmem>>, vector<16xf32>,
      %mul3A_462 = arith.mulf %get3A_461, %get3A_442 : vector<16xf32>
      %add3A_463 = arith.addf %add3A_458, %mul3A_462 : vector<16xf32>
      %get3A_464 = arith.index_cast %add3A_449 : i32 to index
      %get3A_465 = arith.constant 48 : index
      %get3A_466 = tpu.vector_load %arg7[%get3A_464, %get3A_465] {strides = array<i32>} : memref<640x64xf32, #tpu.memory_space<vmem>>, vector<16xf32>,
      %mul3A_467 = arith.mulf %get3A_466, %get3A_445 : vector<16xf32>
      %add3A_468 = arith.addf %add3A_463, %mul3A_467 : vector<16xf32>
      %reduce_sum3A = arith.constant true
      %reduce_sum3A_469 = vector.broadcast %reduce_sum3A : i1 to vector<16xi1>
      %reduce_sum3A_470 = tpu.scan <sum>, %add3A_468 masked %reduce_sum3A_469 : vector<16xf32>, vector<16xi1> -> vector<16xf32>
      %reduce_sum3A_471 = vector.extract %reduce_sum3A_470[15] : f32 from vector<16xf32>
      %broadcast_in_dim3A_472 = vector.broadcast %reduce_sum3A_471 : f32 to vector<16xf32>
      %swap3A_473 = arith.constant 0 : i32
      %swap3A_474 = arith.index_cast %swap3A_473 : i32 to index
      %swap3A_475 = arith.constant 0 : index
      %swap3A_476 = tpu.vector_load %arg10[%swap3A_474, %swap3A_475] {strides = array<i32>} : memref<32x16xf32, #tpu.memory_space<vmem>>, vector<16xf32>,
      tpu.vector_store %arg10[%swap3A_474, %swap3A_475], %broadcast_in_dim3A_472 {strides = array<i32>} : memref<32x16xf32, #tpu.memory_space<vmem>>, vector<16xf32>,
      %mul3A_477 = arith.constant 20 : i32
      %mul3A_478 = arith.muli %scan3A_432, %mul3A_477 : i32
      %add3A_479 = arith.constant 1 : i32
      %add3A_480 = arith.addi %mul3A_478, %add3A_479 : i32
      %get3A_481 = arith.index_cast %add3A_480 : i32 to index
      %get3A_482 = arith.constant 0 : index
      %get3A_483 = tpu.vector_load %arg7[%get3A_481, %get3A_482] {strides = array<i32>} : memref<640x64xf32, #tpu.memory_space<vmem>>, vector<16xf32>,
      %mul3A_484 = arith.mulf %get3A_483, %get3A_436 : vector<16xf32>
      %get3A_485 = arith.index_cast %add3A_480 : i32 to index
      %get3A_486 = arith.constant 16 : index
      %get3A_487 = tpu.vector_load %arg7[%get3A_485, %get3A_486] {strides = array<i32>} : memref<640x64xf32, #tpu.memory_space<vmem>>, vector<16xf32>,
      %mul3A_488 = arith.mulf %get3A_487, %get3A_439 : vector<16xf32>
      %add3A_489 = arith.addf %mul3A_484, %mul3A_488 : vector<16xf32>
      %get3A_490 = arith.index_cast %add3A_480 : i32 to index
      %get3A_491 = arith.constant 32 : index
      %get3A_492 = tpu.vector_load %arg7[%get3A_490, %get3A_491] {strides = array<i32>} : memref<640x64xf32, #tpu.memory_space<vmem>>, vector<16xf32>,
      %mul3A_493 = arith.mulf %get3A_492, %get3A_442 : vector<16xf32>
      %add3A_494 = arith.addf %add3A_489, %mul3A_493 : vector<16xf32>
      %get3A_495 = arith.index_cast %add3A_480 : i32 to index
      %get3A_496 = arith.constant 48 : index
      %get3A_497 = tpu.vector_load %arg7[%get3A_495, %get3A_496] {strides = array<i32>} : memref<640x64xf32, #tpu.memory_space<vmem>>, vector<16xf32>,
      %mul3A_498 = arith.mulf %get3A_497, %get3A_445 : vector<16xf32>
      %add3A_499 = arith.addf %add3A_494, %mul3A_498 : vector<16xf32>
      %reduce_sum3A_500 = arith.constant true
      %reduce_sum3A_501 = vector.broadcast %reduce_sum3A_500 : i1 to vector<16xi1>
      %reduce_sum3A_502 = tpu.scan <sum>, %add3A_499 masked %reduce_sum3A_501 : vector<16xf32>, vector<16xi1> -> vector<16xf32>
      %reduce_sum3A_503 = vector.extract %reduce_sum3A_502[15] : f32 from vector<16xf32>
      %broadcast_in_dim3A_504 = vector.broadcast %reduce_sum3A_503 : f32 to vector<16xf32>
      %swap3A_505 = arith.constant 1 : i32
      %swap3A_506 = arith.index_cast %swap3A_505 : i32 to index
      %swap3A_507 = arith.constant 0 : index
      %swap3A_508 = tpu.vector_load %arg10[%swap3A_506, %swap3A_507] {strides = array<i32>} : memref<32x16xf32, #tpu.memory_space<vmem>>, vector<16xf32>,
      tpu.vector_store %arg10[%swap3A_506, %swap3A_507], %broadcast_in_dim3A_504 {strides = array<i32>} : memref<32x16xf32, #tpu.memory_space<vmem>>, vector<16xf32>,
      %mul3A_509 = arith.constant 20 : i32
      %mul3A_510 = arith.muli %scan3A_432, %mul3A_509 : i32
      %add3A_511 = arith.constant 2 : i32
      %add3A_512 = arith.addi %mul3A_510, %add3A_511 : i32
      %get3A_513 = arith.index_cast %add3A_512 : i32 to index
      %get3A_514 = arith.constant 0 : index
      %get3A_515 = tpu.vector_load %arg7[%get3A_513, %get3A_514] {strides = array<i32>} : memref<640x64xf32, #tpu.memory_space<vmem>>, vector<16xf32>,
      %mul3A_516 = arith.mulf %get3A_515, %get3A_436 : vector<16xf32>
      %get3A_517 = arith.index_cast %add3A_512 : i32 to index
      %get3A_518 = arith.constant 16 : index
      %get3A_519 = tpu.vector_load %arg7[%get3A_517, %get3A_518] {strides = array<i32>} : memref<640x64xf32, #tpu.memory_space<vmem>>, vector<16xf32>,
      %mul3A_520 = arith.mulf %get3A_519, %get3A_439 : vector<16xf32>
      %add3A_521 = arith.addf %mul3A_516, %mul3A_520 : vector<16xf32>
      %get3A_522 = arith.index_cast %add3A_512 : i32 to index
      %get3A_523 = arith.constant 32 : index
      %get3A_524 = tpu.vector_load %arg7[%get3A_522, %get3A_523] {strides = array<i32>} : memref<640x64xf32, #tpu.memory_space<vmem>>, vector<16xf32>,
      %mul3A_525 = arith.mulf %get3A_524, %get3A_442 : vector<16xf32>
      %add3A_526 = arith.addf %add3A_521, %mul3A_525 : vector<16xf32>
      %get3A_527 = arith.index_cast %add3A_512 : i32 to index
      %get3A_528 = arith.constant 48 : index
      %get3A_529 = tpu.vector_load %arg7[%get3A_527, %get3A_528] {strides = array<i32>} : memref<640x64xf32, #tpu.memory_space<vmem>>, vector<16xf32>,
      %mul3A_530 = arith.mulf %get3A_529, %get3A_445 : vector<16xf32>
      %add3A_531 = arith.addf %add3A_526, %mul3A_530 : vector<16xf32>
      %reduce_sum3A_532 = arith.constant true
      %reduce_sum3A_533 = vector.broadcast %reduce_sum3A_532 : i1 to vector<16xi1>
      %reduce_sum3A_534 = tpu.scan <sum>, %add3A_531 masked %reduce_sum3A_533 : vector<16xf32>, vector<16xi1> -> vector<16xf32>
      %reduce_sum3A_535 = vector.extract %reduce_sum3A_534[15] : f32 from vector<16xf32>
      %broadcast_in_dim3A_536 = vector.broadcast %reduce_sum3A_535 : f32 to vector<16xf32>
      %swap3A_537 = arith.constant 2 : i32
      %swap3A_538 = arith.index_cast %swap3A_537 : i32 to index
      %swap3A_539 = arith.constant 0 : index
      %swap3A_540 = tpu.vector_load %arg10[%swap3A_538, %swap3A_539] {strides = array<i32>} : memref<32x16xf32, #tpu.memory_space<vmem>>, vector<16xf32>,
      tpu.vector_store %arg10[%swap3A_538, %swap3A_539], %broadcast_in_dim3A_536 {strides = array<i32>} : memref<32x16xf32, #tpu.memory_space<vmem>>, vector<16xf32>,
      %mul3A_541 = arith.constant 20 : i32
      %mul3A_542 = arith.muli %scan3A_432, %mul3A_541 : i32
      %add3A_543 = arith.constant 3 : i32
      %add3A_544 = arith.addi %mul3A_542, %add3A_543 : i32
      %get3A_545 = arith.index_cast %add3A_544 : i32 to index
      %get3A_546 = arith.constant 0 : index
      %get3A_547 = tpu.vector_load %arg7[%get3A_545, %get3A_546] {strides = array<i32>} : memref<640x64xf32, #tpu.memory_space<vmem>>, vector<16xf32>,
      %mul3A_548 = arith.mulf %get3A_547, %get3A_436 : vector<16xf32>
      %get3A_549 = arith.index_cast %add3A_544 : i32 to index
      %get3A_550 = arith.constant 16 : index
      %get3A_551 = tpu.vector_load %arg7[%get3A_549, %get3A_550] {strides = array<i32>} : memref<640x64xf32, #tpu.memory_space<vmem>>, vector<16xf32>,
      %mul3A_552 = arith.mulf %get3A_551, %get3A_439 : vector<16xf32>
      %add3A_553 = arith.addf %mul3A_548, %mul3A_552 : vector<16xf32>
      %get3A_554 = arith.index_cast %add3A_544 : i32 to index
      %get3A_555 = arith.constant 32 : index
      %get3A_556 = tpu.vector_load %arg7[%get3A_554, %get3A_555] {strides = array<i32>} : memref<640x64xf32, #tpu.memory_space<vmem>>, vector<16xf32>,
      %mul3A_557 = arith.mulf %get3A_556, %get3A_442 : vector<16xf32>
      %add3A_558 = arith.addf %add3A_553, %mul3A_557 : vector<16xf32>
      %get3A_559 = arith.index_cast %add3A_544 : i32 to index
      %get3A_560 = arith.constant 48 : index
      %get3A_561 = tpu.vector_load %arg7[%get3A_559, %get3A_560] {strides = array<i32>} : memref<640x64xf32, #tpu.memory_space<vmem>>, vector<16xf32>,
      %mul3A_562 = arith.mulf %get3A_561, %get3A_445 : vector<16xf32>
      %add3A_563 = arith.addf %add3A_558, %mul3A_562 : vector<16xf32>
      %reduce_sum3A_564 = arith.constant true
      %reduce_sum3A_565 = vector.broadcast %reduce_sum3A_564 : i1 to vector<16xi1>
      %reduce_sum3A_566 = tpu.scan <sum>, %add3A_563 masked %reduce_sum3A_565 : vector<16xf32>, vector<16xi1> -> vector<16xf32>
      %reduce_sum3A_567 = vector.extract %reduce_sum3A_566[15] : f32 from vector<16xf32>
      %broadcast_in_dim3A_568 = vector.broadcast %reduce_sum3A_567 : f32 to vector<16xf32>
      %swap3A_569 = arith.constant 3 : i32
      %swap3A_570 = arith.index_cast %swap3A_569 : i32 to index
      %swap3A_571 = arith.constant 0 : index
      %swap3A_572 = tpu.vector_load %arg10[%swap3A_570, %swap3A_571] {strides = array<i32>} : memref<32x16xf32, #tpu.memory_space<vmem>>, vector<16xf32>,
      tpu.vector_store %arg10[%swap3A_570, %swap3A_571], %broadcast_in_dim3A_568 {strides = array<i32>} : memref<32x16xf32, #tpu.memory_space<vmem>>, vector<16xf32>,
      %mul3A_573 = arith.constant 20 : i32
      %mul3A_574 = arith.muli %scan3A_432, %mul3A_573 : i32
      %add3A_575 = arith.constant 4 : i32
      %add3A_576 = arith.addi %mul3A_574, %add3A_575 : i32
      %get3A_577 = arith.index_cast %add3A_576 : i32 to index
      %get3A_578 = arith.constant 0 : index
      %get3A_579 = tpu.vector_load %arg7[%get3A_577, %get3A_578] {strides = array<i32>} : memref<640x64xf32, #tpu.memory_space<vmem>>, vector<16xf32>,
      %mul3A_580 = arith.mulf %get3A_579, %get3A_436 : vector<16xf32>
      %get3A_581 = arith.index_cast %add3A_576 : i32 to index
      %get3A_582 = arith.constant 16 : index
      %get3A_583 = tpu.vector_load %arg7[%get3A_581, %get3A_582] {strides = array<i32>} : memref<640x64xf32, #tpu.memory_space<vmem>>, vector<16xf32>,
      %mul3A_584 = arith.mulf %get3A_583, %get3A_439 : vector<16xf32>
      %add3A_585 = arith.addf %mul3A_580, %mul3A_584 : vector<16xf32>
      %get3A_586 = arith.index_cast %add3A_576 : i32 to index
      %get3A_587 = arith.constant 32 : index
      %get3A_588 = tpu.vector_load %arg7[%get3A_586, %get3A_587] {strides = array<i32>} : memref<640x64xf32, #tpu.memory_space<vmem>>, vector<16xf32>,
      %mul3A_589 = arith.mulf %get3A_588, %get3A_442 : vector<16xf32>
      %add3A_590 = arith.addf %add3A_585, %mul3A_589 : vector<16xf32>
      %get3A_591 = arith.index_cast %add3A_576 : i32 to index
      %get3A_592 = arith.constant 48 : index
      %get3A_593 = tpu.vector_load %arg7[%get3A_591, %get3A_592] {strides = array<i32>} : memref<640x64xf32, #tpu.memory_space<vmem>>, vector<16xf32>,
      %mul3A_594 = arith.mulf %get3A_593, %get3A_445 : vector<16xf32>
      %add3A_595 = arith.addf %add3A_590, %mul3A_594 : vector<16xf32>
      %reduce_sum3A_596 = arith.constant true
      %reduce_sum3A_597 = vector.broadcast %reduce_sum3A_596 : i1 to vector<16xi1>
      %reduce_sum3A_598 = tpu.scan <sum>, %add3A_595 masked %reduce_sum3A_597 : vector<16xf32>, vector<16xi1> -> vector<16xf32>
      %reduce_sum3A_599 = vector.extract %reduce_sum3A_598[15] : f32 from vector<16xf32>
      %broadcast_in_dim3A_600 = vector.broadcast %reduce_sum3A_599 : f32 to vector<16xf32>
      %swap3A_601 = arith.constant 4 : i32
      %swap3A_602 = arith.index_cast %swap3A_601 : i32 to index
      %swap3A_603 = arith.constant 0 : index
      %swap3A_604 = tpu.vector_load %arg10[%swap3A_602, %swap3A_603] {strides = array<i32>} : memref<32x16xf32, #tpu.memory_space<vmem>>, vector<16xf32>,
      tpu.vector_store %arg10[%swap3A_602, %swap3A_603], %broadcast_in_dim3A_600 {strides = array<i32>} : memref<32x16xf32, #tpu.memory_space<vmem>>, vector<16xf32>,
      %mul3A_605 = arith.constant 20 : i32
      %mul3A_606 = arith.muli %scan3A_432, %mul3A_605 : i32
      %add3A_607 = arith.constant 5 : i32
      %add3A_608 = arith.addi %mul3A_606, %add3A_607 : i32
      %get3A_609 = arith.index_cast %add3A_608 : i32 to index
      %get3A_610 = arith.constant 0 : index
      %get3A_611 = tpu.vector_load %arg7[%get3A_609, %get3A_610] {strides = array<i32>} : memref<640x64xf32, #tpu.memory_space<vmem>>, vector<16xf32>,
      %mul3A_612 = arith.mulf %get3A_611, %get3A_436 : vector<16xf32>
      %get3A_613 = arith.index_cast %add3A_608 : i32 to index
      %get3A_614 = arith.constant 16 : index
      %get3A_615 = tpu.vector_load %arg7[%get3A_613, %get3A_614] {strides = array<i32>} : memref<640x64xf32, #tpu.memory_space<vmem>>, vector<16xf32>,
      %mul3A_616 = arith.mulf %get3A_615, %get3A_439 : vector<16xf32>
      %add3A_617 = arith.addf %mul3A_612, %mul3A_616 : vector<16xf32>
      %get3A_618 = arith.index_cast %add3A_608 : i32 to index
      %get3A_619 = arith.constant 32 : index
      %get3A_620 = tpu.vector_load %arg7[%get3A_618, %get3A_619] {strides = array<i32>} : memref<640x64xf32, #tpu.memory_space<vmem>>, vector<16xf32>,
      %mul3A_621 = arith.mulf %get3A_620, %get3A_442 : vector<16xf32>
      %add3A_622 = arith.addf %add3A_617, %mul3A_621 : vector<16xf32>
      %get3A_623 = arith.index_cast %add3A_608 : i32 to index
      %get3A_624 = arith.constant 48 : index
      %get3A_625 = tpu.vector_load %arg7[%get3A_623, %get3A_624] {strides = array<i32>} : memref<640x64xf32, #tpu.memory_space<vmem>>, vector<16xf32>,
      %mul3A_626 = arith.mulf %get3A_625, %get3A_445 : vector<16xf32>
      %add3A_627 = arith.addf %add3A_622, %mul3A_626 : vector<16xf32>
      %reduce_sum3A_628 = arith.constant true
      %reduce_sum3A_629 = vector.broadcast %reduce_sum3A_628 : i1 to vector<16xi1>
      %reduce_sum3A_630 = tpu.scan <sum>, %add3A_627 masked %reduce_sum3A_629 : vector<16xf32>, vector<16xi1> -> vector<16xf32>
      %reduce_sum3A_631 = vector.extract %reduce_sum3A_630[15] : f32 from vector<16xf32>
      %broadcast_in_dim3A_632 = vector.broadcast %reduce_sum3A_631 : f32 to vector<16xf32>
      %swap3A_633 = arith.constant 5 : i32
      %swap3A_634 = arith.index_cast %swap3A_633 : i32 to index
      %swap3A_635 = arith.constant 0 : index
      %swap3A_636 = tpu.vector_load %arg10[%swap3A_634, %swap3A_635] {strides = array<i32>} : memref<32x16xf32, #tpu.memory_space<vmem>>, vector<16xf32>,
      tpu.vector_store %arg10[%swap3A_634, %swap3A_635], %broadcast_in_dim3A_632 {strides = array<i32>} : memref<32x16xf32, #tpu.memory_space<vmem>>, vector<16xf32>,
      %mul3A_637 = arith.constant 20 : i32
      %mul3A_638 = arith.muli %scan3A_432, %mul3A_637 : i32
      %add3A_639 = arith.constant 6 : i32
      %add3A_640 = arith.addi %mul3A_638, %add3A_639 : i32
      %get3A_641 = arith.index_cast %add3A_640 : i32 to index
      %get3A_642 = arith.constant 0 : index
      %get3A_643 = tpu.vector_load %arg7[%get3A_641, %get3A_642] {strides = array<i32>} : memref<640x64xf32, #tpu.memory_space<vmem>>, vector<16xf32>,
      %mul3A_644 = arith.mulf %get3A_643, %get3A_436 : vector<16xf32>
      %get3A_645 = arith.index_cast %add3A_640 : i32 to index
      %get3A_646 = arith.constant 16 : index
      %get3A_647 = tpu.vector_load %arg7[%get3A_645, %get3A_646] {strides = array<i32>} : memref<640x64xf32, #tpu.memory_space<vmem>>, vector<16xf32>,
      %mul3A_648 = arith.mulf %get3A_647, %get3A_439 : vector<16xf32>
      %add3A_649 = arith.addf %mul3A_644, %mul3A_648 : vector<16xf32>
      %get3A_650 = arith.index_cast %add3A_640 : i32 to index
      %get3A_651 = arith.constant 32 : index
      %get3A_652 = tpu.vector_load %arg7[%get3A_650, %get3A_651] {strides = array<i32>} : memref<640x64xf32, #tpu.memory_space<vmem>>, vector<16xf32>,
      %mul3A_653 = arith.mulf %get3A_652, %get3A_442 : vector<16xf32>
      %add3A_654 = arith.addf %add3A_649, %mul3A_653 : vector<16xf32>
      %get3A_655 = arith.index_cast %add3A_640 : i32 to index
      %get3A_656 = arith.constant 48 : index
      %get3A_657 = tpu.vector_load %arg7[%get3A_655, %get3A_656] {strides = array<i32>} : memref<640x64xf32, #tpu.memory_space<vmem>>, vector<16xf32>,
      %mul3A_658 = arith.mulf %get3A_657, %get3A_445 : vector<16xf32>
      %add3A_659 = arith.addf %add3A_654, %mul3A_658 : vector<16xf32>
      %reduce_sum3A_660 = arith.constant true
      %reduce_sum3A_661 = vector.broadcast %reduce_sum3A_660 : i1 to vector<16xi1>
      %reduce_sum3A_662 = tpu.scan <sum>, %add3A_659 masked %reduce_sum3A_661 : vector<16xf32>, vector<16xi1> -> vector<16xf32>
      %reduce_sum3A_663 = vector.extract %reduce_sum3A_662[15] : f32 from vector<16xf32>
      %broadcast_in_dim3A_664 = vector.broadcast %reduce_sum3A_663 : f32 to vector<16xf32>
      %swap3A_665 = arith.constant 6 : i32
      %swap3A_666 = arith.index_cast %swap3A_665 : i32 to index
      %swap3A_667 = arith.constant 0 : index
      %swap3A_668 = tpu.vector_load %arg10[%swap3A_666, %swap3A_667] {strides = array<i32>} : memref<32x16xf32, #tpu.memory_space<vmem>>, vector<16xf32>,
      tpu.vector_store %arg10[%swap3A_666, %swap3A_667], %broadcast_in_dim3A_664 {strides = array<i32>} : memref<32x16xf32, #tpu.memory_space<vmem>>, vector<16xf32>,
      %mul3A_669 = arith.constant 20 : i32
      %mul3A_670 = arith.muli %scan3A_432, %mul3A_669 : i32
      %add3A_671 = arith.constant 7 : i32
      %add3A_672 = arith.addi %mul3A_670, %add3A_671 : i32
      %get3A_673 = arith.index_cast %add3A_672 : i32 to index
      %get3A_674 = arith.constant 0 : index
      %get3A_675 = tpu.vector_load %arg7[%get3A_673, %get3A_674] {strides = array<i32>} : memref<640x64xf32, #tpu.memory_space<vmem>>, vector<16xf32>,
      %mul3A_676 = arith.mulf %get3A_675, %get3A_436 : vector<16xf32>
      %get3A_677 = arith.index_cast %add3A_672 : i32 to index
      %get3A_678 = arith.constant 16 : index
      %get3A_679 = tpu.vector_load %arg7[%get3A_677, %get3A_678] {strides = array<i32>} : memref<640x64xf32, #tpu.memory_space<vmem>>, vector<16xf32>,
      %mul3A_680 = arith.mulf %get3A_679, %get3A_439 : vector<16xf32>
      %add3A_681 = arith.addf %mul3A_676, %mul3A_680 : vector<16xf32>
      %get3A_682 = arith.index_cast %add3A_672 : i32 to index
      %get3A_683 = arith.constant 32 : index
      %get3A_684 = tpu.vector_load %arg7[%get3A_682, %get3A_683] {strides = array<i32>} : memref<640x64xf32, #tpu.memory_space<vmem>>, vector<16xf32>,
      %mul3A_685 = arith.mulf %get3A_684, %get3A_442 : vector<16xf32>
      %add3A_686 = arith.addf %add3A_681, %mul3A_685 : vector<16xf32>
      %get3A_687 = arith.index_cast %add3A_672 : i32 to index
      %get3A_688 = arith.constant 48 : index
      %get3A_689 = tpu.vector_load %arg7[%get3A_687, %get3A_688] {strides = array<i32>} : memref<640x64xf32, #tpu.memory_space<vmem>>, vector<16xf32>,
      %mul3A_690 = arith.mulf %get3A_689, %get3A_445 : vector<16xf32>
      %add3A_691 = arith.addf %add3A_686, %mul3A_690 : vector<16xf32>
      %reduce_sum3A_692 = arith.constant true
      %reduce_sum3A_693 = vector.broadcast %reduce_sum3A_692 : i1 to vector<16xi1>
      %reduce_sum3A_694 = tpu.scan <sum>, %add3A_691 masked %reduce_sum3A_693 : vector<16xf32>, vector<16xi1> -> vector<16xf32>
      %reduce_sum3A_695 = vector.extract %reduce_sum3A_694[15] : f32 from vector<16xf32>
      %broadcast_in_dim3A_696 = vector.broadcast %reduce_sum3A_695 : f32 to vector<16xf32>
      %swap3A_697 = arith.constant 7 : i32
      %swap3A_698 = arith.index_cast %swap3A_697 : i32 to index
      %swap3A_699 = arith.constant 0 : index
      %swap3A_700 = tpu.vector_load %arg10[%swap3A_698, %swap3A_699] {strides = array<i32>} : memref<32x16xf32, #tpu.memory_space<vmem>>, vector<16xf32>,
      tpu.vector_store %arg10[%swap3A_698, %swap3A_699], %broadcast_in_dim3A_696 {strides = array<i32>} : memref<32x16xf32, #tpu.memory_space<vmem>>, vector<16xf32>,
      %mul3A_701 = arith.constant 20 : i32
      %mul3A_702 = arith.muli %scan3A_432, %mul3A_701 : i32
      %add3A_703 = arith.constant 8 : i32
      %add3A_704 = arith.addi %mul3A_702, %add3A_703 : i32
      %get3A_705 = arith.index_cast %add3A_704 : i32 to index
      %get3A_706 = arith.constant 0 : index
      %get3A_707 = tpu.vector_load %arg7[%get3A_705, %get3A_706] {strides = array<i32>} : memref<640x64xf32, #tpu.memory_space<vmem>>, vector<16xf32>,
      %mul3A_708 = arith.mulf %get3A_707, %get3A_436 : vector<16xf32>
      %get3A_709 = arith.index_cast %add3A_704 : i32 to index
      %get3A_710 = arith.constant 16 : index
      %get3A_711 = tpu.vector_load %arg7[%get3A_709, %get3A_710] {strides = array<i32>} : memref<640x64xf32, #tpu.memory_space<vmem>>, vector<16xf32>,
      %mul3A_712 = arith.mulf %get3A_711, %get3A_439 : vector<16xf32>
      %add3A_713 = arith.addf %mul3A_708, %mul3A_712 : vector<16xf32>
      %get3A_714 = arith.index_cast %add3A_704 : i32 to index
      %get3A_715 = arith.constant 32 : index
      %get3A_716 = tpu.vector_load %arg7[%get3A_714, %get3A_715] {strides = array<i32>} : memref<640x64xf32, #tpu.memory_space<vmem>>, vector<16xf32>,
      %mul3A_717 = arith.mulf %get3A_716, %get3A_442 : vector<16xf32>
      %add3A_718 = arith.addf %add3A_713, %mul3A_717 : vector<16xf32>
      %get3A_719 = arith.index_cast %add3A_704 : i32 to index
      %get3A_720 = arith.constant 48 : index
      %get3A_721 = tpu.vector_load %arg7[%get3A_719, %get3A_720] {strides = array<i32>} : memref<640x64xf32, #tpu.memory_space<vmem>>, vector<16xf32>,
      %mul3A_722 = arith.mulf %get3A_721, %get3A_445 : vector<16xf32>
      %add3A_723 = arith.addf %add3A_718, %mul3A_722 : vector<16xf32>
      %reduce_sum3A_724 = arith.constant true
      %reduce_sum3A_725 = vector.broadcast %reduce_sum3A_724 : i1 to vector<16xi1>
      %reduce_sum3A_726 = tpu.scan <sum>, %add3A_723 masked %reduce_sum3A_725 : vector<16xf32>, vector<16xi1> -> vector<16xf32>
      %reduce_sum3A_727 = vector.extract %reduce_sum3A_726[15] : f32 from vector<16xf32>
      %broadcast_in_dim3A_728 = vector.broadcast %reduce_sum3A_727 : f32 to vector<16xf32>
      %swap3A_729 = arith.constant 8 : i32
      %swap3A_730 = arith.index_cast %swap3A_729 : i32 to index
      %swap3A_731 = arith.constant 0 : index
      %swap3A_732 = tpu.vector_load %arg10[%swap3A_730, %swap3A_731] {strides = array<i32>} : memref<32x16xf32, #tpu.memory_space<vmem>>, vector<16xf32>,
      tpu.vector_store %arg10[%swap3A_730, %swap3A_731], %broadcast_in_dim3A_728 {strides = array<i32>} : memref<32x16xf32, #tpu.memory_space<vmem>>, vector<16xf32>,
      %mul3A_733 = arith.constant 20 : i32
      %mul3A_734 = arith.muli %scan3A_432, %mul3A_733 : i32
      %add3A_735 = arith.constant 9 : i32
      %add3A_736 = arith.addi %mul3A_734, %add3A_735 : i32
      %get3A_737 = arith.index_cast %add3A_736 : i32 to index
      %get3A_738 = arith.constant 0 : index
      %get3A_739 = tpu.vector_load %arg7[%get3A_737, %get3A_738] {strides = array<i32>} : memref<640x64xf32, #tpu.memory_space<vmem>>, vector<16xf32>,
      %mul3A_740 = arith.mulf %get3A_739, %get3A_436 : vector<16xf32>
      %get3A_741 = arith.index_cast %add3A_736 : i32 to index
      %get3A_742 = arith.constant 16 : index
      %get3A_743 = tpu.vector_load %arg7[%get3A_741, %get3A_742] {strides = array<i32>} : memref<640x64xf32, #tpu.memory_space<vmem>>, vector<16xf32>,
      %mul3A_744 = arith.mulf %get3A_743, %get3A_439 : vector<16xf32>
      %add3A_745 = arith.addf %mul3A_740, %mul3A_744 : vector<16xf32>
      %get3A_746 = arith.index_cast %add3A_736 : i32 to index
      %get3A_747 = arith.constant 32 : index
      %get3A_748 = tpu.vector_load %arg7[%get3A_746, %get3A_747] {strides = array<i32>} : memref<640x64xf32, #tpu.memory_space<vmem>>, vector<16xf32>,
      %mul3A_749 = arith.mulf %get3A_748, %get3A_442 : vector<16xf32>
      %add3A_750 = arith.addf %add3A_745, %mul3A_749 : vector<16xf32>
      %get3A_751 = arith.index_cast %add3A_736 : i32 to index
      %get3A_752 = arith.constant 48 : index
      %get3A_753 = tpu.vector_load %arg7[%get3A_751, %get3A_752] {strides = array<i32>} : memref<640x64xf32, #tpu.memory_space<vmem>>, vector<16xf32>,
      %mul3A_754 = arith.mulf %get3A_753, %get3A_445 : vector<16xf32>
      %add3A_755 = arith.addf %add3A_750, %mul3A_754 : vector<16xf32>
      %reduce_sum3A_756 = arith.constant true
      %reduce_sum3A_757 = vector.broadcast %reduce_sum3A_756 : i1 to vector<16xi1>
      %reduce_sum3A_758 = tpu.scan <sum>, %add3A_755 masked %reduce_sum3A_757 : vector<16xf32>, vector<16xi1> -> vector<16xf32>
      %reduce_sum3A_759 = vector.extract %reduce_sum3A_758[15] : f32 from vector<16xf32>
      %broadcast_in_dim3A_760 = vector.broadcast %reduce_sum3A_759 : f32 to vector<16xf32>
      %swap3A_761 = arith.constant 9 : i32
      %swap3A_762 = arith.index_cast %swap3A_761 : i32 to index
      %swap3A_763 = arith.constant 0 : index
      %swap3A_764 = tpu.vector_load %arg10[%swap3A_762, %swap3A_763] {strides = array<i32>} : memref<32x16xf32, #tpu.memory_space<vmem>>, vector<16xf32>,
      tpu.vector_store %arg10[%swap3A_762, %swap3A_763], %broadcast_in_dim3A_760 {strides = array<i32>} : memref<32x16xf32, #tpu.memory_space<vmem>>, vector<16xf32>,
      %mul3A_765 = arith.constant 20 : i32
      %mul3A_766 = arith.muli %scan3A_432, %mul3A_765 : i32
      %add3A_767 = arith.constant 10 : i32
      %add3A_768 = arith.addi %mul3A_766, %add3A_767 : i32
      %get3A_769 = arith.index_cast %add3A_768 : i32 to index
      %get3A_770 = arith.constant 0 : index
      %get3A_771 = tpu.vector_load %arg7[%get3A_769, %get3A_770] {strides = array<i32>} : memref<640x64xf32, #tpu.memory_space<vmem>>, vector<16xf32>,
      %mul3A_772 = arith.mulf %get3A_771, %get3A_436 : vector<16xf32>
      %get3A_773 = arith.index_cast %add3A_768 : i32 to index
      %get3A_774 = arith.constant 16 : index
      %get3A_775 = tpu.vector_load %arg7[%get3A_773, %get3A_774] {strides = array<i32>} : memref<640x64xf32, #tpu.memory_space<vmem>>, vector<16xf32>,
      %mul3A_776 = arith.mulf %get3A_775, %get3A_439 : vector<16xf32>
      %add3A_777 = arith.addf %mul3A_772, %mul3A_776 : vector<16xf32>
      %get3A_778 = arith.index_cast %add3A_768 : i32 to index
      %get3A_779 = arith.constant 32 : index
      %get3A_780 = tpu.vector_load %arg7[%get3A_778, %get3A_779] {strides = array<i32>} : memref<640x64xf32, #tpu.memory_space<vmem>>, vector<16xf32>,
      %mul3A_781 = arith.mulf %get3A_780, %get3A_442 : vector<16xf32>
      %add3A_782 = arith.addf %add3A_777, %mul3A_781 : vector<16xf32>
      %get3A_783 = arith.index_cast %add3A_768 : i32 to index
      %get3A_784 = arith.constant 48 : index
      %get3A_785 = tpu.vector_load %arg7[%get3A_783, %get3A_784] {strides = array<i32>} : memref<640x64xf32, #tpu.memory_space<vmem>>, vector<16xf32>,
      %mul3A_786 = arith.mulf %get3A_785, %get3A_445 : vector<16xf32>
      %add3A_787 = arith.addf %add3A_782, %mul3A_786 : vector<16xf32>
      %reduce_sum3A_788 = arith.constant true
      %reduce_sum3A_789 = vector.broadcast %reduce_sum3A_788 : i1 to vector<16xi1>
      %reduce_sum3A_790 = tpu.scan <sum>, %add3A_787 masked %reduce_sum3A_789 : vector<16xf32>, vector<16xi1> -> vector<16xf32>
      %reduce_sum3A_791 = vector.extract %reduce_sum3A_790[15] : f32 from vector<16xf32>
      %broadcast_in_dim3A_792 = vector.broadcast %reduce_sum3A_791 : f32 to vector<16xf32>
      %swap3A_793 = arith.constant 10 : i32
      %swap3A_794 = arith.index_cast %swap3A_793 : i32 to index
      %swap3A_795 = arith.constant 0 : index
      %swap3A_796 = tpu.vector_load %arg10[%swap3A_794, %swap3A_795] {strides = array<i32>} : memref<32x16xf32, #tpu.memory_space<vmem>>, vector<16xf32>,
      tpu.vector_store %arg10[%swap3A_794, %swap3A_795], %broadcast_in_dim3A_792 {strides = array<i32>} : memref<32x16xf32, #tpu.memory_space<vmem>>, vector<16xf32>,
      %mul3A_797 = arith.constant 20 : i32
      %mul3A_798 = arith.muli %scan3A_432, %mul3A_797 : i32
      %add3A_799 = arith.constant 11 : i32
      %add3A_800 = arith.addi %mul3A_798, %add3A_799 : i32
      %get3A_801 = arith.index_cast %add3A_800 : i32 to index
      %get3A_802 = arith.constant 0 : index
      %get3A_803 = tpu.vector_load %arg7[%get3A_801, %get3A_802] {strides = array<i32>} : memref<640x64xf32, #tpu.memory_space<vmem>>, vector<16xf32>,
      %mul3A_804 = arith.mulf %get3A_803, %get3A_436 : vector<16xf32>
      %get3A_805 = arith.index_cast %add3A_800 : i32 to index
      %get3A_806 = arith.constant 16 : index
      %get3A_807 = tpu.vector_load %arg7[%get3A_805, %get3A_806] {strides = array<i32>} : memref<640x64xf32, #tpu.memory_space<vmem>>, vector<16xf32>,
      %mul3A_808 = arith.mulf %get3A_807, %get3A_439 : vector<16xf32>
      %add3A_809 = arith.addf %mul3A_804, %mul3A_808 : vector<16xf32>
      %get3A_810 = arith.index_cast %add3A_800 : i32 to index
      %get3A_811 = arith.constant 32 : index
      %get3A_812 = tpu.vector_load %arg7[%get3A_810, %get3A_811] {strides = array<i32>} : memref<640x64xf32, #tpu.memory_space<vmem>>, vector<16xf32>,
      %mul3A_813 = arith.mulf %get3A_812, %get3A_442 : vector<16xf32>
      %add3A_814 = arith.addf %add3A_809, %mul3A_813 : vector<16xf32>
      %get3A_815 = arith.index_cast %add3A_800 : i32 to index
      %get3A_816 = arith.constant 48 : index
      %get3A_817 = tpu.vector_load %arg7[%get3A_815, %get3A_816] {strides = array<i32>} : memref<640x64xf32, #tpu.memory_space<vmem>>, vector<16xf32>,
      %mul3A_818 = arith.mulf %get3A_817, %get3A_445 : vector<16xf32>
      %add3A_819 = arith.addf %add3A_814, %mul3A_818 : vector<16xf32>
      %reduce_sum3A_820 = arith.constant true
      %reduce_sum3A_821 = vector.broadcast %reduce_sum3A_820 : i1 to vector<16xi1>
      %reduce_sum3A_822 = tpu.scan <sum>, %add3A_819 masked %reduce_sum3A_821 : vector<16xf32>, vector<16xi1> -> vector<16xf32>
      %reduce_sum3A_823 = vector.extract %reduce_sum3A_822[15] : f32 from vector<16xf32>
      %broadcast_in_dim3A_824 = vector.broadcast %reduce_sum3A_823 : f32 to vector<16xf32>
      %swap3A_825 = arith.constant 11 : i32
      %swap3A_826 = arith.index_cast %swap3A_825 : i32 to index
      %swap3A_827 = arith.constant 0 : index
      %swap3A_828 = tpu.vector_load %arg10[%swap3A_826, %swap3A_827] {strides = array<i32>} : memref<32x16xf32, #tpu.memory_space<vmem>>, vector<16xf32>,
      tpu.vector_store %arg10[%swap3A_826, %swap3A_827], %broadcast_in_dim3A_824 {strides = array<i32>} : memref<32x16xf32, #tpu.memory_space<vmem>>, vector<16xf32>,
      %mul3A_829 = arith.constant 20 : i32
      %mul3A_830 = arith.muli %scan3A_432, %mul3A_829 : i32
      %add3A_831 = arith.constant 12 : i32
      %add3A_832 = arith.addi %mul3A_830, %add3A_831 : i32
      %get3A_833 = arith.index_cast %add3A_832 : i32 to index
      %get3A_834 = arith.constant 0 : index
      %get3A_835 = tpu.vector_load %arg7[%get3A_833, %get3A_834] {strides = array<i32>} : memref<640x64xf32, #tpu.memory_space<vmem>>, vector<16xf32>,
      %mul3A_836 = arith.mulf %get3A_835, %get3A_436 : vector<16xf32>
      %get3A_837 = arith.index_cast %add3A_832 : i32 to index
      %get3A_838 = arith.constant 16 : index
      %get3A_839 = tpu.vector_load %arg7[%get3A_837, %get3A_838] {strides = array<i32>} : memref<640x64xf32, #tpu.memory_space<vmem>>, vector<16xf32>,
      %mul3A_840 = arith.mulf %get3A_839, %get3A_439 : vector<16xf32>
      %add3A_841 = arith.addf %mul3A_836, %mul3A_840 : vector<16xf32>
      %get3A_842 = arith.index_cast %add3A_832 : i32 to index
      %get3A_843 = arith.constant 32 : index
      %get3A_844 = tpu.vector_load %arg7[%get3A_842, %get3A_843] {strides = array<i32>} : memref<640x64xf32, #tpu.memory_space<vmem>>, vector<16xf32>,
      %mul3A_845 = arith.mulf %get3A_844, %get3A_442 : vector<16xf32>
      %add3A_846 = arith.addf %add3A_841, %mul3A_845 : vector<16xf32>
      %get3A_847 = arith.index_cast %add3A_832 : i32 to index
      %get3A_848 = arith.constant 48 : index
      %get3A_849 = tpu.vector_load %arg7[%get3A_847, %get3A_848] {strides = array<i32>} : memref<640x64xf32, #tpu.memory_space<vmem>>, vector<16xf32>,
      %mul3A_850 = arith.mulf %get3A_849, %get3A_445 : vector<16xf32>
      %add3A_851 = arith.addf %add3A_846, %mul3A_850 : vector<16xf32>
      %reduce_sum3A_852 = arith.constant true
      %reduce_sum3A_853 = vector.broadcast %reduce_sum3A_852 : i1 to vector<16xi1>
      %reduce_sum3A_854 = tpu.scan <sum>, %add3A_851 masked %reduce_sum3A_853 : vector<16xf32>, vector<16xi1> -> vector<16xf32>
      %reduce_sum3A_855 = vector.extract %reduce_sum3A_854[15] : f32 from vector<16xf32>
      %broadcast_in_dim3A_856 = vector.broadcast %reduce_sum3A_855 : f32 to vector<16xf32>
      %swap3A_857 = arith.constant 12 : i32
      %swap3A_858 = arith.index_cast %swap3A_857 : i32 to index
      %swap3A_859 = arith.constant 0 : index
      %swap3A_860 = tpu.vector_load %arg10[%swap3A_858, %swap3A_859] {strides = array<i32>} : memref<32x16xf32, #tpu.memory_space<vmem>>, vector<16xf32>,
      tpu.vector_store %arg10[%swap3A_858, %swap3A_859], %broadcast_in_dim3A_856 {strides = array<i32>} : memref<32x16xf32, #tpu.memory_space<vmem>>, vector<16xf32>,
      %mul3A_861 = arith.constant 20 : i32
      %mul3A_862 = arith.muli %scan3A_432, %mul3A_861 : i32
      %add3A_863 = arith.constant 13 : i32
      %add3A_864 = arith.addi %mul3A_862, %add3A_863 : i32
      %get3A_865 = arith.index_cast %add3A_864 : i32 to index
      %get3A_866 = arith.constant 0 : index
      %get3A_867 = tpu.vector_load %arg7[%get3A_865, %get3A_866] {strides = array<i32>} : memref<640x64xf32, #tpu.memory_space<vmem>>, vector<16xf32>,
      %mul3A_868 = arith.mulf %get3A_867, %get3A_436 : vector<16xf32>
      %get3A_869 = arith.index_cast %add3A_864 : i32 to index
      %get3A_870 = arith.constant 16 : index
      %get3A_871 = tpu.vector_load %arg7[%get3A_869, %get3A_870] {strides = array<i32>} : memref<640x64xf32, #tpu.memory_space<vmem>>, vector<16xf32>,
      %mul3A_872 = arith.mulf %get3A_871, %get3A_439 : vector<16xf32>
      %add3A_873 = arith.addf %mul3A_868, %mul3A_872 : vector<16xf32>
      %get3A_874 = arith.index_cast %add3A_864 : i32 to index
      %get3A_875 = arith.constant 32 : index
      %get3A_876 = tpu.vector_load %arg7[%get3A_874, %get3A_875] {strides = array<i32>} : memref<640x64xf32, #tpu.memory_space<vmem>>, vector<16xf32>,
      %mul3A_877 = arith.mulf %get3A_876, %get3A_442 : vector<16xf32>
      %add3A_878 = arith.addf %add3A_873, %mul3A_877 : vector<16xf32>
      %get3A_879 = arith.index_cast %add3A_864 : i32 to index
      %get3A_880 = arith.constant 48 : index
      %get3A_881 = tpu.vector_load %arg7[%get3A_879, %get3A_880] {strides = array<i32>} : memref<640x64xf32, #tpu.memory_space<vmem>>, vector<16xf32>,
      %mul3A_882 = arith.mulf %get3A_881, %get3A_445 : vector<16xf32>
      %add3A_883 = arith.addf %add3A_878, %mul3A_882 : vector<16xf32>
      %reduce_sum3A_884 = arith.constant true
      %reduce_sum3A_885 = vector.broadcast %reduce_sum3A_884 : i1 to vector<16xi1>
      %reduce_sum3A_886 = tpu.scan <sum>, %add3A_883 masked %reduce_sum3A_885 : vector<16xf32>, vector<16xi1> -> vector<16xf32>
      %reduce_sum3A_887 = vector.extract %reduce_sum3A_886[15] : f32 from vector<16xf32>
      %broadcast_in_dim3A_888 = vector.broadcast %reduce_sum3A_887 : f32 to vector<16xf32>
      %swap3A_889 = arith.constant 13 : i32
      %swap3A_890 = arith.index_cast %swap3A_889 : i32 to index
      %swap3A_891 = arith.constant 0 : index
      %swap3A_892 = tpu.vector_load %arg10[%swap3A_890, %swap3A_891] {strides = array<i32>} : memref<32x16xf32, #tpu.memory_space<vmem>>, vector<16xf32>,
      tpu.vector_store %arg10[%swap3A_890, %swap3A_891], %broadcast_in_dim3A_888 {strides = array<i32>} : memref<32x16xf32, #tpu.memory_space<vmem>>, vector<16xf32>,
      %mul3A_893 = arith.constant 20 : i32
      %mul3A_894 = arith.muli %scan3A_432, %mul3A_893 : i32
      %add3A_895 = arith.constant 14 : i32
      %add3A_896 = arith.addi %mul3A_894, %add3A_895 : i32
      %get3A_897 = arith.index_cast %add3A_896 : i32 to index
      %get3A_898 = arith.constant 0 : index
      %get3A_899 = tpu.vector_load %arg7[%get3A_897, %get3A_898] {strides = array<i32>} : memref<640x64xf32, #tpu.memory_space<vmem>>, vector<16xf32>,
      %mul3A_900 = arith.mulf %get3A_899, %get3A_436 : vector<16xf32>
      %get3A_901 = arith.index_cast %add3A_896 : i32 to index
      %get3A_902 = arith.constant 16 : index
      %get3A_903 = tpu.vector_load %arg7[%get3A_901, %get3A_902] {strides = array<i32>} : memref<640x64xf32, #tpu.memory_space<vmem>>, vector<16xf32>,
      %mul3A_904 = arith.mulf %get3A_903, %get3A_439 : vector<16xf32>
      %add3A_905 = arith.addf %mul3A_900, %mul3A_904 : vector<16xf32>
      %get3A_906 = arith.index_cast %add3A_896 : i32 to index
      %get3A_907 = arith.constant 32 : index
      %get3A_908 = tpu.vector_load %arg7[%get3A_906, %get3A_907] {strides = array<i32>} : memref<640x64xf32, #tpu.memory_space<vmem>>, vector<16xf32>,
      %mul3A_909 = arith.mulf %get3A_908, %get3A_442 : vector<16xf32>
      %add3A_910 = arith.addf %add3A_905, %mul3A_909 : vector<16xf32>
      %get3A_911 = arith.index_cast %add3A_896 : i32 to index
      %get3A_912 = arith.constant 48 : index
      %get3A_913 = tpu.vector_load %arg7[%get3A_911, %get3A_912] {strides = array<i32>} : memref<640x64xf32, #tpu.memory_space<vmem>>, vector<16xf32>,
      %mul3A_914 = arith.mulf %get3A_913, %get3A_445 : vector<16xf32>
      %add3A_915 = arith.addf %add3A_910, %mul3A_914 : vector<16xf32>
      %reduce_sum3A_916 = arith.constant true
      %reduce_sum3A_917 = vector.broadcast %reduce_sum3A_916 : i1 to vector<16xi1>
      %reduce_sum3A_918 = tpu.scan <sum>, %add3A_915 masked %reduce_sum3A_917 : vector<16xf32>, vector<16xi1> -> vector<16xf32>
      %reduce_sum3A_919 = vector.extract %reduce_sum3A_918[15] : f32 from vector<16xf32>
      %broadcast_in_dim3A_920 = vector.broadcast %reduce_sum3A_919 : f32 to vector<16xf32>
      %swap3A_921 = arith.constant 14 : i32
      %swap3A_922 = arith.index_cast %swap3A_921 : i32 to index
      %swap3A_923 = arith.constant 0 : index
      %swap3A_924 = tpu.vector_load %arg10[%swap3A_922, %swap3A_923] {strides = array<i32>} : memref<32x16xf32, #tpu.memory_space<vmem>>, vector<16xf32>,
      tpu.vector_store %arg10[%swap3A_922, %swap3A_923], %broadcast_in_dim3A_920 {strides = array<i32>} : memref<32x16xf32, #tpu.memory_space<vmem>>, vector<16xf32>,
      %mul3A_925 = arith.constant 20 : i32
      %mul3A_926 = arith.muli %scan3A_432, %mul3A_925 : i32
      %add3A_927 = arith.constant 15 : i32
      %add3A_928 = arith.addi %mul3A_926, %add3A_927 : i32
      %get3A_929 = arith.index_cast %add3A_928 : i32 to index
      %get3A_930 = arith.constant 0 : index
      %get3A_931 = tpu.vector_load %arg7[%get3A_929, %get3A_930] {strides = array<i32>} : memref<640x64xf32, #tpu.memory_space<vmem>>, vector<16xf32>,
      %mul3A_932 = arith.mulf %get3A_931, %get3A_436 : vector<16xf32>
      %get3A_933 = arith.index_cast %add3A_928 : i32 to index
      %get3A_934 = arith.constant 16 : index
      %get3A_935 = tpu.vector_load %arg7[%get3A_933, %get3A_934] {strides = array<i32>} : memref<640x64xf32, #tpu.memory_space<vmem>>, vector<16xf32>,
      %mul3A_936 = arith.mulf %get3A_935, %get3A_439 : vector<16xf32>
      %add3A_937 = arith.addf %mul3A_932, %mul3A_936 : vector<16xf32>
      %get3A_938 = arith.index_cast %add3A_928 : i32 to index
      %get3A_939 = arith.constant 32 : index
      %get3A_940 = tpu.vector_load %arg7[%get3A_938, %get3A_939] {strides = array<i32>} : memref<640x64xf32, #tpu.memory_space<vmem>>, vector<16xf32>,
      %mul3A_941 = arith.mulf %get3A_940, %get3A_442 : vector<16xf32>
      %add3A_942 = arith.addf %add3A_937, %mul3A_941 : vector<16xf32>
      %get3A_943 = arith.index_cast %add3A_928 : i32 to index
      %get3A_944 = arith.constant 48 : index
      %get3A_945 = tpu.vector_load %arg7[%get3A_943, %get3A_944] {strides = array<i32>} : memref<640x64xf32, #tpu.memory_space<vmem>>, vector<16xf32>,
      %mul3A_946 = arith.mulf %get3A_945, %get3A_445 : vector<16xf32>
      %add3A_947 = arith.addf %add3A_942, %mul3A_946 : vector<16xf32>
      %reduce_sum3A_948 = arith.constant true
      %reduce_sum3A_949 = vector.broadcast %reduce_sum3A_948 : i1 to vector<16xi1>
      %reduce_sum3A_950 = tpu.scan <sum>, %add3A_947 masked %reduce_sum3A_949 : vector<16xf32>, vector<16xi1> -> vector<16xf32>
      %reduce_sum3A_951 = vector.extract %reduce_sum3A_950[15] : f32 from vector<16xf32>
      %broadcast_in_dim3A_952 = vector.broadcast %reduce_sum3A_951 : f32 to vector<16xf32>
      %swap3A_953 = arith.constant 15 : i32
      %swap3A_954 = arith.index_cast %swap3A_953 : i32 to index
      %swap3A_955 = arith.constant 0 : index
      %swap3A_956 = tpu.vector_load %arg10[%swap3A_954, %swap3A_955] {strides = array<i32>} : memref<32x16xf32, #tpu.memory_space<vmem>>, vector<16xf32>,
      tpu.vector_store %arg10[%swap3A_954, %swap3A_955], %broadcast_in_dim3A_952 {strides = array<i32>} : memref<32x16xf32, #tpu.memory_space<vmem>>, vector<16xf32>,
      %mul3A_957 = arith.constant 20 : i32
      %mul3A_958 = arith.muli %scan3A_432, %mul3A_957 : i32
      %add3A_959 = arith.constant 16 : i32
      %add3A_960 = arith.addi %mul3A_958, %add3A_959 : i32
      %get3A_961 = arith.index_cast %add3A_960 : i32 to index
      %get3A_962 = arith.constant 0 : index
      %get3A_963 = tpu.vector_load %arg7[%get3A_961, %get3A_962] {strides = array<i32>} : memref<640x64xf32, #tpu.memory_space<vmem>>, vector<16xf32>,
      %mul3A_964 = arith.mulf %get3A_963, %get3A_436 : vector<16xf32>
      %get3A_965 = arith.index_cast %add3A_960 : i32 to index
      %get3A_966 = arith.constant 16 : index
      %get3A_967 = tpu.vector_load %arg7[%get3A_965, %get3A_966] {strides = array<i32>} : memref<640x64xf32, #tpu.memory_space<vmem>>, vector<16xf32>,
      %mul3A_968 = arith.mulf %get3A_967, %get3A_439 : vector<16xf32>
      %add3A_969 = arith.addf %mul3A_964, %mul3A_968 : vector<16xf32>
      %get3A_970 = arith.index_cast %add3A_960 : i32 to index
      %get3A_971 = arith.constant 32 : index
      %get3A_972 = tpu.vector_load %arg7[%get3A_970, %get3A_971] {strides = array<i32>} : memref<640x64xf32, #tpu.memory_space<vmem>>, vector<16xf32>,
      %mul3A_973 = arith.mulf %get3A_972, %get3A_442 : vector<16xf32>
      %add3A_974 = arith.addf %add3A_969, %mul3A_973 : vector<16xf32>
      %get3A_975 = arith.index_cast %add3A_960 : i32 to index
      %get3A_976 = arith.constant 48 : index
      %get3A_977 = tpu.vector_load %arg7[%get3A_975, %get3A_976] {strides = array<i32>} : memref<640x64xf32, #tpu.memory_space<vmem>>, vector<16xf32>,
      %mul3A_978 = arith.mulf %get3A_977, %get3A_445 : vector<16xf32>
      %add3A_979 = arith.addf %add3A_974, %mul3A_978 : vector<16xf32>
      %reduce_sum3A_980 = arith.constant true
      %reduce_sum3A_981 = vector.broadcast %reduce_sum3A_980 : i1 to vector<16xi1>
      %reduce_sum3A_982 = tpu.scan <sum>, %add3A_979 masked %reduce_sum3A_981 : vector<16xf32>, vector<16xi1> -> vector<16xf32>
      %reduce_sum3A_983 = vector.extract %reduce_sum3A_982[15] : f32 from vector<16xf32>
      %broadcast_in_dim3A_984 = vector.broadcast %reduce_sum3A_983 : f32 to vector<16xf32>
      %swap3A_985 = arith.constant 16 : i32
      %swap3A_986 = arith.index_cast %swap3A_985 : i32 to index
      %swap3A_987 = arith.constant 0 : index
      %swap3A_988 = tpu.vector_load %arg10[%swap3A_986, %swap3A_987] {strides = array<i32>} : memref<32x16xf32, #tpu.memory_space<vmem>>, vector<16xf32>,
      tpu.vector_store %arg10[%swap3A_986, %swap3A_987], %broadcast_in_dim3A_984 {strides = array<i32>} : memref<32x16xf32, #tpu.memory_space<vmem>>, vector<16xf32>,
      %mul3A_989 = arith.constant 20 : i32
      %mul3A_990 = arith.muli %scan3A_432, %mul3A_989 : i32
      %add3A_991 = arith.constant 17 : i32
      %add3A_992 = arith.addi %mul3A_990, %add3A_991 : i32
      %get3A_993 = arith.index_cast %add3A_992 : i32 to index
      %get3A_994 = arith.constant 0 : index
      %get3A_995 = tpu.vector_load %arg7[%get3A_993, %get3A_994] {strides = array<i32>} : memref<640x64xf32, #tpu.memory_space<vmem>>, vector<16xf32>,
      %mul3A_996 = arith.mulf %get3A_995, %get3A_436 : vector<16xf32>
      %get3A_997 = arith.index_cast %add3A_992 : i32 to index
      %get3A_998 = arith.constant 16 : index
      %get3A_999 = tpu.vector_load %arg7[%get3A_997, %get3A_998] {strides = array<i32>} : memref<640x64xf32, #tpu.memory_space<vmem>>, vector<16xf32>,
      %mul3A_1000 = arith.mulf %get3A_999, %get3A_439 : vector<16xf32>
      %add3A_1001 = arith.addf %mul3A_996, %mul3A_1000 : vector<16xf32>
      %get3A_1002 = arith.index_cast %add3A_992 : i32 to index
      %get3A_1003 = arith.constant 32 : index
      %get3A_1004 = tpu.vector_load %arg7[%get3A_1002, %get3A_1003] {strides = array<i32>} : memref<640x64xf32, #tpu.memory_space<vmem>>, vector<16xf32>,
      %mul3A_1005 = arith.mulf %get3A_1004, %get3A_442 : vector<16xf32>
      %add3A_1006 = arith.addf %add3A_1001, %mul3A_1005 : vector<16xf32>
      %get3A_1007 = arith.index_cast %add3A_992 : i32 to index
      %get3A_1008 = arith.constant 48 : index
      %get3A_1009 = tpu.vector_load %arg7[%get3A_1007, %get3A_1008] {strides = array<i32>} : memref<640x64xf32, #tpu.memory_space<vmem>>, vector<16xf32>,
      %mul3A_1010 = arith.mulf %get3A_1009, %get3A_445 : vector<16xf32>
      %add3A_1011 = arith.addf %add3A_1006, %mul3A_1010 : vector<16xf32>
      %reduce_sum3A_1012 = arith.constant true
      %reduce_sum3A_1013 = vector.broadcast %reduce_sum3A_1012 : i1 to vector<16xi1>
      %reduce_sum3A_1014 = tpu.scan <sum>, %add3A_1011 masked %reduce_sum3A_1013 : vector<16xf32>, vector<16xi1> -> vector<16xf32>
      %reduce_sum3A_1015 = vector.extract %reduce_sum3A_1014[15] : f32 from vector<16xf32>
      %broadcast_in_dim3A_1016 = vector.broadcast %reduce_sum3A_1015 : f32 to vector<16xf32>
      %swap3A_1017 = arith.constant 17 : i32
      %swap3A_1018 = arith.index_cast %swap3A_1017 : i32 to index
      %swap3A_1019 = arith.constant 0 : index
      %swap3A_1020 = tpu.vector_load %arg10[%swap3A_1018, %swap3A_1019] {strides = array<i32>} : memref<32x16xf32, #tpu.memory_space<vmem>>, vector<16xf32>,
      tpu.vector_store %arg10[%swap3A_1018, %swap3A_1019], %broadcast_in_dim3A_1016 {strides = array<i32>} : memref<32x16xf32, #tpu.memory_space<vmem>>, vector<16xf32>,
      %mul3A_1021 = arith.constant 20 : i32
      %mul3A_1022 = arith.muli %scan3A_432, %mul3A_1021 : i32
      %add3A_1023 = arith.constant 18 : i32
      %add3A_1024 = arith.addi %mul3A_1022, %add3A_1023 : i32
      %get3A_1025 = arith.index_cast %add3A_1024 : i32 to index
      %get3A_1026 = arith.constant 0 : index
      %get3A_1027 = tpu.vector_load %arg7[%get3A_1025, %get3A_1026] {strides = array<i32>} : memref<640x64xf32, #tpu.memory_space<vmem>>, vector<16xf32>,
      %mul3A_1028 = arith.mulf %get3A_1027, %get3A_436 : vector<16xf32>
      %get3A_1029 = arith.index_cast %add3A_1024 : i32 to index
      %get3A_1030 = arith.constant 16 : index
      %get3A_1031 = tpu.vector_load %arg7[%get3A_1029, %get3A_1030] {strides = array<i32>} : memref<640x64xf32, #tpu.memory_space<vmem>>, vector<16xf32>,
      %mul3A_1032 = arith.mulf %get3A_1031, %get3A_439 : vector<16xf32>
      %add3A_1033 = arith.addf %mul3A_1028, %mul3A_1032 : vector<16xf32>
      %get3A_1034 = arith.index_cast %add3A_1024 : i32 to index
      %get3A_1035 = arith.constant 32 : index
      %get3A_1036 = tpu.vector_load %arg7[%get3A_1034, %get3A_1035] {strides = array<i32>} : memref<640x64xf32, #tpu.memory_space<vmem>>, vector<16xf32>,
      %mul3A_1037 = arith.mulf %get3A_1036, %get3A_442 : vector<16xf32>
      %add3A_1038 = arith.addf %add3A_1033, %mul3A_1037 : vector<16xf32>
      %get3A_1039 = arith.index_cast %add3A_1024 : i32 to index
      %get3A_1040 = arith.constant 48 : index
      %get3A_1041 = tpu.vector_load %arg7[%get3A_1039, %get3A_1040] {strides = array<i32>} : memref<640x64xf32, #tpu.memory_space<vmem>>, vector<16xf32>,
      %mul3A_1042 = arith.mulf %get3A_1041, %get3A_445 : vector<16xf32>
      %add3A_1043 = arith.addf %add3A_1038, %mul3A_1042 : vector<16xf32>
      %reduce_sum3A_1044 = arith.constant true
      %reduce_sum3A_1045 = vector.broadcast %reduce_sum3A_1044 : i1 to vector<16xi1>
      %reduce_sum3A_1046 = tpu.scan <sum>, %add3A_1043 masked %reduce_sum3A_1045 : vector<16xf32>, vector<16xi1> -> vector<16xf32>
      %reduce_sum3A_1047 = vector.extract %reduce_sum3A_1046[15] : f32 from vector<16xf32>
      %broadcast_in_dim3A_1048 = vector.broadcast %reduce_sum3A_1047 : f32 to vector<16xf32>
      %swap3A_1049 = arith.constant 18 : i32
      %swap3A_1050 = arith.index_cast %swap3A_1049 : i32 to index
      %swap3A_1051 = arith.constant 0 : index
      %swap3A_1052 = tpu.vector_load %arg10[%swap3A_1050, %swap3A_1051] {strides = array<i32>} : memref<32x16xf32, #tpu.memory_space<vmem>>, vector<16xf32>,
      tpu.vector_store %arg10[%swap3A_1050, %swap3A_1051], %broadcast_in_dim3A_1048 {strides = array<i32>} : memref<32x16xf32, #tpu.memory_space<vmem>>, vector<16xf32>,
      %mul3A_1053 = arith.constant 20 : i32
      %mul3A_1054 = arith.muli %scan3A_432, %mul3A_1053 : i32
      %add3A_1055 = arith.constant 19 : i32
      %add3A_1056 = arith.addi %mul3A_1054, %add3A_1055 : i32
      %get3A_1057 = arith.index_cast %add3A_1056 : i32 to index
      %get3A_1058 = arith.constant 0 : index
      %get3A_1059 = tpu.vector_load %arg7[%get3A_1057, %get3A_1058] {strides = array<i32>} : memref<640x64xf32, #tpu.memory_space<vmem>>, vector<16xf32>,
      %mul3A_1060 = arith.mulf %get3A_1059, %get3A_436 : vector<16xf32>
      %get3A_1061 = arith.index_cast %add3A_1056 : i32 to index
      %get3A_1062 = arith.constant 16 : index
      %get3A_1063 = tpu.vector_load %arg7[%get3A_1061, %get3A_1062] {strides = array<i32>} : memref<640x64xf32, #tpu.memory_space<vmem>>, vector<16xf32>,
      %mul3A_1064 = arith.mulf %get3A_1063, %get3A_439 : vector<16xf32>
      %add3A_1065 = arith.addf %mul3A_1060, %mul3A_1064 : vector<16xf32>
      %get3A_1066 = arith.index_cast %add3A_1056 : i32 to index
      %get3A_1067 = arith.constant 32 : index
      %get3A_1068 = tpu.vector_load %arg7[%get3A_1066, %get3A_1067] {strides = array<i32>} : memref<640x64xf32, #tpu.memory_space<vmem>>, vector<16xf32>,
      %mul3A_1069 = arith.mulf %get3A_1068, %get3A_442 : vector<16xf32>
      %add3A_1070 = arith.addf %add3A_1065, %mul3A_1069 : vector<16xf32>
      %get3A_1071 = arith.index_cast %add3A_1056 : i32 to index
      %get3A_1072 = arith.constant 48 : index
      %get3A_1073 = tpu.vector_load %arg7[%get3A_1071, %get3A_1072] {strides = array<i32>} : memref<640x64xf32, #tpu.memory_space<vmem>>, vector<16xf32>,
      %mul3A_1074 = arith.mulf %get3A_1073, %get3A_445 : vector<16xf32>
      %add3A_1075 = arith.addf %add3A_1070, %mul3A_1074 : vector<16xf32>
      %reduce_sum3A_1076 = arith.constant true
      %reduce_sum3A_1077 = vector.broadcast %reduce_sum3A_1076 : i1 to vector<16xi1>
      %reduce_sum3A_1078 = tpu.scan <sum>, %add3A_1075 masked %reduce_sum3A_1077 : vector<16xf32>, vector<16xi1> -> vector<16xf32>
      %reduce_sum3A_1079 = vector.extract %reduce_sum3A_1078[15] : f32 from vector<16xf32>
      %broadcast_in_dim3A_1080 = vector.broadcast %reduce_sum3A_1079 : f32 to vector<16xf32>
      %swap3A_1081 = arith.constant 19 : i32
      %swap3A_1082 = arith.index_cast %swap3A_1081 : i32 to index
      %swap3A_1083 = arith.constant 0 : index
      %swap3A_1084 = tpu.vector_load %arg10[%swap3A_1082, %swap3A_1083] {strides = array<i32>} : memref<32x16xf32, #tpu.memory_space<vmem>>, vector<16xf32>,
      tpu.vector_store %arg10[%swap3A_1082, %swap3A_1083], %broadcast_in_dim3A_1080 {strides = array<i32>} : memref<32x16xf32, #tpu.memory_space<vmem>>, vector<16xf32>,
      %iota3A = tpu.iota {dimensions = array<i32: 0>} : vector<16xi32>
      %broadcast_in_dim3A_1085 = arith.constant 0 : i32
      %broadcast_in_dim3A_1086 = vector.broadcast %broadcast_in_dim3A_1085 : i32 to vector<16xi32>
      %gather3A = tpu.vector_load_idx %arg10[%iota3A, %broadcast_in_dim3A_1086] : memref<32x16xf32, #tpu.memory_space<vmem>>[vector<16xi32>, vector<16xi32>], vector<16xf32>,
      %add3A_1087 = arith.constant 16 : i32
      %add3A_1088 = vector.broadcast %add3A_1087 : i32 to vector<16xi32>
      %add3A_1089 = arith.addi %iota3A, %add3A_1088 : vector<16xi32>
      %gather3A_1090 = tpu.vector_load_idx %arg10[%add3A_1089, %broadcast_in_dim3A_1086] : memref<32x16xf32, #tpu.memory_space<vmem>>[vector<16xi32>, vector<16xi32>], vector<16xf32>,
      %reduce_max3A = arith.constant true
      %reduce_max3A_1091 = vector.broadcast %reduce_max3A : i1 to vector<16xi1>
      %reduce_max3A_1092 = tpu.scan <max>, %gather3A masked %reduce_max3A_1091 : vector<16xf32>, vector<16xi1> -> vector<16xf32>
      %reduce_max3A_1093 = vector.extract %reduce_max3A_1092[15] : f32 from vector<16xf32>
      %reduce_max3A_1094 = arith.constant true
      %reduce_max3A_1095 = vector.broadcast %reduce_max3A_1094 : i1 to vector<16xi1>
      %reduce_max3A_1096 = tpu.scan <max>, %gather3A_1090 masked %reduce_max3A_1095 : vector<16xf32>, vector<16xi1> -> vector<16xf32>
      %reduce_max3A_1097 = vector.extract %reduce_max3A_1096[15] : f32 from vector<16xf32>
      %max3A = arith.maximumf %reduce_max3A_1093, %reduce_max3A_1097 : f32
      %sub3A = vector.broadcast %max3A : f32 to vector<16xf32>
      %sub3A_1098 = arith.subf %gather3A, %sub3A : vector<16xf32>
      %exp3A = math.exp %sub3A_1098 : vector<16xf32>
      %sub3A_1099 = vector.broadcast %max3A : f32 to vector<16xf32>
      %sub3A_1100 = arith.subf %gather3A_1090, %sub3A_1099 : vector<16xf32>
      %exp3A_1101 = math.exp %sub3A_1100 : vector<16xf32>
      %reduce_sum3A_1102 = arith.constant true
      %reduce_sum3A_1103 = vector.broadcast %reduce_sum3A_1102 : i1 to vector<16xi1>
      %reduce_sum3A_1104 = tpu.scan <sum>, %exp3A masked %reduce_sum3A_1103 : vector<16xf32>, vector<16xi1> -> vector<16xf32>
      %reduce_sum3A_1105 = vector.extract %reduce_sum3A_1104[15] : f32 from vector<16xf32>
      %reduce_sum3A_1106 = arith.constant true
      %reduce_sum3A_1107 = vector.broadcast %reduce_sum3A_1106 : i1 to vector<16xi1>
      %reduce_sum3A_1108 = tpu.scan <sum>, %exp3A_1101 masked %reduce_sum3A_1107 : vector<16xf32>, vector<16xi1> -> vector<16xf32>
      %reduce_sum3A_1109 = vector.extract %reduce_sum3A_1108[15] : f32 from vector<16xf32>
      %add3A_1110 = arith.addf %reduce_sum3A_1105, %reduce_sum3A_1109 : f32
      %broadcast_in_dim3A_1111 = vector.broadcast %add3A_1110 : f32 to vector<16xf32>
      %div3A = arith.divf %exp3A, %broadcast_in_dim3A_1111 : vector<16xf32>
      %swap3A_1112 = arith.index_cast %scan3A_432 : i32 to index
      %swap3A_1113 = arith.constant 0 : index
      %swap3A_1114 = tpu.vector_load %arg9[%swap3A_1112, %swap3A_1113] {strides = array<i32>} : memref<32x32xf32, #tpu.memory_space<vmem>>, vector<16xf32>,
      tpu.vector_store %arg9[%swap3A_1112, %swap3A_1113], %div3A {strides = array<i32>} : memref<32x32xf32, #tpu.memory_space<vmem>>, vector<16xf32>,
      %div3A_1115 = arith.divf %exp3A_1101, %broadcast_in_dim3A_1111 : vector<16xf32>
      %swap3A_1116 = arith.index_cast %scan3A_432 : i32 to index
      %swap3A_1117 = arith.constant 16 : index
      %swap3A_1118 = tpu.vector_load %arg9[%swap3A_1116, %swap3A_1117] {strides = array<i32>} : memref<32x32xf32, #tpu.memory_space<vmem>>, vector<16xf32>,
      tpu.vector_store %arg9[%swap3A_1116, %swap3A_1117], %div3A_1115 {strides = array<i32>} : memref<32x32xf32, #tpu.memory_space<vmem>>, vector<16xf32>,
    }
    %scan3A_431 = arith.constant 32 : i32
    "tpu.region"() ({
      %run_scoped3A = tpu.sem_alloc : memref<!tpu.dma_semaphore, #tpu.memory_space<semaphore_mem>>
      %dma_start3A_432 = arith.constant 0 : i32
      %dma_start3A_433 = tpu.memref_slice %arg5[%add3A_339, %dma_start3A_432] : memref<4096x32xf32, #tpu.memory_space<hbm>> -> memref<32x32xf32, #tpu.memory_space<hbm>>
      %dma_start3A_434 = arith.constant 0 : i32
      %dma_start3A_435 = tpu.memref_slice %arg5[%add3A_339, %dma_start3A_434] : memref<4096x32xf32, #tpu.memory_space<hbm>> -> memref<32x32xf32, #tpu.memory_space<hbm>>
      tpu.enqueue_dma source(%arg9 : memref<32x32xf32, #tpu.memory_space<vmem>>) target(%dma_start3A_435 : memref<32x32xf32, #tpu.memory_space<hbm>>) target_semaphore(%run_scoped3A : memref<!tpu.dma_semaphore, #tpu.memory_space<semaphore_mem>>)
      %dma_wait3A_436 = arith.constant 0 : i32
      %dma_wait3A_437 = tpu.memref_slice %arg5[%add3A_339, %dma_wait3A_436] : memref<4096x32xf32, #tpu.memory_space<hbm>> -> memref<32x32xf32, #tpu.memory_space<hbm>>
      %dma_wait3A_438 = arith.constant 0 : i32
      %dma_wait3A_439 = tpu.memref_slice %arg5[%add3A_339, %dma_wait3A_438] : memref<4096x32xf32, #tpu.memory_space<hbm>> -> memref<32x32xf32, #tpu.memory_space<hbm>>
      tpu.wait_dma2 semaphore(%run_scoped3A : memref<!tpu.dma_semaphore, #tpu.memory_space<semaphore_mem>>) src(%arg9 : memref<32x32xf32, #tpu.memory_space<vmem>>) dst(%dma_wait3A_439 : memref<32x32xf32, #tpu.memory_space<hbm>>)
      tpu.yield
    }) : () -> ()
    return
  }
}

</mosaic_0001>

<sc_bundles>
// kernel: kernel.3.cloned.1.call-start
scs
__scs_entry_jumppad:
0x0: {  	(pc) =	sbr.rel $0x88, $3  }
0x1: {  	(tag) =	ssettag $0x0;
	lr =	simm.s32 $0x1  }
0x2: {  	[smem:$0x3F9E] =	sst lr;
	_ =	strace $0xD0000000  }
0x3: {  	_ = 	snop  }
0x4: {  	_ = 	snop  }
0x5: {  	_ = 	snop  }
0x6: {  	_ = 	snop  }
0x7: {  	_ = 	snop  }
__scs_overlays_trampoline_lowered:
0x8: {  	[smem:$0x3FAD] =	sst s0  }
0x9: {  	[smem:$0x3FAE] =	sst s1  }
0xa: {  	[smem:$0x3FAF] =	sst s2  }
0xb: {  	[smem:$0x3FB0] =	sst s3  }
0xc: {  	[smem:$0x3FB1] =	sst s4  }
0xd: {  	[smem:$0x3FB2] =	sst s5  }
0xe: {  	[smem:$0x3FB3] =	sst s6  }
0xf: {  	[smem:$0x3FB4] =	sst s7  }
0x10: {  	[smem:$0x3FB5] =	sst s8  }
0x11: {  	[smem:$0x3FB6] =	sst s9;
	s0 =	simm.s32 @!p0 $0x0  }
0x12: {  	s1 =	sld [smem:$0x3F9C];
	s0 =	simm.s32 @p0 $0x1  }
0x13: {  	[smem:$0x3FB7] =	sst s0;
	s0 =	simm.s32 @!p1 $0x0  }
0x14: {  	s2 =	sld [smem:$0x3F9B];
	s0 =	simm.s32 @p1 $0x1  }
0x15: {  	[smem:$0x3FB8] =	sst s0;
	s0 =	simm.s32 @!p2 $0x0  }
0x16: {  	s3 =	sld [smem:$0x3FDB];
	s0 =	simm.s32 @p2 $0x1  }
0x17: {  	s4 =	simm.s32 $0x1BF5;
	[smem:$0x3FBA] =	sst s0  }
0x18: {  	s0 =	sld [smem:$0x3F9D];
	_ =	swait.ge [sflag:s4], $0x0  }
0x19: {  	s7 =	sld [smem:$0x3F9E]  }
0x1a: {  	s8 =	sadd.s32 $0xFFFFE003, lr  }
0x1b: {  	s9 =	sadd.s32 $0xFFFFFEF7, lr;
	s5 =	simm.s32 $0xFFFFFFFF;
	p2 =	slt.u32 s8, $0xFFFFF086  }
0x1c: {  	p1 =	slt.u32 s9, $0xF7A;
	s5 =	simm.s32 @!p2 $0x0  }
0x1d: {  	s5 =	simm.s32 @p1 $0x1;
	p0 =	seq.s32 s7, s2  }
0x1e: {  	s7 =	smul.u32 @!p0 $0xF7A, s2;
	p2 =	seq.s32 @!p0 s5, $0x0  }
0x1f: {  	s9 =	smul.u32 $0xF7A, s1;
	s8 =	simm.s32 @!p0 $0x1BF5;
	p2 =	por !p2, p0  }
0x20: {  	[sflag:s8] =	ssyncset.s32 @!p0 $0xFFFFF086;
	s6 =	sadd.s32 @!p0 s3, s7;
	s7 =	simm.s32 @!p0 $0x108  }
0x21: {  	s3 =	sadd.s32 s3, s9;
	s6 =	sadd.s32 @!p0 $0x88, s6;
	s7 =	simm.s32 @p2 $0x1082  }
0x22: {  	[simem:s7], [sflag:s8] =	dma.local @!p0 [hbm:s6], $0xF7A  }
0x23: {  	s9 =	sor.u32 $0xD0000000, s2;
	s6 =	simm.s32 $0x108;
	_ =	swait.ge @!p0 [sflag:s8], $0x0  }
0x24: {  	s3 =	sadd.s32 $0x88, s3;
	s6 =	simm.s32 @!p1 $0x1082;
	[sflag:s4] =	ssyncset.s32 $0xFFFFF086  }
0x25: {  	[simem:s6], [sflag:s4] =	dma.local [hbm:s3], $0xF7A  }
0x26: {  	[smem:$0x3F9E] =	sst s1;
	(tag) =	ssettag s2;
	_ =	strace s9  }
0x27: {  	s1 =	sld [smem:$0x3FAE]  }
0x28: {  	s2 =	sld [smem:$0x3FAF]  }
0x29: {  	s4 =	sld [smem:$0x3FB1]  }
0x2a: {  	p0 =	seq.s32 s5, $0x0;
	s5 =	sld [smem:$0x3FB2]  }
0x2b: {  	s6 =	sld [smem:$0x3FB3]  }
0x2c: {  	s7 =	sld [smem:$0x3FB4]  }
0x2d: {  	s3 =	simm.s32 $0x108;
	s8 =	sld [smem:$0x3FB5]  }
0x2e: {  	s3 =	simm.s32 @!p0 $0x1082;
	s9 =	sld [smem:$0x3FB6]  }
0x2f: {  	lr =	sadd.s32 s0, s3;
	s0 =	sld [smem:$0x3FAD]  }
0x30: {  	s3 =	sld [smem:$0x3FB0]  }
0x31: {  	[smem:$0x3FB9] =	sst s10  }
0x32: {  	s10 =	sld [smem:$0x3FB7];
	_ =	sdelay $0x3  }
0x33: {  	p0 =	seq.s32 s10, $0x1;
	s10 =	sld [smem:$0x3FB9];
	_ =	sdelay $0x3  }
0x34: {  	[smem:$0x3FB9] =	sst s10  }
0x35: {  	s10 =	sld [smem:$0x3FB8];
	_ =	sdelay $0x3  }
0x36: {  	p1 =	seq.s32 s10, $0x1;
	s10 =	sld [smem:$0x3FB9];
	_ =	sdelay $0x3  }
0x37: {  	[smem:$0x3FB9] =	sst s10  }
0x38: {  	s10 =	sld [smem:$0x3FBA]  }
0x39: {  	_ = 	snop;
	(pc) =	sbr.ind lr, $3  }
0x3a: {  	_ = 	snop  }
0x3b: {  	_ = 	snop  }
0x3c: {  	p2 =	seq.s32 s10, $0x1;
	s10 =	sld [smem:$0x3FB9]  }
0x3d: {  	_ =	shalt  }
0x3e: {  	_ =	shalt  }
0x3f: {  	_ =	shalt  }
0x40: {  	_ =	shalt  }
0x41: {  	_ =	shalt  }
0x42: {  	_ =	shalt  }
0x43: {  	_ =	shalt  }
0x44: {  	_ =	shalt  }
0x45: {  	_ =	shalt  }
0x46: {  	_ =	shalt  }
0x47: {  	_ =	shalt  }
0x48: {  	_ =	shalt  }
0x49: {  	_ =	shalt  }
0x4a: {  	_ =	shalt  }
0x4b: {  	_ =	shalt  }
0x4c: {  	_ =	shalt  }
0x4d: {  	_ =	shalt  }
0x4e: {  	_ =	shalt  }
0x4f: {  	_ =	shalt  }
0x50: {  	_ =	shalt  }
0x51: {  	_ =	shalt  }
0x52: {  	_ =	shalt  }
0x53: {  	_ =	shalt  }
0x54: {  	_ =	shalt  }
0x55: {  	_ =	shalt  }
0x56: {  	_ =	shalt  }
0x57: {  	_ =	shalt  }
0x58: {  	_ =	shalt  }
0x59: {  	_ =	shalt  }
0x5a: {  	_ =	shalt  }
0x5b: {  	_ =	shalt  }
0x5c: {  	_ =	shalt  }
0x5d: {  	_ =	shalt  }
0x5e: {  	_ =	shalt  }
0x5f: {  	_ =	shalt  }
0x60: {  	_ =	shalt  }
0x61: {  	_ =	shalt  }
0x62: {  	_ =	shalt  }
0x63: {  	_ =	shalt  }
0x64: {  	_ =	shalt  }
0x65: {  	_ =	shalt  }
0x66: {  	_ =	shalt  }
0x67: {  	_ =	shalt  }
0x68: {  	_ =	shalt  }
0x69: {  	_ =	shalt  }
0x6a: {  	_ =	shalt  }
0x6b: {  	_ =	shalt  }
0x6c: {  	_ =	shalt  }
0x6d: {  	_ =	shalt  }
0x6e: {  	_ =	shalt  }
0x6f: {  	_ =	shalt  }
0x70: {  	_ =	shalt  }
0x71: {  	_ =	shalt  }
0x72: {  	_ =	shalt  }
0x73: {  	_ =	shalt  }
0x74: {  	_ =	shalt  }
0x75: {  	_ =	shalt  }
0x76: {  	_ =	shalt  }
0x77: {  	_ =	shalt  }
0x78: {  	_ =	shalt  }
0x79: {  	_ =	shalt  }
0x7a: {  	_ =	shalt  }
0x7b: {  	_ =	shalt  }
0x7c: {  	_ =	shalt  }
0x7d: {  	_ =	shalt  }
0x7e: {  	_ =	shalt  }
0x7f: {  	_ =	shalt  }
0x80: {  	_ =	shalt  }
0x81: {  	_ =	shalt  }
0x82: {  	_ =	shalt  }
0x83: {  	_ =	shalt  }
0x84: {  	_ =	shalt  }
0x85: {  	_ =	shalt  }
0x86: {  	_ =	shalt  }
0x87: {  	_ =	shalt  }
.Lfunc_end0:
.L_simem_size_0:
called_computation_lowered:
.L_overlay_start_0:
0x88: {  	s2 =	sld [smem:$0x3FD9]  }
0x89: {  	s3 =	sld [smem:$0x3FFE];
	_ =	sdelay $0x1  }
0x8a: {  	s1 =	srdreg.scid  }
0x8b: {  	s0 =	sand.u32 $0x1, s1  }
0x8c: {  	s17 =	sshll.u32 s0, $0xA;
	s2 =	sadd.s32 s3, s2  }
0x8d: {  	s2 =	sadd.s32 s2, s17  }
0x8e: {  	[smem:$0x3FC5] =	sst s2  }
0x8f: {  	_ = 	snop  }
0x90: {  	s2 =	sld [smem:$0x3FD0];
	(tm) =	ssettm $0x1  }
0x91: {  	s18 =	sld [smem:$0x3FFB];
	_ =	sdelay $0x3  }
0x92: {  	_ =	strace s18  }
0x93: {  	s3 =	sld [smem:$0x3FFC];
	_ =	sdelay $0x3  }
0x94: {  	_ =	strace s3  }
0x95: {  	s3 =	sld [smem:$0x3FFD];
	_ =	sdelay $0x3  }
0x96: {  	_ =	strace s3  }
0x97: {  	_ =	strace $0x8FFFFFFF  }
0x98: {  	s19 =	sld [smem:$0x3FDB];
	_ =	sdelay $0x1  }
0x99: {  	s4 =	simm.s32 $_scs_section_size  }
0x9a: {  	s5 =	simm.s32 $_size__tile_overlayer_lowered;
	s6 =	simm.s32 $_tile_overlayer_lowered  }
0x9b: {  	s22 =	simm.s32 $0x1BFF;
	s21 =	sshll.u32 s6, $0x1;
	s3 =	sadd.s32 s4, s19  }
0x9c: {  	s7 =	simm.s32 $0x0;
	s20 =	sshll.u32 s5, $0x1;
	s5 =	sadd.s32 s21, s3  }
0x9d: {  	[timem:s7], [sflag:s22] =	dma.local [hbm:s5], s20  }
0x9e: {  	_ =	swait.ge [sflag:s22], s20  }
0x9f: {  	s4 =	ssub.s32 $0x0, s20;
	[sflag:s22] =	ssyncset.done $0x0  }
0xa0: {  	[sflag:s22] =	ssyncadd.s32 s4;
	_ =	sdelay $0x1  }
0xa1: {  	s23 =	simm.s32 $0x1B8B  }
0xa2: {  	_ =	swait.ge [sflag:s23], $0x1  }
0xa3: {  	[sflag:s23] =	ssyncset.done $0x0  }
0xa4: {  	s25 =	simm.s32 $0x1B8E;
	s24 =	sld [smem:$0x3FFE];
	[sflag:s23] =	ssyncadd.s32 $0xFFFFFFFF  }
0xa5: {  	s26 =	simm.s32 $execute0_lowered;
	[smem:$0x3FD2] =	sst s25  }
0xa6: {  	s5 =	sshll.u32 s26, $0x1;
	_ =	strace $0x80000046;
	[dreg:$0x1] =	wrdreg $0xFFFFFFFF  }
0xa7: {  	s28 =	simm.s32 $_size_execute0_lowered;
	s3 =	sadd.s32 s3, s5;
	[dreg:$0x0] =	wrdreg $0x0  }
0xa8: {  	s5 =	sshll.u32 s28, $0x1;
	[dreg:$0x2] =	wrdreg s3  }
0xa9: {  	[dreg:$0x3] =	wrdreg s5  }
0xaa: {  	[dreg:$0x4] =	wrdreg $0xC0  }
0xab: {  	_ =	task [dreg:s7], $0x5FFFF  }
0xac: {  	[dreg:$0x1] =	wrdreg $0xFFFFFFFF  }
0xad: {  	[dreg:$0x0] =	wrdreg $0x60  }
0xae: {  	[dreg:$0x2] =	wrdreg s24  }
0xaf: {  	[dreg:$0x3] =	wrdreg s2  }
0xb0: {  	[dreg:$0x4] =	wrdreg $0x9  }
0xb1: {  	_ =	task.clear_ibuf [dreg:s7], $0x5FFFF;
	_ =	strace $0x90000046  }
0xb2: {  	s29 =	simm.s32 $0x9;
	_ =	strace $0x80000048  }
0xb3: {  	_ =	swait.ge [sflag:s29], $0x1  }
0xb4: {  	[sflag:s29] =	ssyncadd.s32 $0xFFFFFFFF  }
0xb5: {  	_ =	strace $0x90000048  }
0xb6: {  	_ =	sfence  }
0xb7: {  	s30 =	sld [smem:$0x0];
	_ =	sdelay $0x2  }
0xb8: {  	s31 =	sshll.u32 s1, $0xD;
	s1 =	sshrl.u32 s1, $0x2  }
0xb9: {  	s3 =	sand.u32 $0x4000, s31;
	s1 =	sadd.s32 s1, s30  }
0xba: {  	s0 =	sor.u32 s3, s0;
	s1 =	sshll.u32 s1, $0x11  }
0xbb: {  	s0 =	sor.u32 s1, s0  }
0xbc: {  	s0 =	sadd.s32 $0x8F2B, s0  }
0xbd: {  	[sflag:s0] =	ssyncadd.remote.s32 $0x1  }
0xbe: {  	_ =	sfence.sel $0xFFFF  }
0xbf: {  	[dreg:$0x0] =	wrdreg $0xFFFFFFFF;
	(pc) =	sbr.abs _section_cstart, $3  }
0xc0: {  	[dreg:$0x1] =	wrdreg $0xFFFFFFFF  }
0xc1: {  	_ =	task.clear_ibuf [dreg:s7], $0x2FFFF;
	_ =	strace $0x9FFFFFFF  }
0xc2: {  	(tm) =	ssettm $0x7FFFFFFF  }
0xc3: {  	_ =	shalt  }
tec
execute0_lowered:
.L_overlay_start_1:
0x0: {  	(tag) =	ssettag $0x1  }
0x1: {  	s1 =	rddreg [dreg:$0x0];
	s2 =	srdreg.scid  }
0x2: {  	s0 =	stileid.u32;
	s11 =	rddreg [dreg:$0x1];
	s16 =	simm.s32 $0x80  }
0x3: {  	s17 =	simm.s32 $0x280;
	s18 =	simm.s32 $0x2280;
	s19 =	simm.s32 $0x100  }
0x4: {  	s20 =	simm.s32 $0x4280;
	s21 =	simm.s32 $0x180;
	s22 =	simm.s32 $0x6280  }
0x5: {  	s23 =	simm.s32 $0x200;
	s28 =	simm.s32 $0xC280;
	s29 =	simm.s32 $0x0  }
0x6: {  	s4 =	sand.u32 $0x1, s2;
	s3 =	sshll.u32 s0, $0x1;
	s2 =	simm.s32 $0x0  }
0x7: {  	s6 =	sor.u32 s4, s3;
	[smem:$0x7FF] =	sst s2;
	s4 =	ssub.s32 $0x2, s4  }
0x8: {  	s3 =	sshll.u32 s6, $0xA;
	_ =	strace $0x80000047;
	s8 =	sshll.u32 s6, $0x7  }
0x9: {  	s7 =	sshrl.u32 s4, $0x1;
	s9 =	smul.u32 $0x140, s6;
	s6 =	sshll.u32 s6, $0x9  }
0xa: {  	s5 =	sadd.s32 s3, s1;
	s3 =	sadd.s32 $0xF42C00, s1;
	s10 =	sor.u32 $0x20, s8  }
0xb: {  	s1 =	sadd.s32 $0x8800, s1;
	s13 =	ssub.s32 s4, s7;
	s12 =	sor.u32 $0x40, s8  }
0xc: {  	s14 =	sor.u32 $0x60, s8;
	s24 =	smul.u32 $0x14, s10;
	s4 =	sadd.s32 $0x800, s5  }
0xd: {  	s5 =	sadd.s32 s11, s9;
	s25 =	smul.u32 $0x14, s12;
	s6 =	sadd.s32 s1, s6  }
0xe: {  	s26 =	sshll.u32 s10, $0x2;
	s15 =	smul.u32 $0x14, s14;
	s30 =	sshll.u32 s12, $0x2  }
0xf: {  	s14 =	sshll.u32 s14, $0x2;
	s13 =	smax.u32 s13, $0x1;
	s8 =	sadd.s32 s1, s26  }
0x10: {  	v0 =	vlaneseq.u32;
	s10 =	sadd.s32 s1, s30;
	s12 =	sadd.s32 s1, s14;
	s26 =	simm.s32 $0xC680  }
0x11: {  	v0 =	vmul.u32 $0x10, v0;
	s7 =	sshrl.u32 s24, $0x3;
	s9 =	sshrl.u32 s25, $0x3;
	s31 =	sshrl.u32 s15, $0x3  }
0x12: {  	s15 =	simm.s32 $0x2;
	s24 =	simm.s32 $0x8280;
	s25 =	simm.s32 $0x1  }
0x13: {  	v1 =	vimm.f32 $-1.000000020e+30;
	v2 =	vor.u32 $0x100, v0;
	s7 =	sadd.s32 s11, s7;
	s9 =	sadd.s32 s11, s9;
	s11 =	sadd.s32 s11, s31  }
.LBB2_1:
0x14: {  	[tilespmem:$0xC7C0] =	vst v1  }
0x15: {  	[tilespmem:$0xC7D0] =	vst v1  }
0x16: {  	[tilespmem:$0xC7E0] =	vst v1  }
0x17: {  	[tilespmem:$0xC7F0] =	vst v1  }
0x18: {  	[tilespmem:$0xC800] =	vst v1  }
0x19: {  	[tilespmem:$0xC810] =	vst v1  }
0x1a: {  	[tilespmem:$0xC820] =	vst v1  }
0x1b: {  	[tilespmem:$0xC830] =	vst v1  }
0x1c: {  	[tilespmem:$0xC840] =	vst v1  }
0x1d: {  	[tilespmem:$0xC850] =	vst v1  }
0x1e: {  	[tilespmem:$0xC860] =	vst v1  }
0x1f: {  	[tilespmem:$0xC870] =	vst v1;
	s0 =	simm.s32 $0xA280  }
0x20: {  	[tilespmem:s0], [sflag:$0x2] =	stream.linear.gather [hbm4b:s4+s2], $0x2000, $0x38;
	[tilespmem:$0xC880] =	vst v63  }
0x21: {  	_ =	swait.ge [sflag:s15], $0x2000  }
0x22: {  	[sflag:s15] =	ssyncset.done $0x0  }
0x23: {  	[sflag:s15] =	ssyncadd.s32 $0xFFFFE000  }
0x24: {  	[tilespmem:s2], [sflag:$0x2] =	stream.linear.gather [hbm4b:s5+s2], $0x280, $0x38;
	[tilespmem:$0xC880] =	vst v63  }
0x25: {  	_ =	swait.ge [sflag:s15], $0x280  }
0x26: {  	[sflag:s15] =	ssyncset.done $0x0  }
0x27: {  	[sflag:s15] =	ssyncadd.s32 $0xFFFFFD80  }
0x28: {  	[tilespmem:s17], [sflag:$0x1] =	stream.indirect.gather [hbm4b:s3+s16], $0x40, s2, s16, $0xb8;
	[tilespmem:$0xC880] =	vst v63  }
0x29: {  	_ = 	snop  }
0x2a: {  	[tilespmem:s18], [sflag:$0x1] =	stream.indirect.gather [hbm4b:s3+s16], $0x40, s16, s16, $0xb8;
	[tilespmem:$0xC880] =	vst v63  }
0x2b: {  	_ = 	snop  }
0x2c: {  	[tilespmem:s20], [sflag:$0x1] =	stream.indirect.gather [hbm4b:s3+s16], $0x40, s19, s16, $0xb8;
	[tilespmem:$0xC880] =	vst v63  }
0x2d: {  	_ = 	snop  }
0x2e: {  	[tilespmem:s22], [sflag:$0x1] =	stream.indirect.gather [hbm4b:s3+s16], $0x40, s21, s16, $0xb8;
	[tilespmem:$0xC880] =	vst v63  }
0x2f: {  	_ = 	snop  }
0x30: {  	[tilespmem:s24], [sflag:$0x1] =	stream.indirect.gather [hbm4b:s3+s16], $0x40, s23, s16, $0xb8;
	[tilespmem:$0xC880] =	vst v63  }
0x31: {  	_ =	swait.ge [sflag:s25], $0x2000  }
0x32: {  	[sflag:s25] =	ssyncset.done $0x0  }
0x33: {  	[sflag:s25] =	ssyncadd.s32 $0xFFFFE000  }
0x34: {  	_ =	swait.ge [sflag:s25], $0x2000  }
0x35: {  	[sflag:s25] =	ssyncset.done $0x0  }
0x36: {  	[sflag:s25] =	ssyncadd.s32 $0xFFFFE000  }
0x37: {  	_ =	swait.ge [sflag:s25], $0x2000  }
0x38: {  	[sflag:s25] =	ssyncset.done $0x0  }
0x39: {  	[sflag:s25] =	ssyncadd.s32 $0xFFFFE000  }
0x3a: {  	_ =	swait.ge [sflag:s25], $0x2000  }
0x3b: {  	[sflag:s25] =	ssyncset.done $0x0  }
0x3c: {  	[sflag:s25] =	ssyncadd.s32 $0xFFFFE000  }
0x3d: {  	_ =	swait.ge [sflag:s25], $0x2000  }
0x3e: {  	s30 =	simm.s32 $0x500;
	[sflag:s25] =	ssyncset.done $0x0  }
0x3f: {  	s31 =	simm.s32 $0xA2A0;
	s1 =	simm.s32 $0x0;
	[sflag:s25] =	ssyncadd.s32 $0xFFFFE000  }
.LBB2_2:
0x40: {  	v3 =	vld [tilespmem:s31+$0xFFFFFFE0]  }
0x41: {  	v4 =	vld [tilespmem:s31+$0xFFFFFFF0]  }
0x42: {  	v7 =	vld [tilespmem:s30+$0xFFFFFD80]  }
0x43: {  	v8 =	vld [tilespmem:s30+$0xFFFFFD90]  }
0x44: {  	v5 =	vld [tilespmem:s31+$0x0]  }
0x45: {  	v9 =	vld [tilespmem:s30+$0xFFFFFDA0]  }
0x46: {  	v6 =	vld [tilespmem:s31+$0x10]  }
0x47: {  	v10 =	vld [tilespmem:s30+$0xFFFFFDB0]  }
0x48: {  	v7 =	vmul.f32 v7, v3;
	v8 =	vmul.f32 v8, v4;
	_ =	sdelay $0x1  }
0x49: {  	v12 =	vmul.f32 v9, v5;
	v7 =	vadd.f32 v8, v7;
	_ =	sdelay $0x1  }
0x4a: {  	v13 =	vmul.f32 v10, v6;
	v7 =	vadd.f32 v12, v7;
	_ =	sdelay $0x1  }
0x4b: {  	v7 =	vadd.f32 v13, v7;
	_ =	sdelay $0x1  }
0x4c: {  	(xrf2) =	vadd.scan.msk.f32 $0xffff, v7;
	_ =	sdelay $0x9  }
0x4d: {  	v7, _, _ =	vpop (xrf2)  }
0x4e: {  	v7 =	vbroadcast v7, $0xF;
	_ =	sdelay $0x1  }
0x4f: {  	[tilespmem:$0xC680] =	vst v7  }
0x50: {  	v7 =	vld [tilespmem:s30+$0xFFFFFDC0]  }
0x51: {  	v14 =	vld [tilespmem:s30+$0xFFFFFDD0];
	_ =	sdelay $0x1  }
0x52: {  	v15 =	vld [tilespmem:s30+$0xFFFFFDE0];
	_ =	sdelay $0x1  }
0x53: {  	v16 =	vld [tilespmem:s30+$0xFFFFFDF0]  }
0x54: {  	v7 =	vmul.f32 v7, v3;
	v8 =	vmul.f32 v14, v4;
	_ =	sdelay $0x1  }
0x55: {  	v17 =	vmul.f32 v15, v5;
	v7 =	vadd.f32 v8, v7;
	_ =	sdelay $0x1  }
0x56: {  	v18 =	vmul.f32 v16, v6;
	v7 =	vadd.f32 v17, v7;
	_ =	sdelay $0x1  }
0x57: {  	v7 =	vadd.f32 v18, v7;
	_ =	sdelay $0x1  }
0x58: {  	(xrf2) =	vadd.scan.msk.f32 $0xffff, v7;
	_ =	sdelay $0x9  }
0x59: {  	v7, _, _ =	vpop (xrf2)  }
0x5a: {  	v7 =	vbroadcast v7, $0xF;
	_ =	sdelay $0x1  }
0x5b: {  	[tilespmem:$0xC690] =	vst v7  }
0x5c: {  	v7 =	vld [tilespmem:s30+$0xFFFFFE00]  }
0x5d: {  	v19 =	vld [tilespmem:s30+$0xFFFFFE10];
	_ =	sdelay $0x1  }
0x5e: {  	v20 =	vld [tilespmem:s30+$0xFFFFFE20];
	_ =	sdelay $0x1  }
0x5f: {  	v21 =	vld [tilespmem:s30+$0xFFFFFE30]  }
0x60: {  	v7 =	vmul.f32 v7, v3;
	v8 =	vmul.f32 v19, v4;
	_ =	sdelay $0x1  }
0x61: {  	v22 =	vmul.f32 v20, v5;
	v7 =	vadd.f32 v8, v7;
	_ =	sdelay $0x1  }
0x62: {  	v23 =	vmul.f32 v21, v6;
	v7 =	vadd.f32 v22, v7;
	_ =	sdelay $0x1  }
0x63: {  	v7 =	vadd.f32 v23, v7;
	_ =	sdelay $0x1  }
0x64: {  	(xrf2) =	vadd.scan.msk.f32 $0xffff, v7;
	_ =	sdelay $0x9  }
0x65: {  	v7, _, _ =	vpop (xrf2)  }
0x66: {  	v7 =	vbroadcast v7, $0xF;
	_ =	sdelay $0x1  }
0x67: {  	[tilespmem:$0xC6A0] =	vst v7  }
0x68: {  	v7 =	vld [tilespmem:s30+$0xFFFFFE40]  }
0x69: {  	v24 =	vld [tilespmem:s30+$0xFFFFFE50];
	_ =	sdelay $0x1  }
0x6a: {  	v25 =	vld [tilespmem:s30+$0xFFFFFE60];
	_ =	sdelay $0x1  }
0x6b: {  	v26 =	vld [tilespmem:s30+$0xFFFFFE70]  }
0x6c: {  	v7 =	vmul.f32 v7, v3;
	v8 =	vmul.f32 v24, v4;
	_ =	sdelay $0x1  }
0x6d: {  	v27 =	vmul.f32 v25, v5;
	v7 =	vadd.f32 v8, v7;
	_ =	sdelay $0x1  }
0x6e: {  	v28 =	vmul.f32 v26, v6;
	v7 =	vadd.f32 v27, v7;
	_ =	sdelay $0x1  }
0x6f: {  	v7 =	vadd.f32 v28, v7;
	_ =	sdelay $0x1  }
0x70: {  	(xrf2) =	vadd.scan.msk.f32 $0xffff, v7;
	_ =	sdelay $0x9  }
0x71: {  	v7, _, _ =	vpop (xrf2)  }
0x72: {  	v7 =	vbroadcast v7, $0xF;
	_ =	sdelay $0x1  }
0x73: {  	[tilespmem:$0xC6B0] =	vst v7  }
0x74: {  	v7 =	vld [tilespmem:s30+$0xFFFFFE80]  }
0x75: {  	v29 =	vld [tilespmem:s30+$0xFFFFFE90];
	_ =	sdelay $0x1  }
0x76: {  	v30 =	vld [tilespmem:s30+$0xFFFFFEA0];
	_ =	sdelay $0x1  }
0x77: {  	v31 =	vld [tilespmem:s30+$0xFFFFFEB0]  }
0x78: {  	v7 =	vmul.f32 v7, v3;
	v8 =	vmul.f32 v29, v4;
	_ =	sdelay $0x1  }
0x79: {  	v32 =	vmul.f32 v30, v5;
	v7 =	vadd.f32 v8, v7;
	_ =	sdelay $0x1  }
0x7a: {  	v33 =	vmul.f32 v31, v6;
	v7 =	vadd.f32 v32, v7;
	_ =	sdelay $0x1  }
0x7b: {  	v7 =	vadd.f32 v33, v7;
	_ =	sdelay $0x1  }
0x7c: {  	(xrf2) =	vadd.scan.msk.f32 $0xffff, v7;
	_ =	sdelay $0x9  }
0x7d: {  	v7, _, _ =	vpop (xrf2)  }
0x7e: {  	v7 =	vbroadcast v7, $0xF;
	_ =	sdelay $0x1  }
0x7f: {  	[tilespmem:$0xC6C0] =	vst v7  }
0x80: {  	v7 =	vld [tilespmem:s30+$0xFFFFFEC0]  }
0x81: {  	v34 =	vld [tilespmem:s30+$0xFFFFFED0];
	_ =	sdelay $0x1  }
0x82: {  	v35 =	vld [tilespmem:s30+$0xFFFFFEE0];
	_ =	sdelay $0x1  }
0x83: {  	v36 =	vld [tilespmem:s30+$0xFFFFFEF0]  }
0x84: {  	v7 =	vmul.f32 v7, v3;
	v8 =	vmul.f32 v34, v4;
	_ =	sdelay $0x1  }
0x85: {  	v37 =	vmul.f32 v35, v5;
	v7 =	vadd.f32 v8, v7;
	_ =	sdelay $0x1  }
0x86: {  	v38 =	vmul.f32 v36, v6;
	v7 =	vadd.f32 v37, v7;
	_ =	sdelay $0x1  }
0x87: {  	v7 =	vadd.f32 v38, v7;
	_ =	sdelay $0x1  }
0x88: {  	(xrf2) =	vadd.scan.msk.f32 $0xffff, v7;
	_ =	sdelay $0x9  }
0x89: {  	v7, _, _ =	vpop (xrf2)  }
0x8a: {  	v7 =	vbroadcast v7, $0xF;
	_ =	sdelay $0x1  }
0x8b: {  	[tilespmem:$0xC6D0] =	vst v7  }
0x8c: {  	v7 =	vld [tilespmem:s30+$0xFFFFFF00]  }
0x8d: {  	v39 =	vld [tilespmem:s30+$0xFFFFFF10];
	_ =	sdelay $0x1  }
0x8e: {  	v40 =	vld [tilespmem:s30+$0xFFFFFF20];
	_ =	sdelay $0x1  }
0x8f: {  	v41 =	vld [tilespmem:s30+$0xFFFFFF30]  }
0x90: {  	v7 =	vmul.f32 v7, v3;
	v8 =	vmul.f32 v39, v4;
	_ =	sdelay $0x1  }
0x91: {  	v42 =	vmul.f32 v40, v5;
	v7 =	vadd.f32 v8, v7;
	_ =	sdelay $0x1  }
0x92: {  	v43 =	vmul.f32 v41, v6;
	v7 =	vadd.f32 v42, v7;
	_ =	sdelay $0x1  }
0x93: {  	v7 =	vadd.f32 v43, v7;
	_ =	sdelay $0x1  }
0x94: {  	(xrf2) =	vadd.scan.msk.f32 $0xffff, v7;
	_ =	sdelay $0x9  }
0x95: {  	v7, _, _ =	vpop (xrf2)  }
0x96: {  	v7 =	vbroadcast v7, $0xF;
	_ =	sdelay $0x1  }
0x97: {  	[tilespmem:$0xC6E0] =	vst v7  }
0x98: {  	v7 =	vld [tilespmem:s30+$0xFFFFFF40]  }
0x99: {  	v44 =	vld [tilespmem:s30+$0xFFFFFF50];
	_ =	sdelay $0x1  }
0x9a: {  	v45 =	vld [tilespmem:s30+$0xFFFFFF60];
	_ =	sdelay $0x1  }
0x9b: {  	v46 =	vld [tilespmem:s30+$0xFFFFFF70]  }
0x9c: {  	v7 =	vmul.f32 v7, v3;
	v8 =	vmul.f32 v44, v4;
	_ =	sdelay $0x1  }
0x9d: {  	v47 =	vmul.f32 v45, v5;
	v7 =	vadd.f32 v8, v7;
	_ =	sdelay $0x1  }
0x9e: {  	v48 =	vmul.f32 v46, v6;
	v7 =	vadd.f32 v47, v7;
	_ =	sdelay $0x1  }
0x9f: {  	v7 =	vadd.f32 v48, v7;
	_ =	sdelay $0x1  }
0xa0: {  	(xrf2) =	vadd.scan.msk.f32 $0xffff, v7;
	_ =	sdelay $0x9  }
0xa1: {  	v7, _, _ =	vpop (xrf2)  }
0xa2: {  	v7 =	vbroadcast v7, $0xF;
	_ =	sdelay $0x1  }
0xa3: {  	[tilespmem:$0xC6F0] =	vst v7  }
0xa4: {  	v7 =	vld [tilespmem:s30+$0xFFFFFF80]  }
0xa5: {  	v49 =	vld [tilespmem:s30+$0xFFFFFF90];
	_ =	sdelay $0x1  }
0xa6: {  	v50 =	vld [tilespmem:s30+$0xFFFFFFA0];
	_ =	sdelay $0x1  }
0xa7: {  	v51 =	vld [tilespmem:s30+$0xFFFFFFB0]  }
0xa8: {  	v7 =	vmul.f32 v7, v3;
	v8 =	vmul.f32 v49, v4;
	_ =	sdelay $0x1  }
0xa9: {  	v52 =	vmul.f32 v50, v5;
	v7 =	vadd.f32 v8, v7;
	_ =	sdelay $0x1  }
0xaa: {  	v53 =	vmul.f32 v51, v6;
	v7 =	vadd.f32 v52, v7;
	_ =	sdelay $0x1  }
0xab: {  	v7 =	vadd.f32 v53, v7;
	_ =	sdelay $0x1  }
0xac: {  	(xrf2) =	vadd.scan.msk.f32 $0xffff, v7;
	_ =	sdelay $0x9  }
0xad: {  	v7, _, _ =	vpop (xrf2)  }
0xae: {  	v7 =	vbroadcast v7, $0xF;
	_ =	sdelay $0x1  }
0xaf: {  	[tilespmem:$0xC700] =	vst v7  }
0xb0: {  	v7 =	vld [tilespmem:s30+$0xFFFFFFC0]  }
0xb1: {  	v54 =	vld [tilespmem:s30+$0xFFFFFFD0];
	_ =	sdelay $0x1  }
0xb2: {  	v55 =	vld [tilespmem:s30+$0xFFFFFFE0];
	_ =	sdelay $0x1  }
0xb3: {  	v56 =	vld [tilespmem:s30+$0xFFFFFFF0]  }
0xb4: {  	v7 =	vmul.f32 v7, v3;
	v8 =	vmul.f32 v54, v4;
	_ =	sdelay $0x1  }
0xb5: {  	v57 =	vmul.f32 v55, v5;
	v7 =	vadd.f32 v8, v7;
	_ =	sdelay $0x1  }
0xb6: {  	v58 =	vmul.f32 v56, v6;
	v7 =	vadd.f32 v57, v7;
	_ =	sdelay $0x1  }
0xb7: {  	v7 =	vadd.f32 v58, v7;
	_ =	sdelay $0x1  }
0xb8: {  	(xrf2) =	vadd.scan.msk.f32 $0xffff, v7;
	_ =	sdelay $0x9  }
0xb9: {  	v7, _, _ =	vpop (xrf2)  }
0xba: {  	v7 =	vbroadcast v7, $0xF;
	_ =	sdelay $0x1  }
0xbb: {  	[tilespmem:$0xC710] =	vst v7  }
0xbc: {  	v7 =	vld [tilespmem:s30+$0x0]  }
0xbd: {  	v59 =	vld [tilespmem:s30+$0x10];
	_ =	sdelay $0x1  }
0xbe: {  	v60 =	vld [tilespmem:s30+$0x20];
	_ =	sdelay $0x1  }
0xbf: {  	v61 =	vld [tilespmem:s30+$0x30]  }
0xc0: {  	v7 =	vmul.f32 v7, v3;
	v8 =	vmul.f32 v59, v4;
	_ =	sdelay $0x1  }
0xc1: {  	v62 =	vmul.f32 v60, v5;
	v7 =	vadd.f32 v8, v7;
	_ =	sdelay $0x1  }
0xc2: {  	v63 =	vmul.f32 v61, v6;
	v7 =	vadd.f32 v62, v7;
	_ =	sdelay $0x1  }
0xc3: {  	v7 =	vadd.f32 v63, v7;
	_ =	sdelay $0x1  }
0xc4: {  	(xrf2) =	vadd.scan.msk.f32 $0xffff, v7;
	_ =	sdelay $0x9  }
0xc5: {  	v7, _, _ =	vpop (xrf2)  }
0xc6: {  	v7 =	vbroadcast v7, $0xF;
	_ =	sdelay $0x1  }
0xc7: {  	[tilespmem:$0xC720] =	vst v7  }
0xc8: {  	v7 =	vld [tilespmem:s30+$0x40]  }
0xc9: {  	v12 =	vld [tilespmem:s30+$0x50];
	_ =	sdelay $0x1  }
0xca: {  	v13 =	vld [tilespmem:s30+$0x60];
	_ =	sdelay $0x1  }
0xcb: {  	v14 =	vld [tilespmem:s30+$0x70]  }
0xcc: {  	v7 =	vmul.f32 v7, v3;
	v8 =	vmul.f32 v12, v4;
	_ =	sdelay $0x1  }
0xcd: {  	v15 =	vmul.f32 v13, v5;
	v7 =	vadd.f32 v8, v7;
	_ =	sdelay $0x1  }
0xce: {  	v16 =	vmul.f32 v14, v6;
	v7 =	vadd.f32 v15, v7;
	_ =	sdelay $0x1  }
0xcf: {  	v7 =	vadd.f32 v16, v7;
	_ =	sdelay $0x1  }
0xd0: {  	(xrf2) =	vadd.scan.msk.f32 $0xffff, v7;
	_ =	sdelay $0x9  }
0xd1: {  	v7, _, _ =	vpop (xrf2)  }
0xd2: {  	v7 =	vbroadcast v7, $0xF;
	_ =	sdelay $0x1  }
0xd3: {  	[tilespmem:$0xC730] =	vst v7  }
0xd4: {  	v7 =	vld [tilespmem:s30+$0x80]  }
0xd5: {  	v17 =	vld [tilespmem:s30+$0x90];
	_ =	sdelay $0x1  }
0xd6: {  	v18 =	vld [tilespmem:s30+$0xA0];
	_ =	sdelay $0x1  }
0xd7: {  	v19 =	vld [tilespmem:s30+$0xB0]  }
0xd8: {  	v7 =	vmul.f32 v7, v3;
	v8 =	vmul.f32 v17, v4;
	_ =	sdelay $0x1  }
0xd9: {  	v20 =	vmul.f32 v18, v5;
	v7 =	vadd.f32 v8, v7;
	_ =	sdelay $0x1  }
0xda: {  	v21 =	vmul.f32 v19, v6;
	v7 =	vadd.f32 v20, v7;
	_ =	sdelay $0x1  }
0xdb: {  	v7 =	vadd.f32 v21, v7;
	_ =	sdelay $0x1  }
0xdc: {  	(xrf2) =	vadd.scan.msk.f32 $0xffff, v7;
	_ =	sdelay $0x9  }
0xdd: {  	v7, _, _ =	vpop (xrf2)  }
0xde: {  	v7 =	vbroadcast v7, $0xF;
	_ =	sdelay $0x1  }
0xdf: {  	[tilespmem:$0xC740] =	vst v7  }
0xe0: {  	v7 =	vld [tilespmem:s30+$0xC0]  }
0xe1: {  	v22 =	vld [tilespmem:s30+$0xD0];
	_ =	sdelay $0x1  }
0xe2: {  	v23 =	vld [tilespmem:s30+$0xE0];
	_ =	sdelay $0x1  }
0xe3: {  	v24 =	vld [tilespmem:s30+$0xF0]  }
0xe4: {  	v7 =	vmul.f32 v7, v3;
	v8 =	vmul.f32 v22, v4;
	_ =	sdelay $0x1  }
0xe5: {  	v25 =	vmul.f32 v23, v5;
	v7 =	vadd.f32 v8, v7;
	_ =	sdelay $0x1  }
0xe6: {  	v26 =	vmul.f32 v24, v6;
	v7 =	vadd.f32 v25, v7;
	_ =	sdelay $0x1  }
0xe7: {  	v7 =	vadd.f32 v26, v7;
	_ =	sdelay $0x1  }
0xe8: {  	(xrf2) =	vadd.scan.msk.f32 $0xffff, v7;
	_ =	sdelay $0x9  }
0xe9: {  	v7, _, _ =	vpop (xrf2)  }
0xea: {  	v7 =	vbroadcast v7, $0xF;
	_ =	sdelay $0x1  }
0xeb: {  	[tilespmem:$0xC750] =	vst v7  }
0xec: {  	v7 =	vld [tilespmem:s30+$0x100]  }
0xed: {  	v27 =	vld [tilespmem:s30+$0x110];
	_ =	sdelay $0x1  }
0xee: {  	v28 =	vld [tilespmem:s30+$0x120];
	_ =	sdelay $0x1  }
0xef: {  	v29 =	vld [tilespmem:s30+$0x130]  }
0xf0: {  	v7 =	vmul.f32 v7, v3;
	v8 =	vmul.f32 v27, v4;
	_ =	sdelay $0x1  }
0xf1: {  	v30 =	vmul.f32 v28, v5;
	v7 =	vadd.f32 v8, v7;
	_ =	sdelay $0x1  }
0xf2: {  	v31 =	vmul.f32 v29, v6;
	v7 =	vadd.f32 v30, v7;
	_ =	sdelay $0x1  }
0xf3: {  	v7 =	vadd.f32 v31, v7;
	_ =	sdelay $0x1  }
0xf4: {  	(xrf2) =	vadd.scan.msk.f32 $0xffff, v7;
	_ =	sdelay $0x9  }
0xf5: {  	v7, _, _ =	vpop (xrf2)  }
0xf6: {  	v7 =	vbroadcast v7, $0xF;
	_ =	sdelay $0x1  }
0xf7: {  	[tilespmem:$0xC760] =	vst v7  }
0xf8: {  	v7 =	vld [tilespmem:s30+$0x140]  }
0xf9: {  	v32 =	vld [tilespmem:s30+$0x150];
	_ =	sdelay $0x1  }
0xfa: {  	v33 =	vld [tilespmem:s30+$0x160];
	_ =	sdelay $0x1  }
0xfb: {  	v34 =	vld [tilespmem:s30+$0x170]  }
0xfc: {  	v7 =	vmul.f32 v7, v3;
	v8 =	vmul.f32 v32, v4;
	_ =	sdelay $0x1  }
0xfd: {  	v35 =	vmul.f32 v33, v5;
	v7 =	vadd.f32 v8, v7;
	_ =	sdelay $0x1  }
0xfe: {  	v36 =	vmul.f32 v34, v6;
	v7 =	vadd.f32 v35, v7;
	_ =	sdelay $0x1  }
0xff: {  	v7 =	vadd.f32 v36, v7;
	_ =	sdelay $0x1  }
0x100: {  	(xrf2) =	vadd.scan.msk.f32 $0xffff, v7;
	_ =	sdelay $0x9  }
0x101: {  	v7, _, _ =	vpop (xrf2)  }
0x102: {  	v7 =	vbroadcast v7, $0xF;
	_ =	sdelay $0x1  }
0x103: {  	[tilespmem:$0xC770] =	vst v7  }
0x104: {  	v7 =	vld [tilespmem:s30+$0x180]  }
0x105: {  	v37 =	vld [tilespmem:s30+$0x190];
	_ =	sdelay $0x1  }
0x106: {  	v38 =	vld [tilespmem:s30+$0x1A0];
	_ =	sdelay $0x1  }
0x107: {  	v39 =	vld [tilespmem:s30+$0x1B0]  }
0x108: {  	v7 =	vmul.f32 v7, v3;
	v8 =	vmul.f32 v37, v4;
	_ =	sdelay $0x1  }
0x109: {  	v40 =	vmul.f32 v38, v5;
	v7 =	vadd.f32 v8, v7;
	_ =	sdelay $0x1  }
0x10a: {  	v41 =	vmul.f32 v39, v6;
	v7 =	vadd.f32 v40, v7;
	_ =	sdelay $0x1  }
0x10b: {  	v7 =	vadd.f32 v41, v7;
	_ =	sdelay $0x1  }
0x10c: {  	(xrf2) =	vadd.scan.msk.f32 $0xffff, v7;
	_ =	sdelay $0x9  }
0x10d: {  	v7, _, _ =	vpop (xrf2)  }
0x10e: {  	v7 =	vbroadcast v7, $0xF;
	_ =	sdelay $0x1  }
0x10f: {  	[tilespmem:$0xC780] =	vst v7  }
0x110: {  	v7 =	vld [tilespmem:s30+$0x1C0]  }
0x111: {  	v42 =	vld [tilespmem:s30+$0x1D0];
	_ =	sdelay $0x1  }
0x112: {  	v43 =	vld [tilespmem:s30+$0x1E0];
	_ =	sdelay $0x1  }
0x113: {  	v44 =	vld [tilespmem:s30+$0x1F0]  }
0x114: {  	v7 =	vmul.f32 v7, v3;
	v8 =	vmul.f32 v42, v4;
	_ =	sdelay $0x1  }
0x115: {  	v45 =	vmul.f32 v43, v5;
	v7 =	vadd.f32 v8, v7;
	_ =	sdelay $0x1  }
0x116: {  	v46 =	vmul.f32 v44, v6;
	v7 =	vadd.f32 v45, v7;
	_ =	sdelay $0x1  }
0x117: {  	v7 =	vadd.f32 v46, v7;
	_ =	sdelay $0x1  }
0x118: {  	(xrf2) =	vadd.scan.msk.f32 $0xffff, v7;
	_ =	sdelay $0x9  }
0x119: {  	v7, _, _ =	vpop (xrf2)  }
0x11a: {  	v7 =	vbroadcast v7, $0xF;
	_ =	sdelay $0x1  }
0x11b: {  	[tilespmem:$0xC790] =	vst v7  }
0x11c: {  	v7 =	vld [tilespmem:s30+$0x200]  }
0x11d: {  	v47 =	vld [tilespmem:s30+$0x210];
	_ =	sdelay $0x1  }
0x11e: {  	v48 =	vld [tilespmem:s30+$0x220];
	_ =	sdelay $0x1  }
0x11f: {  	v49 =	vld [tilespmem:s30+$0x230]  }
0x120: {  	v7 =	vmul.f32 v7, v3;
	v8 =	vmul.f32 v47, v4;
	_ =	sdelay $0x1  }
0x121: {  	v50 =	vmul.f32 v48, v5;
	v7 =	vadd.f32 v8, v7;
	_ =	sdelay $0x1  }
0x122: {  	v51 =	vmul.f32 v49, v6;
	v7 =	vadd.f32 v50, v7;
	_ =	sdelay $0x1  }
0x123: {  	v7 =	vadd.f32 v51, v7;
	_ =	sdelay $0x1  }
0x124: {  	(xrf2) =	vadd.scan.msk.f32 $0xffff, v7;
	_ =	sdelay $0x9  }
0x125: {  	v7, _, _ =	vpop (xrf2)  }
0x126: {  	v7 =	vbroadcast v7, $0xF;
	_ =	sdelay $0x1  }
0x127: {  	[tilespmem:$0xC7A0] =	vst v7  }
0x128: {  	v7 =	vld [tilespmem:s30+$0x240]  }
0x129: {  	v52 =	vld [tilespmem:s30+$0x250];
	_ =	sdelay $0x1  }
0x12a: {  	v53 =	vld [tilespmem:s30+$0x260];
	_ =	sdelay $0x1  }
0x12b: {  	v54 =	vld [tilespmem:s30+$0x270]  }
0x12c: {  	v3 =	vmul.f32 v7, v3;
	v4 =	vmul.f32 v52, v4;
	_ =	sdelay $0x1  }
0x12d: {  	v55 =	vmul.f32 v53, v5;
	v3 =	vadd.f32 v4, v3;
	_ =	sdelay $0x1  }
0x12e: {  	v56 =	vmul.f32 v54, v6;
	v3 =	vadd.f32 v55, v3;
	_ =	sdelay $0x1  }
0x12f: {  	v3 =	vadd.f32 v56, v3;
	_ =	sdelay $0x1  }
0x130: {  	(xrf2) =	vadd.scan.msk.f32 $0xffff, v3;
	_ =	sdelay $0x9  }
0x131: {  	v3, _, _ =	vpop (xrf2)  }
0x132: {  	v3 =	vbroadcast v3, $0xF;
	_ =	sdelay $0x1  }
0x133: {  	[tilespmem:$0xC7B0] =	vst v3  }
0x134: {  	v3 =	vld.idx.msk [tilespmem:v0+s26+$0x0], $0xffff  }
0x135: {  	v57 =	vld.idx.msk [tilespmem:v2+s26+$0x0], $0xffff;
	_ =	sdelay $0x3  }
0x136: {  	(xrf0) =	vmax.scan.msk.f32 $0xffff, v3  }
0x137: {  	(xrf0) =	vmax.scan.msk.f32 $0xffff, v57;
	_ =	sdelay $0x4  }
0x138: {  	v58, _, _ =	vpop (xrf0)  }
0x139: {  	(v2sf) =	vpush v58, $0xF;
	v59, _, _ =	vpop (xrf0)  }
0x13a: {  	(v2sf) =	vpush v59, $0xF;
	_ =	sdelay $0xd  }
0x13b: {  	s0 =	spop (v2sf)  }
0x13c: {  	s14 =	spop (v2sf)  }
0x13d: {  	s0 =	smax.f32 s0, s14  }
0x13e: {  	v60 =	vmov s0  }
0x13f: {  	v3 =	vsub.f32 v3, v60  }
0x140: {  	v4 =	vsub.f32 v57, v60  }
0x141: {  	v3 =	vmul.f32 $1.442695020e+00, v3  }
0x142: {  	v4 =	vmul.f32 $1.442695020e+00, v4  }
0x143: {  	(erf) = vpow2.f32 v3  }
0x144: {  	(erf) = vpow2.f32 v4;
	_ =	sdelay $0x7  }
0x145: {  	v3 =	vpop (erf)  }
0x146: {  	v4 =	vpop (erf);
	(xrf2) =	vadd.scan.msk.f32 $0xffff, v3  }
0x147: {  	(xrf2) =	vadd.scan.msk.f32 $0xffff, v4;
	_ =	sdelay $0x8  }
0x148: {  	v61, _, _ =	vpop (xrf2)  }
0x149: {  	(v2sf) =	vpush v61, $0xF;
	v62, _, _ =	vpop (xrf2)  }
0x14a: {  	(v2sf) =	vpush v62, $0xF;
	_ =	sdelay $0xd  }
0x14b: {  	s0 =	spop (v2sf)  }
0x14c: {  	s14 =	spop (v2sf)  }
0x14d: {  	s0 =	sadd.f32 s14, s0;
	_ =	sdelay $0x1  }
0x14e: {  	v63 =	vmov s0  }
0x14f: {  	(erf) = vrcp.f32 v63;
	_ =	sdelay $0x7  }
0x150: {  	p0 =	sne.s32 s1, $0xF80  }
.Ltmp0:
0x151: {  	v5 =	vpop (erf);
	(pc) =	sbr.rel @p0 .LBB2_2-.Ltmp0, $4  }
0x152: {  	v3 =	vmul.f32 v5, v3  }
0x153: {  	s14 =	sshra.s32 s1, $0x2;
	v4 =	vmul.f32 v5, v4  }
0x154: {  	[tilespmem:s14+$0xC280] =	vst v3  }
0x155: {  	s31 =	sadd.s32 $0x40, s31;
	s30 =	sadd.s32 $0x500, s30;
	s1 =	sadd.s32 $0x80, s1;
	[tilespmem:s14+$0xC290] =	vst v4  }
0x156: {  	s30 =	simm.s32 $0x0  }
0x157: {  	[hbm4b:s6+s30] =	stream.linear.scatter [tilespmem:s28], [sflag:$0x2], $0x400, $0x38;
	[tilespmem:$0xC880] =	vst v63  }
0x158: {  	_ =	swait.ge [sflag:s15], $0x400  }
0x159: {  	[sflag:s15] =	ssyncset.done $0x0  }
0x15a: {  	[sflag:s15] =	ssyncadd.s32 $0xFFFFFC00  }
0x15b: {  	[tilespmem:s30], [sflag:$0x2] =	stream.linear.gather [hbm4b:s7+s30], $0x280, $0x38;
	[tilespmem:$0xC880] =	vst v63  }
0x15c: {  	_ =	swait.ge [sflag:s15], $0x280  }
0x15d: {  	[sflag:s15] =	ssyncset.done $0x0  }
0x15e: {  	[sflag:s15] =	ssyncadd.s32 $0xFFFFFD80  }
0x15f: {  	[tilespmem:s17], [sflag:$0x1] =	stream.indirect.gather [hbm4b:s3+s16], $0x40, s30, s16, $0xb8;
	[tilespmem:$0xC880] =	vst v63  }
0x160: {  	_ = 	snop  }
0x161: {  	[tilespmem:s18], [sflag:$0x1] =	stream.indirect.gather [hbm4b:s3+s16], $0x40, s16, s16, $0xb8;
	[tilespmem:$0xC880] =	vst v63  }
0x162: {  	_ = 	snop  }
0x163: {  	[tilespmem:s20], [sflag:$0x1] =	stream.indirect.gather [hbm4b:s3+s16], $0x40, s19, s16, $0xb8;
	[tilespmem:$0xC880] =	vst v63  }
0x164: {  	_ = 	snop  }
0x165: {  	[tilespmem:s22], [sflag:$0x1] =	stream.indirect.gather [hbm4b:s3+s16], $0x40, s21, s16, $0xb8;
	[tilespmem:$0xC880] =	vst v63  }
0x166: {  	_ = 	snop  }
0x167: {  	[tilespmem:s24], [sflag:$0x1] =	stream.indirect.gather [hbm4b:s3+s16], $0x40, s23, s16, $0xb8;
	[tilespmem:$0xC880] =	vst v63  }
0x168: {  	_ =	swait.ge [sflag:s25], $0x2000  }
0x169: {  	[sflag:s25] =	ssyncset.done $0x0  }
0x16a: {  	[sflag:s25] =	ssyncadd.s32 $0xFFFFE000  }
0x16b: {  	_ =	swait.ge [sflag:s25], $0x2000  }
0x16c: {  	[sflag:s25] =	ssyncset.done $0x0  }
0x16d: {  	[sflag:s25] =	ssyncadd.s32 $0xFFFFE000  }
0x16e: {  	_ =	swait.ge [sflag:s25], $0x2000  }
0x16f: {  	[sflag:s25] =	ssyncset.done $0x0  }
0x170: {  	[sflag:s25] =	ssyncadd.s32 $0xFFFFE000  }
0x171: {  	_ =	swait.ge [sflag:s25], $0x2000  }
0x172: {  	[sflag:s25] =	ssyncset.done $0x0  }
0x173: {  	[sflag:s25] =	ssyncadd.s32 $0xFFFFE000  }
0x174: {  	_ =	swait.ge [sflag:s25], $0x2000  }
0x175: {  	[sflag:s25] =	ssyncset.done $0x0  }
0x176: {  	s31 =	simm.s32 $0x500;
	s1 =	simm.s32 $0xAAB0;
	[sflag:s25] =	ssyncadd.s32 $0xFFFFE000  }
.LBB2_4:
0x177: {  	v3 =	vld [tilespmem:s1+$0xFFFFFFD0]  }
0x178: {  	v4 =	vld [tilespmem:s1+$0xFFFFFFE0]  }
0x179: {  	v7 =	vld [tilespmem:s31+$0xFFFFFD80]  }
0x17a: {  	v8 =	vld [tilespmem:s31+$0xFFFFFD90]  }
0x17b: {  	v5 =	vld [tilespmem:s1+$0xFFFFFFF0]  }
0x17c: {  	v9 =	vld [tilespmem:s31+$0xFFFFFDA0]  }
0x17d: {  	v6 =	vld [tilespmem:s1+$0x0]  }
0x17e: {  	v10 =	vld [tilespmem:s31+$0xFFFFFDB0]  }
0x17f: {  	v7 =	vmul.f32 v7, v3;
	v8 =	vmul.f32 v8, v4;
	_ =	sdelay $0x1  }
0x180: {  	v12 =	vmul.f32 v9, v5;
	v7 =	vadd.f32 v8, v7;
	_ =	sdelay $0x1  }
0x181: {  	v13 =	vmul.f32 v10, v6;
	v7 =	vadd.f32 v12, v7;
	_ =	sdelay $0x1  }
0x182: {  	v7 =	vadd.f32 v13, v7;
	_ =	sdelay $0x1  }
0x183: {  	(xrf2) =	vadd.scan.msk.f32 $0xffff, v7;
	_ =	sdelay $0x9  }
0x184: {  	v7, _, _ =	vpop (xrf2)  }
0x185: {  	v7 =	vbroadcast v7, $0xF;
	_ =	sdelay $0x1  }
0x186: {  	[tilespmem:$0xC680] =	vst v7  }
0x187: {  	v7 =	vld [tilespmem:s31+$0xFFFFFDC0]  }
0x188: {  	v14 =	vld [tilespmem:s31+$0xFFFFFDD0];
	_ =	sdelay $0x1  }
0x189: {  	v15 =	vld [tilespmem:s31+$0xFFFFFDE0];
	_ =	sdelay $0x1  }
0x18a: {  	v16 =	vld [tilespmem:s31+$0xFFFFFDF0]  }
0x18b: {  	v7 =	vmul.f32 v7, v3;
	v8 =	vmul.f32 v14, v4;
	_ =	sdelay $0x1  }
0x18c: {  	v17 =	vmul.f32 v15, v5;
	v7 =	vadd.f32 v8, v7;
	_ =	sdelay $0x1  }
0x18d: {  	v18 =	vmul.f32 v16, v6;
	v7 =	vadd.f32 v17, v7;
	_ =	sdelay $0x1  }
0x18e: {  	v7 =	vadd.f32 v18, v7;
	_ =	sdelay $0x1  }
0x18f: {  	(xrf2) =	vadd.scan.msk.f32 $0xffff, v7;
	_ =	sdelay $0x9  }
0x190: {  	v7, _, _ =	vpop (xrf2)  }
0x191: {  	v7 =	vbroadcast v7, $0xF;
	_ =	sdelay $0x1  }
0x192: {  	[tilespmem:$0xC690] =	vst v7  }
0x193: {  	v7 =	vld [tilespmem:s31+$0xFFFFFE00]  }
0x194: {  	v19 =	vld [tilespmem:s31+$0xFFFFFE10];
	_ =	sdelay $0x1  }
0x195: {  	v20 =	vld [tilespmem:s31+$0xFFFFFE20];
	_ =	sdelay $0x1  }
0x196: {  	v21 =	vld [tilespmem:s31+$0xFFFFFE30]  }
0x197: {  	v7 =	vmul.f32 v7, v3;
	v8 =	vmul.f32 v19, v4;
	_ =	sdelay $0x1  }
0x198: {  	v22 =	vmul.f32 v20, v5;
	v7 =	vadd.f32 v8, v7;
	_ =	sdelay $0x1  }
0x199: {  	v23 =	vmul.f32 v21, v6;
	v7 =	vadd.f32 v22, v7;
	_ =	sdelay $0x1  }
0x19a: {  	v7 =	vadd.f32 v23, v7;
	_ =	sdelay $0x1  }
0x19b: {  	(xrf2) =	vadd.scan.msk.f32 $0xffff, v7;
	_ =	sdelay $0x9  }
0x19c: {  	v7, _, _ =	vpop (xrf2)  }
0x19d: {  	v7 =	vbroadcast v7, $0xF;
	_ =	sdelay $0x1  }
0x19e: {  	[tilespmem:$0xC6A0] =	vst v7  }
0x19f: {  	v7 =	vld [tilespmem:s31+$0xFFFFFE40]  }
0x1a0: {  	v24 =	vld [tilespmem:s31+$0xFFFFFE50];
	_ =	sdelay $0x1  }
0x1a1: {  	v25 =	vld [tilespmem:s31+$0xFFFFFE60];
	_ =	sdelay $0x1  }
0x1a2: {  	v26 =	vld [tilespmem:s31+$0xFFFFFE70]  }
0x1a3: {  	v7 =	vmul.f32 v7, v3;
	v8 =	vmul.f32 v24, v4;
	_ =	sdelay $0x1  }
0x1a4: {  	v27 =	vmul.f32 v25, v5;
	v7 =	vadd.f32 v8, v7;
	_ =	sdelay $0x1  }
0x1a5: {  	v28 =	vmul.f32 v26, v6;
	v7 =	vadd.f32 v27, v7;
	_ =	sdelay $0x1  }
0x1a6: {  	v7 =	vadd.f32 v28, v7;
	_ =	sdelay $0x1  }
0x1a7: {  	(xrf2) =	vadd.scan.msk.f32 $0xffff, v7;
	_ =	sdelay $0x9  }
0x1a8: {  	v7, _, _ =	vpop (xrf2)  }
0x1a9: {  	v7 =	vbroadcast v7, $0xF;
	_ =	sdelay $0x1  }
0x1aa: {  	[tilespmem:$0xC6B0] =	vst v7  }
0x1ab: {  	v7 =	vld [tilespmem:s31+$0xFFFFFE80]  }
0x1ac: {  	v29 =	vld [tilespmem:s31+$0xFFFFFE90];
	_ =	sdelay $0x1  }
0x1ad: {  	v30 =	vld [tilespmem:s31+$0xFFFFFEA0];
	_ =	sdelay $0x1  }
0x1ae: {  	v31 =	vld [tilespmem:s31+$0xFFFFFEB0]  }
0x1af: {  	v7 =	vmul.f32 v7, v3;
	v8 =	vmul.f32 v29, v4;
	_ =	sdelay $0x1  }
0x1b0: {  	v32 =	vmul.f32 v30, v5;
	v7 =	vadd.f32 v8, v7;
	_ =	sdelay $0x1  }
0x1b1: {  	v33 =	vmul.f32 v31, v6;
	v7 =	vadd.f32 v32, v7;
	_ =	sdelay $0x1  }
0x1b2: {  	v7 =	vadd.f32 v33, v7;
	_ =	sdelay $0x1  }
0x1b3: {  	(xrf2) =	vadd.scan.msk.f32 $0xffff, v7;
	_ =	sdelay $0x9  }
0x1b4: {  	v7, _, _ =	vpop (xrf2)  }
0x1b5: {  	v7 =	vbroadcast v7, $0xF;
	_ =	sdelay $0x1  }
0x1b6: {  	[tilespmem:$0xC6C0] =	vst v7  }
0x1b7: {  	v7 =	vld [tilespmem:s31+$0xFFFFFEC0]  }
0x1b8: {  	v34 =	vld [tilespmem:s31+$0xFFFFFED0];
	_ =	sdelay $0x1  }
0x1b9: {  	v35 =	vld [tilespmem:s31+$0xFFFFFEE0];
	_ =	sdelay $0x1  }
0x1ba: {  	v36 =	vld [tilespmem:s31+$0xFFFFFEF0]  }
0x1bb: {  	v7 =	vmul.f32 v7, v3;
	v8 =	vmul.f32 v34, v4;
	_ =	sdelay $0x1  }
0x1bc: {  	v37 =	vmul.f32 v35, v5;
	v7 =	vadd.f32 v8, v7;
	_ =	sdelay $0x1  }
0x1bd: {  	v38 =	vmul.f32 v36, v6;
	v7 =	vadd.f32 v37, v7;
	_ =	sdelay $0x1  }
0x1be: {  	v7 =	vadd.f32 v38, v7;
	_ =	sdelay $0x1  }
0x1bf: {  	(xrf2) =	vadd.scan.msk.f32 $0xffff, v7;
	_ =	sdelay $0x9  }
0x1c0: {  	v7, _, _ =	vpop (xrf2)  }
0x1c1: {  	v7 =	vbroadcast v7, $0xF;
	_ =	sdelay $0x1  }
0x1c2: {  	[tilespmem:$0xC6D0] =	vst v7  }
0x1c3: {  	v7 =	vld [tilespmem:s31+$0xFFFFFF00]  }
0x1c4: {  	v39 =	vld [tilespmem:s31+$0xFFFFFF10];
	_ =	sdelay $0x1  }
0x1c5: {  	v40 =	vld [tilespmem:s31+$0xFFFFFF20];
	_ =	sdelay $0x1  }
0x1c6: {  	v41 =	vld [tilespmem:s31+$0xFFFFFF30]  }
0x1c7: {  	v7 =	vmul.f32 v7, v3;
	v8 =	vmul.f32 v39, v4;
	_ =	sdelay $0x1  }
0x1c8: {  	v42 =	vmul.f32 v40, v5;
	v7 =	vadd.f32 v8, v7;
	_ =	sdelay $0x1  }
0x1c9: {  	v43 =	vmul.f32 v41, v6;
	v7 =	vadd.f32 v42, v7;
	_ =	sdelay $0x1  }
0x1ca: {  	v7 =	vadd.f32 v43, v7;
	_ =	sdelay $0x1  }
0x1cb: {  	(xrf2) =	vadd.scan.msk.f32 $0xffff, v7;
	_ =	sdelay $0x9  }
0x1cc: {  	v7, _, _ =	vpop (xrf2)  }
0x1cd: {  	v7 =	vbroadcast v7, $0xF;
	_ =	sdelay $0x1  }
0x1ce: {  	[tilespmem:$0xC6E0] =	vst v7  }
0x1cf: {  	v7 =	vld [tilespmem:s31+$0xFFFFFF40]  }
0x1d0: {  	v44 =	vld [tilespmem:s31+$0xFFFFFF50];
	_ =	sdelay $0x1  }
0x1d1: {  	v45 =	vld [tilespmem:s31+$0xFFFFFF60];
	_ =	sdelay $0x1  }
0x1d2: {  	v46 =	vld [tilespmem:s31+$0xFFFFFF70]  }
0x1d3: {  	v7 =	vmul.f32 v7, v3;
	v8 =	vmul.f32 v44, v4;
	_ =	sdelay $0x1  }
0x1d4: {  	v47 =	vmul.f32 v45, v5;
	v7 =	vadd.f32 v8, v7;
	_ =	sdelay $0x1  }
0x1d5: {  	v48 =	vmul.f32 v46, v6;
	v7 =	vadd.f32 v47, v7;
	_ =	sdelay $0x1  }
0x1d6: {  	v7 =	vadd.f32 v48, v7;
	_ =	sdelay $0x1  }
0x1d7: {  	(xrf2) =	vadd.scan.msk.f32 $0xffff, v7;
	_ =	sdelay $0x9  }
0x1d8: {  	v7, _, _ =	vpop (xrf2)  }
0x1d9: {  	v7 =	vbroadcast v7, $0xF;
	_ =	sdelay $0x1  }
0x1da: {  	[tilespmem:$0xC6F0] =	vst v7  }
0x1db: {  	v7 =	vld [tilespmem:s31+$0xFFFFFF80]  }
0x1dc: {  	v49 =	vld [tilespmem:s31+$0xFFFFFF90];
	_ =	sdelay $0x1  }
0x1dd: {  	v50 =	vld [tilespmem:s31+$0xFFFFFFA0];
	_ =	sdelay $0x1  }
0x1de: {  	v51 =	vld [tilespmem:s31+$0xFFFFFFB0]  }
0x1df: {  	v7 =	vmul.f32 v7, v3;
	v8 =	vmul.f32 v49, v4;
	_ =	sdelay $0x1  }
0x1e0: {  	v52 =	vmul.f32 v50, v5;
	v7 =	vadd.f32 v8, v7;
	_ =	sdelay $0x1  }
0x1e1: {  	v53 =	vmul.f32 v51, v6;
	v7 =	vadd.f32 v52, v7;
	_ =	sdelay $0x1  }
0x1e2: {  	v7 =	vadd.f32 v53, v7;
	_ =	sdelay $0x1  }
0x1e3: {  	(xrf2) =	vadd.scan.msk.f32 $0xffff, v7;
	_ =	sdelay $0x9  }
0x1e4: {  	v7, _, _ =	vpop (xrf2)  }
0x1e5: {  	v7 =	vbroadcast v7, $0xF;
	_ =	sdelay $0x1  }
0x1e6: {  	[tilespmem:$0xC700] =	vst v7  }
0x1e7: {  	v7 =	vld [tilespmem:s31+$0xFFFFFFC0]  }
0x1e8: {  	v54 =	vld [tilespmem:s31+$0xFFFFFFD0];
	_ =	sdelay $0x1  }
0x1e9: {  	v55 =	vld [tilespmem:s31+$0xFFFFFFE0];
	_ =	sdelay $0x1  }
0x1ea: {  	v56 =	vld [tilespmem:s31+$0xFFFFFFF0]  }
0x1eb: {  	v7 =	vmul.f32 v7, v3;
	v8 =	vmul.f32 v54, v4;
	_ =	sdelay $0x1  }
0x1ec: {  	v57 =	vmul.f32 v55, v5;
	v7 =	vadd.f32 v8, v7;
	_ =	sdelay $0x1  }
0x1ed: {  	v58 =	vmul.f32 v56, v6;
	v7 =	vadd.f32 v57, v7;
	_ =	sdelay $0x1  }
0x1ee: {  	v7 =	vadd.f32 v58, v7;
	_ =	sdelay $0x1  }
0x1ef: {  	(xrf2) =	vadd.scan.msk.f32 $0xffff, v7;
	_ =	sdelay $0x9  }
0x1f0: {  	v7, _, _ =	vpop (xrf2)  }
0x1f1: {  	v7 =	vbroadcast v7, $0xF;
	_ =	sdelay $0x1  }
0x1f2: {  	[tilespmem:$0xC710] =	vst v7  }
0x1f3: {  	v7 =	vld [tilespmem:s31+$0x0]  }
0x1f4: {  	v59 =	vld [tilespmem:s31+$0x10];
	_ =	sdelay $0x1  }
0x1f5: {  	v60 =	vld [tilespmem:s31+$0x20];
	_ =	sdelay $0x1  }
0x1f6: {  	v61 =	vld [tilespmem:s31+$0x30]  }
0x1f7: {  	v7 =	vmul.f32 v7, v3;
	v8 =	vmul.f32 v59, v4;
	_ =	sdelay $0x1  }
0x1f8: {  	v62 =	vmul.f32 v60, v5;
	v7 =	vadd.f32 v8, v7;
	_ =	sdelay $0x1  }
0x1f9: {  	v63 =	vmul.f32 v61, v6;
	v7 =	vadd.f32 v62, v7;
	_ =	sdelay $0x1  }
0x1fa: {  	v7 =	vadd.f32 v63, v7;
	_ =	sdelay $0x1  }
0x1fb: {  	(xrf2) =	vadd.scan.msk.f32 $0xffff, v7;
	_ =	sdelay $0x9  }
0x1fc: {  	v7, _, _ =	vpop (xrf2)  }
0x1fd: {  	v7 =	vbroadcast v7, $0xF;
	_ =	sdelay $0x1  }
0x1fe: {  	[tilespmem:$0xC720] =	vst v7  }
0x1ff: {  	v7 =	vld [tilespmem:s31+$0x40]  }
0x200: {  	v12 =	vld [tilespmem:s31+$0x50];
	_ =	sdelay $0x1  }
0x201: {  	v13 =	vld [tilespmem:s31+$0x60];
	_ =	sdelay $0x1  }
0x202: {  	v14 =	vld [tilespmem:s31+$0x70]  }
0x203: {  	v7 =	vmul.f32 v7, v3;
	v8 =	vmul.f32 v12, v4;
	_ =	sdelay $0x1  }
0x204: {  	v15 =	vmul.f32 v13, v5;
	v7 =	vadd.f32 v8, v7;
	_ =	sdelay $0x1  }
0x205: {  	v16 =	vmul.f32 v14, v6;
	v7 =	vadd.f32 v15, v7;
	_ =	sdelay $0x1  }
0x206: {  	v7 =	vadd.f32 v16, v7;
	_ =	sdelay $0x1  }
0x207: {  	(xrf2) =	vadd.scan.msk.f32 $0xffff, v7;
	_ =	sdelay $0x9  }
0x208: {  	v7, _, _ =	vpop (xrf2)  }
0x209: {  	v7 =	vbroadcast v7, $0xF;
	_ =	sdelay $0x1  }
0x20a: {  	[tilespmem:$0xC730] =	vst v7  }
0x20b: {  	v7 =	vld [tilespmem:s31+$0x80]  }
0x20c: {  	v17 =	vld [tilespmem:s31+$0x90];
	_ =	sdelay $0x1  }
0x20d: {  	v18 =	vld [tilespmem:s31+$0xA0];
	_ =	sdelay $0x1  }
0x20e: {  	v19 =	vld [tilespmem:s31+$0xB0]  }
0x20f: {  	v7 =	vmul.f32 v7, v3;
	v8 =	vmul.f32 v17, v4;
	_ =	sdelay $0x1  }
0x210: {  	v20 =	vmul.f32 v18, v5;
	v7 =	vadd.f32 v8, v7;
	_ =	sdelay $0x1  }
0x211: {  	v21 =	vmul.f32 v19, v6;
	v7 =	vadd.f32 v20, v7;
	_ =	sdelay $0x1  }
0x212: {  	v7 =	vadd.f32 v21, v7;
	_ =	sdelay $0x1  }
0x213: {  	(xrf2) =	vadd.scan.msk.f32 $0xffff, v7;
	_ =	sdelay $0x9  }
0x214: {  	v7, _, _ =	vpop (xrf2)  }
0x215: {  	v7 =	vbroadcast v7, $0xF;
	_ =	sdelay $0x1  }
0x216: {  	[tilespmem:$0xC740] =	vst v7  }
0x217: {  	v7 =	vld [tilespmem:s31+$0xC0]  }
0x218: {  	v22 =	vld [tilespmem:s31+$0xD0];
	_ =	sdelay $0x1  }
0x219: {  	v23 =	vld [tilespmem:s31+$0xE0];
	_ =	sdelay $0x1  }
0x21a: {  	v24 =	vld [tilespmem:s31+$0xF0]  }
0x21b: {  	v7 =	vmul.f32 v7, v3;
	v8 =	vmul.f32 v22, v4;
	_ =	sdelay $0x1  }
0x21c: {  	v25 =	vmul.f32 v23, v5;
	v7 =	vadd.f32 v8, v7;
	_ =	sdelay $0x1  }
0x21d: {  	v26 =	vmul.f32 v24, v6;
	v7 =	vadd.f32 v25, v7;
	_ =	sdelay $0x1  }
0x21e: {  	v7 =	vadd.f32 v26, v7;
	_ =	sdelay $0x1  }
0x21f: {  	(xrf2) =	vadd.scan.msk.f32 $0xffff, v7;
	_ =	sdelay $0x9  }
0x220: {  	v7, _, _ =	vpop (xrf2)  }
0x221: {  	v7 =	vbroadcast v7, $0xF;
	_ =	sdelay $0x1  }
0x222: {  	[tilespmem:$0xC750] =	vst v7  }
0x223: {  	v7 =	vld [tilespmem:s31+$0x100]  }
0x224: {  	v27 =	vld [tilespmem:s31+$0x110];
	_ =	sdelay $0x1  }
0x225: {  	v28 =	vld [tilespmem:s31+$0x120];
	_ =	sdelay $0x1  }
0x226: {  	v29 =	vld [tilespmem:s31+$0x130]  }
0x227: {  	v7 =	vmul.f32 v7, v3;
	v8 =	vmul.f32 v27, v4;
	_ =	sdelay $0x1  }
0x228: {  	v30 =	vmul.f32 v28, v5;
	v7 =	vadd.f32 v8, v7;
	_ =	sdelay $0x1  }
0x229: {  	v31 =	vmul.f32 v29, v6;
	v7 =	vadd.f32 v30, v7;
	_ =	sdelay $0x1  }
0x22a: {  	v7 =	vadd.f32 v31, v7;
	_ =	sdelay $0x1  }
0x22b: {  	(xrf2) =	vadd.scan.msk.f32 $0xffff, v7;
	_ =	sdelay $0x9  }
0x22c: {  	v7, _, _ =	vpop (xrf2)  }
0x22d: {  	v7 =	vbroadcast v7, $0xF;
	_ =	sdelay $0x1  }
0x22e: {  	[tilespmem:$0xC760] =	vst v7  }
0x22f: {  	v7 =	vld [tilespmem:s31+$0x140]  }
0x230: {  	v32 =	vld [tilespmem:s31+$0x150];
	_ =	sdelay $0x1  }
0x231: {  	v33 =	vld [tilespmem:s31+$0x160];
	_ =	sdelay $0x1  }
0x232: {  	v34 =	vld [tilespmem:s31+$0x170]  }
0x233: {  	v7 =	vmul.f32 v7, v3;
	v8 =	vmul.f32 v32, v4;
	_ =	sdelay $0x1  }
0x234: {  	v35 =	vmul.f32 v33, v5;
	v7 =	vadd.f32 v8, v7;
	_ =	sdelay $0x1  }
0x235: {  	v36 =	vmul.f32 v34, v6;
	v7 =	vadd.f32 v35, v7;
	_ =	sdelay $0x1  }
0x236: {  	v7 =	vadd.f32 v36, v7;
	_ =	sdelay $0x1  }
0x237: {  	(xrf2) =	vadd.scan.msk.f32 $0xffff, v7;
	_ =	sdelay $0x9  }
0x238: {  	v7, _, _ =	vpop (xrf2)  }
0x239: {  	v7 =	vbroadcast v7, $0xF;
	_ =	sdelay $0x1  }
0x23a: {  	[tilespmem:$0xC770] =	vst v7  }
0x23b: {  	v7 =	vld [tilespmem:s31+$0x180]  }
0x23c: {  	v37 =	vld [tilespmem:s31+$0x190];
	_ =	sdelay $0x1  }
0x23d: {  	v38 =	vld [tilespmem:s31+$0x1A0];
	_ =	sdelay $0x1  }
0x23e: {  	v39 =	vld [tilespmem:s31+$0x1B0]  }
0x23f: {  	v7 =	vmul.f32 v7, v3;
	v8 =	vmul.f32 v37, v4;
	_ =	sdelay $0x1  }
0x240: {  	v40 =	vmul.f32 v38, v5;
	v7 =	vadd.f32 v8, v7;
	_ =	sdelay $0x1  }
0x241: {  	v41 =	vmul.f32 v39, v6;
	v7 =	vadd.f32 v40, v7;
	_ =	sdelay $0x1  }
0x242: {  	v7 =	vadd.f32 v41, v7;
	_ =	sdelay $0x1  }
0x243: {  	(xrf2) =	vadd.scan.msk.f32 $0xffff, v7;
	_ =	sdelay $0x9  }
0x244: {  	v7, _, _ =	vpop (xrf2)  }
0x245: {  	v7 =	vbroadcast v7, $0xF;
	_ =	sdelay $0x1  }
0x246: {  	[tilespmem:$0xC780] =	vst v7  }
0x247: {  	v7 =	vld [tilespmem:s31+$0x1C0]  }
0x248: {  	v42 =	vld [tilespmem:s31+$0x1D0];
	_ =	sdelay $0x1  }
0x249: {  	v43 =	vld [tilespmem:s31+$0x1E0];
	_ =	sdelay $0x1  }
0x24a: {  	v44 =	vld [tilespmem:s31+$0x1F0]  }
0x24b: {  	v7 =	vmul.f32 v7, v3;
	v8 =	vmul.f32 v42, v4;
	_ =	sdelay $0x1  }
0x24c: {  	v45 =	vmul.f32 v43, v5;
	v7 =	vadd.f32 v8, v7;
	_ =	sdelay $0x1  }
0x24d: {  	v46 =	vmul.f32 v44, v6;
	v7 =	vadd.f32 v45, v7;
	_ =	sdelay $0x1  }
0x24e: {  	v7 =	vadd.f32 v46, v7;
	_ =	sdelay $0x1  }
0x24f: {  	(xrf2) =	vadd.scan.msk.f32 $0xffff, v7;
	_ =	sdelay $0x9  }
0x250: {  	v7, _, _ =	vpop (xrf2)  }
0x251: {  	v7 =	vbroadcast v7, $0xF;
	_ =	sdelay $0x1  }
0x252: {  	[tilespmem:$0xC790] =	vst v7  }
0x253: {  	v7 =	vld [tilespmem:s31+$0x200]  }
0x254: {  	v47 =	vld [tilespmem:s31+$0x210];
	_ =	sdelay $0x1  }
0x255: {  	v48 =	vld [tilespmem:s31+$0x220];
	_ =	sdelay $0x1  }
0x256: {  	v49 =	vld [tilespmem:s31+$0x230]  }
0x257: {  	v7 =	vmul.f32 v7, v3;
	v8 =	vmul.f32 v47, v4;
	_ =	sdelay $0x1  }
0x258: {  	v50 =	vmul.f32 v48, v5;
	v7 =	vadd.f32 v8, v7;
	_ =	sdelay $0x1  }
0x259: {  	v51 =	vmul.f32 v49, v6;
	v7 =	vadd.f32 v50, v7;
	_ =	sdelay $0x1  }
0x25a: {  	v7 =	vadd.f32 v51, v7;
	_ =	sdelay $0x1  }
0x25b: {  	(xrf2) =	vadd.scan.msk.f32 $0xffff, v7;
	_ =	sdelay $0x9  }
0x25c: {  	v7, _, _ =	vpop (xrf2)  }
0x25d: {  	v7 =	vbroadcast v7, $0xF;
	_ =	sdelay $0x1  }
0x25e: {  	[tilespmem:$0xC7A0] =	vst v7  }
0x25f: {  	v7 =	vld [tilespmem:s31+$0x240]  }
0x260: {  	v52 =	vld [tilespmem:s31+$0x250];
	_ =	sdelay $0x1  }
0x261: {  	v53 =	vld [tilespmem:s31+$0x260];
	_ =	sdelay $0x1  }
0x262: {  	v54 =	vld [tilespmem:s31+$0x270]  }
0x263: {  	v3 =	vmul.f32 v7, v3;
	v4 =	vmul.f32 v52, v4;
	_ =	sdelay $0x1  }
0x264: {  	v55 =	vmul.f32 v53, v5;
	v3 =	vadd.f32 v4, v3;
	_ =	sdelay $0x1  }
0x265: {  	v56 =	vmul.f32 v54, v6;
	v3 =	vadd.f32 v55, v3;
	_ =	sdelay $0x1  }
0x266: {  	v3 =	vadd.f32 v56, v3;
	_ =	sdelay $0x1  }
0x267: {  	(xrf2) =	vadd.scan.msk.f32 $0xffff, v3;
	_ =	sdelay $0x9  }
0x268: {  	v3, _, _ =	vpop (xrf2)  }
0x269: {  	v3 =	vbroadcast v3, $0xF;
	_ =	sdelay $0x1  }
0x26a: {  	[tilespmem:$0xC7B0] =	vst v3  }
0x26b: {  	v3 =	vld.idx.msk [tilespmem:v0+s26+$0x0], $0xffff  }
0x26c: {  	v57 =	vld.idx.msk [tilespmem:v2+s26+$0x0], $0xffff;
	_ =	sdelay $0x3  }
0x26d: {  	(xrf0) =	vmax.scan.msk.f32 $0xffff, v3  }
0x26e: {  	(xrf0) =	vmax.scan.msk.f32 $0xffff, v57;
	_ =	sdelay $0x4  }
0x26f: {  	v58, _, _ =	vpop (xrf0)  }
0x270: {  	(v2sf) =	vpush v58, $0xF;
	v59, _, _ =	vpop (xrf0)  }
0x271: {  	(v2sf) =	vpush v59, $0xF;
	_ =	sdelay $0xd  }
0x272: {  	s0 =	spop (v2sf)  }
0x273: {  	s14 =	spop (v2sf)  }
0x274: {  	s0 =	smax.f32 s0, s14  }
0x275: {  	v60 =	vmov s0  }
0x276: {  	v3 =	vsub.f32 v3, v60  }
0x277: {  	v4 =	vsub.f32 v57, v60  }
0x278: {  	v3 =	vmul.f32 $1.442695020e+00, v3  }
0x279: {  	v4 =	vmul.f32 $1.442695020e+00, v4  }
0x27a: {  	(erf) = vpow2.f32 v3  }
0x27b: {  	(erf) = vpow2.f32 v4;
	_ =	sdelay $0x7  }
0x27c: {  	v3 =	vpop (erf)  }
0x27d: {  	v4 =	vpop (erf);
	(xrf2) =	vadd.scan.msk.f32 $0xffff, v3  }
0x27e: {  	(xrf2) =	vadd.scan.msk.f32 $0xffff, v4;
	_ =	sdelay $0x8  }
0x27f: {  	v61, _, _ =	vpop (xrf2)  }
0x280: {  	(v2sf) =	vpush v61, $0xF;
	v62, _, _ =	vpop (xrf2)  }
0x281: {  	(v2sf) =	vpush v62, $0xF;
	_ =	sdelay $0xd  }
0x282: {  	s0 =	spop (v2sf)  }
0x283: {  	s14 =	spop (v2sf)  }
0x284: {  	s0 =	sadd.f32 s14, s0;
	_ =	sdelay $0x1  }
0x285: {  	v63 =	vmov s0  }
0x286: {  	(erf) = vrcp.f32 v63;
	_ =	sdelay $0x7  }
0x287: {  	p0 =	sne.s32 s30, $0xF80  }
.Ltmp1:
0x288: {  	v5 =	vpop (erf);
	(pc) =	sbr.rel @p0 .LBB2_4-.Ltmp1, $4  }
0x289: {  	v3 =	vmul.f32 v5, v3  }
0x28a: {  	s14 =	sshra.s32 s30, $0x2;
	v4 =	vmul.f32 v5, v4  }
0x28b: {  	[tilespmem:s14+$0xC280] =	vst v3  }
0x28c: {  	s1 =	sadd.s32 $0x40, s1;
	s31 =	sadd.s32 $0x500, s31;
	s30 =	sadd.s32 $0x80, s30;
	[tilespmem:s14+$0xC290] =	vst v4  }
0x28d: {  	s30 =	simm.s32 $0x0  }
0x28e: {  	[hbm4b:s8+s30] =	stream.linear.scatter [tilespmem:s28], [sflag:$0x2], $0x400, $0x38;
	[tilespmem:$0xC880] =	vst v63  }
0x28f: {  	_ =	swait.ge [sflag:s15], $0x400  }
0x290: {  	[sflag:s15] =	ssyncset.done $0x0  }
0x291: {  	[sflag:s15] =	ssyncadd.s32 $0xFFFFFC00  }
0x292: {  	[tilespmem:s30], [sflag:$0x2] =	stream.linear.gather [hbm4b:s9+s30], $0x280, $0x38;
	[tilespmem:$0xC880] =	vst v63  }
0x293: {  	_ =	swait.ge [sflag:s15], $0x280  }
0x294: {  	[sflag:s15] =	ssyncset.done $0x0  }
0x295: {  	[sflag:s15] =	ssyncadd.s32 $0xFFFFFD80  }
0x296: {  	[tilespmem:s17], [sflag:$0x1] =	stream.indirect.gather [hbm4b:s3+s16], $0x40, s30, s16, $0xb8;
	[tilespmem:$0xC880] =	vst v63  }
0x297: {  	_ = 	snop  }
0x298: {  	[tilespmem:s18], [sflag:$0x1] =	stream.indirect.gather [hbm4b:s3+s16], $0x40, s16, s16, $0xb8;
	[tilespmem:$0xC880] =	vst v63  }
0x299: {  	_ = 	snop  }
0x29a: {  	[tilespmem:s20], [sflag:$0x1] =	stream.indirect.gather [hbm4b:s3+s16], $0x40, s19, s16, $0xb8;
	[tilespmem:$0xC880] =	vst v63  }
0x29b: {  	_ = 	snop  }
0x29c: {  	[tilespmem:s22], [sflag:$0x1] =	stream.indirect.gather [hbm4b:s3+s16], $0x40, s21, s16, $0xb8;
	[tilespmem:$0xC880] =	vst v63  }
0x29d: {  	_ = 	snop  }
0x29e: {  	[tilespmem:s24], [sflag:$0x1] =	stream.indirect.gather [hbm4b:s3+s16], $0x40, s23, s16, $0xb8;
	[tilespmem:$0xC880] =	vst v63  }
0x29f: {  	_ =	swait.ge [sflag:s25], $0x2000  }
0x2a0: {  	[sflag:s25] =	ssyncset.done $0x0  }
0x2a1: {  	[sflag:s25] =	ssyncadd.s32 $0xFFFFE000  }
0x2a2: {  	_ =	swait.ge [sflag:s25], $0x2000  }
0x2a3: {  	[sflag:s25] =	ssyncset.done $0x0  }
0x2a4: {  	[sflag:s25] =	ssyncadd.s32 $0xFFFFE000  }
0x2a5: {  	_ =	swait.ge [sflag:s25], $0x2000  }
0x2a6: {  	[sflag:s25] =	ssyncset.done $0x0  }
0x2a7: {  	[sflag:s25] =	ssyncadd.s32 $0xFFFFE000  }
0x2a8: {  	_ =	swait.ge [sflag:s25], $0x2000  }
0x2a9: {  	[sflag:s25] =	ssyncset.done $0x0  }
0x2aa: {  	[sflag:s25] =	ssyncadd.s32 $0xFFFFE000  }
0x2ab: {  	_ =	swait.ge [sflag:s25], $0x2000  }
0x2ac: {  	[sflag:s25] =	ssyncset.done $0x0  }
0x2ad: {  	s31 =	simm.s32 $0x500;
	s1 =	simm.s32 $0xB2B0;
	[sflag:s25] =	ssyncadd.s32 $0xFFFFE000  }
.LBB2_6:
0x2ae: {  	v3 =	vld [tilespmem:s1+$0xFFFFFFD0]  }
0x2af: {  	v4 =	vld [tilespmem:s1+$0xFFFFFFE0]  }
0x2b0: {  	v7 =	vld [tilespmem:s31+$0xFFFFFD80]  }
0x2b1: {  	v8 =	vld [tilespmem:s31+$0xFFFFFD90]  }
0x2b2: {  	v5 =	vld [tilespmem:s1+$0xFFFFFFF0]  }
0x2b3: {  	v9 =	vld [tilespmem:s31+$0xFFFFFDA0]  }
0x2b4: {  	v6 =	vld [tilespmem:s1+$0x0]  }
0x2b5: {  	v10 =	vld [tilespmem:s31+$0xFFFFFDB0]  }
0x2b6: {  	v7 =	vmul.f32 v7, v3;
	v8 =	vmul.f32 v8, v4;
	_ =	sdelay $0x1  }
0x2b7: {  	v12 =	vmul.f32 v9, v5;
	v7 =	vadd.f32 v8, v7;
	_ =	sdelay $0x1  }
0x2b8: {  	v13 =	vmul.f32 v10, v6;
	v7 =	vadd.f32 v12, v7;
	_ =	sdelay $0x1  }
0x2b9: {  	v7 =	vadd.f32 v13, v7;
	_ =	sdelay $0x1  }
0x2ba: {  	(xrf2) =	vadd.scan.msk.f32 $0xffff, v7;
	_ =	sdelay $0x9  }
0x2bb: {  	v7, _, _ =	vpop (xrf2)  }
0x2bc: {  	v7 =	vbroadcast v7, $0xF;
	_ =	sdelay $0x1  }
0x2bd: {  	[tilespmem:$0xC680] =	vst v7  }
0x2be: {  	v7 =	vld [tilespmem:s31+$0xFFFFFDC0]  }
0x2bf: {  	v14 =	vld [tilespmem:s31+$0xFFFFFDD0];
	_ =	sdelay $0x1  }
0x2c0: {  	v15 =	vld [tilespmem:s31+$0xFFFFFDE0];
	_ =	sdelay $0x1  }
0x2c1: {  	v16 =	vld [tilespmem:s31+$0xFFFFFDF0]  }
0x2c2: {  	v7 =	vmul.f32 v7, v3;
	v8 =	vmul.f32 v14, v4;
	_ =	sdelay $0x1  }
0x2c3: {  	v17 =	vmul.f32 v15, v5;
	v7 =	vadd.f32 v8, v7;
	_ =	sdelay $0x1  }
0x2c4: {  	v18 =	vmul.f32 v16, v6;
	v7 =	vadd.f32 v17, v7;
	_ =	sdelay $0x1  }
0x2c5: {  	v7 =	vadd.f32 v18, v7;
	_ =	sdelay $0x1  }
0x2c6: {  	(xrf2) =	vadd.scan.msk.f32 $0xffff, v7;
	_ =	sdelay $0x9  }
0x2c7: {  	v7, _, _ =	vpop (xrf2)  }
0x2c8: {  	v7 =	vbroadcast v7, $0xF;
	_ =	sdelay $0x1  }
0x2c9: {  	[tilespmem:$0xC690] =	vst v7  }
0x2ca: {  	v7 =	vld [tilespmem:s31+$0xFFFFFE00]  }
0x2cb: {  	v19 =	vld [tilespmem:s31+$0xFFFFFE10];
	_ =	sdelay $0x1  }
0x2cc: {  	v20 =	vld [tilespmem:s31+$0xFFFFFE20];
	_ =	sdelay $0x1  }
0x2cd: {  	v21 =	vld [tilespmem:s31+$0xFFFFFE30]  }
0x2ce: {  	v7 =	vmul.f32 v7, v3;
	v8 =	vmul.f32 v19, v4;
	_ =	sdelay $0x1  }
0x2cf: {  	v22 =	vmul.f32 v20, v5;
	v7 =	vadd.f32 v8, v7;
	_ =	sdelay $0x1  }
0x2d0: {  	v23 =	vmul.f32 v21, v6;
	v7 =	vadd.f32 v22, v7;
	_ =	sdelay $0x1  }
0x2d1: {  	v7 =	vadd.f32 v23, v7;
	_ =	sdelay $0x1  }
0x2d2: {  	(xrf2) =	vadd.scan.msk.f32 $0xffff, v7;
	_ =	sdelay $0x9  }
0x2d3: {  	v7, _, _ =	vpop (xrf2)  }
0x2d4: {  	v7 =	vbroadcast v7, $0xF;
	_ =	sdelay $0x1  }
0x2d5: {  	[tilespmem:$0xC6A0] =	vst v7  }
0x2d6: {  	v7 =	vld [tilespmem:s31+$0xFFFFFE40]  }
0x2d7: {  	v24 =	vld [tilespmem:s31+$0xFFFFFE50];
	_ =	sdelay $0x1  }
0x2d8: {  	v25 =	vld [tilespmem:s31+$0xFFFFFE60];
	_ =	sdelay $0x1  }
0x2d9: {  	v26 =	vld [tilespmem:s31+$0xFFFFFE70]  }
0x2da: {  	v7 =	vmul.f32 v7, v3;
	v8 =	vmul.f32 v24, v4;
	_ =	sdelay $0x1  }
0x2db: {  	v27 =	vmul.f32 v25, v5;
	v7 =	vadd.f32 v8, v7;
	_ =	sdelay $0x1  }
0x2dc: {  	v28 =	vmul.f32 v26, v6;
	v7 =	vadd.f32 v27, v7;
	_ =	sdelay $0x1  }
0x2dd: {  	v7 =	vadd.f32 v28, v7;
	_ =	sdelay $0x1  }
0x2de: {  	(xrf2) =	vadd.scan.msk.f32 $0xffff, v7;
	_ =	sdelay $0x9  }
0x2df: {  	v7, _, _ =	vpop (xrf2)  }
0x2e0: {  	v7 =	vbroadcast v7, $0xF;
	_ =	sdelay $0x1  }
0x2e1: {  	[tilespmem:$0xC6B0] =	vst v7  }
0x2e2: {  	v7 =	vld [tilespmem:s31+$0xFFFFFE80]  }
0x2e3: {  	v29 =	vld [tilespmem:s31+$0xFFFFFE90];
	_ =	sdelay $0x1  }
0x2e4: {  	v30 =	vld [tilespmem:s31+$0xFFFFFEA0];
	_ =	sdelay $0x1  }
0x2e5: {  	v31 =	vld [tilespmem:s31+$0xFFFFFEB0]  }
0x2e6: {  	v7 =	vmul.f32 v7, v3;
	v8 =	vmul.f32 v29, v4;
	_ =	sdelay $0x1  }
0x2e7: {  	v32 =	vmul.f32 v30, v5;
	v7 =	vadd.f32 v8, v7;
	_ =	sdelay $0x1  }
0x2e8: {  	v33 =	vmul.f32 v31, v6;
	v7 =	vadd.f32 v32, v7;
	_ =	sdelay $0x1  }
0x2e9: {  	v7 =	vadd.f32 v33, v7;
	_ =	sdelay $0x1  }
0x2ea: {  	(xrf2) =	vadd.scan.msk.f32 $0xffff, v7;
	_ =	sdelay $0x9  }
0x2eb: {  	v7, _, _ =	vpop (xrf2)  }
0x2ec: {  	v7 =	vbroadcast v7, $0xF;
	_ =	sdelay $0x1  }
0x2ed: {  	[tilespmem:$0xC6C0] =	vst v7  }
0x2ee: {  	v7 =	vld [tilespmem:s31+$0xFFFFFEC0]  }
0x2ef: {  	v34 =	vld [tilespmem:s31+$0xFFFFFED0];
	_ =	sdelay $0x1  }
0x2f0: {  	v35 =	vld [tilespmem:s31+$0xFFFFFEE0];
	_ =	sdelay $0x1  }
0x2f1: {  	v36 =	vld [tilespmem:s31+$0xFFFFFEF0]  }
0x2f2: {  	v7 =	vmul.f32 v7, v3;
	v8 =	vmul.f32 v34, v4;
	_ =	sdelay $0x1  }
0x2f3: {  	v37 =	vmul.f32 v35, v5;
	v7 =	vadd.f32 v8, v7;
	_ =	sdelay $0x1  }
0x2f4: {  	v38 =	vmul.f32 v36, v6;
	v7 =	vadd.f32 v37, v7;
	_ =	sdelay $0x1  }
0x2f5: {  	v7 =	vadd.f32 v38, v7;
	_ =	sdelay $0x1  }
0x2f6: {  	(xrf2) =	vadd.scan.msk.f32 $0xffff, v7;
	_ =	sdelay $0x9  }
0x2f7: {  	v7, _, _ =	vpop (xrf2)  }
0x2f8: {  	v7 =	vbroadcast v7, $0xF;
	_ =	sdelay $0x1  }
0x2f9: {  	[tilespmem:$0xC6D0] =	vst v7  }
0x2fa: {  	v7 =	vld [tilespmem:s31+$0xFFFFFF00]  }
0x2fb: {  	v39 =	vld [tilespmem:s31+$0xFFFFFF10];
	_ =	sdelay $0x1  }
0x2fc: {  	v40 =	vld [tilespmem:s31+$0xFFFFFF20];
	_ =	sdelay $0x1  }
0x2fd: {  	v41 =	vld [tilespmem:s31+$0xFFFFFF30]  }
0x2fe: {  	v7 =	vmul.f32 v7, v3;
	v8 =	vmul.f32 v39, v4;
	_ =	sdelay $0x1  }
0x2ff: {  	v42 =	vmul.f32 v40, v5;
	v7 =	vadd.f32 v8, v7;
	_ =	sdelay $0x1  }
0x300: {  	v43 =	vmul.f32 v41, v6;
	v7 =	vadd.f32 v42, v7;
	_ =	sdelay $0x1  }
0x301: {  	v7 =	vadd.f32 v43, v7;
	_ =	sdelay $0x1  }
0x302: {  	(xrf2) =	vadd.scan.msk.f32 $0xffff, v7;
	_ =	sdelay $0x9  }
0x303: {  	v7, _, _ =	vpop (xrf2)  }
0x304: {  	v7 =	vbroadcast v7, $0xF;
	_ =	sdelay $0x1  }
0x305: {  	[tilespmem:$0xC6E0] =	vst v7  }
0x306: {  	v7 =	vld [tilespmem:s31+$0xFFFFFF40]  }
0x307: {  	v44 =	vld [tilespmem:s31+$0xFFFFFF50];
	_ =	sdelay $0x1  }
0x308: {  	v45 =	vld [tilespmem:s31+$0xFFFFFF60];
	_ =	sdelay $0x1  }
0x309: {  	v46 =	vld [tilespmem:s31+$0xFFFFFF70]  }
0x30a: {  	v7 =	vmul.f32 v7, v3;
	v8 =	vmul.f32 v44, v4;
	_ =	sdelay $0x1  }
0x30b: {  	v47 =	vmul.f32 v45, v5;
	v7 =	vadd.f32 v8, v7;
	_ =	sdelay $0x1  }
0x30c: {  	v48 =	vmul.f32 v46, v6;
	v7 =	vadd.f32 v47, v7;
	_ =	sdelay $0x1  }
0x30d: {  	v7 =	vadd.f32 v48, v7;
	_ =	sdelay $0x1  }
0x30e: {  	(xrf2) =	vadd.scan.msk.f32 $0xffff, v7;
	_ =	sdelay $0x9  }
0x30f: {  	v7, _, _ =	vpop (xrf2)  }
0x310: {  	v7 =	vbroadcast v7, $0xF;
	_ =	sdelay $0x1  }
0x311: {  	[tilespmem:$0xC6F0] =	vst v7  }
0x312: {  	v7 =	vld [tilespmem:s31+$0xFFFFFF80]  }
0x313: {  	v49 =	vld [tilespmem:s31+$0xFFFFFF90];
	_ =	sdelay $0x1  }
0x314: {  	v50 =	vld [tilespmem:s31+$0xFFFFFFA0];
	_ =	sdelay $0x1  }
0x315: {  	v51 =	vld [tilespmem:s31+$0xFFFFFFB0]  }
0x316: {  	v7 =	vmul.f32 v7, v3;
	v8 =	vmul.f32 v49, v4;
	_ =	sdelay $0x1  }
0x317: {  	v52 =	vmul.f32 v50, v5;
	v7 =	vadd.f32 v8, v7;
	_ =	sdelay $0x1  }
0x318: {  	v53 =	vmul.f32 v51, v6;
	v7 =	vadd.f32 v52, v7;
	_ =	sdelay $0x1  }
0x319: {  	v7 =	vadd.f32 v53, v7;
	_ =	sdelay $0x1  }
0x31a: {  	(xrf2) =	vadd.scan.msk.f32 $0xffff, v7;
	_ =	sdelay $0x9  }
0x31b: {  	v7, _, _ =	vpop (xrf2)  }
0x31c: {  	v7 =	vbroadcast v7, $0xF;
	_ =	sdelay $0x1  }
0x31d: {  	[tilespmem:$0xC700] =	vst v7  }
0x31e: {  	v7 =	vld [tilespmem:s31+$0xFFFFFFC0]  }
0x31f: {  	v54 =	vld [tilespmem:s31+$0xFFFFFFD0];
	_ =	sdelay $0x1  }
0x320: {  	v55 =	vld [tilespmem:s31+$0xFFFFFFE0];
	_ =	sdelay $0x1  }
0x321: {  	v56 =	vld [tilespmem:s31+$0xFFFFFFF0]  }
0x322: {  	v7 =	vmul.f32 v7, v3;
	v8 =	vmul.f32 v54, v4;
	_ =	sdelay $0x1  }
0x323: {  	v57 =	vmul.f32 v55, v5;
	v7 =	vadd.f32 v8, v7;
	_ =	sdelay $0x1  }
0x324: {  	v58 =	vmul.f32 v56, v6;
	v7 =	vadd.f32 v57, v7;
	_ =	sdelay $0x1  }
0x325: {  	v7 =	vadd.f32 v58, v7;
	_ =	sdelay $0x1  }
0x326: {  	(xrf2) =	vadd.scan.msk.f32 $0xffff, v7;
	_ =	sdelay $0x9  }
0x327: {  	v7, _, _ =	vpop (xrf2)  }
0x328: {  	v7 =	vbroadcast v7, $0xF;
	_ =	sdelay $0x1  }
0x329: {  	[tilespmem:$0xC710] =	vst v7  }
0x32a: {  	v7 =	vld [tilespmem:s31+$0x0]  }
0x32b: {  	v59 =	vld [tilespmem:s31+$0x10];
	_ =	sdelay $0x1  }
0x32c: {  	v60 =	vld [tilespmem:s31+$0x20];
	_ =	sdelay $0x1  }
0x32d: {  	v61 =	vld [tilespmem:s31+$0x30]  }
0x32e: {  	v7 =	vmul.f32 v7, v3;
	v8 =	vmul.f32 v59, v4;
	_ =	sdelay $0x1  }
0x32f: {  	v62 =	vmul.f32 v60, v5;
	v7 =	vadd.f32 v8, v7;
	_ =	sdelay $0x1  }
0x330: {  	v63 =	vmul.f32 v61, v6;
	v7 =	vadd.f32 v62, v7;
	_ =	sdelay $0x1  }
0x331: {  	v7 =	vadd.f32 v63, v7;
	_ =	sdelay $0x1  }
0x332: {  	(xrf2) =	vadd.scan.msk.f32 $0xffff, v7;
	_ =	sdelay $0x9  }
0x333: {  	v7, _, _ =	vpop (xrf2)  }
0x334: {  	v7 =	vbroadcast v7, $0xF;
	_ =	sdelay $0x1  }
0x335: {  	[tilespmem:$0xC720] =	vst v7  }
0x336: {  	v7 =	vld [tilespmem:s31+$0x40]  }
0x337: {  	v12 =	vld [tilespmem:s31+$0x50];
	_ =	sdelay $0x1  }
0x338: {  	v13 =	vld [tilespmem:s31+$0x60];
	_ =	sdelay $0x1  }
0x339: {  	v14 =	vld [tilespmem:s31+$0x70]  }
0x33a: {  	v7 =	vmul.f32 v7, v3;
	v8 =	vmul.f32 v12, v4;
	_ =	sdelay $0x1  }
0x33b: {  	v15 =	vmul.f32 v13, v5;
	v7 =	vadd.f32 v8, v7;
	_ =	sdelay $0x1  }
0x33c: {  	v16 =	vmul.f32 v14, v6;
	v7 =	vadd.f32 v15, v7;
	_ =	sdelay $0x1  }
0x33d: {  	v7 =	vadd.f32 v16, v7;
	_ =	sdelay $0x1  }
0x33e: {  	(xrf2) =	vadd.scan.msk.f32 $0xffff, v7;
	_ =	sdelay $0x9  }
0x33f: {  	v7, _, _ =	vpop (xrf2)  }
0x340: {  	v7 =	vbroadcast v7, $0xF;
	_ =	sdelay $0x1  }
0x341: {  	[tilespmem:$0xC730] =	vst v7  }
0x342: {  	v7 =	vld [tilespmem:s31+$0x80]  }
0x343: {  	v17 =	vld [tilespmem:s31+$0x90];
	_ =	sdelay $0x1  }
0x344: {  	v18 =	vld [tilespmem:s31+$0xA0];
	_ =	sdelay $0x1  }
0x345: {  	v19 =	vld [tilespmem:s31+$0xB0]  }
0x346: {  	v7 =	vmul.f32 v7, v3;
	v8 =	vmul.f32 v17, v4;
	_ =	sdelay $0x1  }
0x347: {  	v20 =	vmul.f32 v18, v5;
	v7 =	vadd.f32 v8, v7;
	_ =	sdelay $0x1  }
0x348: {  	v21 =	vmul.f32 v19, v6;
	v7 =	vadd.f32 v20, v7;
	_ =	sdelay $0x1  }
0x349: {  	v7 =	vadd.f32 v21, v7;
	_ =	sdelay $0x1  }
0x34a: {  	(xrf2) =	vadd.scan.msk.f32 $0xffff, v7;
	_ =	sdelay $0x9  }
0x34b: {  	v7, _, _ =	vpop (xrf2)  }
0x34c: {  	v7 =	vbroadcast v7, $0xF;
	_ =	sdelay $0x1  }
0x34d: {  	[tilespmem:$0xC740] =	vst v7  }
0x34e: {  	v7 =	vld [tilespmem:s31+$0xC0]  }
0x34f: {  	v22 =	vld [tilespmem:s31+$0xD0];
	_ =	sdelay $0x1  }
0x350: {  	v23 =	vld [tilespmem:s31+$0xE0];
	_ =	sdelay $0x1  }
0x351: {  	v24 =	vld [tilespmem:s31+$0xF0]  }
0x352: {  	v7 =	vmul.f32 v7, v3;
	v8 =	vmul.f32 v22, v4;
	_ =	sdelay $0x1  }
0x353: {  	v25 =	vmul.f32 v23, v5;
	v7 =	vadd.f32 v8, v7;
	_ =	sdelay $0x1  }
0x354: {  	v26 =	vmul.f32 v24, v6;
	v7 =	vadd.f32 v25, v7;
	_ =	sdelay $0x1  }
0x355: {  	v7 =	vadd.f32 v26, v7;
	_ =	sdelay $0x1  }
0x356: {  	(xrf2) =	vadd.scan.msk.f32 $0xffff, v7;
	_ =	sdelay $0x9  }
0x357: {  	v7, _, _ =	vpop (xrf2)  }
0x358: {  	v7 =	vbroadcast v7, $0xF;
	_ =	sdelay $0x1  }
0x359: {  	[tilespmem:$0xC750] =	vst v7  }
0x35a: {  	v7 =	vld [tilespmem:s31+$0x100]  }
0x35b: {  	v27 =	vld [tilespmem:s31+$0x110];
	_ =	sdelay $0x1  }
0x35c: {  	v28 =	vld [tilespmem:s31+$0x120];
	_ =	sdelay $0x1  }
0x35d: {  	v29 =	vld [tilespmem:s31+$0x130]  }
0x35e: {  	v7 =	vmul.f32 v7, v3;
	v8 =	vmul.f32 v27, v4;
	_ =	sdelay $0x1  }
0x35f: {  	v30 =	vmul.f32 v28, v5;
	v7 =	vadd.f32 v8, v7;
	_ =	sdelay $0x1  }
0x360: {  	v31 =	vmul.f32 v29, v6;
	v7 =	vadd.f32 v30, v7;
	_ =	sdelay $0x1  }
0x361: {  	v7 =	vadd.f32 v31, v7;
	_ =	sdelay $0x1  }
0x362: {  	(xrf2) =	vadd.scan.msk.f32 $0xffff, v7;
	_ =	sdelay $0x9  }
0x363: {  	v7, _, _ =	vpop (xrf2)  }
0x364: {  	v7 =	vbroadcast v7, $0xF;
	_ =	sdelay $0x1  }
0x365: {  	[tilespmem:$0xC760] =	vst v7  }
0x366: {  	v7 =	vld [tilespmem:s31+$0x140]  }
0x367: {  	v32 =	vld [tilespmem:s31+$0x150];
	_ =	sdelay $0x1  }
0x368: {  	v33 =	vld [tilespmem:s31+$0x160];
	_ =	sdelay $0x1  }
0x369: {  	v34 =	vld [tilespmem:s31+$0x170]  }
0x36a: {  	v7 =	vmul.f32 v7, v3;
	v8 =	vmul.f32 v32, v4;
	_ =	sdelay $0x1  }
0x36b: {  	v35 =	vmul.f32 v33, v5;
	v7 =	vadd.f32 v8, v7;
	_ =	sdelay $0x1  }
0x36c: {  	v36 =	vmul.f32 v34, v6;
	v7 =	vadd.f32 v35, v7;
	_ =	sdelay $0x1  }
0x36d: {  	v7 =	vadd.f32 v36, v7;
	_ =	sdelay $0x1  }
0x36e: {  	(xrf2) =	vadd.scan.msk.f32 $0xffff, v7;
	_ =	sdelay $0x9  }
0x36f: {  	v7, _, _ =	vpop (xrf2)  }
0x370: {  	v7 =	vbroadcast v7, $0xF;
	_ =	sdelay $0x1  }
0x371: {  	[tilespmem:$0xC770] =	vst v7  }
0x372: {  	v7 =	vld [tilespmem:s31+$0x180]  }
0x373: {  	v37 =	vld [tilespmem:s31+$0x190];
	_ =	sdelay $0x1  }
0x374: {  	v38 =	vld [tilespmem:s31+$0x1A0];
	_ =	sdelay $0x1  }
0x375: {  	v39 =	vld [tilespmem:s31+$0x1B0]  }
0x376: {  	v7 =	vmul.f32 v7, v3;
	v8 =	vmul.f32 v37, v4;
	_ =	sdelay $0x1  }
0x377: {  	v40 =	vmul.f32 v38, v5;
	v7 =	vadd.f32 v8, v7;
	_ =	sdelay $0x1  }
0x378: {  	v41 =	vmul.f32 v39, v6;
	v7 =	vadd.f32 v40, v7;
	_ =	sdelay $0x1  }
0x379: {  	v7 =	vadd.f32 v41, v7;
	_ =	sdelay $0x1  }
0x37a: {  	(xrf2) =	vadd.scan.msk.f32 $0xffff, v7;
	_ =	sdelay $0x9  }
0x37b: {  	v7, _, _ =	vpop (xrf2)  }
0x37c: {  	v7 =	vbroadcast v7, $0xF;
	_ =	sdelay $0x1  }
0x37d: {  	[tilespmem:$0xC780] =	vst v7  }
0x37e: {  	v7 =	vld [tilespmem:s31+$0x1C0]  }
0x37f: {  	v42 =	vld [tilespmem:s31+$0x1D0];
	_ =	sdelay $0x1  }
0x380: {  	v43 =	vld [tilespmem:s31+$0x1E0];
	_ =	sdelay $0x1  }
0x381: {  	v44 =	vld [tilespmem:s31+$0x1F0]  }
0x382: {  	v7 =	vmul.f32 v7, v3;
	v8 =	vmul.f32 v42, v4;
	_ =	sdelay $0x1  }
0x383: {  	v45 =	vmul.f32 v43, v5;
	v7 =	vadd.f32 v8, v7;
	_ =	sdelay $0x1  }
0x384: {  	v46 =	vmul.f32 v44, v6;
	v7 =	vadd.f32 v45, v7;
	_ =	sdelay $0x1  }
0x385: {  	v7 =	vadd.f32 v46, v7;
	_ =	sdelay $0x1  }
0x386: {  	(xrf2) =	vadd.scan.msk.f32 $0xffff, v7;
	_ =	sdelay $0x9  }
0x387: {  	v7, _, _ =	vpop (xrf2)  }
0x388: {  	v7 =	vbroadcast v7, $0xF;
	_ =	sdelay $0x1  }
0x389: {  	[tilespmem:$0xC790] =	vst v7  }
0x38a: {  	v7 =	vld [tilespmem:s31+$0x200]  }
0x38b: {  	v47 =	vld [tilespmem:s31+$0x210];
	_ =	sdelay $0x1  }
0x38c: {  	v48 =	vld [tilespmem:s31+$0x220];
	_ =	sdelay $0x1  }
0x38d: {  	v49 =	vld [tilespmem:s31+$0x230]  }
0x38e: {  	v7 =	vmul.f32 v7, v3;
	v8 =	vmul.f32 v47, v4;
	_ =	sdelay $0x1  }
0x38f: {  	v50 =	vmul.f32 v48, v5;
	v7 =	vadd.f32 v8, v7;
	_ =	sdelay $0x1  }
0x390: {  	v51 =	vmul.f32 v49, v6;
	v7 =	vadd.f32 v50, v7;
	_ =	sdelay $0x1  }
0x391: {  	v7 =	vadd.f32 v51, v7;
	_ =	sdelay $0x1  }
0x392: {  	(xrf2) =	vadd.scan.msk.f32 $0xffff, v7;
	_ =	sdelay $0x9  }
0x393: {  	v7, _, _ =	vpop (xrf2)  }
0x394: {  	v7 =	vbroadcast v7, $0xF;
	_ =	sdelay $0x1  }
0x395: {  	[tilespmem:$0xC7A0] =	vst v7  }
0x396: {  	v7 =	vld [tilespmem:s31+$0x240]  }
0x397: {  	v52 =	vld [tilespmem:s31+$0x250];
	_ =	sdelay $0x1  }
0x398: {  	v53 =	vld [tilespmem:s31+$0x260];
	_ =	sdelay $0x1  }
0x399: {  	v54 =	vld [tilespmem:s31+$0x270]  }
0x39a: {  	v3 =	vmul.f32 v7, v3;
	v4 =	vmul.f32 v52, v4;
	_ =	sdelay $0x1  }
0x39b: {  	v55 =	vmul.f32 v53, v5;
	v3 =	vadd.f32 v4, v3;
	_ =	sdelay $0x1  }
0x39c: {  	v56 =	vmul.f32 v54, v6;
	v3 =	vadd.f32 v55, v3;
	_ =	sdelay $0x1  }
0x39d: {  	v3 =	vadd.f32 v56, v3;
	_ =	sdelay $0x1  }
0x39e: {  	(xrf2) =	vadd.scan.msk.f32 $0xffff, v3;
	_ =	sdelay $0x9  }
0x39f: {  	v3, _, _ =	vpop (xrf2)  }
0x3a0: {  	v3 =	vbroadcast v3, $0xF;
	_ =	sdelay $0x1  }
0x3a1: {  	[tilespmem:$0xC7B0] =	vst v3  }
0x3a2: {  	v3 =	vld.idx.msk [tilespmem:v0+s26+$0x0], $0xffff  }
0x3a3: {  	v57 =	vld.idx.msk [tilespmem:v2+s26+$0x0], $0xffff;
	_ =	sdelay $0x3  }
0x3a4: {  	(xrf0) =	vmax.scan.msk.f32 $0xffff, v3  }
0x3a5: {  	(xrf0) =	vmax.scan.msk.f32 $0xffff, v57;
	_ =	sdelay $0x4  }
0x3a6: {  	v58, _, _ =	vpop (xrf0)  }
0x3a7: {  	(v2sf) =	vpush v58, $0xF;
	v59, _, _ =	vpop (xrf0)  }
0x3a8: {  	(v2sf) =	vpush v59, $0xF;
	_ =	sdelay $0xd  }
0x3a9: {  	s0 =	spop (v2sf)  }
0x3aa: {  	s14 =	spop (v2sf)  }
0x3ab: {  	s0 =	smax.f32 s0, s14  }
0x3ac: {  	v60 =	vmov s0  }
0x3ad: {  	v3 =	vsub.f32 v3, v60  }
0x3ae: {  	v4 =	vsub.f32 v57, v60  }
0x3af: {  	v3 =	vmul.f32 $1.442695020e+00, v3  }
0x3b0: {  	v4 =	vmul.f32 $1.442695020e+00, v4  }
0x3b1: {  	(erf) = vpow2.f32 v3  }
0x3b2: {  	(erf) = vpow2.f32 v4;
	_ =	sdelay $0x7  }
0x3b3: {  	v3 =	vpop (erf)  }
0x3b4: {  	v4 =	vpop (erf);
	(xrf2) =	vadd.scan.msk.f32 $0xffff, v3  }
0x3b5: {  	(xrf2) =	vadd.scan.msk.f32 $0xffff, v4;
	_ =	sdelay $0x8  }
0x3b6: {  	v61, _, _ =	vpop (xrf2)  }
0x3b7: {  	(v2sf) =	vpush v61, $0xF;
	v62, _, _ =	vpop (xrf2)  }
0x3b8: {  	(v2sf) =	vpush v62, $0xF;
	_ =	sdelay $0xd  }
0x3b9: {  	s0 =	spop (v2sf)  }
0x3ba: {  	s14 =	spop (v2sf)  }
0x3bb: {  	s0 =	sadd.f32 s14, s0;
	_ =	sdelay $0x1  }
0x3bc: {  	v63 =	vmov s0  }
0x3bd: {  	(erf) = vrcp.f32 v63;
	_ =	sdelay $0x7  }
0x3be: {  	p0 =	sne.s32 s30, $0xF80  }
.Ltmp2:
0x3bf: {  	v5 =	vpop (erf);
	(pc) =	sbr.rel @p0 .LBB2_6-.Ltmp2, $4  }
0x3c0: {  	v3 =	vmul.f32 v5, v3  }
0x3c1: {  	s14 =	sshra.s32 s30, $0x2;
	v4 =	vmul.f32 v5, v4  }
0x3c2: {  	[tilespmem:s14+$0xC280] =	vst v3  }
0x3c3: {  	s1 =	sadd.s32 $0x40, s1;
	s31 =	sadd.s32 $0x500, s31;
	s30 =	sadd.s32 $0x80, s30;
	[tilespmem:s14+$0xC290] =	vst v4  }
0x3c4: {  	s30 =	simm.s32 $0x0  }
0x3c5: {  	[hbm4b:s10+s30] =	stream.linear.scatter [tilespmem:s28], [sflag:$0x2], $0x400, $0x38;
	[tilespmem:$0xC880] =	vst v63  }
0x3c6: {  	_ =	swait.ge [sflag:s15], $0x400  }
0x3c7: {  	[sflag:s15] =	ssyncset.done $0x0  }
0x3c8: {  	[sflag:s15] =	ssyncadd.s32 $0xFFFFFC00  }
0x3c9: {  	[tilespmem:s30], [sflag:$0x2] =	stream.linear.gather [hbm4b:s11+s30], $0x280, $0x38;
	[tilespmem:$0xC880] =	vst v63  }
0x3ca: {  	_ =	swait.ge [sflag:s15], $0x280  }
0x3cb: {  	[sflag:s15] =	ssyncset.done $0x0  }
0x3cc: {  	[sflag:s15] =	ssyncadd.s32 $0xFFFFFD80  }
0x3cd: {  	[tilespmem:s17], [sflag:$0x1] =	stream.indirect.gather [hbm4b:s3+s16], $0x40, s30, s16, $0xb8;
	[tilespmem:$0xC880] =	vst v63  }
0x3ce: {  	_ = 	snop  }
0x3cf: {  	[tilespmem:s18], [sflag:$0x1] =	stream.indirect.gather [hbm4b:s3+s16], $0x40, s16, s16, $0xb8;
	[tilespmem:$0xC880] =	vst v63  }
0x3d0: {  	_ = 	snop  }
0x3d1: {  	[tilespmem:s20], [sflag:$0x1] =	stream.indirect.gather [hbm4b:s3+s16], $0x40, s19, s16, $0xb8;
	[tilespmem:$0xC880] =	vst v63  }
0x3d2: {  	_ = 	snop  }
0x3d3: {  	[tilespmem:s22], [sflag:$0x1] =	stream.indirect.gather [hbm4b:s3+s16], $0x40, s21, s16, $0xb8;
	[tilespmem:$0xC880] =	vst v63  }
0x3d4: {  	_ = 	snop  }
0x3d5: {  	[tilespmem:s24], [sflag:$0x1] =	stream.indirect.gather [hbm4b:s3+s16], $0x40, s23, s16, $0xb8;
	[tilespmem:$0xC880] =	vst v63  }
0x3d6: {  	_ =	swait.ge [sflag:s25], $0x2000  }
0x3d7: {  	[sflag:s25] =	ssyncset.done $0x0  }
0x3d8: {  	[sflag:s25] =	ssyncadd.s32 $0xFFFFE000  }
0x3d9: {  	_ =	swait.ge [sflag:s25], $0x2000  }
0x3da: {  	[sflag:s25] =	ssyncset.done $0x0  }
0x3db: {  	[sflag:s25] =	ssyncadd.s32 $0xFFFFE000  }
0x3dc: {  	_ =	swait.ge [sflag:s25], $0x2000  }
0x3dd: {  	[sflag:s25] =	ssyncset.done $0x0  }
0x3de: {  	[sflag:s25] =	ssyncadd.s32 $0xFFFFE000  }
0x3df: {  	_ =	swait.ge [sflag:s25], $0x2000  }
0x3e0: {  	[sflag:s25] =	ssyncset.done $0x0  }
0x3e1: {  	[sflag:s25] =	ssyncadd.s32 $0xFFFFE000  }
0x3e2: {  	_ =	swait.ge [sflag:s25], $0x2000  }
0x3e3: {  	[sflag:s25] =	ssyncset.done $0x0  }
0x3e4: {  	s31 =	simm.s32 $0x500;
	s1 =	simm.s32 $0xBAB0;
	[sflag:s25] =	ssyncadd.s32 $0xFFFFE000  }
.LBB2_8:
0x3e5: {  	v3 =	vld [tilespmem:s1+$0xFFFFFFD0]  }
0x3e6: {  	v4 =	vld [tilespmem:s1+$0xFFFFFFE0]  }
0x3e7: {  	v7 =	vld [tilespmem:s31+$0xFFFFFD80]  }
0x3e8: {  	v8 =	vld [tilespmem:s31+$0xFFFFFD90]  }
0x3e9: {  	v5 =	vld [tilespmem:s1+$0xFFFFFFF0]  }
0x3ea: {  	v9 =	vld [tilespmem:s31+$0xFFFFFDA0]  }
0x3eb: {  	v6 =	vld [tilespmem:s1+$0x0]  }
0x3ec: {  	v10 =	vld [tilespmem:s31+$0xFFFFFDB0]  }
0x3ed: {  	v7 =	vmul.f32 v7, v3;
	v8 =	vmul.f32 v8, v4;
	_ =	sdelay $0x1  }
0x3ee: {  	v12 =	vmul.f32 v9, v5;
	v7 =	vadd.f32 v8, v7;
	_ =	sdelay $0x1  }
0x3ef: {  	v13 =	vmul.f32 v10, v6;
	v7 =	vadd.f32 v12, v7;
	_ =	sdelay $0x1  }
0x3f0: {  	v7 =	vadd.f32 v13, v7;
	_ =	sdelay $0x1  }
0x3f1: {  	(xrf2) =	vadd.scan.msk.f32 $0xffff, v7;
	_ =	sdelay $0x9  }
0x3f2: {  	v7, _, _ =	vpop (xrf2)  }
0x3f3: {  	v7 =	vbroadcast v7, $0xF;
	_ =	sdelay $0x1  }
0x3f4: {  	[tilespmem:$0xC680] =	vst v7  }
0x3f5: {  	v7 =	vld [tilespmem:s31+$0xFFFFFDC0]  }
0x3f6: {  	v14 =	vld [tilespmem:s31+$0xFFFFFDD0];
	_ =	sdelay $0x1  }
0x3f7: {  	v15 =	vld [tilespmem:s31+$0xFFFFFDE0];
	_ =	sdelay $0x1  }
0x3f8: {  	v16 =	vld [tilespmem:s31+$0xFFFFFDF0]  }
0x3f9: {  	v7 =	vmul.f32 v7, v3;
	v8 =	vmul.f32 v14, v4;
	_ =	sdelay $0x1  }
0x3fa: {  	v17 =	vmul.f32 v15, v5;
	v7 =	vadd.f32 v8, v7;
	_ =	sdelay $0x1  }
0x3fb: {  	v18 =	vmul.f32 v16, v6;
	v7 =	vadd.f32 v17, v7;
	_ =	sdelay $0x1  }
0x3fc: {  	v7 =	vadd.f32 v18, v7;
	_ =	sdelay $0x1  }
0x3fd: {  	(xrf2) =	vadd.scan.msk.f32 $0xffff, v7;
	_ =	sdelay $0x9  }
0x3fe: {  	v7, _, _ =	vpop (xrf2)  }
0x3ff: {  	v7 =	vbroadcast v7, $0xF;
	_ =	sdelay $0x1  }
0x400: {  	[tilespmem:$0xC690] =	vst v7  }
0x401: {  	v7 =	vld [tilespmem:s31+$0xFFFFFE00]  }
0x402: {  	v19 =	vld [tilespmem:s31+$0xFFFFFE10];
	_ =	sdelay $0x1  }
0x403: {  	v20 =	vld [tilespmem:s31+$0xFFFFFE20];
	_ =	sdelay $0x1  }
0x404: {  	v21 =	vld [tilespmem:s31+$0xFFFFFE30]  }
0x405: {  	v7 =	vmul.f32 v7, v3;
	v8 =	vmul.f32 v19, v4;
	_ =	sdelay $0x1  }
0x406: {  	v22 =	vmul.f32 v20, v5;
	v7 =	vadd.f32 v8, v7;
	_ =	sdelay $0x1  }
0x407: {  	v23 =	vmul.f32 v21, v6;
	v7 =	vadd.f32 v22, v7;
	_ =	sdelay $0x1  }
0x408: {  	v7 =	vadd.f32 v23, v7;
	_ =	sdelay $0x1  }
0x409: {  	(xrf2) =	vadd.scan.msk.f32 $0xffff, v7;
	_ =	sdelay $0x9  }
0x40a: {  	v7, _, _ =	vpop (xrf2)  }
0x40b: {  	v7 =	vbroadcast v7, $0xF;
	_ =	sdelay $0x1  }
0x40c: {  	[tilespmem:$0xC6A0] =	vst v7  }
0x40d: {  	v7 =	vld [tilespmem:s31+$0xFFFFFE40]  }
0x40e: {  	v24 =	vld [tilespmem:s31+$0xFFFFFE50];
	_ =	sdelay $0x1  }
0x40f: {  	v25 =	vld [tilespmem:s31+$0xFFFFFE60];
	_ =	sdelay $0x1  }
0x410: {  	v26 =	vld [tilespmem:s31+$0xFFFFFE70]  }
0x411: {  	v7 =	vmul.f32 v7, v3;
	v8 =	vmul.f32 v24, v4;
	_ =	sdelay $0x1  }
0x412: {  	v27 =	vmul.f32 v25, v5;
	v7 =	vadd.f32 v8, v7;
	_ =	sdelay $0x1  }
0x413: {  	v28 =	vmul.f32 v26, v6;
	v7 =	vadd.f32 v27, v7;
	_ =	sdelay $0x1  }
0x414: {  	v7 =	vadd.f32 v28, v7;
	_ =	sdelay $0x1  }
0x415: {  	(xrf2) =	vadd.scan.msk.f32 $0xffff, v7;
	_ =	sdelay $0x9  }
0x416: {  	v7, _, _ =	vpop (xrf2)  }
0x417: {  	v7 =	vbroadcast v7, $0xF;
	_ =	sdelay $0x1  }
0x418: {  	[tilespmem:$0xC6B0] =	vst v7  }
0x419: {  	v7 =	vld [tilespmem:s31+$0xFFFFFE80]  }
0x41a: {  	v29 =	vld [tilespmem:s31+$0xFFFFFE90];
	_ =	sdelay $0x1  }
0x41b: {  	v30 =	vld [tilespmem:s31+$0xFFFFFEA0];
	_ =	sdelay $0x1  }
0x41c: {  	v31 =	vld [tilespmem:s31+$0xFFFFFEB0]  }
0x41d: {  	v7 =	vmul.f32 v7, v3;
	v8 =	vmul.f32 v29, v4;
	_ =	sdelay $0x1  }
0x41e: {  	v32 =	vmul.f32 v30, v5;
	v7 =	vadd.f32 v8, v7;
	_ =	sdelay $0x1  }
0x41f: {  	v33 =	vmul.f32 v31, v6;
	v7 =	vadd.f32 v32, v7;
	_ =	sdelay $0x1  }
0x420: {  	v7 =	vadd.f32 v33, v7;
	_ =	sdelay $0x1  }
0x421: {  	(xrf2) =	vadd.scan.msk.f32 $0xffff, v7;
	_ =	sdelay $0x9  }
0x422: {  	v7, _, _ =	vpop (xrf2)  }
0x423: {  	v7 =	vbroadcast v7, $0xF;
	_ =	sdelay $0x1  }
0x424: {  	[tilespmem:$0xC6C0] =	vst v7  }
0x425: {  	v7 =	vld [tilespmem:s31+$0xFFFFFEC0]  }
0x426: {  	v34 =	vld [tilespmem:s31+$0xFFFFFED0];
	_ =	sdelay $0x1  }
0x427: {  	v35 =	vld [tilespmem:s31+$0xFFFFFEE0];
	_ =	sdelay $0x1  }
0x428: {  	v36 =	vld [tilespmem:s31+$0xFFFFFEF0]  }
0x429: {  	v7 =	vmul.f32 v7, v3;
	v8 =	vmul.f32 v34, v4;
	_ =	sdelay $0x1  }
0x42a: {  	v37 =	vmul.f32 v35, v5;
	v7 =	vadd.f32 v8, v7;
	_ =	sdelay $0x1  }
0x42b: {  	v38 =	vmul.f32 v36, v6;
	v7 =	vadd.f32 v37, v7;
	_ =	sdelay $0x1  }
0x42c: {  	v7 =	vadd.f32 v38, v7;
	_ =	sdelay $0x1  }
0x42d: {  	(xrf2) =	vadd.scan.msk.f32 $0xffff, v7;
	_ =	sdelay $0x9  }
0x42e: {  	v7, _, _ =	vpop (xrf2)  }
0x42f: {  	v7 =	vbroadcast v7, $0xF;
	_ =	sdelay $0x1  }
0x430: {  	[tilespmem:$0xC6D0] =	vst v7  }
0x431: {  	v7 =	vld [tilespmem:s31+$0xFFFFFF00]  }
0x432: {  	v39 =	vld [tilespmem:s31+$0xFFFFFF10];
	_ =	sdelay $0x1  }
0x433: {  	v40 =	vld [tilespmem:s31+$0xFFFFFF20];
	_ =	sdelay $0x1  }
0x434: {  	v41 =	vld [tilespmem:s31+$0xFFFFFF30]  }
0x435: {  	v7 =	vmul.f32 v7, v3;
	v8 =	vmul.f32 v39, v4;
	_ =	sdelay $0x1  }
0x436: {  	v42 =	vmul.f32 v40, v5;
	v7 =	vadd.f32 v8, v7;
	_ =	sdelay $0x1  }
0x437: {  	v43 =	vmul.f32 v41, v6;
	v7 =	vadd.f32 v42, v7;
	_ =	sdelay $0x1  }
0x438: {  	v7 =	vadd.f32 v43, v7;
	_ =	sdelay $0x1  }
0x439: {  	(xrf2) =	vadd.scan.msk.f32 $0xffff, v7;
	_ =	sdelay $0x9  }
0x43a: {  	v7, _, _ =	vpop (xrf2)  }
0x43b: {  	v7 =	vbroadcast v7, $0xF;
	_ =	sdelay $0x1  }
0x43c: {  	[tilespmem:$0xC6E0] =	vst v7  }
0x43d: {  	v7 =	vld [tilespmem:s31+$0xFFFFFF40]  }
0x43e: {  	v44 =	vld [tilespmem:s31+$0xFFFFFF50];
	_ =	sdelay $0x1  }
0x43f: {  	v45 =	vld [tilespmem:s31+$0xFFFFFF60];
	_ =	sdelay $0x1  }
0x440: {  	v46 =	vld [tilespmem:s31+$0xFFFFFF70]  }
0x441: {  	v7 =	vmul.f32 v7, v3;
	v8 =	vmul.f32 v44, v4;
	_ =	sdelay $0x1  }
0x442: {  	v47 =	vmul.f32 v45, v5;
	v7 =	vadd.f32 v8, v7;
	_ =	sdelay $0x1  }
0x443: {  	v48 =	vmul.f32 v46, v6;
	v7 =	vadd.f32 v47, v7;
	_ =	sdelay $0x1  }
0x444: {  	v7 =	vadd.f32 v48, v7;
	_ =	sdelay $0x1  }
0x445: {  	(xrf2) =	vadd.scan.msk.f32 $0xffff, v7;
	_ =	sdelay $0x9  }
0x446: {  	v7, _, _ =	vpop (xrf2)  }
0x447: {  	v7 =	vbroadcast v7, $0xF;
	_ =	sdelay $0x1  }
0x448: {  	[tilespmem:$0xC6F0] =	vst v7  }
0x449: {  	v7 =	vld [tilespmem:s31+$0xFFFFFF80]  }
0x44a: {  	v49 =	vld [tilespmem:s31+$0xFFFFFF90];
	_ =	sdelay $0x1  }
0x44b: {  	v50 =	vld [tilespmem:s31+$0xFFFFFFA0];
	_ =	sdelay $0x1  }
0x44c: {  	v51 =	vld [tilespmem:s31+$0xFFFFFFB0]  }
0x44d: {  	v7 =	vmul.f32 v7, v3;
	v8 =	vmul.f32 v49, v4;
	_ =	sdelay $0x1  }
0x44e: {  	v52 =	vmul.f32 v50, v5;
	v7 =	vadd.f32 v8, v7;
	_ =	sdelay $0x1  }
0x44f: {  	v53 =	vmul.f32 v51, v6;
	v7 =	vadd.f32 v52, v7;
	_ =	sdelay $0x1  }
0x450: {  	v7 =	vadd.f32 v53, v7;
	_ =	sdelay $0x1  }
0x451: {  	(xrf2) =	vadd.scan.msk.f32 $0xffff, v7;
	_ =	sdelay $0x9  }
0x452: {  	v7, _, _ =	vpop (xrf2)  }
0x453: {  	v7 =	vbroadcast v7, $0xF;
	_ =	sdelay $0x1  }
0x454: {  	[tilespmem:$0xC700] =	vst v7  }
0x455: {  	v7 =	vld [tilespmem:s31+$0xFFFFFFC0]  }
0x456: {  	v54 =	vld [tilespmem:s31+$0xFFFFFFD0];
	_ =	sdelay $0x1  }
0x457: {  	v55 =	vld [tilespmem:s31+$0xFFFFFFE0];
	_ =	sdelay $0x1  }
0x458: {  	v56 =	vld [tilespmem:s31+$0xFFFFFFF0]  }
0x459: {  	v7 =	vmul.f32 v7, v3;
	v8 =	vmul.f32 v54, v4;
	_ =	sdelay $0x1  }
0x45a: {  	v57 =	vmul.f32 v55, v5;
	v7 =	vadd.f32 v8, v7;
	_ =	sdelay $0x1  }
0x45b: {  	v58 =	vmul.f32 v56, v6;
	v7 =	vadd.f32 v57, v7;
	_ =	sdelay $0x1  }
0x45c: {  	v7 =	vadd.f32 v58, v7;
	_ =	sdelay $0x1  }
0x45d: {  	(xrf2) =	vadd.scan.msk.f32 $0xffff, v7;
	_ =	sdelay $0x9  }
0x45e: {  	v7, _, _ =	vpop (xrf2)  }
0x45f: {  	v7 =	vbroadcast v7, $0xF;
	_ =	sdelay $0x1  }
0x460: {  	[tilespmem:$0xC710] =	vst v7  }
0x461: {  	v7 =	vld [tilespmem:s31+$0x0]  }
0x462: {  	v59 =	vld [tilespmem:s31+$0x10];
	_ =	sdelay $0x1  }
0x463: {  	v60 =	vld [tilespmem:s31+$0x20];
	_ =	sdelay $0x1  }
0x464: {  	v61 =	vld [tilespmem:s31+$0x30]  }
0x465: {  	v7 =	vmul.f32 v7, v3;
	v8 =	vmul.f32 v59, v4;
	_ =	sdelay $0x1  }
0x466: {  	v62 =	vmul.f32 v60, v5;
	v7 =	vadd.f32 v8, v7;
	_ =	sdelay $0x1  }
0x467: {  	v63 =	vmul.f32 v61, v6;
	v7 =	vadd.f32 v62, v7;
	_ =	sdelay $0x1  }
0x468: {  	v7 =	vadd.f32 v63, v7;
	_ =	sdelay $0x1  }
0x469: {  	(xrf2) =	vadd.scan.msk.f32 $0xffff, v7;
	_ =	sdelay $0x9  }
0x46a: {  	v7, _, _ =	vpop (xrf2)  }
0x46b: {  	v7 =	vbroadcast v7, $0xF;
	_ =	sdelay $0x1  }
0x46c: {  	[tilespmem:$0xC720] =	vst v7  }
0x46d: {  	v7 =	vld [tilespmem:s31+$0x40]  }
0x46e: {  	v12 =	vld [tilespmem:s31+$0x50];
	_ =	sdelay $0x1  }
0x46f: {  	v13 =	vld [tilespmem:s31+$0x60];
	_ =	sdelay $0x1  }
0x470: {  	v14 =	vld [tilespmem:s31+$0x70]  }
0x471: {  	v7 =	vmul.f32 v7, v3;
	v8 =	vmul.f32 v12, v4;
	_ =	sdelay $0x1  }
0x472: {  	v15 =	vmul.f32 v13, v5;
	v7 =	vadd.f32 v8, v7;
	_ =	sdelay $0x1  }
0x473: {  	v16 =	vmul.f32 v14, v6;
	v7 =	vadd.f32 v15, v7;
	_ =	sdelay $0x1  }
0x474: {  	v7 =	vadd.f32 v16, v7;
	_ =	sdelay $0x1  }
0x475: {  	(xrf2) =	vadd.scan.msk.f32 $0xffff, v7;
	_ =	sdelay $0x9  }
0x476: {  	v7, _, _ =	vpop (xrf2)  }
0x477: {  	v7 =	vbroadcast v7, $0xF;
	_ =	sdelay $0x1  }
0x478: {  	[tilespmem:$0xC730] =	vst v7  }
0x479: {  	v7 =	vld [tilespmem:s31+$0x80]  }
0x47a: {  	v17 =	vld [tilespmem:s31+$0x90];
	_ =	sdelay $0x1  }
0x47b: {  	v18 =	vld [tilespmem:s31+$0xA0];
	_ =	sdelay $0x1  }
0x47c: {  	v19 =	vld [tilespmem:s31+$0xB0]  }
0x47d: {  	v7 =	vmul.f32 v7, v3;
	v8 =	vmul.f32 v17, v4;
	_ =	sdelay $0x1  }
0x47e: {  	v20 =	vmul.f32 v18, v5;
	v7 =	vadd.f32 v8, v7;
	_ =	sdelay $0x1  }
0x47f: {  	v21 =	vmul.f32 v19, v6;
	v7 =	vadd.f32 v20, v7;
	_ =	sdelay $0x1  }
0x480: {  	v7 =	vadd.f32 v21, v7;
	_ =	sdelay $0x1  }
0x481: {  	(xrf2) =	vadd.scan.msk.f32 $0xffff, v7;
	_ =	sdelay $0x9  }
0x482: {  	v7, _, _ =	vpop (xrf2)  }
0x483: {  	v7 =	vbroadcast v7, $0xF;
	_ =	sdelay $0x1  }
0x484: {  	[tilespmem:$0xC740] =	vst v7  }
0x485: {  	v7 =	vld [tilespmem:s31+$0xC0]  }
0x486: {  	v22 =	vld [tilespmem:s31+$0xD0];
	_ =	sdelay $0x1  }
0x487: {  	v23 =	vld [tilespmem:s31+$0xE0];
	_ =	sdelay $0x1  }
0x488: {  	v24 =	vld [tilespmem:s31+$0xF0]  }
0x489: {  	v7 =	vmul.f32 v7, v3;
	v8 =	vmul.f32 v22, v4;
	_ =	sdelay $0x1  }
0x48a: {  	v25 =	vmul.f32 v23, v5;
	v7 =	vadd.f32 v8, v7;
	_ =	sdelay $0x1  }
0x48b: {  	v26 =	vmul.f32 v24, v6;
	v7 =	vadd.f32 v25, v7;
	_ =	sdelay $0x1  }
0x48c: {  	v7 =	vadd.f32 v26, v7;
	_ =	sdelay $0x1  }
0x48d: {  	(xrf2) =	vadd.scan.msk.f32 $0xffff, v7;
	_ =	sdelay $0x9  }
0x48e: {  	v7, _, _ =	vpop (xrf2)  }
0x48f: {  	v7 =	vbroadcast v7, $0xF;
	_ =	sdelay $0x1  }
0x490: {  	[tilespmem:$0xC750] =	vst v7  }
0x491: {  	v7 =	vld [tilespmem:s31+$0x100]  }
0x492: {  	v27 =	vld [tilespmem:s31+$0x110];
	_ =	sdelay $0x1  }
0x493: {  	v28 =	vld [tilespmem:s31+$0x120];
	_ =	sdelay $0x1  }
0x494: {  	v29 =	vld [tilespmem:s31+$0x130]  }
0x495: {  	v7 =	vmul.f32 v7, v3;
	v8 =	vmul.f32 v27, v4;
	_ =	sdelay $0x1  }
0x496: {  	v30 =	vmul.f32 v28, v5;
	v7 =	vadd.f32 v8, v7;
	_ =	sdelay $0x1  }
0x497: {  	v31 =	vmul.f32 v29, v6;
	v7 =	vadd.f32 v30, v7;
	_ =	sdelay $0x1  }
0x498: {  	v7 =	vadd.f32 v31, v7;
	_ =	sdelay $0x1  }
0x499: {  	(xrf2) =	vadd.scan.msk.f32 $0xffff, v7;
	_ =	sdelay $0x9  }
0x49a: {  	v7, _, _ =	vpop (xrf2)  }
0x49b: {  	v7 =	vbroadcast v7, $0xF;
	_ =	sdelay $0x1  }
0x49c: {  	[tilespmem:$0xC760] =	vst v7  }
0x49d: {  	v7 =	vld [tilespmem:s31+$0x140]  }
0x49e: {  	v32 =	vld [tilespmem:s31+$0x150];
	_ =	sdelay $0x1  }
0x49f: {  	v33 =	vld [tilespmem:s31+$0x160];
	_ =	sdelay $0x1  }
0x4a0: {  	v34 =	vld [tilespmem:s31+$0x170]  }
0x4a1: {  	v7 =	vmul.f32 v7, v3;
	v8 =	vmul.f32 v32, v4;
	_ =	sdelay $0x1  }
0x4a2: {  	v35 =	vmul.f32 v33, v5;
	v7 =	vadd.f32 v8, v7;
	_ =	sdelay $0x1  }
0x4a3: {  	v36 =	vmul.f32 v34, v6;
	v7 =	vadd.f32 v35, v7;
	_ =	sdelay $0x1  }
0x4a4: {  	v7 =	vadd.f32 v36, v7;
	_ =	sdelay $0x1  }
0x4a5: {  	(xrf2) =	vadd.scan.msk.f32 $0xffff, v7;
	_ =	sdelay $0x9  }
0x4a6: {  	v7, _, _ =	vpop (xrf2)  }
0x4a7: {  	v7 =	vbroadcast v7, $0xF;
	_ =	sdelay $0x1  }
0x4a8: {  	[tilespmem:$0xC770] =	vst v7  }
0x4a9: {  	v7 =	vld [tilespmem:s31+$0x180]  }
0x4aa: {  	v37 =	vld [tilespmem:s31+$0x190];
	_ =	sdelay $0x1  }
0x4ab: {  	v38 =	vld [tilespmem:s31+$0x1A0];
	_ =	sdelay $0x1  }
0x4ac: {  	v39 =	vld [tilespmem:s31+$0x1B0]  }
0x4ad: {  	v7 =	vmul.f32 v7, v3;
	v8 =	vmul.f32 v37, v4;
	_ =	sdelay $0x1  }
0x4ae: {  	v40 =	vmul.f32 v38, v5;
	v7 =	vadd.f32 v8, v7;
	_ =	sdelay $0x1  }
0x4af: {  	v41 =	vmul.f32 v39, v6;
	v7 =	vadd.f32 v40, v7;
	_ =	sdelay $0x1  }
0x4b0: {  	v7 =	vadd.f32 v41, v7;
	_ =	sdelay $0x1  }
0x4b1: {  	(xrf2) =	vadd.scan.msk.f32 $0xffff, v7;
	_ =	sdelay $0x9  }
0x4b2: {  	v7, _, _ =	vpop (xrf2)  }
0x4b3: {  	v7 =	vbroadcast v7, $0xF;
	_ =	sdelay $0x1  }
0x4b4: {  	[tilespmem:$0xC780] =	vst v7  }
0x4b5: {  	v7 =	vld [tilespmem:s31+$0x1C0]  }
0x4b6: {  	v42 =	vld [tilespmem:s31+$0x1D0];
	_ =	sdelay $0x1  }
0x4b7: {  	v43 =	vld [tilespmem:s31+$0x1E0];
	_ =	sdelay $0x1  }
0x4b8: {  	v44 =	vld [tilespmem:s31+$0x1F0]  }
0x4b9: {  	v7 =	vmul.f32 v7, v3;
	v8 =	vmul.f32 v42, v4;
	_ =	sdelay $0x1  }
0x4ba: {  	v45 =	vmul.f32 v43, v5;
	v7 =	vadd.f32 v8, v7;
	_ =	sdelay $0x1  }
0x4bb: {  	v46 =	vmul.f32 v44, v6;
	v7 =	vadd.f32 v45, v7;
	_ =	sdelay $0x1  }
0x4bc: {  	v7 =	vadd.f32 v46, v7;
	_ =	sdelay $0x1  }
0x4bd: {  	(xrf2) =	vadd.scan.msk.f32 $0xffff, v7;
	_ =	sdelay $0x9  }
0x4be: {  	v7, _, _ =	vpop (xrf2)  }
0x4bf: {  	v7 =	vbroadcast v7, $0xF;
	_ =	sdelay $0x1  }
0x4c0: {  	[tilespmem:$0xC790] =	vst v7  }
0x4c1: {  	v7 =	vld [tilespmem:s31+$0x200]  }
0x4c2: {  	v47 =	vld [tilespmem:s31+$0x210];
	_ =	sdelay $0x1  }
0x4c3: {  	v48 =	vld [tilespmem:s31+$0x220];
	_ =	sdelay $0x1  }
0x4c4: {  	v49 =	vld [tilespmem:s31+$0x230]  }
0x4c5: {  	v7 =	vmul.f32 v7, v3;
	v8 =	vmul.f32 v47, v4;
	_ =	sdelay $0x1  }
0x4c6: {  	v50 =	vmul.f32 v48, v5;
	v7 =	vadd.f32 v8, v7;
	_ =	sdelay $0x1  }
0x4c7: {  	v51 =	vmul.f32 v49, v6;
	v7 =	vadd.f32 v50, v7;
	_ =	sdelay $0x1  }
0x4c8: {  	v7 =	vadd.f32 v51, v7;
	_ =	sdelay $0x1  }
0x4c9: {  	(xrf2) =	vadd.scan.msk.f32 $0xffff, v7;
	_ =	sdelay $0x9  }
0x4ca: {  	v7, _, _ =	vpop (xrf2)  }
0x4cb: {  	v7 =	vbroadcast v7, $0xF;
	_ =	sdelay $0x1  }
0x4cc: {  	[tilespmem:$0xC7A0] =	vst v7  }
0x4cd: {  	v7 =	vld [tilespmem:s31+$0x240]  }
0x4ce: {  	v52 =	vld [tilespmem:s31+$0x250];
	_ =	sdelay $0x1  }
0x4cf: {  	v53 =	vld [tilespmem:s31+$0x260];
	_ =	sdelay $0x1  }
0x4d0: {  	v54 =	vld [tilespmem:s31+$0x270]  }
0x4d1: {  	v3 =	vmul.f32 v7, v3;
	v4 =	vmul.f32 v52, v4;
	_ =	sdelay $0x1  }
0x4d2: {  	v55 =	vmul.f32 v53, v5;
	v3 =	vadd.f32 v4, v3;
	_ =	sdelay $0x1  }
0x4d3: {  	v56 =	vmul.f32 v54, v6;
	v3 =	vadd.f32 v55, v3;
	_ =	sdelay $0x1  }
0x4d4: {  	v3 =	vadd.f32 v56, v3;
	_ =	sdelay $0x1  }
0x4d5: {  	(xrf2) =	vadd.scan.msk.f32 $0xffff, v3;
	_ =	sdelay $0x9  }
0x4d6: {  	v3, _, _ =	vpop (xrf2)  }
0x4d7: {  	v3 =	vbroadcast v3, $0xF;
	_ =	sdelay $0x1  }
0x4d8: {  	[tilespmem:$0xC7B0] =	vst v3  }
0x4d9: {  	v3 =	vld.idx.msk [tilespmem:v0+s26+$0x0], $0xffff  }
0x4da: {  	v57 =	vld.idx.msk [tilespmem:v2+s26+$0x0], $0xffff;
	_ =	sdelay $0x3  }
0x4db: {  	(xrf0) =	vmax.scan.msk.f32 $0xffff, v3  }
0x4dc: {  	(xrf0) =	vmax.scan.msk.f32 $0xffff, v57;
	_ =	sdelay $0x4  }
0x4dd: {  	v58, _, _ =	vpop (xrf0)  }
0x4de: {  	(v2sf) =	vpush v58, $0xF;
	v59, _, _ =	vpop (xrf0)  }
0x4df: {  	(v2sf) =	vpush v59, $0xF;
	_ =	sdelay $0xd  }
0x4e0: {  	s0 =	spop (v2sf)  }
0x4e1: {  	s14 =	spop (v2sf)  }
0x4e2: {  	s0 =	smax.f32 s0, s14  }
0x4e3: {  	v60 =	vmov s0  }
0x4e4: {  	v3 =	vsub.f32 v3, v60  }
0x4e5: {  	v4 =	vsub.f32 v57, v60  }
0x4e6: {  	v3 =	vmul.f32 $1.442695020e+00, v3  }
0x4e7: {  	v4 =	vmul.f32 $1.442695020e+00, v4  }
0x4e8: {  	(erf) = vpow2.f32 v3  }
0x4e9: {  	(erf) = vpow2.f32 v4;
	_ =	sdelay $0x7  }
0x4ea: {  	v3 =	vpop (erf)  }
0x4eb: {  	v4 =	vpop (erf);
	(xrf2) =	vadd.scan.msk.f32 $0xffff, v3  }
0x4ec: {  	(xrf2) =	vadd.scan.msk.f32 $0xffff, v4;
	_ =	sdelay $0x8  }
0x4ed: {  	v61, _, _ =	vpop (xrf2)  }
0x4ee: {  	(v2sf) =	vpush v61, $0xF;
	v62, _, _ =	vpop (xrf2)  }
0x4ef: {  	(v2sf) =	vpush v62, $0xF;
	_ =	sdelay $0xd  }
0x4f0: {  	s0 =	spop (v2sf)  }
0x4f1: {  	s14 =	spop (v2sf)  }
0x4f2: {  	s0 =	sadd.f32 s14, s0;
	_ =	sdelay $0x1  }
0x4f3: {  	v63 =	vmov s0  }
0x4f4: {  	(erf) = vrcp.f32 v63;
	_ =	sdelay $0x7  }
0x4f5: {  	p0 =	sne.s32 s30, $0xF80  }
.Ltmp3:
0x4f6: {  	v5 =	vpop (erf);
	(pc) =	sbr.rel @p0 .LBB2_8-.Ltmp3, $4  }
0x4f7: {  	v3 =	vmul.f32 v5, v3  }
0x4f8: {  	s14 =	sshra.s32 s30, $0x2;
	v4 =	vmul.f32 v5, v4  }
0x4f9: {  	[tilespmem:s14+$0xC280] =	vst v3  }
0x4fa: {  	s1 =	sadd.s32 $0x40, s1;
	s31 =	sadd.s32 $0x500, s31;
	s30 =	sadd.s32 $0x80, s30;
	[tilespmem:s14+$0xC290] =	vst v4  }
0x4fb: {  	s29 =	sadd.s32 $0x1, s29  }
0x4fc: {  	p0 =	sne.s32 s29, s13  }
.Ltmp4:
0x4fd: {  	_ = 	snop;
	(pc) =	sbr.rel @p0 .LBB2_1-.Ltmp4, $4  }
0x4fe: {  	[hbm4b:s12+s2] =	stream.linear.scatter [tilespmem:s28], [sflag:$0x2], $0x400, $0x38;
	[tilespmem:$0xC880] =	vst v63  }
0x4ff: {  	_ =	swait.ge [sflag:s15], $0x400  }
0x500: {  	[sflag:s15] =	ssyncset.done $0x0  }
0x501: {  	[sflag:s15] =	ssyncadd.s32 $0xFFFFFC00  }
0x502: {  	_ =	sfence.sel $0x180000  }
0x503: {  	[bflag:$0x0] =	sbarrier.arrive $0xFFFF  }
0x504: {  	_ =	strace $0x90000047  }
0x505: {  	s0 =	stileid.u32;
	[bflag:$0x2] =	sbarrier.arrive $0xFFFF  }
0x506: {  	p0 =	sne.s32 s0, $0x0;
	s0 =	rddreg [dreg:$0x2]  }
0x507: {  	s0 =	sadd.s32 @!p0 $0x100000, s0  }
0x508: {  	[sflag:s0] =	ssyncadd.tile.s32 @!p0 $0x1;
	_ =	shalt  }
.Lfunc_end2:
_tile_overlayer_lowered:
.L_overlay_start_2:
0x509: {  	(tag) =	ssettag $0x2  }
0x50a: {  	s0 =	rddreg [dreg:$0x0];
	s2 =	stileid.u32  }
0x50b: {  	s1 =	rddreg [dreg:$0x1];
	p0 =	sne.s32 s2, $0x0  }
0x50c: {  	s3 =	rddreg [dreg:$0x2];
	[bflag:$0x3] =	sbarrier.arrive $0xFFFF;
	s2 =	simm.s32 @!p0 $0x1C02  }
0x50d: {  	[timem:s3], [sflag:s2] =	dma.local @!p0 [hbm:s0], s1  }
0x50e: {  	s0 =	simm.s32 @!p0 $0x2  }
0x50f: {  	_ =	swait.ge @!p0 [sflag:s0], s1  }
0x510: {  	s1 =	ssub.s32 @!p0 $0x0, s1;
	[sflag:s0] =	ssyncset.done @!p0 $0x0  }
0x511: {  	[sflag:s0] =	ssyncadd.s32 @!p0 s1  }
0x512: {  	[bflag:$0x3] =	sbarrier.arrive $0xFFFF  }
0x513: {  	_ =	shalt  }

</sc_bundles>
